<compile_context>
chip_gen: v7x
topology: tpu7x:2x2x1
jax: 0.10.2.dev20260603
libtpu: 0.0.44.dev20260713+nightly
codegen_flags: <defaults>
</compile_context>

<pallas_src>
import functools

import jax
import jax.numpy as jnp
from jax import lax
from jax.experimental import pallas as pl
from jax.experimental.pallas import tpu as pltpu
from jax.experimental.pallas import tpu_sc as plsc



def _sc_scatter_kernel(n_nodes, h, src_r, dst_r):
    NC, NS = 2, 16
    NW = NC * NS
    _, nsec, sch, c_sz = src_r.shape
    n_feat = h.shape[1]
    npad = -(-n_nodes // (8 * NS)) * 8 * NS
    rows_per_tile = npad // NS

    zchunk = rows_per_tile // 8
    DEPTH = 3

    def body(h_hbm, src_hbm, dst_hbm, out_hbm, idx_s, idx_d, rows, agg_sp,
             sems):
        cid = lax.axis_index("c")
        sid = lax.axis_index("s")
        wid = cid * NS + sid

        def zero_row(i, _):
            def zero_col(j, _):
                rows[0][i, pl.ds(j * 16, 16)] = jnp.zeros((16,), jnp.float32)
                return 0
            return lax.fori_loop(0, n_feat // 16, zero_col, 0)

        lax.fori_loop(0, rows[0].shape[0], zero_row, 0)
        for k in range(8):
            pltpu.sync_copy(
                rows[0].at[pl.ds(0, zchunk)],
                agg_sp.at[pl.ds(sid * rows_per_tile + k * zchunk, zchunk)])

        plsc.subcore_barrier()

        def start(j, b):
            pltpu.make_async_copy(h_hbm.at[idx_s.at[j]], rows[b], sems[b]).start()

        def wait(j, b):
            pltpu.make_async_copy(h_hbm.at[idx_s.at[j]], rows[b], sems[b]).wait()

        def scat(j, b):
            pltpu.sync_copy(rows[b], agg_sp.at[idx_d.at[j]], add=True)

        nstep = -(-sch // DEPTH)

        def section(sec, _):
            pltpu.sync_copy(src_hbm.at[wid, sec], idx_s)
            pltpu.sync_copy(dst_hbm.at[wid, sec], idx_d)
            for b in range(DEPTH):
                start(b, b)

            def ring_step(t, _):
                j0 = t * DEPTH
                for b in range(DEPTH):
                    j = j0 + b

                    @pl.when(j < sch)
                    def _(j=j, b=b):
                        wait(j, b)
                        scat(j, b)

                        @pl.when(j + DEPTH < sch)
                        def _():
                            start(j + DEPTH, b)
                return 0

            lax.fori_loop(0, nstep, ring_step, 0)
            return 0

        lax.fori_loop(0, nsec, section, 0)
        plsc.subcore_barrier()

        pltpu.sync_copy(
            agg_sp.at[pl.ds(sid * rows_per_tile, rows_per_tile)],
            out_hbm.at[cid, pl.ds(sid * rows_per_tile, rows_per_tile)])

    mesh = plsc.VectorSubcoreMesh(core_axis_name="c", subcore_axis_name="s")
    run = pl.kernel(
        body,
        out_type=jax.ShapeDtypeStruct((NC, npad, n_feat), jnp.float32),
        mesh=mesh,
        scratch_types=[
            pltpu.VMEM((sch, c_sz), jnp.int32),
            pltpu.VMEM((sch, c_sz), jnp.int32),
            [pltpu.VMEM((c_sz, n_feat), jnp.float32) for _ in range(DEPTH)],
            pltpu.VMEM_SHARED((npad, n_feat), jnp.float32),
            [pltpu.SemaphoreType.DMA for _ in range(DEPTH)],
        ],
    )
    return run(h, src_r, dst_r)



def _proj_body(x_ref, wpt_ref, bp_ref, o_ref):
    o_ref[...] = (
        jnp.dot(x_ref[...], wpt_ref[...], preferred_element_type=jnp.float32)
        + bp_ref[...])


def _project(x, wpt, bp2):
    n, din = x.shape
    h = wpt.shape[1]
    tile = 1000
    grid = (n // tile,)
    return pl.pallas_call(
        _proj_body,
        grid=grid,
        in_specs=[
            pl.BlockSpec((tile, din), lambda i: (i, 0)),
            pl.BlockSpec((din, h), lambda i: (0, 0)),
            pl.BlockSpec((1, h), lambda i: (0, 0)),
        ],
        out_specs=pl.BlockSpec((tile, h), lambda i: (i, 0)),
        out_shape=jax.ShapeDtypeStruct((n, h), jnp.float32),
    )(x, wpt, bp2)


def _layer_body(h_ref, agg_ref, epsb_ref, w1t_ref, b1_ref, w2t_ref, b2_ref,
                g_ref, bt_ref, o_ref):
    n = h_ref.shape[0]
    a = agg_ref[0, :n] + agg_ref[1, :n]
    z = h_ref[...] * epsb_ref[...] + a
    t = jnp.dot(z, w1t_ref[...], preferred_element_type=jnp.float32) + b1_ref[...]
    t = jnp.maximum(t, 0.0)
    t = jnp.dot(t, w2t_ref[...], preferred_element_type=jnp.float32) + b2_ref[...]
    m = jnp.mean(t, axis=0, keepdims=True)
    v = jnp.mean((t - m) ** 2, axis=0, keepdims=True)
    hn = g_ref[...] * (t - m) / jnp.sqrt(v + 1e-5) + bt_ref[...]
    o_ref[...] = h_ref[...] + jnp.maximum(hn, 0.0)


def _layer(h, agg2, epsb, w1t, b1, w2t, b2, g, bt):
    n, hd = h.shape
    npad = agg2.shape[1]
    full = lambda s: pl.BlockSpec(s, lambda: tuple(0 for _ in s))
    return pl.pallas_call(
        _layer_body,
        in_specs=[
            full((n, hd)), full((2, npad, hd)), full((1, hd)),
            full((hd, hd)), full((1, hd)), full((hd, hd)), full((1, hd)),
            full((1, hd)), full((1, hd)),
        ],
        out_specs=full((n, hd)),
        out_shape=jax.ShapeDtypeStruct((n, hd), jnp.float32),
    )(h, agg2, epsb, w1t, b1, w2t, b2, g, bt)


def _pool_body(nb, h_ref, ids_ref, vn_ref, wot_ref, bo_ref, o_ref):
    n, hd = h_ref.shape
    ids = ids_ref[...]
    onehot = (ids == lax.broadcasted_iota(jnp.int32, (1, nb), 1)
              ).astype(jnp.float32)
    xp = h_ref[...] + vn_ref[...]
    psum = lax.dot_general(onehot, xp, (((0,), (0,)), ((), ())),
                           preferred_element_type=jnp.float32)
    counts = lax.dot_general(onehot, jnp.ones((n, 1), jnp.float32),
                             (((0,), (0,)), ((), ())),
                             preferred_element_type=jnp.float32)
    denom = jnp.maximum(counts, 1.0)
    pooled = psum / denom
    o_ref[...] = (
        jnp.dot(pooled, wot_ref[...], preferred_element_type=jnp.float32)
        + bo_ref[...])


def _pool(h, ids2, vn2, wot, bo2, nb):
    n, hd = h.shape
    full = lambda s: pl.BlockSpec(s, lambda: tuple(0 for _ in s))
    return pl.pallas_call(
        functools.partial(_pool_body, nb),
        in_specs=[full((n, hd)), full((n, 1)), full((1, hd)),
                  full((hd, hd)), full((1, hd))],
        out_specs=full((nb, hd)),
        out_shape=jax.ShapeDtypeStruct((nb, hd), jnp.float32),
    )(h, ids2, vn2, wot, bo2)



def kernel(x, edge_index, batch, Wp, bp, eps, W1, b1, W2, b2, gamma, beta,
           vn_emb, Wv1, bv1, gv1, bev1, Wv2, bv2, gv2, bev2, Wo, bo):
    n, _ = x.shape
    hd = Wp.shape[0]
    L = W1.shape[0]
    e = edge_index.shape[1]
    nb = 64

    NW = 32
    c_sz = 80
    nsec, sch = 5, 25
    src_r = edge_index[0].reshape(NW, nsec, sch, c_sz)
    dst_r = edge_index[1].reshape(NW, nsec, sch, c_sz)

    h = _project(x, Wp.T, bp.reshape(1, hd))

    for i in range(L):
        agg2 = _sc_scatter_kernel(n, h, src_r, dst_r)
        epsb = jnp.broadcast_to(1.0 + eps[i], (1, hd))
        h = _layer(h, agg2, epsb, W1[i].T, b1[i].reshape(1, hd),
                   W2[i].T, b2[i].reshape(1, hd),
                   gamma[i].reshape(1, hd), beta[i].reshape(1, hd))

    return _pool(h, batch.reshape(n, 1), vn_emb.reshape(1, hd),
                 Wo.T, bo.reshape(1, hd), nb)

# --- scband reference (transcript-rebuilt; emitter-appended) ---
"""Pipeline reference for scband-protein-graph-encoder-13932873909138 (READ-ONLY COPY).

The authoritative reference and input builder live on the scoring server;
editing this copy changes nothing except your own understanding.
"""

import jax, jax.numpy as jnp
import numpy as np

H = 128
L = 5
DIN = 1280
N = 10000
E = 320000
B = 64

def setup_inputs(seed: int = 0):
    key = jax.random.key(seed)
    ks = jax.random.split(key, 12)
    x = jax.random.normal(ks[0], (N, DIN), dtype=jnp.float32)
    edge_index = jax.random.randint(ks[1], (2, E), 0, N, dtype=jnp.int32)
    batch = jnp.sort(jax.random.randint(ks[2], (N,), 0, B, dtype=jnp.int32))
    s = 0.05
    Wp = jax.random.normal(ks[3], (H, DIN), dtype=jnp.float32) * (1.0 / np.sqrt(DIN))
    bp = jnp.zeros((H,), dtype=jnp.float32)
    eps = jnp.zeros((L,), dtype=jnp.float32)
    W1 = jax.random.normal(ks[4], (L, H, H), dtype=jnp.float32) * s
    b1 = jnp.zeros((L, H), dtype=jnp.float32)
    W2 = jax.random.normal(ks[5], (L, H, H), dtype=jnp.float32) * s
    b2 = jnp.zeros((L, H), dtype=jnp.float32)
    gamma = jnp.ones((L, H), dtype=jnp.float32)
    beta = jnp.zeros((L, H), dtype=jnp.float32)
    vn_emb = jnp.zeros((1, H), dtype=jnp.float32)
    Wv1 = jax.random.normal(ks[6], (H, H), dtype=jnp.float32) * s
    bv1 = jnp.zeros((H,), dtype=jnp.float32)
    gv1 = jnp.ones((H,), dtype=jnp.float32)
    bev1 = jnp.zeros((H,), dtype=jnp.float32)
    Wv2 = jax.random.normal(ks[7], (H, H), dtype=jnp.float32) * s
    bv2 = jnp.zeros((H,), dtype=jnp.float32)
    gv2 = jnp.ones((H,), dtype=jnp.float32)
    bev2 = jnp.zeros((H,), dtype=jnp.float32)
    Wo = jax.random.normal(ks[8], (H, H), dtype=jnp.float32) * s
    bo = jnp.zeros((H,), dtype=jnp.float32)
    return {"x": x, "edge_index": edge_index, "batch": batch, "Wp": Wp, "bp": bp, "eps": eps,
            "W1": W1, "b1": b1, "W2": W2, "b2": b2, "gamma": gamma, "beta": beta,
            "vn_emb": vn_emb, "Wv1": Wv1, "bv1": bv1, "gv1": gv1, "bev1": bev1,
            "Wv2": Wv2, "bv2": bv2, "gv2": gv2, "bev2": bev2, "Wo": Wo, "bo": bo}

def _lin(x, W, b):
    return x @ W.T + b

def _bn(x, g, b):
    m = jnp.mean(x, axis=0)
    v = jnp.var(x, axis=0)
    return g * (x - m) / jnp.sqrt(v + 1e-5) + b

def _forward(x, Wp, bp, eps, W1, b1, W2, b2, gamma, beta, vn_emb, Wv1, bv1, gv1, bev1, Wv2, bv2, gv2, bev2, Wo, bo, edge_index, batch, nB):
    src = edge_index[0]
    dst = edge_index[1]
    x = _lin(x, Wp, bp)
    for i in range(L):
        agg = jnp.zeros_like(x).at[dst].add(x[src])
        h = (1.0 + eps[i]) * x + agg
        h = jax.nn.relu(_lin(h, W1[i], b1[i]))
        h = _lin(h, W2[i], b2[i])
        h = _bn(h, gamma[i], beta[i])
        h = jax.nn.relu(h)
        x = x + h  # dropout in eval mode = identity
    vn = jnp.broadcast_to(vn_emb[0], (nB, H))
    x = x + vn[batch]
    counts = jnp.zeros((nB,), dtype=x.dtype).at[batch].add(1.0)
    denom = jnp.clip(counts, 1.0, None)[:, None]
    vn_agg = jnp.zeros((nB, H), dtype=x.dtype).at[batch].add(x) / denom
    h = jax.nn.relu(_bn(_lin(vn_agg, Wv1, bv1), gv1, bev1))
    h = jax.nn.relu(_bn(_lin(h, Wv2, bv2), gv2, bev2))
    vn = vn + h
    pooled = jnp.zeros((nB, H), dtype=x.dtype).at[batch].add(x) / denom
    out = _lin(pooled, Wo, bo)
    return out

def reference(x, edge_index, batch, Wp, bp, eps, W1, b1, W2, b2, gamma, beta, vn_emb, Wv1, bv1, gv1, bev1, Wv2, bv2, gv2, bev2, Wo, bo):
    nB = B
    return _forward(x, Wp, bp, eps, W1, b1, W2, b2, gamma, beta, vn_emb, Wv1, bv1, gv1, bev1, Wv2, bv2, gv2, bev2, Wo, bo, edge_index, batch, nB)

if __name__ == "__main__":
    import jax
    _d = setup_inputs()
    print(jax.jit(kernel)(*tuple(_d.values())))

</pallas_src>

<mosaic_0001>
#map = affine_map<(d0, d1) -> (0, 0)>
#map1 = affine_map<(d0, d1) -> (0, 0, 0, 0)>
#map2 = affine_map<(d0, d1) -> (0, 0, 0)>
module attributes {stable_mosaic.version = 14 : i64} {
  func.func @body(%arg0: i32, %arg1: i32, %arg2: memref<10000x128xf32, #tpu.memory_space<hbm>>, %arg3: memref<32x5x25x80xi32, #tpu.memory_space<hbm>>, %arg4: memref<32x5x25x80xi32, #tpu.memory_space<hbm>>, %arg5: memref<2x10112x128xf32, #tpu.memory_space<hbm>>, %arg6: memref<25x80xi32, #tpu.memory_space<vmem>>, %arg7: memref<25x80xi32, #tpu.memory_space<vmem>>, %arg8: memref<80x128xf32, #tpu.memory_space<vmem>>, %arg9: memref<80x128xf32, #tpu.memory_space<vmem>>, %arg10: memref<80x128xf32, #tpu.memory_space<vmem>>, %arg11: memref<10112x128xf32, #tpu.memory_space<vmem_shared>>, %arg12: memref<!tpu.dma_semaphore, #tpu.memory_space<semaphore_mem>>, %arg13: memref<!tpu.dma_semaphore, #tpu.memory_space<semaphore_mem>>, %arg14: memref<!tpu.dma_semaphore, #tpu.memory_space<semaphore_mem>>) attributes {dimension_semantics = [#tpu.dimension_semantics<core_parallel>, #tpu.dimension_semantics<subcore_parallel>], iteration_bounds = array<i64: 2, 16>, scalar_prefetch = 0 : i64, scratch_operands = 9 : i64, tpu.core_type = #tpu.core_type<sc_vector_subcore>, window_params = [{transform_indices = #map}, {transform_indices = #map1}, {transform_indices = #map1}, {transform_indices = #map2}]} {
    %mul3A = arith.constant 16 : i32
    %mul3A_0 = arith.muli %arg0, %mul3A : i32
    %add3A = arith.addi %mul3A_0, %arg1 : i32
    %scan3A = arith.constant 0 : i32
    %scan3A_1 = arith.constant 0 : i32
    %scan3A_2 = arith.constant 80 : i32
    %scan3A_3 = arith.addi %scan3A_1, %scan3A_2 : i32
    %scan3A_4 = arith.constant 1 : i32
    %scan3A_5 = scf.for %scan3A_51 = %scan3A_1 to %scan3A_3 step %scan3A_4 iter_args(%scan3A_52 = %scan3A) -> (i32)  : i32 {
      %scan3A_53 = arith.constant 0 : i32
      %scan3A_54 = arith.constant 0 : i32
      %scan3A_55 = arith.constant 8 : i32
      %scan3A_56 = arith.addi %scan3A_54, %scan3A_55 : i32
      %scan3A_57 = arith.constant 1 : i32
      %scan3A_58 = scf.for %scan3A_60 = %scan3A_54 to %scan3A_56 step %scan3A_57 iter_args(%scan3A_61 = %scan3A_53) -> (i32)  : i32 {
        %broadcast_in_dim3A = arith.constant 0.000000e+00 : f32
        %broadcast_in_dim3A_62 = vector.broadcast %broadcast_in_dim3A : f32 to vector<16xf32>
        %mul3A_63 = arith.constant 16 : i32
        %mul3A_64 = arith.muli %scan3A_60, %mul3A_63 : i32
        %swap3A = arith.index_cast %scan3A_51 : i32 to index
        %swap3A_65 = arith.index_cast %mul3A_64 : i32 to index
        %swap3A_66 = tpu.vector_load %arg8[%swap3A, %swap3A_65] {strides = array<i32>} : memref<80x128xf32, #tpu.memory_space<vmem>>, vector<1x16xf32>,
        %swap3A_67 = vector.shape_cast %swap3A_66 : vector<1x16xf32> to vector<16xf32>
        %swap3A_68 = vector.shape_cast %broadcast_in_dim3A_62 : vector<16xf32> to vector<1x16xf32>
        tpu.vector_store %arg8[%swap3A, %swap3A_65], %swap3A_68 {strides = array<i32>} : memref<80x128xf32, #tpu.memory_space<vmem>>, vector<1x16xf32>,
        %scan3A_69 = arith.constant 0 : i32
        scf.yield %scan3A_69 : i32
      }
      %scan3A_59 = arith.constant 8 : i32
      scf.yield %scan3A_58 : i32
    }
    %scan3A_6 = arith.constant 80 : i32
    %mul3A_7 = arith.constant 632 : i32
    %mul3A_8 = arith.muli %arg1, %mul3A_7 : i32
    %add3A_9 = arith.constant 0 : i32
    %add3A_10 = arith.addi %mul3A_8, %add3A_9 : i32
    "tpu.region"() ({
      %run_scoped3A = tpu.sem_alloc : memref<!tpu.dma_semaphore, #tpu.memory_space<semaphore_mem>>
      %dma_start3A = arith.constant 0 : i32
      %dma_start3A_51 = arith.constant 0 : i32
      %dma_start3A_52 = tpu.memref_slice %arg8[%dma_start3A, %dma_start3A_51] : memref<80x128xf32, #tpu.memory_space<vmem>> -> memref<79x128xf32, #tpu.memory_space<vmem>>
      %dma_start3A_53 = arith.constant 0 : i32
      %dma_start3A_54 = tpu.memref_slice %arg11[%add3A_10, %dma_start3A_53] : memref<10112x128xf32, #tpu.memory_space<vmem_shared>> -> memref<79x128xf32, #tpu.memory_space<vmem_shared>>
      %dma_start3A_55 = arith.constant 0 : i32
      %dma_start3A_56 = tpu.memref_slice %arg11[%add3A_10, %dma_start3A_55] : memref<10112x128xf32, #tpu.memory_space<vmem_shared>> -> memref<79x128xf32, #tpu.memory_space<vmem_shared>>
      %dma_start3A_57 = arith.constant 0 : i32
      %dma_start3A_58 = arith.constant 0 : i32
      %dma_start3A_59 = tpu.memref_slice %arg8[%dma_start3A_57, %dma_start3A_58] : memref<80x128xf32, #tpu.memory_space<vmem>> -> memref<79x128xf32, #tpu.memory_space<vmem>>
      tpu.enqueue_dma source(%dma_start3A_59 : memref<79x128xf32, #tpu.memory_space<vmem>>) target(%dma_start3A_56 : memref<79x128xf32, #tpu.memory_space<vmem_shared>>) target_semaphore(%run_scoped3A : memref<!tpu.dma_semaphore, #tpu.memory_space<semaphore_mem>>)
      %dma_wait3A = arith.constant 0 : i32
      %dma_wait3A_60 = arith.constant 0 : i32
      %dma_wait3A_61 = tpu.memref_slice %arg8[%dma_wait3A, %dma_wait3A_60] : memref<80x128xf32, #tpu.memory_space<vmem>> -> memref<79x128xf32, #tpu.memory_space<vmem>>
      %dma_wait3A_62 = arith.constant 0 : i32
      %dma_wait3A_63 = tpu.memref_slice %arg11[%add3A_10, %dma_wait3A_62] : memref<10112x128xf32, #tpu.memory_space<vmem_shared>> -> memref<79x128xf32, #tpu.memory_space<vmem_shared>>
      %dma_wait3A_64 = arith.constant 0 : i32
      %dma_wait3A_65 = tpu.memref_slice %arg11[%add3A_10, %dma_wait3A_64] : memref<10112x128xf32, #tpu.memory_space<vmem_shared>> -> memref<79x128xf32, #tpu.memory_space<vmem_shared>>
      %dma_wait3A_66 = arith.constant 0 : i32
      %dma_wait3A_67 = arith.constant 0 : i32
      %dma_wait3A_68 = tpu.memref_slice %arg8[%dma_wait3A_66, %dma_wait3A_67] : memref<80x128xf32, #tpu.memory_space<vmem>> -> memref<79x128xf32, #tpu.memory_space<vmem>>
      tpu.wait_dma2 semaphore(%run_scoped3A : memref<!tpu.dma_semaphore, #tpu.memory_space<semaphore_mem>>) src(%dma_wait3A_68 : memref<79x128xf32, #tpu.memory_space<vmem>>) dst(%dma_wait3A_65 : memref<79x128xf32, #tpu.memory_space<vmem_shared>>)
      tpu.yield
    }) : () -> ()
    %mul3A_11 = arith.constant 632 : i32
    %mul3A_12 = arith.muli %arg1, %mul3A_11 : i32
    %add3A_13 = arith.constant 79 : i32
    %add3A_14 = arith.addi %mul3A_12, %add3A_13 : i32
    "tpu.region"() ({
      %run_scoped3A = tpu.sem_alloc : memref<!tpu.dma_semaphore, #tpu.memory_space<semaphore_mem>>
      %dma_start3A = arith.constant 0 : i32
      %dma_start3A_51 = arith.constant 0 : i32
      %dma_start3A_52 = tpu.memref_slice %arg8[%dma_start3A, %dma_start3A_51] : memref<80x128xf32, #tpu.memory_space<vmem>> -> memref<79x128xf32, #tpu.memory_space<vmem>>
      %dma_start3A_53 = arith.constant 0 : i32
      %dma_start3A_54 = tpu.memref_slice %arg11[%add3A_14, %dma_start3A_53] : memref<10112x128xf32, #tpu.memory_space<vmem_shared>> -> memref<79x128xf32, #tpu.memory_space<vmem_shared>>
      %dma_start3A_55 = arith.constant 0 : i32
      %dma_start3A_56 = tpu.memref_slice %arg11[%add3A_14, %dma_start3A_55] : memref<10112x128xf32, #tpu.memory_space<vmem_shared>> -> memref<79x128xf32, #tpu.memory_space<vmem_shared>>
      %dma_start3A_57 = arith.constant 0 : i32
      %dma_start3A_58 = arith.constant 0 : i32
      %dma_start3A_59 = tpu.memref_slice %arg8[%dma_start3A_57, %dma_start3A_58] : memref<80x128xf32, #tpu.memory_space<vmem>> -> memref<79x128xf32, #tpu.memory_space<vmem>>
      tpu.enqueue_dma source(%dma_start3A_59 : memref<79x128xf32, #tpu.memory_space<vmem>>) target(%dma_start3A_56 : memref<79x128xf32, #tpu.memory_space<vmem_shared>>) target_semaphore(%run_scoped3A : memref<!tpu.dma_semaphore, #tpu.memory_space<semaphore_mem>>)
      %dma_wait3A = arith.constant 0 : i32
      %dma_wait3A_60 = arith.constant 0 : i32
      %dma_wait3A_61 = tpu.memref_slice %arg8[%dma_wait3A, %dma_wait3A_60] : memref<80x128xf32, #tpu.memory_space<vmem>> -> memref<79x128xf32, #tpu.memory_space<vmem>>
      %dma_wait3A_62 = arith.constant 0 : i32
      %dma_wait3A_63 = tpu.memref_slice %arg11[%add3A_14, %dma_wait3A_62] : memref<10112x128xf32, #tpu.memory_space<vmem_shared>> -> memref<79x128xf32, #tpu.memory_space<vmem_shared>>
      %dma_wait3A_64 = arith.constant 0 : i32
      %dma_wait3A_65 = tpu.memref_slice %arg11[%add3A_14, %dma_wait3A_64] : memref<10112x128xf32, #tpu.memory_space<vmem_shared>> -> memref<79x128xf32, #tpu.memory_space<vmem_shared>>
      %dma_wait3A_66 = arith.constant 0 : i32
      %dma_wait3A_67 = arith.constant 0 : i32
      %dma_wait3A_68 = tpu.memref_slice %arg8[%dma_wait3A_66, %dma_wait3A_67] : memref<80x128xf32, #tpu.memory_space<vmem>> -> memref<79x128xf32, #tpu.memory_space<vmem>>
      tpu.wait_dma2 semaphore(%run_scoped3A : memref<!tpu.dma_semaphore, #tpu.memory_space<semaphore_mem>>) src(%dma_wait3A_68 : memref<79x128xf32, #tpu.memory_space<vmem>>) dst(%dma_wait3A_65 : memref<79x128xf32, #tpu.memory_space<vmem_shared>>)
      tpu.yield
    }) : () -> ()
    %mul3A_15 = arith.constant 632 : i32
    %mul3A_16 = arith.muli %arg1, %mul3A_15 : i32
    %add3A_17 = arith.constant 158 : i32
    %add3A_18 = arith.addi %mul3A_16, %add3A_17 : i32
    "tpu.region"() ({
      %run_scoped3A = tpu.sem_alloc : memref<!tpu.dma_semaphore, #tpu.memory_space<semaphore_mem>>
      %dma_start3A = arith.constant 0 : i32
      %dma_start3A_51 = arith.constant 0 : i32
      %dma_start3A_52 = tpu.memref_slice %arg8[%dma_start3A, %dma_start3A_51] : memref<80x128xf32, #tpu.memory_space<vmem>> -> memref<79x128xf32, #tpu.memory_space<vmem>>
      %dma_start3A_53 = arith.constant 0 : i32
      %dma_start3A_54 = tpu.memref_slice %arg11[%add3A_18, %dma_start3A_53] : memref<10112x128xf32, #tpu.memory_space<vmem_shared>> -> memref<79x128xf32, #tpu.memory_space<vmem_shared>>
      %dma_start3A_55 = arith.constant 0 : i32
      %dma_start3A_56 = tpu.memref_slice %arg11[%add3A_18, %dma_start3A_55] : memref<10112x128xf32, #tpu.memory_space<vmem_shared>> -> memref<79x128xf32, #tpu.memory_space<vmem_shared>>
      %dma_start3A_57 = arith.constant 0 : i32
      %dma_start3A_58 = arith.constant 0 : i32
      %dma_start3A_59 = tpu.memref_slice %arg8[%dma_start3A_57, %dma_start3A_58] : memref<80x128xf32, #tpu.memory_space<vmem>> -> memref<79x128xf32, #tpu.memory_space<vmem>>
      tpu.enqueue_dma source(%dma_start3A_59 : memref<79x128xf32, #tpu.memory_space<vmem>>) target(%dma_start3A_56 : memref<79x128xf32, #tpu.memory_space<vmem_shared>>) target_semaphore(%run_scoped3A : memref<!tpu.dma_semaphore, #tpu.memory_space<semaphore_mem>>)
      %dma_wait3A = arith.constant 0 : i32
      %dma_wait3A_60 = arith.constant 0 : i32
      %dma_wait3A_61 = tpu.memref_slice %arg8[%dma_wait3A, %dma_wait3A_60] : memref<80x128xf32, #tpu.memory_space<vmem>> -> memref<79x128xf32, #tpu.memory_space<vmem>>
      %dma_wait3A_62 = arith.constant 0 : i32
      %dma_wait3A_63 = tpu.memref_slice %arg11[%add3A_18, %dma_wait3A_62] : memref<10112x128xf32, #tpu.memory_space<vmem_shared>> -> memref<79x128xf32, #tpu.memory_space<vmem_shared>>
      %dma_wait3A_64 = arith.constant 0 : i32
      %dma_wait3A_65 = tpu.memref_slice %arg11[%add3A_18, %dma_wait3A_64] : memref<10112x128xf32, #tpu.memory_space<vmem_shared>> -> memref<79x128xf32, #tpu.memory_space<vmem_shared>>
      %dma_wait3A_66 = arith.constant 0 : i32
      %dma_wait3A_67 = arith.constant 0 : i32
      %dma_wait3A_68 = tpu.memref_slice %arg8[%dma_wait3A_66, %dma_wait3A_67] : memref<80x128xf32, #tpu.memory_space<vmem>> -> memref<79x128xf32, #tpu.memory_space<vmem>>
      tpu.wait_dma2 semaphore(%run_scoped3A : memref<!tpu.dma_semaphore, #tpu.memory_space<semaphore_mem>>) src(%dma_wait3A_68 : memref<79x128xf32, #tpu.memory_space<vmem>>) dst(%dma_wait3A_65 : memref<79x128xf32, #tpu.memory_space<vmem_shared>>)
      tpu.yield
    }) : () -> ()
    %mul3A_19 = arith.constant 632 : i32
    %mul3A_20 = arith.muli %arg1, %mul3A_19 : i32
    %add3A_21 = arith.constant 237 : i32
    %add3A_22 = arith.addi %mul3A_20, %add3A_21 : i32
    "tpu.region"() ({
      %run_scoped3A = tpu.sem_alloc : memref<!tpu.dma_semaphore, #tpu.memory_space<semaphore_mem>>
      %dma_start3A = arith.constant 0 : i32
      %dma_start3A_51 = arith.constant 0 : i32
      %dma_start3A_52 = tpu.memref_slice %arg8[%dma_start3A, %dma_start3A_51] : memref<80x128xf32, #tpu.memory_space<vmem>> -> memref<79x128xf32, #tpu.memory_space<vmem>>
      %dma_start3A_53 = arith.constant 0 : i32
      %dma_start3A_54 = tpu.memref_slice %arg11[%add3A_22, %dma_start3A_53] : memref<10112x128xf32, #tpu.memory_space<vmem_shared>> -> memref<79x128xf32, #tpu.memory_space<vmem_shared>>
      %dma_start3A_55 = arith.constant 0 : i32
      %dma_start3A_56 = tpu.memref_slice %arg11[%add3A_22, %dma_start3A_55] : memref<10112x128xf32, #tpu.memory_space<vmem_shared>> -> memref<79x128xf32, #tpu.memory_space<vmem_shared>>
      %dma_start3A_57 = arith.constant 0 : i32
      %dma_start3A_58 = arith.constant 0 : i32
      %dma_start3A_59 = tpu.memref_slice %arg8[%dma_start3A_57, %dma_start3A_58] : memref<80x128xf32, #tpu.memory_space<vmem>> -> memref<79x128xf32, #tpu.memory_space<vmem>>
      tpu.enqueue_dma source(%dma_start3A_59 : memref<79x128xf32, #tpu.memory_space<vmem>>) target(%dma_start3A_56 : memref<79x128xf32, #tpu.memory_space<vmem_shared>>) target_semaphore(%run_scoped3A : memref<!tpu.dma_semaphore, #tpu.memory_space<semaphore_mem>>)
      %dma_wait3A = arith.constant 0 : i32
      %dma_wait3A_60 = arith.constant 0 : i32
      %dma_wait3A_61 = tpu.memref_slice %arg8[%dma_wait3A, %dma_wait3A_60] : memref<80x128xf32, #tpu.memory_space<vmem>> -> memref<79x128xf32, #tpu.memory_space<vmem>>
      %dma_wait3A_62 = arith.constant 0 : i32
      %dma_wait3A_63 = tpu.memref_slice %arg11[%add3A_22, %dma_wait3A_62] : memref<10112x128xf32, #tpu.memory_space<vmem_shared>> -> memref<79x128xf32, #tpu.memory_space<vmem_shared>>
      %dma_wait3A_64 = arith.constant 0 : i32
      %dma_wait3A_65 = tpu.memref_slice %arg11[%add3A_22, %dma_wait3A_64] : memref<10112x128xf32, #tpu.memory_space<vmem_shared>> -> memref<79x128xf32, #tpu.memory_space<vmem_shared>>
      %dma_wait3A_66 = arith.constant 0 : i32
      %dma_wait3A_67 = arith.constant 0 : i32
      %dma_wait3A_68 = tpu.memref_slice %arg8[%dma_wait3A_66, %dma_wait3A_67] : memref<80x128xf32, #tpu.memory_space<vmem>> -> memref<79x128xf32, #tpu.memory_space<vmem>>
      tpu.wait_dma2 semaphore(%run_scoped3A : memref<!tpu.dma_semaphore, #tpu.memory_space<semaphore_mem>>) src(%dma_wait3A_68 : memref<79x128xf32, #tpu.memory_space<vmem>>) dst(%dma_wait3A_65 : memref<79x128xf32, #tpu.memory_space<vmem_shared>>)
      tpu.yield
    }) : () -> ()
    %mul3A_23 = arith.constant 632 : i32
    %mul3A_24 = arith.muli %arg1, %mul3A_23 : i32
    %add3A_25 = arith.constant 316 : i32
    %add3A_26 = arith.addi %mul3A_24, %add3A_25 : i32
    "tpu.region"() ({
      %run_scoped3A = tpu.sem_alloc : memref<!tpu.dma_semaphore, #tpu.memory_space<semaphore_mem>>
      %dma_start3A = arith.constant 0 : i32
      %dma_start3A_51 = arith.constant 0 : i32
      %dma_start3A_52 = tpu.memref_slice %arg8[%dma_start3A, %dma_start3A_51] : memref<80x128xf32, #tpu.memory_space<vmem>> -> memref<79x128xf32, #tpu.memory_space<vmem>>
      %dma_start3A_53 = arith.constant 0 : i32
      %dma_start3A_54 = tpu.memref_slice %arg11[%add3A_26, %dma_start3A_53] : memref<10112x128xf32, #tpu.memory_space<vmem_shared>> -> memref<79x128xf32, #tpu.memory_space<vmem_shared>>
      %dma_start3A_55 = arith.constant 0 : i32
      %dma_start3A_56 = tpu.memref_slice %arg11[%add3A_26, %dma_start3A_55] : memref<10112x128xf32, #tpu.memory_space<vmem_shared>> -> memref<79x128xf32, #tpu.memory_space<vmem_shared>>
      %dma_start3A_57 = arith.constant 0 : i32
      %dma_start3A_58 = arith.constant 0 : i32
      %dma_start3A_59 = tpu.memref_slice %arg8[%dma_start3A_57, %dma_start3A_58] : memref<80x128xf32, #tpu.memory_space<vmem>> -> memref<79x128xf32, #tpu.memory_space<vmem>>
      tpu.enqueue_dma source(%dma_start3A_59 : memref<79x128xf32, #tpu.memory_space<vmem>>) target(%dma_start3A_56 : memref<79x128xf32, #tpu.memory_space<vmem_shared>>) target_semaphore(%run_scoped3A : memref<!tpu.dma_semaphore, #tpu.memory_space<semaphore_mem>>)
      %dma_wait3A = arith.constant 0 : i32
      %dma_wait3A_60 = arith.constant 0 : i32
      %dma_wait3A_61 = tpu.memref_slice %arg8[%dma_wait3A, %dma_wait3A_60] : memref<80x128xf32, #tpu.memory_space<vmem>> -> memref<79x128xf32, #tpu.memory_space<vmem>>
      %dma_wait3A_62 = arith.constant 0 : i32
      %dma_wait3A_63 = tpu.memref_slice %arg11[%add3A_26, %dma_wait3A_62] : memref<10112x128xf32, #tpu.memory_space<vmem_shared>> -> memref<79x128xf32, #tpu.memory_space<vmem_shared>>
      %dma_wait3A_64 = arith.constant 0 : i32
      %dma_wait3A_65 = tpu.memref_slice %arg11[%add3A_26, %dma_wait3A_64] : memref<10112x128xf32, #tpu.memory_space<vmem_shared>> -> memref<79x128xf32, #tpu.memory_space<vmem_shared>>
      %dma_wait3A_66 = arith.constant 0 : i32
      %dma_wait3A_67 = arith.constant 0 : i32
      %dma_wait3A_68 = tpu.memref_slice %arg8[%dma_wait3A_66, %dma_wait3A_67] : memref<80x128xf32, #tpu.memory_space<vmem>> -> memref<79x128xf32, #tpu.memory_space<vmem>>
      tpu.wait_dma2 semaphore(%run_scoped3A : memref<!tpu.dma_semaphore, #tpu.memory_space<semaphore_mem>>) src(%dma_wait3A_68 : memref<79x128xf32, #tpu.memory_space<vmem>>) dst(%dma_wait3A_65 : memref<79x128xf32, #tpu.memory_space<vmem_shared>>)
      tpu.yield
    }) : () -> ()
    %mul3A_27 = arith.constant 632 : i32
    %mul3A_28 = arith.muli %arg1, %mul3A_27 : i32
    %add3A_29 = arith.constant 395 : i32
    %add3A_30 = arith.addi %mul3A_28, %add3A_29 : i32
    "tpu.region"() ({
      %run_scoped3A = tpu.sem_alloc : memref<!tpu.dma_semaphore, #tpu.memory_space<semaphore_mem>>
      %dma_start3A = arith.constant 0 : i32
      %dma_start3A_51 = arith.constant 0 : i32
      %dma_start3A_52 = tpu.memref_slice %arg8[%dma_start3A, %dma_start3A_51] : memref<80x128xf32, #tpu.memory_space<vmem>> -> memref<79x128xf32, #tpu.memory_space<vmem>>
      %dma_start3A_53 = arith.constant 0 : i32
      %dma_start3A_54 = tpu.memref_slice %arg11[%add3A_30, %dma_start3A_53] : memref<10112x128xf32, #tpu.memory_space<vmem_shared>> -> memref<79x128xf32, #tpu.memory_space<vmem_shared>>
      %dma_start3A_55 = arith.constant 0 : i32
      %dma_start3A_56 = tpu.memref_slice %arg11[%add3A_30, %dma_start3A_55] : memref<10112x128xf32, #tpu.memory_space<vmem_shared>> -> memref<79x128xf32, #tpu.memory_space<vmem_shared>>
      %dma_start3A_57 = arith.constant 0 : i32
      %dma_start3A_58 = arith.constant 0 : i32
      %dma_start3A_59 = tpu.memref_slice %arg8[%dma_start3A_57, %dma_start3A_58] : memref<80x128xf32, #tpu.memory_space<vmem>> -> memref<79x128xf32, #tpu.memory_space<vmem>>
      tpu.enqueue_dma source(%dma_start3A_59 : memref<79x128xf32, #tpu.memory_space<vmem>>) target(%dma_start3A_56 : memref<79x128xf32, #tpu.memory_space<vmem_shared>>) target_semaphore(%run_scoped3A : memref<!tpu.dma_semaphore, #tpu.memory_space<semaphore_mem>>)
      %dma_wait3A = arith.constant 0 : i32
      %dma_wait3A_60 = arith.constant 0 : i32
      %dma_wait3A_61 = tpu.memref_slice %arg8[%dma_wait3A, %dma_wait3A_60] : memref<80x128xf32, #tpu.memory_space<vmem>> -> memref<79x128xf32, #tpu.memory_space<vmem>>
      %dma_wait3A_62 = arith.constant 0 : i32
      %dma_wait3A_63 = tpu.memref_slice %arg11[%add3A_30, %dma_wait3A_62] : memref<10112x128xf32, #tpu.memory_space<vmem_shared>> -> memref<79x128xf32, #tpu.memory_space<vmem_shared>>
      %dma_wait3A_64 = arith.constant 0 : i32
      %dma_wait3A_65 = tpu.memref_slice %arg11[%add3A_30, %dma_wait3A_64] : memref<10112x128xf32, #tpu.memory_space<vmem_shared>> -> memref<79x128xf32, #tpu.memory_space<vmem_shared>>
      %dma_wait3A_66 = arith.constant 0 : i32
      %dma_wait3A_67 = arith.constant 0 : i32
      %dma_wait3A_68 = tpu.memref_slice %arg8[%dma_wait3A_66, %dma_wait3A_67] : memref<80x128xf32, #tpu.memory_space<vmem>> -> memref<79x128xf32, #tpu.memory_space<vmem>>
      tpu.wait_dma2 semaphore(%run_scoped3A : memref<!tpu.dma_semaphore, #tpu.memory_space<semaphore_mem>>) src(%dma_wait3A_68 : memref<79x128xf32, #tpu.memory_space<vmem>>) dst(%dma_wait3A_65 : memref<79x128xf32, #tpu.memory_space<vmem_shared>>)
      tpu.yield
    }) : () -> ()
    %mul3A_31 = arith.constant 632 : i32
    %mul3A_32 = arith.muli %arg1, %mul3A_31 : i32
    %add3A_33 = arith.constant 474 : i32
    %add3A_34 = arith.addi %mul3A_32, %add3A_33 : i32
    "tpu.region"() ({
      %run_scoped3A = tpu.sem_alloc : memref<!tpu.dma_semaphore, #tpu.memory_space<semaphore_mem>>
      %dma_start3A = arith.constant 0 : i32
      %dma_start3A_51 = arith.constant 0 : i32
      %dma_start3A_52 = tpu.memref_slice %arg8[%dma_start3A, %dma_start3A_51] : memref<80x128xf32, #tpu.memory_space<vmem>> -> memref<79x128xf32, #tpu.memory_space<vmem>>
      %dma_start3A_53 = arith.constant 0 : i32
      %dma_start3A_54 = tpu.memref_slice %arg11[%add3A_34, %dma_start3A_53] : memref<10112x128xf32, #tpu.memory_space<vmem_shared>> -> memref<79x128xf32, #tpu.memory_space<vmem_shared>>
      %dma_start3A_55 = arith.constant 0 : i32
      %dma_start3A_56 = tpu.memref_slice %arg11[%add3A_34, %dma_start3A_55] : memref<10112x128xf32, #tpu.memory_space<vmem_shared>> -> memref<79x128xf32, #tpu.memory_space<vmem_shared>>
      %dma_start3A_57 = arith.constant 0 : i32
      %dma_start3A_58 = arith.constant 0 : i32
      %dma_start3A_59 = tpu.memref_slice %arg8[%dma_start3A_57, %dma_start3A_58] : memref<80x128xf32, #tpu.memory_space<vmem>> -> memref<79x128xf32, #tpu.memory_space<vmem>>
      tpu.enqueue_dma source(%dma_start3A_59 : memref<79x128xf32, #tpu.memory_space<vmem>>) target(%dma_start3A_56 : memref<79x128xf32, #tpu.memory_space<vmem_shared>>) target_semaphore(%run_scoped3A : memref<!tpu.dma_semaphore, #tpu.memory_space<semaphore_mem>>)
      %dma_wait3A = arith.constant 0 : i32
      %dma_wait3A_60 = arith.constant 0 : i32
      %dma_wait3A_61 = tpu.memref_slice %arg8[%dma_wait3A, %dma_wait3A_60] : memref<80x128xf32, #tpu.memory_space<vmem>> -> memref<79x128xf32, #tpu.memory_space<vmem>>
      %dma_wait3A_62 = arith.constant 0 : i32
      %dma_wait3A_63 = tpu.memref_slice %arg11[%add3A_34, %dma_wait3A_62] : memref<10112x128xf32, #tpu.memory_space<vmem_shared>> -> memref<79x128xf32, #tpu.memory_space<vmem_shared>>
      %dma_wait3A_64 = arith.constant 0 : i32
      %dma_wait3A_65 = tpu.memref_slice %arg11[%add3A_34, %dma_wait3A_64] : memref<10112x128xf32, #tpu.memory_space<vmem_shared>> -> memref<79x128xf32, #tpu.memory_space<vmem_shared>>
      %dma_wait3A_66 = arith.constant 0 : i32
      %dma_wait3A_67 = arith.constant 0 : i32
      %dma_wait3A_68 = tpu.memref_slice %arg8[%dma_wait3A_66, %dma_wait3A_67] : memref<80x128xf32, #tpu.memory_space<vmem>> -> memref<79x128xf32, #tpu.memory_space<vmem>>
      tpu.wait_dma2 semaphore(%run_scoped3A : memref<!tpu.dma_semaphore, #tpu.memory_space<semaphore_mem>>) src(%dma_wait3A_68 : memref<79x128xf32, #tpu.memory_space<vmem>>) dst(%dma_wait3A_65 : memref<79x128xf32, #tpu.memory_space<vmem_shared>>)
      tpu.yield
    }) : () -> ()
    %mul3A_35 = arith.constant 632 : i32
    %mul3A_36 = arith.muli %arg1, %mul3A_35 : i32
    %add3A_37 = arith.constant 553 : i32
    %add3A_38 = arith.addi %mul3A_36, %add3A_37 : i32
    "tpu.region"() ({
      %run_scoped3A = tpu.sem_alloc : memref<!tpu.dma_semaphore, #tpu.memory_space<semaphore_mem>>
      %dma_start3A = arith.constant 0 : i32
      %dma_start3A_51 = arith.constant 0 : i32
      %dma_start3A_52 = tpu.memref_slice %arg8[%dma_start3A, %dma_start3A_51] : memref<80x128xf32, #tpu.memory_space<vmem>> -> memref<79x128xf32, #tpu.memory_space<vmem>>
      %dma_start3A_53 = arith.constant 0 : i32
      %dma_start3A_54 = tpu.memref_slice %arg11[%add3A_38, %dma_start3A_53] : memref<10112x128xf32, #tpu.memory_space<vmem_shared>> -> memref<79x128xf32, #tpu.memory_space<vmem_shared>>
      %dma_start3A_55 = arith.constant 0 : i32
      %dma_start3A_56 = tpu.memref_slice %arg11[%add3A_38, %dma_start3A_55] : memref<10112x128xf32, #tpu.memory_space<vmem_shared>> -> memref<79x128xf32, #tpu.memory_space<vmem_shared>>
      %dma_start3A_57 = arith.constant 0 : i32
      %dma_start3A_58 = arith.constant 0 : i32
      %dma_start3A_59 = tpu.memref_slice %arg8[%dma_start3A_57, %dma_start3A_58] : memref<80x128xf32, #tpu.memory_space<vmem>> -> memref<79x128xf32, #tpu.memory_space<vmem>>
      tpu.enqueue_dma source(%dma_start3A_59 : memref<79x128xf32, #tpu.memory_space<vmem>>) target(%dma_start3A_56 : memref<79x128xf32, #tpu.memory_space<vmem_shared>>) target_semaphore(%run_scoped3A : memref<!tpu.dma_semaphore, #tpu.memory_space<semaphore_mem>>)
      %dma_wait3A = arith.constant 0 : i32
      %dma_wait3A_60 = arith.constant 0 : i32
      %dma_wait3A_61 = tpu.memref_slice %arg8[%dma_wait3A, %dma_wait3A_60] : memref<80x128xf32, #tpu.memory_space<vmem>> -> memref<79x128xf32, #tpu.memory_space<vmem>>
      %dma_wait3A_62 = arith.constant 0 : i32
      %dma_wait3A_63 = tpu.memref_slice %arg11[%add3A_38, %dma_wait3A_62] : memref<10112x128xf32, #tpu.memory_space<vmem_shared>> -> memref<79x128xf32, #tpu.memory_space<vmem_shared>>
      %dma_wait3A_64 = arith.constant 0 : i32
      %dma_wait3A_65 = tpu.memref_slice %arg11[%add3A_38, %dma_wait3A_64] : memref<10112x128xf32, #tpu.memory_space<vmem_shared>> -> memref<79x128xf32, #tpu.memory_space<vmem_shared>>
      %dma_wait3A_66 = arith.constant 0 : i32
      %dma_wait3A_67 = arith.constant 0 : i32
      %dma_wait3A_68 = tpu.memref_slice %arg8[%dma_wait3A_66, %dma_wait3A_67] : memref<80x128xf32, #tpu.memory_space<vmem>> -> memref<79x128xf32, #tpu.memory_space<vmem>>
      tpu.wait_dma2 semaphore(%run_scoped3A : memref<!tpu.dma_semaphore, #tpu.memory_space<semaphore_mem>>) src(%dma_wait3A_68 : memref<79x128xf32, #tpu.memory_space<vmem>>) dst(%dma_wait3A_65 : memref<79x128xf32, #tpu.memory_space<vmem_shared>>)
      tpu.yield
    }) : () -> ()
    %barrier3A = arith.constant 0 : index
    tpu.barrier barrier_id(%barrier3A)
    %scan3A_39 = arith.constant 0 : i32
    %scan3A_40 = arith.constant 0 : i32
    %scan3A_41 = arith.constant 5 : i32
    %scan3A_42 = arith.addi %scan3A_40, %scan3A_41 : i32
    %scan3A_43 = arith.constant 1 : i32
    %scan3A_44 = scf.for %scan3A_51 = %scan3A_40 to %scan3A_42 step %scan3A_43 iter_args(%scan3A_52 = %scan3A_39) -> (i32)  : i32 {
      "tpu.region"() ({
        %run_scoped3A = tpu.sem_alloc : memref<!tpu.dma_semaphore, #tpu.memory_space<semaphore_mem>>
        %dma_start3A_81 = arith.constant 0 : i32
        %dma_start3A_82 = arith.constant 0 : i32
        %dma_start3A_83 = tpu.memref_slice %arg3[%add3A, %scan3A_51, %dma_start3A_81, %dma_start3A_82] : memref<32x5x25x80xi32, #tpu.memory_space<hbm>> -> memref<1x1x25x80xi32, #tpu.memory_space<hbm>>
        %dma_start3A_84 = tpu.memref_squeeze %dma_start3A_83 : memref<1x1x25x80xi32, #tpu.memory_space<hbm>> -> memref<25x80xi32, #tpu.memory_space<hbm>>
        %dma_start3A_85 = arith.constant 0 : i32
        %dma_start3A_86 = arith.constant 0 : i32
        %dma_start3A_87 = tpu.memref_slice %arg3[%add3A, %scan3A_51, %dma_start3A_85, %dma_start3A_86] : memref<32x5x25x80xi32, #tpu.memory_space<hbm>> -> memref<1x1x25x80xi32, #tpu.memory_space<hbm>>
        %dma_start3A_88 = tpu.memref_squeeze %dma_start3A_87 : memref<1x1x25x80xi32, #tpu.memory_space<hbm>> -> memref<25x80xi32, #tpu.memory_space<hbm>>
        tpu.enqueue_dma source(%dma_start3A_88 : memref<25x80xi32, #tpu.memory_space<hbm>>) target(%arg6 : memref<25x80xi32, #tpu.memory_space<vmem>>) target_semaphore(%run_scoped3A : memref<!tpu.dma_semaphore, #tpu.memory_space<semaphore_mem>>)
        %dma_wait3A = arith.constant 0 : i32
        %dma_wait3A_89 = arith.constant 0 : i32
        %dma_wait3A_90 = tpu.memref_slice %arg3[%add3A, %scan3A_51, %dma_wait3A, %dma_wait3A_89] : memref<32x5x25x80xi32, #tpu.memory_space<hbm>> -> memref<1x1x25x80xi32, #tpu.memory_space<hbm>>
        %dma_wait3A_91 = tpu.memref_squeeze %dma_wait3A_90 : memref<1x1x25x80xi32, #tpu.memory_space<hbm>> -> memref<25x80xi32, #tpu.memory_space<hbm>>
        %dma_wait3A_92 = arith.constant 0 : i32
        %dma_wait3A_93 = arith.constant 0 : i32
        %dma_wait3A_94 = tpu.memref_slice %arg3[%add3A, %scan3A_51, %dma_wait3A_92, %dma_wait3A_93] : memref<32x5x25x80xi32, #tpu.memory_space<hbm>> -> memref<1x1x25x80xi32, #tpu.memory_space<hbm>>
        %dma_wait3A_95 = tpu.memref_squeeze %dma_wait3A_94 : memref<1x1x25x80xi32, #tpu.memory_space<hbm>> -> memref<25x80xi32, #tpu.memory_space<hbm>>
        tpu.wait_dma2 semaphore(%run_scoped3A : memref<!tpu.dma_semaphore, #tpu.memory_space<semaphore_mem>>) src(%dma_wait3A_95 : memref<25x80xi32, #tpu.memory_space<hbm>>) dst(%arg6 : memref<25x80xi32, #tpu.memory_space<vmem>>)
        tpu.yield
      }) : () -> ()
      "tpu.region"() ({
        %run_scoped3A = tpu.sem_alloc : memref<!tpu.dma_semaphore, #tpu.memory_space<semaphore_mem>>
        %dma_start3A_81 = arith.constant 0 : i32
        %dma_start3A_82 = arith.constant 0 : i32
        %dma_start3A_83 = tpu.memref_slice %arg4[%add3A, %scan3A_51, %dma_start3A_81, %dma_start3A_82] : memref<32x5x25x80xi32, #tpu.memory_space<hbm>> -> memref<1x1x25x80xi32, #tpu.memory_space<hbm>>
        %dma_start3A_84 = tpu.memref_squeeze %dma_start3A_83 : memref<1x1x25x80xi32, #tpu.memory_space<hbm>> -> memref<25x80xi32, #tpu.memory_space<hbm>>
        %dma_start3A_85 = arith.constant 0 : i32
        %dma_start3A_86 = arith.constant 0 : i32
        %dma_start3A_87 = tpu.memref_slice %arg4[%add3A, %scan3A_51, %dma_start3A_85, %dma_start3A_86] : memref<32x5x25x80xi32, #tpu.memory_space<hbm>> -> memref<1x1x25x80xi32, #tpu.memory_space<hbm>>
        %dma_start3A_88 = tpu.memref_squeeze %dma_start3A_87 : memref<1x1x25x80xi32, #tpu.memory_space<hbm>> -> memref<25x80xi32, #tpu.memory_space<hbm>>
        tpu.enqueue_dma source(%dma_start3A_88 : memref<25x80xi32, #tpu.memory_space<hbm>>) target(%arg7 : memref<25x80xi32, #tpu.memory_space<vmem>>) target_semaphore(%run_scoped3A : memref<!tpu.dma_semaphore, #tpu.memory_space<semaphore_mem>>)
        %dma_wait3A = arith.constant 0 : i32
        %dma_wait3A_89 = arith.constant 0 : i32
        %dma_wait3A_90 = tpu.memref_slice %arg4[%add3A, %scan3A_51, %dma_wait3A, %dma_wait3A_89] : memref<32x5x25x80xi32, #tpu.memory_space<hbm>> -> memref<1x1x25x80xi32, #tpu.memory_space<hbm>>
        %dma_wait3A_91 = tpu.memref_squeeze %dma_wait3A_90 : memref<1x1x25x80xi32, #tpu.memory_space<hbm>> -> memref<25x80xi32, #tpu.memory_space<hbm>>
        %dma_wait3A_92 = arith.constant 0 : i32
        %dma_wait3A_93 = arith.constant 0 : i32
        %dma_wait3A_94 = tpu.memref_slice %arg4[%add3A, %scan3A_51, %dma_wait3A_92, %dma_wait3A_93] : memref<32x5x25x80xi32, #tpu.memory_space<hbm>> -> memref<1x1x25x80xi32, #tpu.memory_space<hbm>>
        %dma_wait3A_95 = tpu.memref_squeeze %dma_wait3A_94 : memref<1x1x25x80xi32, #tpu.memory_space<hbm>> -> memref<25x80xi32, #tpu.memory_space<hbm>>
        tpu.wait_dma2 semaphore(%run_scoped3A : memref<!tpu.dma_semaphore, #tpu.memory_space<semaphore_mem>>) src(%dma_wait3A_95 : memref<25x80xi32, #tpu.memory_space<hbm>>) dst(%arg7 : memref<25x80xi32, #tpu.memory_space<vmem>>)
        tpu.yield
      }) : () -> ()
      %dma_start3A = arith.constant 0 : i32
      %dma_start3A_53 = arith.constant 0 : i32
      %dma_start3A_54 = tpu.memref_slice %arg6[%dma_start3A, %dma_start3A_53] : memref<25x80xi32, #tpu.memory_space<vmem>> -> memref<1x80xi32, #tpu.memory_space<vmem>>
      %dma_start3A_55 = tpu.memref_squeeze %dma_start3A_54 : memref<1x80xi32, #tpu.memory_space<vmem>> -> memref<80xi32, #tpu.memory_space<vmem>>
      %dma_start3A_56 = arith.constant 0 : i32
      %dma_start3A_57 = arith.constant 0 : i32
      %dma_start3A_58 = tpu.memref_slice %arg2[%dma_start3A_56, %dma_start3A_57] : memref<10000x128xf32, #tpu.memory_space<hbm>> -> memref<10000x128xf32, #tpu.memory_space<hbm>>
      tpu.enqueue_indirect_dma source(%dma_start3A_58 : memref<10000x128xf32, #tpu.memory_space<hbm>>) target(%arg8 : memref<80x128xf32, #tpu.memory_space<vmem>>) offsets(%dma_start3A_55 : memref<80xi32, #tpu.memory_space<vmem>>) semaphore(%arg12 : memref<!tpu.dma_semaphore, #tpu.memory_space<semaphore_mem>>)
      %dma_start3A_59 = arith.constant 1 : i32
      %dma_start3A_60 = arith.constant 0 : i32
      %dma_start3A_61 = tpu.memref_slice %arg6[%dma_start3A_59, %dma_start3A_60] : memref<25x80xi32, #tpu.memory_space<vmem>> -> memref<1x80xi32, #tpu.memory_space<vmem>>
      %dma_start3A_62 = tpu.memref_squeeze %dma_start3A_61 : memref<1x80xi32, #tpu.memory_space<vmem>> -> memref<80xi32, #tpu.memory_space<vmem>>
      %dma_start3A_63 = arith.constant 0 : i32
      %dma_start3A_64 = arith.constant 0 : i32
      %dma_start3A_65 = tpu.memref_slice %arg2[%dma_start3A_63, %dma_start3A_64] : memref<10000x128xf32, #tpu.memory_space<hbm>> -> memref<10000x128xf32, #tpu.memory_space<hbm>>
      tpu.enqueue_indirect_dma source(%dma_start3A_65 : memref<10000x128xf32, #tpu.memory_space<hbm>>) target(%arg9 : memref<80x128xf32, #tpu.memory_space<vmem>>) offsets(%dma_start3A_62 : memref<80xi32, #tpu.memory_space<vmem>>) semaphore(%arg13 : memref<!tpu.dma_semaphore, #tpu.memory_space<semaphore_mem>>)
      %dma_start3A_66 = arith.constant 2 : i32
      %dma_start3A_67 = arith.constant 0 : i32
      %dma_start3A_68 = tpu.memref_slice %arg6[%dma_start3A_66, %dma_start3A_67] : memref<25x80xi32, #tpu.memory_space<vmem>> -> memref<1x80xi32, #tpu.memory_space<vmem>>
      %dma_start3A_69 = tpu.memref_squeeze %dma_start3A_68 : memref<1x80xi32, #tpu.memory_space<vmem>> -> memref<80xi32, #tpu.memory_space<vmem>>
      %dma_start3A_70 = arith.constant 0 : i32
      %dma_start3A_71 = arith.constant 0 : i32
      %dma_start3A_72 = tpu.memref_slice %arg2[%dma_start3A_70, %dma_start3A_71] : memref<10000x128xf32, #tpu.memory_space<hbm>> -> memref<10000x128xf32, #tpu.memory_space<hbm>>
      tpu.enqueue_indirect_dma source(%dma_start3A_72 : memref<10000x128xf32, #tpu.memory_space<hbm>>) target(%arg10 : memref<80x128xf32, #tpu.memory_space<vmem>>) offsets(%dma_start3A_69 : memref<80xi32, #tpu.memory_space<vmem>>) semaphore(%arg14 : memref<!tpu.dma_semaphore, #tpu.memory_space<semaphore_mem>>)
      %scan3A_73 = arith.constant 0 : i32
      %scan3A_74 = arith.constant 0 : i32
      %scan3A_75 = arith.constant 9 : i32
      %scan3A_76 = arith.addi %scan3A_74, %scan3A_75 : i32
      %scan3A_77 = arith.constant 1 : i32
      %scan3A_78 = scf.for %scan3A_81 = %scan3A_74 to %scan3A_76 step %scan3A_77 iter_args(%scan3A_82 = %scan3A_73) -> (i32)  : i32 {
        %mul3A_83 = arith.constant 3 : i32
        %mul3A_84 = arith.muli %scan3A_81, %mul3A_83 : i32
        %add3A_85 = arith.constant 0 : i32
        %add3A_86 = arith.addi %mul3A_84, %add3A_85 : i32
        %lt3A = arith.constant 25 : i32
        %lt3A_87 = arith.cmpi slt, %add3A_86, %lt3A : i32
        %convert_element_type3A = arith.extui %lt3A_87 : i1 to i32
        %cond3A = arith.constant 0 : i32
        %cond3A_88 = arith.cmpi ne, %convert_element_type3A, %cond3A : i32
        scf.if %cond3A_88 {
          %dma_wait3A = arith.constant 0 : i32
          %dma_wait3A_104 = tpu.memref_slice %arg6[%add3A_86, %dma_wait3A] : memref<25x80xi32, #tpu.memory_space<vmem>> -> memref<1x80xi32, #tpu.memory_space<vmem>>
          %dma_wait3A_105 = tpu.memref_squeeze %dma_wait3A_104 : memref<1x80xi32, #tpu.memory_space<vmem>> -> memref<80xi32, #tpu.memory_space<vmem>>
          %dma_wait3A_106 = arith.constant 0 : i32
          %dma_wait3A_107 = arith.constant 0 : i32
          %dma_wait3A_108 = tpu.memref_slice %arg2[%dma_wait3A_106, %dma_wait3A_107] : memref<10000x128xf32, #tpu.memory_space<hbm>> -> memref<10000x128xf32, #tpu.memory_space<hbm>>
          tpu.wait_indirect_dma semaphore(%arg12 : memref<!tpu.dma_semaphore, #tpu.memory_space<semaphore_mem>>) src(%dma_wait3A_108 : memref<10000x128xf32, #tpu.memory_space<hbm>>) dst(%arg8 : memref<80x128xf32, #tpu.memory_space<vmem>>)
          "tpu.region"() ({
            %run_scoped3A = tpu.sem_alloc : memref<!tpu.dma_semaphore, #tpu.memory_space<semaphore_mem>>
            %dma_start3A_116 = arith.constant 0 : i32
            %dma_start3A_117 = tpu.memref_slice %arg7[%add3A_86, %dma_start3A_116] : memref<25x80xi32, #tpu.memory_space<vmem>> -> memref<1x80xi32, #tpu.memory_space<vmem>>
            %dma_start3A_118 = tpu.memref_squeeze %dma_start3A_117 : memref<1x80xi32, #tpu.memory_space<vmem>> -> memref<80xi32, #tpu.memory_space<vmem>>
            %dma_start3A_119 = arith.constant 0 : i32
            %dma_start3A_120 = arith.constant 0 : i32
            %dma_start3A_121 = tpu.memref_slice %arg11[%dma_start3A_119, %dma_start3A_120] : memref<10112x128xf32, #tpu.memory_space<vmem_shared>> -> memref<10112x128xf32, #tpu.memory_space<vmem_shared>>
            tpu.enqueue_indirect_dma source(%arg8 : memref<80x128xf32, #tpu.memory_space<vmem>>) target(%dma_start3A_121 : memref<10112x128xf32, #tpu.memory_space<vmem_shared>>) offsets(%dma_start3A_118 : memref<80xi32, #tpu.memory_space<vmem>>) semaphore(%run_scoped3A : memref<!tpu.dma_semaphore, #tpu.memory_space<semaphore_mem>>) {add = true}
            %dma_wait3A_122 = arith.constant 0 : i32
            %dma_wait3A_123 = tpu.memref_slice %arg7[%add3A_86, %dma_wait3A_122] : memref<25x80xi32, #tpu.memory_space<vmem>> -> memref<1x80xi32, #tpu.memory_space<vmem>>
            %dma_wait3A_124 = tpu.memref_squeeze %dma_wait3A_123 : memref<1x80xi32, #tpu.memory_space<vmem>> -> memref<80xi32, #tpu.memory_space<vmem>>
            %dma_wait3A_125 = arith.constant 0 : i32
            %dma_wait3A_126 = arith.constant 0 : i32
            %dma_wait3A_127 = tpu.memref_slice %arg11[%dma_wait3A_125, %dma_wait3A_126] : memref<10112x128xf32, #tpu.memory_space<vmem_shared>> -> memref<10112x128xf32, #tpu.memory_space<vmem_shared>>
            tpu.wait_indirect_dma semaphore(%run_scoped3A : memref<!tpu.dma_semaphore, #tpu.memory_space<semaphore_mem>>) src(%arg8 : memref<80x128xf32, #tpu.memory_space<vmem>>) dst(%dma_wait3A_127 : memref<10112x128xf32, #tpu.memory_space<vmem_shared>>)
            tpu.yield
          }) : () -> ()
          %add3A_109 = arith.constant 3 : i32
          %add3A_110 = arith.addi %add3A_86, %add3A_109 : i32
          %lt3A_111 = arith.constant 25 : i32
          %lt3A_112 = arith.cmpi slt, %add3A_110, %lt3A_111 : i32
          %convert_element_type3A_113 = arith.extui %lt3A_112 : i1 to i32
          %cond3A_114 = arith.constant 0 : i32
          %cond3A_115 = arith.cmpi ne, %convert_element_type3A_113, %cond3A_114 : i32
          scf.if %cond3A_115 {
            %add3A_116 = arith.constant 3 : i32
            %add3A_117 = arith.addi %add3A_86, %add3A_116 : i32
            %dma_start3A_118 = arith.constant 0 : i32
            %dma_start3A_119 = tpu.memref_slice %arg6[%add3A_117, %dma_start3A_118] : memref<25x80xi32, #tpu.memory_space<vmem>> -> memref<1x80xi32, #tpu.memory_space<vmem>>
            %dma_start3A_120 = tpu.memref_squeeze %dma_start3A_119 : memref<1x80xi32, #tpu.memory_space<vmem>> -> memref<80xi32, #tpu.memory_space<vmem>>
            %dma_start3A_121 = arith.constant 0 : i32
            %dma_start3A_122 = arith.constant 0 : i32
            %dma_start3A_123 = tpu.memref_slice %arg2[%dma_start3A_121, %dma_start3A_122] : memref<10000x128xf32, #tpu.memory_space<hbm>> -> memref<10000x128xf32, #tpu.memory_space<hbm>>
            tpu.enqueue_indirect_dma source(%dma_start3A_123 : memref<10000x128xf32, #tpu.memory_space<hbm>>) target(%arg8 : memref<80x128xf32, #tpu.memory_space<vmem>>) offsets(%dma_start3A_120 : memref<80xi32, #tpu.memory_space<vmem>>) semaphore(%arg12 : memref<!tpu.dma_semaphore, #tpu.memory_space<semaphore_mem>>)
          } else {
          }
        } else {
        }
        %add3A_89 = arith.constant 1 : i32
        %add3A_90 = arith.addi %mul3A_84, %add3A_89 : i32
        %lt3A_91 = arith.constant 25 : i32
        %lt3A_92 = arith.cmpi slt, %add3A_90, %lt3A_91 : i32
        %convert_element_type3A_93 = arith.extui %lt3A_92 : i1 to i32
        %cond3A_94 = arith.constant 0 : i32
        %cond3A_95 = arith.cmpi ne, %convert_element_type3A_93, %cond3A_94 : i32
        scf.if %cond3A_95 {
          %dma_wait3A = arith.constant 0 : i32
          %dma_wait3A_104 = tpu.memref_slice %arg6[%add3A_90, %dma_wait3A] : memref<25x80xi32, #tpu.memory_space<vmem>> -> memref<1x80xi32, #tpu.memory_space<vmem>>
          %dma_wait3A_105 = tpu.memref_squeeze %dma_wait3A_104 : memref<1x80xi32, #tpu.memory_space<vmem>> -> memref<80xi32, #tpu.memory_space<vmem>>
          %dma_wait3A_106 = arith.constant 0 : i32
          %dma_wait3A_107 = arith.constant 0 : i32
          %dma_wait3A_108 = tpu.memref_slice %arg2[%dma_wait3A_106, %dma_wait3A_107] : memref<10000x128xf32, #tpu.memory_space<hbm>> -> memref<10000x128xf32, #tpu.memory_space<hbm>>
          tpu.wait_indirect_dma semaphore(%arg13 : memref<!tpu.dma_semaphore, #tpu.memory_space<semaphore_mem>>) src(%dma_wait3A_108 : memref<10000x128xf32, #tpu.memory_space<hbm>>) dst(%arg9 : memref<80x128xf32, #tpu.memory_space<vmem>>)
          "tpu.region"() ({
            %run_scoped3A = tpu.sem_alloc : memref<!tpu.dma_semaphore, #tpu.memory_space<semaphore_mem>>
            %dma_start3A_116 = arith.constant 0 : i32
            %dma_start3A_117 = tpu.memref_slice %arg7[%add3A_90, %dma_start3A_116] : memref<25x80xi32, #tpu.memory_space<vmem>> -> memref<1x80xi32, #tpu.memory_space<vmem>>
            %dma_start3A_118 = tpu.memref_squeeze %dma_start3A_117 : memref<1x80xi32, #tpu.memory_space<vmem>> -> memref<80xi32, #tpu.memory_space<vmem>>
            %dma_start3A_119 = arith.constant 0 : i32
            %dma_start3A_120 = arith.constant 0 : i32
            %dma_start3A_121 = tpu.memref_slice %arg11[%dma_start3A_119, %dma_start3A_120] : memref<10112x128xf32, #tpu.memory_space<vmem_shared>> -> memref<10112x128xf32, #tpu.memory_space<vmem_shared>>
            tpu.enqueue_indirect_dma source(%arg9 : memref<80x128xf32, #tpu.memory_space<vmem>>) target(%dma_start3A_121 : memref<10112x128xf32, #tpu.memory_space<vmem_shared>>) offsets(%dma_start3A_118 : memref<80xi32, #tpu.memory_space<vmem>>) semaphore(%run_scoped3A : memref<!tpu.dma_semaphore, #tpu.memory_space<semaphore_mem>>) {add = true}
            %dma_wait3A_122 = arith.constant 0 : i32
            %dma_wait3A_123 = tpu.memref_slice %arg7[%add3A_90, %dma_wait3A_122] : memref<25x80xi32, #tpu.memory_space<vmem>> -> memref<1x80xi32, #tpu.memory_space<vmem>>
            %dma_wait3A_124 = tpu.memref_squeeze %dma_wait3A_123 : memref<1x80xi32, #tpu.memory_space<vmem>> -> memref<80xi32, #tpu.memory_space<vmem>>
            %dma_wait3A_125 = arith.constant 0 : i32
            %dma_wait3A_126 = arith.constant 0 : i32
            %dma_wait3A_127 = tpu.memref_slice %arg11[%dma_wait3A_125, %dma_wait3A_126] : memref<10112x128xf32, #tpu.memory_space<vmem_shared>> -> memref<10112x128xf32, #tpu.memory_space<vmem_shared>>
            tpu.wait_indirect_dma semaphore(%run_scoped3A : memref<!tpu.dma_semaphore, #tpu.memory_space<semaphore_mem>>) src(%arg9 : memref<80x128xf32, #tpu.memory_space<vmem>>) dst(%dma_wait3A_127 : memref<10112x128xf32, #tpu.memory_space<vmem_shared>>)
            tpu.yield
          }) : () -> ()
          %add3A_109 = arith.constant 3 : i32
          %add3A_110 = arith.addi %add3A_90, %add3A_109 : i32
          %lt3A_111 = arith.constant 25 : i32
          %lt3A_112 = arith.cmpi slt, %add3A_110, %lt3A_111 : i32
          %convert_element_type3A_113 = arith.extui %lt3A_112 : i1 to i32
          %cond3A_114 = arith.constant 0 : i32
          %cond3A_115 = arith.cmpi ne, %convert_element_type3A_113, %cond3A_114 : i32
          scf.if %cond3A_115 {
            %add3A_116 = arith.constant 3 : i32
            %add3A_117 = arith.addi %add3A_90, %add3A_116 : i32
            %dma_start3A_118 = arith.constant 0 : i32
            %dma_start3A_119 = tpu.memref_slice %arg6[%add3A_117, %dma_start3A_118] : memref<25x80xi32, #tpu.memory_space<vmem>> -> memref<1x80xi32, #tpu.memory_space<vmem>>
            %dma_start3A_120 = tpu.memref_squeeze %dma_start3A_119 : memref<1x80xi32, #tpu.memory_space<vmem>> -> memref<80xi32, #tpu.memory_space<vmem>>
            %dma_start3A_121 = arith.constant 0 : i32
            %dma_start3A_122 = arith.constant 0 : i32
            %dma_start3A_123 = tpu.memref_slice %arg2[%dma_start3A_121, %dma_start3A_122] : memref<10000x128xf32, #tpu.memory_space<hbm>> -> memref<10000x128xf32, #tpu.memory_space<hbm>>
            tpu.enqueue_indirect_dma source(%dma_start3A_123 : memref<10000x128xf32, #tpu.memory_space<hbm>>) target(%arg9 : memref<80x128xf32, #tpu.memory_space<vmem>>) offsets(%dma_start3A_120 : memref<80xi32, #tpu.memory_space<vmem>>) semaphore(%arg13 : memref<!tpu.dma_semaphore, #tpu.memory_space<semaphore_mem>>)
          } else {
          }
        } else {
        }
        %add3A_96 = arith.constant 2 : i32
        %add3A_97 = arith.addi %mul3A_84, %add3A_96 : i32
        %lt3A_98 = arith.constant 25 : i32
        %lt3A_99 = arith.cmpi slt, %add3A_97, %lt3A_98 : i32
        %convert_element_type3A_100 = arith.extui %lt3A_99 : i1 to i32
        %cond3A_101 = arith.constant 0 : i32
        %cond3A_102 = arith.cmpi ne, %convert_element_type3A_100, %cond3A_101 : i32
        scf.if %cond3A_102 {
          %dma_wait3A = arith.constant 0 : i32
          %dma_wait3A_104 = tpu.memref_slice %arg6[%add3A_97, %dma_wait3A] : memref<25x80xi32, #tpu.memory_space<vmem>> -> memref<1x80xi32, #tpu.memory_space<vmem>>
          %dma_wait3A_105 = tpu.memref_squeeze %dma_wait3A_104 : memref<1x80xi32, #tpu.memory_space<vmem>> -> memref<80xi32, #tpu.memory_space<vmem>>
          %dma_wait3A_106 = arith.constant 0 : i32
          %dma_wait3A_107 = arith.constant 0 : i32
          %dma_wait3A_108 = tpu.memref_slice %arg2[%dma_wait3A_106, %dma_wait3A_107] : memref<10000x128xf32, #tpu.memory_space<hbm>> -> memref<10000x128xf32, #tpu.memory_space<hbm>>
          tpu.wait_indirect_dma semaphore(%arg14 : memref<!tpu.dma_semaphore, #tpu.memory_space<semaphore_mem>>) src(%dma_wait3A_108 : memref<10000x128xf32, #tpu.memory_space<hbm>>) dst(%arg10 : memref<80x128xf32, #tpu.memory_space<vmem>>)
          "tpu.region"() ({
            %run_scoped3A = tpu.sem_alloc : memref<!tpu.dma_semaphore, #tpu.memory_space<semaphore_mem>>
            %dma_start3A_116 = arith.constant 0 : i32
            %dma_start3A_117 = tpu.memref_slice %arg7[%add3A_97, %dma_start3A_116] : memref<25x80xi32, #tpu.memory_space<vmem>> -> memref<1x80xi32, #tpu.memory_space<vmem>>
            %dma_start3A_118 = tpu.memref_squeeze %dma_start3A_117 : memref<1x80xi32, #tpu.memory_space<vmem>> -> memref<80xi32, #tpu.memory_space<vmem>>
            %dma_start3A_119 = arith.constant 0 : i32
            %dma_start3A_120 = arith.constant 0 : i32
            %dma_start3A_121 = tpu.memref_slice %arg11[%dma_start3A_119, %dma_start3A_120] : memref<10112x128xf32, #tpu.memory_space<vmem_shared>> -> memref<10112x128xf32, #tpu.memory_space<vmem_shared>>
            tpu.enqueue_indirect_dma source(%arg10 : memref<80x128xf32, #tpu.memory_space<vmem>>) target(%dma_start3A_121 : memref<10112x128xf32, #tpu.memory_space<vmem_shared>>) offsets(%dma_start3A_118 : memref<80xi32, #tpu.memory_space<vmem>>) semaphore(%run_scoped3A : memref<!tpu.dma_semaphore, #tpu.memory_space<semaphore_mem>>) {add = true}
            %dma_wait3A_122 = arith.constant 0 : i32
            %dma_wait3A_123 = tpu.memref_slice %arg7[%add3A_97, %dma_wait3A_122] : memref<25x80xi32, #tpu.memory_space<vmem>> -> memref<1x80xi32, #tpu.memory_space<vmem>>
            %dma_wait3A_124 = tpu.memref_squeeze %dma_wait3A_123 : memref<1x80xi32, #tpu.memory_space<vmem>> -> memref<80xi32, #tpu.memory_space<vmem>>
            %dma_wait3A_125 = arith.constant 0 : i32
            %dma_wait3A_126 = arith.constant 0 : i32
            %dma_wait3A_127 = tpu.memref_slice %arg11[%dma_wait3A_125, %dma_wait3A_126] : memref<10112x128xf32, #tpu.memory_space<vmem_shared>> -> memref<10112x128xf32, #tpu.memory_space<vmem_shared>>
            tpu.wait_indirect_dma semaphore(%run_scoped3A : memref<!tpu.dma_semaphore, #tpu.memory_space<semaphore_mem>>) src(%arg10 : memref<80x128xf32, #tpu.memory_space<vmem>>) dst(%dma_wait3A_127 : memref<10112x128xf32, #tpu.memory_space<vmem_shared>>)
            tpu.yield
          }) : () -> ()
          %add3A_109 = arith.constant 3 : i32
          %add3A_110 = arith.addi %add3A_97, %add3A_109 : i32
          %lt3A_111 = arith.constant 25 : i32
          %lt3A_112 = arith.cmpi slt, %add3A_110, %lt3A_111 : i32
          %convert_element_type3A_113 = arith.extui %lt3A_112 : i1 to i32
          %cond3A_114 = arith.constant 0 : i32
          %cond3A_115 = arith.cmpi ne, %convert_element_type3A_113, %cond3A_114 : i32
          scf.if %cond3A_115 {
            %add3A_116 = arith.constant 3 : i32
            %add3A_117 = arith.addi %add3A_97, %add3A_116 : i32
            %dma_start3A_118 = arith.constant 0 : i32
            %dma_start3A_119 = tpu.memref_slice %arg6[%add3A_117, %dma_start3A_118] : memref<25x80xi32, #tpu.memory_space<vmem>> -> memref<1x80xi32, #tpu.memory_space<vmem>>
            %dma_start3A_120 = tpu.memref_squeeze %dma_start3A_119 : memref<1x80xi32, #tpu.memory_space<vmem>> -> memref<80xi32, #tpu.memory_space<vmem>>
            %dma_start3A_121 = arith.constant 0 : i32
            %dma_start3A_122 = arith.constant 0 : i32
            %dma_start3A_123 = tpu.memref_slice %arg2[%dma_start3A_121, %dma_start3A_122] : memref<10000x128xf32, #tpu.memory_space<hbm>> -> memref<10000x128xf32, #tpu.memory_space<hbm>>
            tpu.enqueue_indirect_dma source(%dma_start3A_123 : memref<10000x128xf32, #tpu.memory_space<hbm>>) target(%arg10 : memref<80x128xf32, #tpu.memory_space<vmem>>) offsets(%dma_start3A_120 : memref<80xi32, #tpu.memory_space<vmem>>) semaphore(%arg14 : memref<!tpu.dma_semaphore, #tpu.memory_space<semaphore_mem>>)
          } else {
          }
        } else {
        }
        %scan3A_103 = arith.constant 0 : i32
        scf.yield %scan3A_103 : i32
      }
      %scan3A_79 = arith.constant 9 : i32
      %scan3A_80 = arith.constant 0 : i32
      scf.yield %scan3A_80 : i32
    }
    %scan3A_45 = arith.constant 5 : i32
    %barrier3A_46 = arith.constant 0 : index
    tpu.barrier barrier_id(%barrier3A_46)
    %mul3A_47 = arith.constant 632 : i32
    %mul3A_48 = arith.muli %arg1, %mul3A_47 : i32
    %mul3A_49 = arith.constant 632 : i32
    %mul3A_50 = arith.muli %arg1, %mul3A_49 : i32
    "tpu.region"() ({
      %run_scoped3A = tpu.sem_alloc : memref<!tpu.dma_semaphore, #tpu.memory_space<semaphore_mem>>
      %dma_start3A = arith.constant 0 : i32
      %dma_start3A_51 = tpu.memref_slice %arg5[%arg0, %mul3A_50, %dma_start3A] : memref<2x10112x128xf32, #tpu.memory_space<hbm>> -> memref<1x632x128xf32, #tpu.memory_space<hbm>>
      %dma_start3A_52 = tpu.memref_squeeze %dma_start3A_51 : memref<1x632x128xf32, #tpu.memory_space<hbm>> -> memref<632x128xf32, #tpu.memory_space<hbm>>
      %dma_start3A_53 = arith.constant 0 : i32
      %dma_start3A_54 = tpu.memref_slice %arg11[%mul3A_48, %dma_start3A_53] : memref<10112x128xf32, #tpu.memory_space<vmem_shared>> -> memref<632x128xf32, #tpu.memory_space<vmem_shared>>
      tpu.enqueue_dma source(%dma_start3A_54 : memref<632x128xf32, #tpu.memory_space<vmem_shared>>) target(%dma_start3A_52 : memref<632x128xf32, #tpu.memory_space<hbm>>) target_semaphore(%run_scoped3A : memref<!tpu.dma_semaphore, #tpu.memory_space<semaphore_mem>>)
      %dma_wait3A = arith.constant 0 : i32
      %dma_wait3A_55 = tpu.memref_slice %arg5[%arg0, %mul3A_50, %dma_wait3A] : memref<2x10112x128xf32, #tpu.memory_space<hbm>> -> memref<1x632x128xf32, #tpu.memory_space<hbm>>
      %dma_wait3A_56 = tpu.memref_squeeze %dma_wait3A_55 : memref<1x632x128xf32, #tpu.memory_space<hbm>> -> memref<632x128xf32, #tpu.memory_space<hbm>>
      %dma_wait3A_57 = arith.constant 0 : i32
      %dma_wait3A_58 = tpu.memref_slice %arg11[%mul3A_48, %dma_wait3A_57] : memref<10112x128xf32, #tpu.memory_space<vmem_shared>> -> memref<632x128xf32, #tpu.memory_space<vmem_shared>>
      tpu.wait_dma2 semaphore(%run_scoped3A : memref<!tpu.dma_semaphore, #tpu.memory_space<semaphore_mem>>) src(%dma_wait3A_58 : memref<632x128xf32, #tpu.memory_space<vmem_shared>>) dst(%dma_wait3A_56 : memref<632x128xf32, #tpu.memory_space<hbm>>)
      tpu.yield
    }) : () -> ()
    return
  }
}

#map = affine_map<(d0, d1) -> (0, 0)>
#map1 = affine_map<(d0, d1) -> (0, 0, 0, 0)>
#map2 = affine_map<(d0, d1) -> (0, 0, 0)>
module attributes {stable_mosaic.version = 14 : i64} {
  func.func @body(%arg0: i32, %arg1: i32, %arg2: memref<10000x128xf32, #tpu.memory_space<hbm>>, %arg3: memref<32x5x25x80xi32, #tpu.memory_space<hbm>>, %arg4: memref<32x5x25x80xi32, #tpu.memory_space<hbm>>, %arg5: memref<2x10112x128xf32, #tpu.memory_space<hbm>>, %arg6: memref<25x80xi32, #tpu.memory_space<vmem>>, %arg7: memref<25x80xi32, #tpu.memory_space<vmem>>, %arg8: memref<80x128xf32, #tpu.memory_space<vmem>>, %arg9: memref<80x128xf32, #tpu.memory_space<vmem>>, %arg10: memref<80x128xf32, #tpu.memory_space<vmem>>, %arg11: memref<10112x128xf32, #tpu.memory_space<vmem_shared>>, %arg12: memref<!tpu.dma_semaphore, #tpu.memory_space<semaphore_mem>>, %arg13: memref<!tpu.dma_semaphore, #tpu.memory_space<semaphore_mem>>, %arg14: memref<!tpu.dma_semaphore, #tpu.memory_space<semaphore_mem>>) attributes {dimension_semantics = [#tpu.dimension_semantics<core_parallel>, #tpu.dimension_semantics<subcore_parallel>], iteration_bounds = array<i64: 2, 16>, scalar_prefetch = 0 : i64, scratch_operands = 9 : i64, tpu.core_type = #tpu.core_type<sc_vector_subcore>, window_params = [{transform_indices = #map}, {transform_indices = #map1}, {transform_indices = #map1}, {transform_indices = #map2}]} {
    %mul3A = arith.constant 16 : i32
    %mul3A_0 = arith.muli %arg0, %mul3A : i32
    %add3A = arith.addi %mul3A_0, %arg1 : i32
    %scan3A = arith.constant 0 : i32
    %scan3A_1 = arith.constant 0 : i32
    %scan3A_2 = arith.constant 80 : i32
    %scan3A_3 = arith.addi %scan3A_1, %scan3A_2 : i32
    %scan3A_4 = arith.constant 1 : i32
    %scan3A_5 = scf.for %scan3A_51 = %scan3A_1 to %scan3A_3 step %scan3A_4 iter_args(%scan3A_52 = %scan3A) -> (i32)  : i32 {
      %scan3A_53 = arith.constant 0 : i32
      %scan3A_54 = arith.constant 0 : i32
      %scan3A_55 = arith.constant 8 : i32
      %scan3A_56 = arith.addi %scan3A_54, %scan3A_55 : i32
      %scan3A_57 = arith.constant 1 : i32
      %scan3A_58 = scf.for %scan3A_60 = %scan3A_54 to %scan3A_56 step %scan3A_57 iter_args(%scan3A_61 = %scan3A_53) -> (i32)  : i32 {
        %broadcast_in_dim3A = arith.constant 0.000000e+00 : f32
        %broadcast_in_dim3A_62 = vector.broadcast %broadcast_in_dim3A : f32 to vector<16xf32>
        %mul3A_63 = arith.constant 16 : i32
        %mul3A_64 = arith.muli %scan3A_60, %mul3A_63 : i32
        %swap3A = arith.index_cast %scan3A_51 : i32 to index
        %swap3A_65 = arith.index_cast %mul3A_64 : i32 to index
        %swap3A_66 = tpu.vector_load %arg8[%swap3A, %swap3A_65] {strides = array<i32>} : memref<80x128xf32, #tpu.memory_space<vmem>>, vector<1x16xf32>,
        %swap3A_67 = vector.shape_cast %swap3A_66 : vector<1x16xf32> to vector<16xf32>
        %swap3A_68 = vector.shape_cast %broadcast_in_dim3A_62 : vector<16xf32> to vector<1x16xf32>
        tpu.vector_store %arg8[%swap3A, %swap3A_65], %swap3A_68 {strides = array<i32>} : memref<80x128xf32, #tpu.memory_space<vmem>>, vector<1x16xf32>,
        %scan3A_69 = arith.constant 0 : i32
        scf.yield %scan3A_69 : i32
      }
      %scan3A_59 = arith.constant 8 : i32
      scf.yield %scan3A_58 : i32
    }
    %scan3A_6 = arith.constant 80 : i32
    %mul3A_7 = arith.constant 632 : i32
    %mul3A_8 = arith.muli %arg1, %mul3A_7 : i32
    %add3A_9 = arith.constant 0 : i32
    %add3A_10 = arith.addi %mul3A_8, %add3A_9 : i32
    "tpu.region"() ({
      %run_scoped3A = tpu.sem_alloc : memref<!tpu.dma_semaphore, #tpu.memory_space<semaphore_mem>>
      %dma_start3A = arith.constant 0 : i32
      %dma_start3A_51 = arith.constant 0 : i32
      %dma_start3A_52 = tpu.memref_slice %arg8[%dma_start3A, %dma_start3A_51] : memref<80x128xf32, #tpu.memory_space<vmem>> -> memref<79x128xf32, #tpu.memory_space<vmem>>
      %dma_start3A_53 = arith.constant 0 : i32
      %dma_start3A_54 = tpu.memref_slice %arg11[%add3A_10, %dma_start3A_53] : memref<10112x128xf32, #tpu.memory_space<vmem_shared>> -> memref<79x128xf32, #tpu.memory_space<vmem_shared>>
      %dma_start3A_55 = arith.constant 0 : i32
      %dma_start3A_56 = tpu.memref_slice %arg11[%add3A_10, %dma_start3A_55] : memref<10112x128xf32, #tpu.memory_space<vmem_shared>> -> memref<79x128xf32, #tpu.memory_space<vmem_shared>>
      %dma_start3A_57 = arith.constant 0 : i32
      %dma_start3A_58 = arith.constant 0 : i32
      %dma_start3A_59 = tpu.memref_slice %arg8[%dma_start3A_57, %dma_start3A_58] : memref<80x128xf32, #tpu.memory_space<vmem>> -> memref<79x128xf32, #tpu.memory_space<vmem>>
      tpu.enqueue_dma source(%dma_start3A_59 : memref<79x128xf32, #tpu.memory_space<vmem>>) target(%dma_start3A_56 : memref<79x128xf32, #tpu.memory_space<vmem_shared>>) target_semaphore(%run_scoped3A : memref<!tpu.dma_semaphore, #tpu.memory_space<semaphore_mem>>)
      %dma_wait3A = arith.constant 0 : i32
      %dma_wait3A_60 = arith.constant 0 : i32
      %dma_wait3A_61 = tpu.memref_slice %arg8[%dma_wait3A, %dma_wait3A_60] : memref<80x128xf32, #tpu.memory_space<vmem>> -> memref<79x128xf32, #tpu.memory_space<vmem>>
      %dma_wait3A_62 = arith.constant 0 : i32
      %dma_wait3A_63 = tpu.memref_slice %arg11[%add3A_10, %dma_wait3A_62] : memref<10112x128xf32, #tpu.memory_space<vmem_shared>> -> memref<79x128xf32, #tpu.memory_space<vmem_shared>>
      %dma_wait3A_64 = arith.constant 0 : i32
      %dma_wait3A_65 = tpu.memref_slice %arg11[%add3A_10, %dma_wait3A_64] : memref<10112x128xf32, #tpu.memory_space<vmem_shared>> -> memref<79x128xf32, #tpu.memory_space<vmem_shared>>
      %dma_wait3A_66 = arith.constant 0 : i32
      %dma_wait3A_67 = arith.constant 0 : i32
      %dma_wait3A_68 = tpu.memref_slice %arg8[%dma_wait3A_66, %dma_wait3A_67] : memref<80x128xf32, #tpu.memory_space<vmem>> -> memref<79x128xf32, #tpu.memory_space<vmem>>
      tpu.wait_dma2 semaphore(%run_scoped3A : memref<!tpu.dma_semaphore, #tpu.memory_space<semaphore_mem>>) src(%dma_wait3A_68 : memref<79x128xf32, #tpu.memory_space<vmem>>) dst(%dma_wait3A_65 : memref<79x128xf32, #tpu.memory_space<vmem_shared>>)
      tpu.yield
    }) : () -> ()
    %mul3A_11 = arith.constant 632 : i32
    %mul3A_12 = arith.muli %arg1, %mul3A_11 : i32
    %add3A_13 = arith.constant 79 : i32
    %add3A_14 = arith.addi %mul3A_12, %add3A_13 : i32
    "tpu.region"() ({
      %run_scoped3A = tpu.sem_alloc : memref<!tpu.dma_semaphore, #tpu.memory_space<semaphore_mem>>
      %dma_start3A = arith.constant 0 : i32
      %dma_start3A_51 = arith.constant 0 : i32
      %dma_start3A_52 = tpu.memref_slice %arg8[%dma_start3A, %dma_start3A_51] : memref<80x128xf32, #tpu.memory_space<vmem>> -> memref<79x128xf32, #tpu.memory_space<vmem>>
      %dma_start3A_53 = arith.constant 0 : i32
      %dma_start3A_54 = tpu.memref_slice %arg11[%add3A_14, %dma_start3A_53] : memref<10112x128xf32, #tpu.memory_space<vmem_shared>> -> memref<79x128xf32, #tpu.memory_space<vmem_shared>>
      %dma_start3A_55 = arith.constant 0 : i32
      %dma_start3A_56 = tpu.memref_slice %arg11[%add3A_14, %dma_start3A_55] : memref<10112x128xf32, #tpu.memory_space<vmem_shared>> -> memref<79x128xf32, #tpu.memory_space<vmem_shared>>
      %dma_start3A_57 = arith.constant 0 : i32
      %dma_start3A_58 = arith.constant 0 : i32
      %dma_start3A_59 = tpu.memref_slice %arg8[%dma_start3A_57, %dma_start3A_58] : memref<80x128xf32, #tpu.memory_space<vmem>> -> memref<79x128xf32, #tpu.memory_space<vmem>>
      tpu.enqueue_dma source(%dma_start3A_59 : memref<79x128xf32, #tpu.memory_space<vmem>>) target(%dma_start3A_56 : memref<79x128xf32, #tpu.memory_space<vmem_shared>>) target_semaphore(%run_scoped3A : memref<!tpu.dma_semaphore, #tpu.memory_space<semaphore_mem>>)
      %dma_wait3A = arith.constant 0 : i32
      %dma_wait3A_60 = arith.constant 0 : i32
      %dma_wait3A_61 = tpu.memref_slice %arg8[%dma_wait3A, %dma_wait3A_60] : memref<80x128xf32, #tpu.memory_space<vmem>> -> memref<79x128xf32, #tpu.memory_space<vmem>>
      %dma_wait3A_62 = arith.constant 0 : i32
      %dma_wait3A_63 = tpu.memref_slice %arg11[%add3A_14, %dma_wait3A_62] : memref<10112x128xf32, #tpu.memory_space<vmem_shared>> -> memref<79x128xf32, #tpu.memory_space<vmem_shared>>
      %dma_wait3A_64 = arith.constant 0 : i32
      %dma_wait3A_65 = tpu.memref_slice %arg11[%add3A_14, %dma_wait3A_64] : memref<10112x128xf32, #tpu.memory_space<vmem_shared>> -> memref<79x128xf32, #tpu.memory_space<vmem_shared>>
      %dma_wait3A_66 = arith.constant 0 : i32
      %dma_wait3A_67 = arith.constant 0 : i32
      %dma_wait3A_68 = tpu.memref_slice %arg8[%dma_wait3A_66, %dma_wait3A_67] : memref<80x128xf32, #tpu.memory_space<vmem>> -> memref<79x128xf32, #tpu.memory_space<vmem>>
      tpu.wait_dma2 semaphore(%run_scoped3A : memref<!tpu.dma_semaphore, #tpu.memory_space<semaphore_mem>>) src(%dma_wait3A_68 : memref<79x128xf32, #tpu.memory_space<vmem>>) dst(%dma_wait3A_65 : memref<79x128xf32, #tpu.memory_space<vmem_shared>>)
      tpu.yield
    }) : () -> ()
    %mul3A_15 = arith.constant 632 : i32
    %mul3A_16 = arith.muli %arg1, %mul3A_15 : i32
    %add3A_17 = arith.constant 158 : i32
    %add3A_18 = arith.addi %mul3A_16, %add3A_17 : i32
    "tpu.region"() ({
      %run_scoped3A = tpu.sem_alloc : memref<!tpu.dma_semaphore, #tpu.memory_space<semaphore_mem>>
      %dma_start3A = arith.constant 0 : i32
      %dma_start3A_51 = arith.constant 0 : i32
      %dma_start3A_52 = tpu.memref_slice %arg8[%dma_start3A, %dma_start3A_51] : memref<80x128xf32, #tpu.memory_space<vmem>> -> memref<79x128xf32, #tpu.memory_space<vmem>>
      %dma_start3A_53 = arith.constant 0 : i32
      %dma_start3A_54 = tpu.memref_slice %arg11[%add3A_18, %dma_start3A_53] : memref<10112x128xf32, #tpu.memory_space<vmem_shared>> -> memref<79x128xf32, #tpu.memory_space<vmem_shared>>
      %dma_start3A_55 = arith.constant 0 : i32
      %dma_start3A_56 = tpu.memref_slice %arg11[%add3A_18, %dma_start3A_55] : memref<10112x128xf32, #tpu.memory_space<vmem_shared>> -> memref<79x128xf32, #tpu.memory_space<vmem_shared>>
      %dma_start3A_57 = arith.constant 0 : i32
      %dma_start3A_58 = arith.constant 0 : i32
      %dma_start3A_59 = tpu.memref_slice %arg8[%dma_start3A_57, %dma_start3A_58] : memref<80x128xf32, #tpu.memory_space<vmem>> -> memref<79x128xf32, #tpu.memory_space<vmem>>
      tpu.enqueue_dma source(%dma_start3A_59 : memref<79x128xf32, #tpu.memory_space<vmem>>) target(%dma_start3A_56 : memref<79x128xf32, #tpu.memory_space<vmem_shared>>) target_semaphore(%run_scoped3A : memref<!tpu.dma_semaphore, #tpu.memory_space<semaphore_mem>>)
      %dma_wait3A = arith.constant 0 : i32
      %dma_wait3A_60 = arith.constant 0 : i32
      %dma_wait3A_61 = tpu.memref_slice %arg8[%dma_wait3A, %dma_wait3A_60] : memref<80x128xf32, #tpu.memory_space<vmem>> -> memref<79x128xf32, #tpu.memory_space<vmem>>
      %dma_wait3A_62 = arith.constant 0 : i32
      %dma_wait3A_63 = tpu.memref_slice %arg11[%add3A_18, %dma_wait3A_62] : memref<10112x128xf32, #tpu.memory_space<vmem_shared>> -> memref<79x128xf32, #tpu.memory_space<vmem_shared>>
      %dma_wait3A_64 = arith.constant 0 : i32
      %dma_wait3A_65 = tpu.memref_slice %arg11[%add3A_18, %dma_wait3A_64] : memref<10112x128xf32, #tpu.memory_space<vmem_shared>> -> memref<79x128xf32, #tpu.memory_space<vmem_shared>>
      %dma_wait3A_66 = arith.constant 0 : i32
      %dma_wait3A_67 = arith.constant 0 : i32
      %dma_wait3A_68 = tpu.memref_slice %arg8[%dma_wait3A_66, %dma_wait3A_67] : memref<80x128xf32, #tpu.memory_space<vmem>> -> memref<79x128xf32, #tpu.memory_space<vmem>>
      tpu.wait_dma2 semaphore(%run_scoped3A : memref<!tpu.dma_semaphore, #tpu.memory_space<semaphore_mem>>) src(%dma_wait3A_68 : memref<79x128xf32, #tpu.memory_space<vmem>>) dst(%dma_wait3A_65 : memref<79x128xf32, #tpu.memory_space<vmem_shared>>)
      tpu.yield
    }) : () -> ()
    %mul3A_19 = arith.constant 632 : i32
    %mul3A_20 = arith.muli %arg1, %mul3A_19 : i32
    %add3A_21 = arith.constant 237 : i32
    %add3A_22 = arith.addi %mul3A_20, %add3A_21 : i32
    "tpu.region"() ({
      %run_scoped3A = tpu.sem_alloc : memref<!tpu.dma_semaphore, #tpu.memory_space<semaphore_mem>>
      %dma_start3A = arith.constant 0 : i32
      %dma_start3A_51 = arith.constant 0 : i32
      %dma_start3A_52 = tpu.memref_slice %arg8[%dma_start3A, %dma_start3A_51] : memref<80x128xf32, #tpu.memory_space<vmem>> -> memref<79x128xf32, #tpu.memory_space<vmem>>
      %dma_start3A_53 = arith.constant 0 : i32
      %dma_start3A_54 = tpu.memref_slice %arg11[%add3A_22, %dma_start3A_53] : memref<10112x128xf32, #tpu.memory_space<vmem_shared>> -> memref<79x128xf32, #tpu.memory_space<vmem_shared>>
      %dma_start3A_55 = arith.constant 0 : i32
      %dma_start3A_56 = tpu.memref_slice %arg11[%add3A_22, %dma_start3A_55] : memref<10112x128xf32, #tpu.memory_space<vmem_shared>> -> memref<79x128xf32, #tpu.memory_space<vmem_shared>>
      %dma_start3A_57 = arith.constant 0 : i32
      %dma_start3A_58 = arith.constant 0 : i32
      %dma_start3A_59 = tpu.memref_slice %arg8[%dma_start3A_57, %dma_start3A_58] : memref<80x128xf32, #tpu.memory_space<vmem>> -> memref<79x128xf32, #tpu.memory_space<vmem>>
      tpu.enqueue_dma source(%dma_start3A_59 : memref<79x128xf32, #tpu.memory_space<vmem>>) target(%dma_start3A_56 : memref<79x128xf32, #tpu.memory_space<vmem_shared>>) target_semaphore(%run_scoped3A : memref<!tpu.dma_semaphore, #tpu.memory_space<semaphore_mem>>)
      %dma_wait3A = arith.constant 0 : i32
      %dma_wait3A_60 = arith.constant 0 : i32
      %dma_wait3A_61 = tpu.memref_slice %arg8[%dma_wait3A, %dma_wait3A_60] : memref<80x128xf32, #tpu.memory_space<vmem>> -> memref<79x128xf32, #tpu.memory_space<vmem>>
      %dma_wait3A_62 = arith.constant 0 : i32
      %dma_wait3A_63 = tpu.memref_slice %arg11[%add3A_22, %dma_wait3A_62] : memref<10112x128xf32, #tpu.memory_space<vmem_shared>> -> memref<79x128xf32, #tpu.memory_space<vmem_shared>>
      %dma_wait3A_64 = arith.constant 0 : i32
      %dma_wait3A_65 = tpu.memref_slice %arg11[%add3A_22, %dma_wait3A_64] : memref<10112x128xf32, #tpu.memory_space<vmem_shared>> -> memref<79x128xf32, #tpu.memory_space<vmem_shared>>
      %dma_wait3A_66 = arith.constant 0 : i32
      %dma_wait3A_67 = arith.constant 0 : i32
      %dma_wait3A_68 = tpu.memref_slice %arg8[%dma_wait3A_66, %dma_wait3A_67] : memref<80x128xf32, #tpu.memory_space<vmem>> -> memref<79x128xf32, #tpu.memory_space<vmem>>
      tpu.wait_dma2 semaphore(%run_scoped3A : memref<!tpu.dma_semaphore, #tpu.memory_space<semaphore_mem>>) src(%dma_wait3A_68 : memref<79x128xf32, #tpu.memory_space<vmem>>) dst(%dma_wait3A_65 : memref<79x128xf32, #tpu.memory_space<vmem_shared>>)
      tpu.yield
    }) : () -> ()
    %mul3A_23 = arith.constant 632 : i32
    %mul3A_24 = arith.muli %arg1, %mul3A_23 : i32
    %add3A_25 = arith.constant 316 : i32
    %add3A_26 = arith.addi %mul3A_24, %add3A_25 : i32
    "tpu.region"() ({
      %run_scoped3A = tpu.sem_alloc : memref<!tpu.dma_semaphore, #tpu.memory_space<semaphore_mem>>
      %dma_start3A = arith.constant 0 : i32
      %dma_start3A_51 = arith.constant 0 : i32
      %dma_start3A_52 = tpu.memref_slice %arg8[%dma_start3A, %dma_start3A_51] : memref<80x128xf32, #tpu.memory_space<vmem>> -> memref<79x128xf32, #tpu.memory_space<vmem>>
      %dma_start3A_53 = arith.constant 0 : i32
      %dma_start3A_54 = tpu.memref_slice %arg11[%add3A_26, %dma_start3A_53] : memref<10112x128xf32, #tpu.memory_space<vmem_shared>> -> memref<79x128xf32, #tpu.memory_space<vmem_shared>>
      %dma_start3A_55 = arith.constant 0 : i32
      %dma_start3A_56 = tpu.memref_slice %arg11[%add3A_26, %dma_start3A_55] : memref<10112x128xf32, #tpu.memory_space<vmem_shared>> -> memref<79x128xf32, #tpu.memory_space<vmem_shared>>
      %dma_start3A_57 = arith.constant 0 : i32
      %dma_start3A_58 = arith.constant 0 : i32
      %dma_start3A_59 = tpu.memref_slice %arg8[%dma_start3A_57, %dma_start3A_58] : memref<80x128xf32, #tpu.memory_space<vmem>> -> memref<79x128xf32, #tpu.memory_space<vmem>>
      tpu.enqueue_dma source(%dma_start3A_59 : memref<79x128xf32, #tpu.memory_space<vmem>>) target(%dma_start3A_56 : memref<79x128xf32, #tpu.memory_space<vmem_shared>>) target_semaphore(%run_scoped3A : memref<!tpu.dma_semaphore, #tpu.memory_space<semaphore_mem>>)
      %dma_wait3A = arith.constant 0 : i32
      %dma_wait3A_60 = arith.constant 0 : i32
      %dma_wait3A_61 = tpu.memref_slice %arg8[%dma_wait3A, %dma_wait3A_60] : memref<80x128xf32, #tpu.memory_space<vmem>> -> memref<79x128xf32, #tpu.memory_space<vmem>>
      %dma_wait3A_62 = arith.constant 0 : i32
      %dma_wait3A_63 = tpu.memref_slice %arg11[%add3A_26, %dma_wait3A_62] : memref<10112x128xf32, #tpu.memory_space<vmem_shared>> -> memref<79x128xf32, #tpu.memory_space<vmem_shared>>
      %dma_wait3A_64 = arith.constant 0 : i32
      %dma_wait3A_65 = tpu.memref_slice %arg11[%add3A_26, %dma_wait3A_64] : memref<10112x128xf32, #tpu.memory_space<vmem_shared>> -> memref<79x128xf32, #tpu.memory_space<vmem_shared>>
      %dma_wait3A_66 = arith.constant 0 : i32
      %dma_wait3A_67 = arith.constant 0 : i32
      %dma_wait3A_68 = tpu.memref_slice %arg8[%dma_wait3A_66, %dma_wait3A_67] : memref<80x128xf32, #tpu.memory_space<vmem>> -> memref<79x128xf32, #tpu.memory_space<vmem>>
      tpu.wait_dma2 semaphore(%run_scoped3A : memref<!tpu.dma_semaphore, #tpu.memory_space<semaphore_mem>>) src(%dma_wait3A_68 : memref<79x128xf32, #tpu.memory_space<vmem>>) dst(%dma_wait3A_65 : memref<79x128xf32, #tpu.memory_space<vmem_shared>>)
      tpu.yield
    }) : () -> ()
    %mul3A_27 = arith.constant 632 : i32
    %mul3A_28 = arith.muli %arg1, %mul3A_27 : i32
    %add3A_29 = arith.constant 395 : i32
    %add3A_30 = arith.addi %mul3A_28, %add3A_29 : i32
    "tpu.region"() ({
      %run_scoped3A = tpu.sem_alloc : memref<!tpu.dma_semaphore, #tpu.memory_space<semaphore_mem>>
      %dma_start3A = arith.constant 0 : i32
      %dma_start3A_51 = arith.constant 0 : i32
      %dma_start3A_52 = tpu.memref_slice %arg8[%dma_start3A, %dma_start3A_51] : memref<80x128xf32, #tpu.memory_space<vmem>> -> memref<79x128xf32, #tpu.memory_space<vmem>>
      %dma_start3A_53 = arith.constant 0 : i32
      %dma_start3A_54 = tpu.memref_slice %arg11[%add3A_30, %dma_start3A_53] : memref<10112x128xf32, #tpu.memory_space<vmem_shared>> -> memref<79x128xf32, #tpu.memory_space<vmem_shared>>
      %dma_start3A_55 = arith.constant 0 : i32
      %dma_start3A_56 = tpu.memref_slice %arg11[%add3A_30, %dma_start3A_55] : memref<10112x128xf32, #tpu.memory_space<vmem_shared>> -> memref<79x128xf32, #tpu.memory_space<vmem_shared>>
      %dma_start3A_57 = arith.constant 0 : i32
      %dma_start3A_58 = arith.constant 0 : i32
      %dma_start3A_59 = tpu.memref_slice %arg8[%dma_start3A_57, %dma_start3A_58] : memref<80x128xf32, #tpu.memory_space<vmem>> -> memref<79x128xf32, #tpu.memory_space<vmem>>
      tpu.enqueue_dma source(%dma_start3A_59 : memref<79x128xf32, #tpu.memory_space<vmem>>) target(%dma_start3A_56 : memref<79x128xf32, #tpu.memory_space<vmem_shared>>) target_semaphore(%run_scoped3A : memref<!tpu.dma_semaphore, #tpu.memory_space<semaphore_mem>>)
      %dma_wait3A = arith.constant 0 : i32
      %dma_wait3A_60 = arith.constant 0 : i32
      %dma_wait3A_61 = tpu.memref_slice %arg8[%dma_wait3A, %dma_wait3A_60] : memref<80x128xf32, #tpu.memory_space<vmem>> -> memref<79x128xf32, #tpu.memory_space<vmem>>
      %dma_wait3A_62 = arith.constant 0 : i32
      %dma_wait3A_63 = tpu.memref_slice %arg11[%add3A_30, %dma_wait3A_62] : memref<10112x128xf32, #tpu.memory_space<vmem_shared>> -> memref<79x128xf32, #tpu.memory_space<vmem_shared>>
      %dma_wait3A_64 = arith.constant 0 : i32
      %dma_wait3A_65 = tpu.memref_slice %arg11[%add3A_30, %dma_wait3A_64] : memref<10112x128xf32, #tpu.memory_space<vmem_shared>> -> memref<79x128xf32, #tpu.memory_space<vmem_shared>>
      %dma_wait3A_66 = arith.constant 0 : i32
      %dma_wait3A_67 = arith.constant 0 : i32
      %dma_wait3A_68 = tpu.memref_slice %arg8[%dma_wait3A_66, %dma_wait3A_67] : memref<80x128xf32, #tpu.memory_space<vmem>> -> memref<79x128xf32, #tpu.memory_space<vmem>>
      tpu.wait_dma2 semaphore(%run_scoped3A : memref<!tpu.dma_semaphore, #tpu.memory_space<semaphore_mem>>) src(%dma_wait3A_68 : memref<79x128xf32, #tpu.memory_space<vmem>>) dst(%dma_wait3A_65 : memref<79x128xf32, #tpu.memory_space<vmem_shared>>)
      tpu.yield
    }) : () -> ()
    %mul3A_31 = arith.constant 632 : i32
    %mul3A_32 = arith.muli %arg1, %mul3A_31 : i32
    %add3A_33 = arith.constant 474 : i32
    %add3A_34 = arith.addi %mul3A_32, %add3A_33 : i32
    "tpu.region"() ({
      %run_scoped3A = tpu.sem_alloc : memref<!tpu.dma_semaphore, #tpu.memory_space<semaphore_mem>>
      %dma_start3A = arith.constant 0 : i32
      %dma_start3A_51 = arith.constant 0 : i32
      %dma_start3A_52 = tpu.memref_slice %arg8[%dma_start3A, %dma_start3A_51] : memref<80x128xf32, #tpu.memory_space<vmem>> -> memref<79x128xf32, #tpu.memory_space<vmem>>
      %dma_start3A_53 = arith.constant 0 : i32
      %dma_start3A_54 = tpu.memref_slice %arg11[%add3A_34, %dma_start3A_53] : memref<10112x128xf32, #tpu.memory_space<vmem_shared>> -> memref<79x128xf32, #tpu.memory_space<vmem_shared>>
      %dma_start3A_55 = arith.constant 0 : i32
      %dma_start3A_56 = tpu.memref_slice %arg11[%add3A_34, %dma_start3A_55] : memref<10112x128xf32, #tpu.memory_space<vmem_shared>> -> memref<79x128xf32, #tpu.memory_space<vmem_shared>>
      %dma_start3A_57 = arith.constant 0 : i32
      %dma_start3A_58 = arith.constant 0 : i32
      %dma_start3A_59 = tpu.memref_slice %arg8[%dma_start3A_57, %dma_start3A_58] : memref<80x128xf32, #tpu.memory_space<vmem>> -> memref<79x128xf32, #tpu.memory_space<vmem>>
      tpu.enqueue_dma source(%dma_start3A_59 : memref<79x128xf32, #tpu.memory_space<vmem>>) target(%dma_start3A_56 : memref<79x128xf32, #tpu.memory_space<vmem_shared>>) target_semaphore(%run_scoped3A : memref<!tpu.dma_semaphore, #tpu.memory_space<semaphore_mem>>)
      %dma_wait3A = arith.constant 0 : i32
      %dma_wait3A_60 = arith.constant 0 : i32
      %dma_wait3A_61 = tpu.memref_slice %arg8[%dma_wait3A, %dma_wait3A_60] : memref<80x128xf32, #tpu.memory_space<vmem>> -> memref<79x128xf32, #tpu.memory_space<vmem>>
      %dma_wait3A_62 = arith.constant 0 : i32
      %dma_wait3A_63 = tpu.memref_slice %arg11[%add3A_34, %dma_wait3A_62] : memref<10112x128xf32, #tpu.memory_space<vmem_shared>> -> memref<79x128xf32, #tpu.memory_space<vmem_shared>>
      %dma_wait3A_64 = arith.constant 0 : i32
      %dma_wait3A_65 = tpu.memref_slice %arg11[%add3A_34, %dma_wait3A_64] : memref<10112x128xf32, #tpu.memory_space<vmem_shared>> -> memref<79x128xf32, #tpu.memory_space<vmem_shared>>
      %dma_wait3A_66 = arith.constant 0 : i32
      %dma_wait3A_67 = arith.constant 0 : i32
      %dma_wait3A_68 = tpu.memref_slice %arg8[%dma_wait3A_66, %dma_wait3A_67] : memref<80x128xf32, #tpu.memory_space<vmem>> -> memref<79x128xf32, #tpu.memory_space<vmem>>
      tpu.wait_dma2 semaphore(%run_scoped3A : memref<!tpu.dma_semaphore, #tpu.memory_space<semaphore_mem>>) src(%dma_wait3A_68 : memref<79x128xf32, #tpu.memory_space<vmem>>) dst(%dma_wait3A_65 : memref<79x128xf32, #tpu.memory_space<vmem_shared>>)
      tpu.yield
    }) : () -> ()
    %mul3A_35 = arith.constant 632 : i32
    %mul3A_36 = arith.muli %arg1, %mul3A_35 : i32
    %add3A_37 = arith.constant 553 : i32
    %add3A_38 = arith.addi %mul3A_36, %add3A_37 : i32
    "tpu.region"() ({
      %run_scoped3A = tpu.sem_alloc : memref<!tpu.dma_semaphore, #tpu.memory_space<semaphore_mem>>
      %dma_start3A = arith.constant 0 : i32
      %dma_start3A_51 = arith.constant 0 : i32
      %dma_start3A_52 = tpu.memref_slice %arg8[%dma_start3A, %dma_start3A_51] : memref<80x128xf32, #tpu.memory_space<vmem>> -> memref<79x128xf32, #tpu.memory_space<vmem>>
      %dma_start3A_53 = arith.constant 0 : i32
      %dma_start3A_54 = tpu.memref_slice %arg11[%add3A_38, %dma_start3A_53] : memref<10112x128xf32, #tpu.memory_space<vmem_shared>> -> memref<79x128xf32, #tpu.memory_space<vmem_shared>>
      %dma_start3A_55 = arith.constant 0 : i32
      %dma_start3A_56 = tpu.memref_slice %arg11[%add3A_38, %dma_start3A_55] : memref<10112x128xf32, #tpu.memory_space<vmem_shared>> -> memref<79x128xf32, #tpu.memory_space<vmem_shared>>
      %dma_start3A_57 = arith.constant 0 : i32
      %dma_start3A_58 = arith.constant 0 : i32
      %dma_start3A_59 = tpu.memref_slice %arg8[%dma_start3A_57, %dma_start3A_58] : memref<80x128xf32, #tpu.memory_space<vmem>> -> memref<79x128xf32, #tpu.memory_space<vmem>>
      tpu.enqueue_dma source(%dma_start3A_59 : memref<79x128xf32, #tpu.memory_space<vmem>>) target(%dma_start3A_56 : memref<79x128xf32, #tpu.memory_space<vmem_shared>>) target_semaphore(%run_scoped3A : memref<!tpu.dma_semaphore, #tpu.memory_space<semaphore_mem>>)
      %dma_wait3A = arith.constant 0 : i32
      %dma_wait3A_60 = arith.constant 0 : i32
      %dma_wait3A_61 = tpu.memref_slice %arg8[%dma_wait3A, %dma_wait3A_60] : memref<80x128xf32, #tpu.memory_space<vmem>> -> memref<79x128xf32, #tpu.memory_space<vmem>>
      %dma_wait3A_62 = arith.constant 0 : i32
      %dma_wait3A_63 = tpu.memref_slice %arg11[%add3A_38, %dma_wait3A_62] : memref<10112x128xf32, #tpu.memory_space<vmem_shared>> -> memref<79x128xf32, #tpu.memory_space<vmem_shared>>
      %dma_wait3A_64 = arith.constant 0 : i32
      %dma_wait3A_65 = tpu.memref_slice %arg11[%add3A_38, %dma_wait3A_64] : memref<10112x128xf32, #tpu.memory_space<vmem_shared>> -> memref<79x128xf32, #tpu.memory_space<vmem_shared>>
      %dma_wait3A_66 = arith.constant 0 : i32
      %dma_wait3A_67 = arith.constant 0 : i32
      %dma_wait3A_68 = tpu.memref_slice %arg8[%dma_wait3A_66, %dma_wait3A_67] : memref<80x128xf32, #tpu.memory_space<vmem>> -> memref<79x128xf32, #tpu.memory_space<vmem>>
      tpu.wait_dma2 semaphore(%run_scoped3A : memref<!tpu.dma_semaphore, #tpu.memory_space<semaphore_mem>>) src(%dma_wait3A_68 : memref<79x128xf32, #tpu.memory_space<vmem>>) dst(%dma_wait3A_65 : memref<79x128xf32, #tpu.memory_space<vmem_shared>>)
      tpu.yield
    }) : () -> ()
    %barrier3A = arith.constant 0 : index
    tpu.barrier barrier_id(%barrier3A)
    %scan3A_39 = arith.constant 0 : i32
    %scan3A_40 = arith.constant 0 : i32
    %scan3A_41 = arith.constant 5 : i32
    %scan3A_42 = arith.addi %scan3A_40, %scan3A_41 : i32
    %scan3A_43 = arith.constant 1 : i32
    %scan3A_44 = scf.for %scan3A_51 = %scan3A_40 to %scan3A_42 step %scan3A_43 iter_args(%scan3A_52 = %scan3A_39) -> (i32)  : i32 {
      "tpu.region"() ({
        %run_scoped3A = tpu.sem_alloc : memref<!tpu.dma_semaphore, #tpu.memory_space<semaphore_mem>>
        %dma_start3A_81 = arith.constant 0 : i32
        %dma_start3A_82 = arith.constant 0 : i32
        %dma_start3A_83 = tpu.memref_slice %arg3[%add3A, %scan3A_51, %dma_start3A_81, %dma_start3A_82] : memref<32x5x25x80xi32, #tpu.memory_space<hbm>> -> memref<1x1x25x80xi32, #tpu.memory_space<hbm>>
        %dma_start3A_84 = tpu.memref_squeeze %dma_start3A_83 : memref<1x1x25x80xi32, #tpu.memory_space<hbm>> -> memref<25x80xi32, #tpu.memory_space<hbm>>
        %dma_start3A_85 = arith.constant 0 : i32
        %dma_start3A_86 = arith.constant 0 : i32
        %dma_start3A_87 = tpu.memref_slice %arg3[%add3A, %scan3A_51, %dma_start3A_85, %dma_start3A_86] : memref<32x5x25x80xi32, #tpu.memory_space<hbm>> -> memref<1x1x25x80xi32, #tpu.memory_space<hbm>>
        %dma_start3A_88 = tpu.memref_squeeze %dma_start3A_87 : memref<1x1x25x80xi32, #tpu.memory_space<hbm>> -> memref<25x80xi32, #tpu.memory_space<hbm>>
        tpu.enqueue_dma source(%dma_start3A_88 : memref<25x80xi32, #tpu.memory_space<hbm>>) target(%arg6 : memref<25x80xi32, #tpu.memory_space<vmem>>) target_semaphore(%run_scoped3A : memref<!tpu.dma_semaphore, #tpu.memory_space<semaphore_mem>>)
        %dma_wait3A = arith.constant 0 : i32
        %dma_wait3A_89 = arith.constant 0 : i32
        %dma_wait3A_90 = tpu.memref_slice %arg3[%add3A, %scan3A_51, %dma_wait3A, %dma_wait3A_89] : memref<32x5x25x80xi32, #tpu.memory_space<hbm>> -> memref<1x1x25x80xi32, #tpu.memory_space<hbm>>
        %dma_wait3A_91 = tpu.memref_squeeze %dma_wait3A_90 : memref<1x1x25x80xi32, #tpu.memory_space<hbm>> -> memref<25x80xi32, #tpu.memory_space<hbm>>
        %dma_wait3A_92 = arith.constant 0 : i32
        %dma_wait3A_93 = arith.constant 0 : i32
        %dma_wait3A_94 = tpu.memref_slice %arg3[%add3A, %scan3A_51, %dma_wait3A_92, %dma_wait3A_93] : memref<32x5x25x80xi32, #tpu.memory_space<hbm>> -> memref<1x1x25x80xi32, #tpu.memory_space<hbm>>
        %dma_wait3A_95 = tpu.memref_squeeze %dma_wait3A_94 : memref<1x1x25x80xi32, #tpu.memory_space<hbm>> -> memref<25x80xi32, #tpu.memory_space<hbm>>
        tpu.wait_dma2 semaphore(%run_scoped3A : memref<!tpu.dma_semaphore, #tpu.memory_space<semaphore_mem>>) src(%dma_wait3A_95 : memref<25x80xi32, #tpu.memory_space<hbm>>) dst(%arg6 : memref<25x80xi32, #tpu.memory_space<vmem>>)
        tpu.yield
      }) : () -> ()
      "tpu.region"() ({
        %run_scoped3A = tpu.sem_alloc : memref<!tpu.dma_semaphore, #tpu.memory_space<semaphore_mem>>
        %dma_start3A_81 = arith.constant 0 : i32
        %dma_start3A_82 = arith.constant 0 : i32
        %dma_start3A_83 = tpu.memref_slice %arg4[%add3A, %scan3A_51, %dma_start3A_81, %dma_start3A_82] : memref<32x5x25x80xi32, #tpu.memory_space<hbm>> -> memref<1x1x25x80xi32, #tpu.memory_space<hbm>>
        %dma_start3A_84 = tpu.memref_squeeze %dma_start3A_83 : memref<1x1x25x80xi32, #tpu.memory_space<hbm>> -> memref<25x80xi32, #tpu.memory_space<hbm>>
        %dma_start3A_85 = arith.constant 0 : i32
        %dma_start3A_86 = arith.constant 0 : i32
        %dma_start3A_87 = tpu.memref_slice %arg4[%add3A, %scan3A_51, %dma_start3A_85, %dma_start3A_86] : memref<32x5x25x80xi32, #tpu.memory_space<hbm>> -> memref<1x1x25x80xi32, #tpu.memory_space<hbm>>
        %dma_start3A_88 = tpu.memref_squeeze %dma_start3A_87 : memref<1x1x25x80xi32, #tpu.memory_space<hbm>> -> memref<25x80xi32, #tpu.memory_space<hbm>>
        tpu.enqueue_dma source(%dma_start3A_88 : memref<25x80xi32, #tpu.memory_space<hbm>>) target(%arg7 : memref<25x80xi32, #tpu.memory_space<vmem>>) target_semaphore(%run_scoped3A : memref<!tpu.dma_semaphore, #tpu.memory_space<semaphore_mem>>)
        %dma_wait3A = arith.constant 0 : i32
        %dma_wait3A_89 = arith.constant 0 : i32
        %dma_wait3A_90 = tpu.memref_slice %arg4[%add3A, %scan3A_51, %dma_wait3A, %dma_wait3A_89] : memref<32x5x25x80xi32, #tpu.memory_space<hbm>> -> memref<1x1x25x80xi32, #tpu.memory_space<hbm>>
        %dma_wait3A_91 = tpu.memref_squeeze %dma_wait3A_90 : memref<1x1x25x80xi32, #tpu.memory_space<hbm>> -> memref<25x80xi32, #tpu.memory_space<hbm>>
        %dma_wait3A_92 = arith.constant 0 : i32
        %dma_wait3A_93 = arith.constant 0 : i32
        %dma_wait3A_94 = tpu.memref_slice %arg4[%add3A, %scan3A_51, %dma_wait3A_92, %dma_wait3A_93] : memref<32x5x25x80xi32, #tpu.memory_space<hbm>> -> memref<1x1x25x80xi32, #tpu.memory_space<hbm>>
        %dma_wait3A_95 = tpu.memref_squeeze %dma_wait3A_94 : memref<1x1x25x80xi32, #tpu.memory_space<hbm>> -> memref<25x80xi32, #tpu.memory_space<hbm>>
        tpu.wait_dma2 semaphore(%run_scoped3A : memref<!tpu.dma_semaphore, #tpu.memory_space<semaphore_mem>>) src(%dma_wait3A_95 : memref<25x80xi32, #tpu.memory_space<hbm>>) dst(%arg7 : memref<25x80xi32, #tpu.memory_space<vmem>>)
        tpu.yield
      }) : () -> ()
      %dma_start3A = arith.constant 0 : i32
      %dma_start3A_53 = arith.constant 0 : i32
      %dma_start3A_54 = tpu.memref_slice %arg6[%dma_start3A, %dma_start3A_53] : memref<25x80xi32, #tpu.memory_space<vmem>> -> memref<1x80xi32, #tpu.memory_space<vmem>>
      %dma_start3A_55 = tpu.memref_squeeze %dma_start3A_54 : memref<1x80xi32, #tpu.memory_space<vmem>> -> memref<80xi32, #tpu.memory_space<vmem>>
      %dma_start3A_56 = arith.constant 0 : i32
      %dma_start3A_57 = arith.constant 0 : i32
      %dma_start3A_58 = tpu.memref_slice %arg2[%dma_start3A_56, %dma_start3A_57] : memref<10000x128xf32, #tpu.memory_space<hbm>> -> memref<10000x128xf32, #tpu.memory_space<hbm>>
      tpu.enqueue_indirect_dma source(%dma_start3A_58 : memref<10000x128xf32, #tpu.memory_space<hbm>>) target(%arg8 : memref<80x128xf32, #tpu.memory_space<vmem>>) offsets(%dma_start3A_55 : memref<80xi32, #tpu.memory_space<vmem>>) semaphore(%arg12 : memref<!tpu.dma_semaphore, #tpu.memory_space<semaphore_mem>>)
      %dma_start3A_59 = arith.constant 1 : i32
      %dma_start3A_60 = arith.constant 0 : i32
      %dma_start3A_61 = tpu.memref_slice %arg6[%dma_start3A_59, %dma_start3A_60] : memref<25x80xi32, #tpu.memory_space<vmem>> -> memref<1x80xi32, #tpu.memory_space<vmem>>
      %dma_start3A_62 = tpu.memref_squeeze %dma_start3A_61 : memref<1x80xi32, #tpu.memory_space<vmem>> -> memref<80xi32, #tpu.memory_space<vmem>>
      %dma_start3A_63 = arith.constant 0 : i32
      %dma_start3A_64 = arith.constant 0 : i32
      %dma_start3A_65 = tpu.memref_slice %arg2[%dma_start3A_63, %dma_start3A_64] : memref<10000x128xf32, #tpu.memory_space<hbm>> -> memref<10000x128xf32, #tpu.memory_space<hbm>>
      tpu.enqueue_indirect_dma source(%dma_start3A_65 : memref<10000x128xf32, #tpu.memory_space<hbm>>) target(%arg9 : memref<80x128xf32, #tpu.memory_space<vmem>>) offsets(%dma_start3A_62 : memref<80xi32, #tpu.memory_space<vmem>>) semaphore(%arg13 : memref<!tpu.dma_semaphore, #tpu.memory_space<semaphore_mem>>)
      %dma_start3A_66 = arith.constant 2 : i32
      %dma_start3A_67 = arith.constant 0 : i32
      %dma_start3A_68 = tpu.memref_slice %arg6[%dma_start3A_66, %dma_start3A_67] : memref<25x80xi32, #tpu.memory_space<vmem>> -> memref<1x80xi32, #tpu.memory_space<vmem>>
      %dma_start3A_69 = tpu.memref_squeeze %dma_start3A_68 : memref<1x80xi32, #tpu.memory_space<vmem>> -> memref<80xi32, #tpu.memory_space<vmem>>
      %dma_start3A_70 = arith.constant 0 : i32
      %dma_start3A_71 = arith.constant 0 : i32
      %dma_start3A_72 = tpu.memref_slice %arg2[%dma_start3A_70, %dma_start3A_71] : memref<10000x128xf32, #tpu.memory_space<hbm>> -> memref<10000x128xf32, #tpu.memory_space<hbm>>
      tpu.enqueue_indirect_dma source(%dma_start3A_72 : memref<10000x128xf32, #tpu.memory_space<hbm>>) target(%arg10 : memref<80x128xf32, #tpu.memory_space<vmem>>) offsets(%dma_start3A_69 : memref<80xi32, #tpu.memory_space<vmem>>) semaphore(%arg14 : memref<!tpu.dma_semaphore, #tpu.memory_space<semaphore_mem>>)
      %scan3A_73 = arith.constant 0 : i32
      %scan3A_74 = arith.constant 0 : i32
      %scan3A_75 = arith.constant 9 : i32
      %scan3A_76 = arith.addi %scan3A_74, %scan3A_75 : i32
      %scan3A_77 = arith.constant 1 : i32
      %scan3A_78 = scf.for %scan3A_81 = %scan3A_74 to %scan3A_76 step %scan3A_77 iter_args(%scan3A_82 = %scan3A_73) -> (i32)  : i32 {
        %mul3A_83 = arith.constant 3 : i32
        %mul3A_84 = arith.muli %scan3A_81, %mul3A_83 : i32
        %add3A_85 = arith.constant 0 : i32
        %add3A_86 = arith.addi %mul3A_84, %add3A_85 : i32
        %lt3A = arith.constant 25 : i32
        %lt3A_87 = arith.cmpi slt, %add3A_86, %lt3A : i32
        %convert_element_type3A = arith.extui %lt3A_87 : i1 to i32
        %cond3A = arith.constant 0 : i32
        %cond3A_88 = arith.cmpi ne, %convert_element_type3A, %cond3A : i32
        scf.if %cond3A_88 {
          %dma_wait3A = arith.constant 0 : i32
          %dma_wait3A_104 = tpu.memref_slice %arg6[%add3A_86, %dma_wait3A] : memref<25x80xi32, #tpu.memory_space<vmem>> -> memref<1x80xi32, #tpu.memory_space<vmem>>
          %dma_wait3A_105 = tpu.memref_squeeze %dma_wait3A_104 : memref<1x80xi32, #tpu.memory_space<vmem>> -> memref<80xi32, #tpu.memory_space<vmem>>
          %dma_wait3A_106 = arith.constant 0 : i32
          %dma_wait3A_107 = arith.constant 0 : i32
          %dma_wait3A_108 = tpu.memref_slice %arg2[%dma_wait3A_106, %dma_wait3A_107] : memref<10000x128xf32, #tpu.memory_space<hbm>> -> memref<10000x128xf32, #tpu.memory_space<hbm>>
          tpu.wait_indirect_dma semaphore(%arg12 : memref<!tpu.dma_semaphore, #tpu.memory_space<semaphore_mem>>) src(%dma_wait3A_108 : memref<10000x128xf32, #tpu.memory_space<hbm>>) dst(%arg8 : memref<80x128xf32, #tpu.memory_space<vmem>>)
          "tpu.region"() ({
            %run_scoped3A = tpu.sem_alloc : memref<!tpu.dma_semaphore, #tpu.memory_space<semaphore_mem>>
            %dma_start3A_116 = arith.constant 0 : i32
            %dma_start3A_117 = tpu.memref_slice %arg7[%add3A_86, %dma_start3A_116] : memref<25x80xi32, #tpu.memory_space<vmem>> -> memref<1x80xi32, #tpu.memory_space<vmem>>
            %dma_start3A_118 = tpu.memref_squeeze %dma_start3A_117 : memref<1x80xi32, #tpu.memory_space<vmem>> -> memref<80xi32, #tpu.memory_space<vmem>>
            %dma_start3A_119 = arith.constant 0 : i32
            %dma_start3A_120 = arith.constant 0 : i32
            %dma_start3A_121 = tpu.memref_slice %arg11[%dma_start3A_119, %dma_start3A_120] : memref<10112x128xf32, #tpu.memory_space<vmem_shared>> -> memref<10112x128xf32, #tpu.memory_space<vmem_shared>>
            tpu.enqueue_indirect_dma source(%arg8 : memref<80x128xf32, #tpu.memory_space<vmem>>) target(%dma_start3A_121 : memref<10112x128xf32, #tpu.memory_space<vmem_shared>>) offsets(%dma_start3A_118 : memref<80xi32, #tpu.memory_space<vmem>>) semaphore(%run_scoped3A : memref<!tpu.dma_semaphore, #tpu.memory_space<semaphore_mem>>) {add = true}
            %dma_wait3A_122 = arith.constant 0 : i32
            %dma_wait3A_123 = tpu.memref_slice %arg7[%add3A_86, %dma_wait3A_122] : memref<25x80xi32, #tpu.memory_space<vmem>> -> memref<1x80xi32, #tpu.memory_space<vmem>>
            %dma_wait3A_124 = tpu.memref_squeeze %dma_wait3A_123 : memref<1x80xi32, #tpu.memory_space<vmem>> -> memref<80xi32, #tpu.memory_space<vmem>>
            %dma_wait3A_125 = arith.constant 0 : i32
            %dma_wait3A_126 = arith.constant 0 : i32
            %dma_wait3A_127 = tpu.memref_slice %arg11[%dma_wait3A_125, %dma_wait3A_126] : memref<10112x128xf32, #tpu.memory_space<vmem_shared>> -> memref<10112x128xf32, #tpu.memory_space<vmem_shared>>
            tpu.wait_indirect_dma semaphore(%run_scoped3A : memref<!tpu.dma_semaphore, #tpu.memory_space<semaphore_mem>>) src(%arg8 : memref<80x128xf32, #tpu.memory_space<vmem>>) dst(%dma_wait3A_127 : memref<10112x128xf32, #tpu.memory_space<vmem_shared>>)
            tpu.yield
          }) : () -> ()
          %add3A_109 = arith.constant 3 : i32
          %add3A_110 = arith.addi %add3A_86, %add3A_109 : i32
          %lt3A_111 = arith.constant 25 : i32
          %lt3A_112 = arith.cmpi slt, %add3A_110, %lt3A_111 : i32
          %convert_element_type3A_113 = arith.extui %lt3A_112 : i1 to i32
          %cond3A_114 = arith.constant 0 : i32
          %cond3A_115 = arith.cmpi ne, %convert_element_type3A_113, %cond3A_114 : i32
          scf.if %cond3A_115 {
            %add3A_116 = arith.constant 3 : i32
            %add3A_117 = arith.addi %add3A_86, %add3A_116 : i32
            %dma_start3A_118 = arith.constant 0 : i32
            %dma_start3A_119 = tpu.memref_slice %arg6[%add3A_117, %dma_start3A_118] : memref<25x80xi32, #tpu.memory_space<vmem>> -> memref<1x80xi32, #tpu.memory_space<vmem>>
            %dma_start3A_120 = tpu.memref_squeeze %dma_start3A_119 : memref<1x80xi32, #tpu.memory_space<vmem>> -> memref<80xi32, #tpu.memory_space<vmem>>
            %dma_start3A_121 = arith.constant 0 : i32
            %dma_start3A_122 = arith.constant 0 : i32
            %dma_start3A_123 = tpu.memref_slice %arg2[%dma_start3A_121, %dma_start3A_122] : memref<10000x128xf32, #tpu.memory_space<hbm>> -> memref<10000x128xf32, #tpu.memory_space<hbm>>
            tpu.enqueue_indirect_dma source(%dma_start3A_123 : memref<10000x128xf32, #tpu.memory_space<hbm>>) target(%arg8 : memref<80x128xf32, #tpu.memory_space<vmem>>) offsets(%dma_start3A_120 : memref<80xi32, #tpu.memory_space<vmem>>) semaphore(%arg12 : memref<!tpu.dma_semaphore, #tpu.memory_space<semaphore_mem>>)
          } else {
          }
        } else {
        }
        %add3A_89 = arith.constant 1 : i32
        %add3A_90 = arith.addi %mul3A_84, %add3A_89 : i32
        %lt3A_91 = arith.constant 25 : i32
        %lt3A_92 = arith.cmpi slt, %add3A_90, %lt3A_91 : i32
        %convert_element_type3A_93 = arith.extui %lt3A_92 : i1 to i32
        %cond3A_94 = arith.constant 0 : i32
        %cond3A_95 = arith.cmpi ne, %convert_element_type3A_93, %cond3A_94 : i32
        scf.if %cond3A_95 {
          %dma_wait3A = arith.constant 0 : i32
          %dma_wait3A_104 = tpu.memref_slice %arg6[%add3A_90, %dma_wait3A] : memref<25x80xi32, #tpu.memory_space<vmem>> -> memref<1x80xi32, #tpu.memory_space<vmem>>
          %dma_wait3A_105 = tpu.memref_squeeze %dma_wait3A_104 : memref<1x80xi32, #tpu.memory_space<vmem>> -> memref<80xi32, #tpu.memory_space<vmem>>
          %dma_wait3A_106 = arith.constant 0 : i32
          %dma_wait3A_107 = arith.constant 0 : i32
          %dma_wait3A_108 = tpu.memref_slice %arg2[%dma_wait3A_106, %dma_wait3A_107] : memref<10000x128xf32, #tpu.memory_space<hbm>> -> memref<10000x128xf32, #tpu.memory_space<hbm>>
          tpu.wait_indirect_dma semaphore(%arg13 : memref<!tpu.dma_semaphore, #tpu.memory_space<semaphore_mem>>) src(%dma_wait3A_108 : memref<10000x128xf32, #tpu.memory_space<hbm>>) dst(%arg9 : memref<80x128xf32, #tpu.memory_space<vmem>>)
          "tpu.region"() ({
            %run_scoped3A = tpu.sem_alloc : memref<!tpu.dma_semaphore, #tpu.memory_space<semaphore_mem>>
            %dma_start3A_116 = arith.constant 0 : i32
            %dma_start3A_117 = tpu.memref_slice %arg7[%add3A_90, %dma_start3A_116] : memref<25x80xi32, #tpu.memory_space<vmem>> -> memref<1x80xi32, #tpu.memory_space<vmem>>
            %dma_start3A_118 = tpu.memref_squeeze %dma_start3A_117 : memref<1x80xi32, #tpu.memory_space<vmem>> -> memref<80xi32, #tpu.memory_space<vmem>>
            %dma_start3A_119 = arith.constant 0 : i32
            %dma_start3A_120 = arith.constant 0 : i32
            %dma_start3A_121 = tpu.memref_slice %arg11[%dma_start3A_119, %dma_start3A_120] : memref<10112x128xf32, #tpu.memory_space<vmem_shared>> -> memref<10112x128xf32, #tpu.memory_space<vmem_shared>>
            tpu.enqueue_indirect_dma source(%arg9 : memref<80x128xf32, #tpu.memory_space<vmem>>) target(%dma_start3A_121 : memref<10112x128xf32, #tpu.memory_space<vmem_shared>>) offsets(%dma_start3A_118 : memref<80xi32, #tpu.memory_space<vmem>>) semaphore(%run_scoped3A : memref<!tpu.dma_semaphore, #tpu.memory_space<semaphore_mem>>) {add = true}
            %dma_wait3A_122 = arith.constant 0 : i32
            %dma_wait3A_123 = tpu.memref_slice %arg7[%add3A_90, %dma_wait3A_122] : memref<25x80xi32, #tpu.memory_space<vmem>> -> memref<1x80xi32, #tpu.memory_space<vmem>>
            %dma_wait3A_124 = tpu.memref_squeeze %dma_wait3A_123 : memref<1x80xi32, #tpu.memory_space<vmem>> -> memref<80xi32, #tpu.memory_space<vmem>>
            %dma_wait3A_125 = arith.constant 0 : i32
            %dma_wait3A_126 = arith.constant 0 : i32
            %dma_wait3A_127 = tpu.memref_slice %arg11[%dma_wait3A_125, %dma_wait3A_126] : memref<10112x128xf32, #tpu.memory_space<vmem_shared>> -> memref<10112x128xf32, #tpu.memory_space<vmem_shared>>
            tpu.wait_indirect_dma semaphore(%run_scoped3A : memref<!tpu.dma_semaphore, #tpu.memory_space<semaphore_mem>>) src(%arg9 : memref<80x128xf32, #tpu.memory_space<vmem>>) dst(%dma_wait3A_127 : memref<10112x128xf32, #tpu.memory_space<vmem_shared>>)
            tpu.yield
          }) : () -> ()
          %add3A_109 = arith.constant 3 : i32
          %add3A_110 = arith.addi %add3A_90, %add3A_109 : i32
          %lt3A_111 = arith.constant 25 : i32
          %lt3A_112 = arith.cmpi slt, %add3A_110, %lt3A_111 : i32
          %convert_element_type3A_113 = arith.extui %lt3A_112 : i1 to i32
          %cond3A_114 = arith.constant 0 : i32
          %cond3A_115 = arith.cmpi ne, %convert_element_type3A_113, %cond3A_114 : i32
          scf.if %cond3A_115 {
            %add3A_116 = arith.constant 3 : i32
            %add3A_117 = arith.addi %add3A_90, %add3A_116 : i32
            %dma_start3A_118 = arith.constant 0 : i32
            %dma_start3A_119 = tpu.memref_slice %arg6[%add3A_117, %dma_start3A_118] : memref<25x80xi32, #tpu.memory_space<vmem>> -> memref<1x80xi32, #tpu.memory_space<vmem>>
            %dma_start3A_120 = tpu.memref_squeeze %dma_start3A_119 : memref<1x80xi32, #tpu.memory_space<vmem>> -> memref<80xi32, #tpu.memory_space<vmem>>
            %dma_start3A_121 = arith.constant 0 : i32
            %dma_start3A_122 = arith.constant 0 : i32
            %dma_start3A_123 = tpu.memref_slice %arg2[%dma_start3A_121, %dma_start3A_122] : memref<10000x128xf32, #tpu.memory_space<hbm>> -> memref<10000x128xf32, #tpu.memory_space<hbm>>
            tpu.enqueue_indirect_dma source(%dma_start3A_123 : memref<10000x128xf32, #tpu.memory_space<hbm>>) target(%arg9 : memref<80x128xf32, #tpu.memory_space<vmem>>) offsets(%dma_start3A_120 : memref<80xi32, #tpu.memory_space<vmem>>) semaphore(%arg13 : memref<!tpu.dma_semaphore, #tpu.memory_space<semaphore_mem>>)
          } else {
          }
        } else {
        }
        %add3A_96 = arith.constant 2 : i32
        %add3A_97 = arith.addi %mul3A_84, %add3A_96 : i32
        %lt3A_98 = arith.constant 25 : i32
        %lt3A_99 = arith.cmpi slt, %add3A_97, %lt3A_98 : i32
        %convert_element_type3A_100 = arith.extui %lt3A_99 : i1 to i32
        %cond3A_101 = arith.constant 0 : i32
        %cond3A_102 = arith.cmpi ne, %convert_element_type3A_100, %cond3A_101 : i32
        scf.if %cond3A_102 {
          %dma_wait3A = arith.constant 0 : i32
          %dma_wait3A_104 = tpu.memref_slice %arg6[%add3A_97, %dma_wait3A] : memref<25x80xi32, #tpu.memory_space<vmem>> -> memref<1x80xi32, #tpu.memory_space<vmem>>
          %dma_wait3A_105 = tpu.memref_squeeze %dma_wait3A_104 : memref<1x80xi32, #tpu.memory_space<vmem>> -> memref<80xi32, #tpu.memory_space<vmem>>
          %dma_wait3A_106 = arith.constant 0 : i32
          %dma_wait3A_107 = arith.constant 0 : i32
          %dma_wait3A_108 = tpu.memref_slice %arg2[%dma_wait3A_106, %dma_wait3A_107] : memref<10000x128xf32, #tpu.memory_space<hbm>> -> memref<10000x128xf32, #tpu.memory_space<hbm>>
          tpu.wait_indirect_dma semaphore(%arg14 : memref<!tpu.dma_semaphore, #tpu.memory_space<semaphore_mem>>) src(%dma_wait3A_108 : memref<10000x128xf32, #tpu.memory_space<hbm>>) dst(%arg10 : memref<80x128xf32, #tpu.memory_space<vmem>>)
          "tpu.region"() ({
            %run_scoped3A = tpu.sem_alloc : memref<!tpu.dma_semaphore, #tpu.memory_space<semaphore_mem>>
            %dma_start3A_116 = arith.constant 0 : i32
            %dma_start3A_117 = tpu.memref_slice %arg7[%add3A_97, %dma_start3A_116] : memref<25x80xi32, #tpu.memory_space<vmem>> -> memref<1x80xi32, #tpu.memory_space<vmem>>
            %dma_start3A_118 = tpu.memref_squeeze %dma_start3A_117 : memref<1x80xi32, #tpu.memory_space<vmem>> -> memref<80xi32, #tpu.memory_space<vmem>>
            %dma_start3A_119 = arith.constant 0 : i32
            %dma_start3A_120 = arith.constant 0 : i32
            %dma_start3A_121 = tpu.memref_slice %arg11[%dma_start3A_119, %dma_start3A_120] : memref<10112x128xf32, #tpu.memory_space<vmem_shared>> -> memref<10112x128xf32, #tpu.memory_space<vmem_shared>>
            tpu.enqueue_indirect_dma source(%arg10 : memref<80x128xf32, #tpu.memory_space<vmem>>) target(%dma_start3A_121 : memref<10112x128xf32, #tpu.memory_space<vmem_shared>>) offsets(%dma_start3A_118 : memref<80xi32, #tpu.memory_space<vmem>>) semaphore(%run_scoped3A : memref<!tpu.dma_semaphore, #tpu.memory_space<semaphore_mem>>) {add = true}
            %dma_wait3A_122 = arith.constant 0 : i32
            %dma_wait3A_123 = tpu.memref_slice %arg7[%add3A_97, %dma_wait3A_122] : memref<25x80xi32, #tpu.memory_space<vmem>> -> memref<1x80xi32, #tpu.memory_space<vmem>>
            %dma_wait3A_124 = tpu.memref_squeeze %dma_wait3A_123 : memref<1x80xi32, #tpu.memory_space<vmem>> -> memref<80xi32, #tpu.memory_space<vmem>>
            %dma_wait3A_125 = arith.constant 0 : i32
            %dma_wait3A_126 = arith.constant 0 : i32
            %dma_wait3A_127 = tpu.memref_slice %arg11[%dma_wait3A_125, %dma_wait3A_126] : memref<10112x128xf32, #tpu.memory_space<vmem_shared>> -> memref<10112x128xf32, #tpu.memory_space<vmem_shared>>
            tpu.wait_indirect_dma semaphore(%run_scoped3A : memref<!tpu.dma_semaphore, #tpu.memory_space<semaphore_mem>>) src(%arg10 : memref<80x128xf32, #tpu.memory_space<vmem>>) dst(%dma_wait3A_127 : memref<10112x128xf32, #tpu.memory_space<vmem_shared>>)
            tpu.yield
          }) : () -> ()
          %add3A_109 = arith.constant 3 : i32
          %add3A_110 = arith.addi %add3A_97, %add3A_109 : i32
          %lt3A_111 = arith.constant 25 : i32
          %lt3A_112 = arith.cmpi slt, %add3A_110, %lt3A_111 : i32
          %convert_element_type3A_113 = arith.extui %lt3A_112 : i1 to i32
          %cond3A_114 = arith.constant 0 : i32
          %cond3A_115 = arith.cmpi ne, %convert_element_type3A_113, %cond3A_114 : i32
          scf.if %cond3A_115 {
            %add3A_116 = arith.constant 3 : i32
            %add3A_117 = arith.addi %add3A_97, %add3A_116 : i32
            %dma_start3A_118 = arith.constant 0 : i32
            %dma_start3A_119 = tpu.memref_slice %arg6[%add3A_117, %dma_start3A_118] : memref<25x80xi32, #tpu.memory_space<vmem>> -> memref<1x80xi32, #tpu.memory_space<vmem>>
            %dma_start3A_120 = tpu.memref_squeeze %dma_start3A_119 : memref<1x80xi32, #tpu.memory_space<vmem>> -> memref<80xi32, #tpu.memory_space<vmem>>
            %dma_start3A_121 = arith.constant 0 : i32
            %dma_start3A_122 = arith.constant 0 : i32
            %dma_start3A_123 = tpu.memref_slice %arg2[%dma_start3A_121, %dma_start3A_122] : memref<10000x128xf32, #tpu.memory_space<hbm>> -> memref<10000x128xf32, #tpu.memory_space<hbm>>
            tpu.enqueue_indirect_dma source(%dma_start3A_123 : memref<10000x128xf32, #tpu.memory_space<hbm>>) target(%arg10 : memref<80x128xf32, #tpu.memory_space<vmem>>) offsets(%dma_start3A_120 : memref<80xi32, #tpu.memory_space<vmem>>) semaphore(%arg14 : memref<!tpu.dma_semaphore, #tpu.memory_space<semaphore_mem>>)
          } else {
          }
        } else {
        }
        %scan3A_103 = arith.constant 0 : i32
        scf.yield %scan3A_103 : i32
      }
      %scan3A_79 = arith.constant 9 : i32
      %scan3A_80 = arith.constant 0 : i32
      scf.yield %scan3A_80 : i32
    }
    %scan3A_45 = arith.constant 5 : i32
    %barrier3A_46 = arith.constant 0 : index
    tpu.barrier barrier_id(%barrier3A_46)
    %mul3A_47 = arith.constant 632 : i32
    %mul3A_48 = arith.muli %arg1, %mul3A_47 : i32
    %mul3A_49 = arith.constant 632 : i32
    %mul3A_50 = arith.muli %arg1, %mul3A_49 : i32
    "tpu.region"() ({
      %run_scoped3A = tpu.sem_alloc : memref<!tpu.dma_semaphore, #tpu.memory_space<semaphore_mem>>
      %dma_start3A = arith.constant 0 : i32
      %dma_start3A_51 = tpu.memref_slice %arg5[%arg0, %mul3A_50, %dma_start3A] : memref<2x10112x128xf32, #tpu.memory_space<hbm>> -> memref<1x632x128xf32, #tpu.memory_space<hbm>>
      %dma_start3A_52 = tpu.memref_squeeze %dma_start3A_51 : memref<1x632x128xf32, #tpu.memory_space<hbm>> -> memref<632x128xf32, #tpu.memory_space<hbm>>
      %dma_start3A_53 = arith.constant 0 : i32
      %dma_start3A_54 = tpu.memref_slice %arg11[%mul3A_48, %dma_start3A_53] : memref<10112x128xf32, #tpu.memory_space<vmem_shared>> -> memref<632x128xf32, #tpu.memory_space<vmem_shared>>
      tpu.enqueue_dma source(%dma_start3A_54 : memref<632x128xf32, #tpu.memory_space<vmem_shared>>) target(%dma_start3A_52 : memref<632x128xf32, #tpu.memory_space<hbm>>) target_semaphore(%run_scoped3A : memref<!tpu.dma_semaphore, #tpu.memory_space<semaphore_mem>>)
      %dma_wait3A = arith.constant 0 : i32
      %dma_wait3A_55 = tpu.memref_slice %arg5[%arg0, %mul3A_50, %dma_wait3A] : memref<2x10112x128xf32, #tpu.memory_space<hbm>> -> memref<1x632x128xf32, #tpu.memory_space<hbm>>
      %dma_wait3A_56 = tpu.memref_squeeze %dma_wait3A_55 : memref<1x632x128xf32, #tpu.memory_space<hbm>> -> memref<632x128xf32, #tpu.memory_space<hbm>>
      %dma_wait3A_57 = arith.constant 0 : i32
      %dma_wait3A_58 = tpu.memref_slice %arg11[%mul3A_48, %dma_wait3A_57] : memref<10112x128xf32, #tpu.memory_space<vmem_shared>> -> memref<632x128xf32, #tpu.memory_space<vmem_shared>>
      tpu.wait_dma2 semaphore(%run_scoped3A : memref<!tpu.dma_semaphore, #tpu.memory_space<semaphore_mem>>) src(%dma_wait3A_58 : memref<632x128xf32, #tpu.memory_space<vmem_shared>>) dst(%dma_wait3A_56 : memref<632x128xf32, #tpu.memory_space<hbm>>)
      tpu.yield
    }) : () -> ()
    return
  }
}

#map = affine_map<(d0, d1) -> (0, 0)>
#map1 = affine_map<(d0, d1) -> (0, 0, 0, 0)>
#map2 = affine_map<(d0, d1) -> (0, 0, 0)>
module attributes {stable_mosaic.version = 14 : i64} {
  func.func @body(%arg0: i32, %arg1: i32, %arg2: memref<10000x128xf32, #tpu.memory_space<hbm>>, %arg3: memref<32x5x25x80xi32, #tpu.memory_space<hbm>>, %arg4: memref<32x5x25x80xi32, #tpu.memory_space<hbm>>, %arg5: memref<2x10112x128xf32, #tpu.memory_space<hbm>>, %arg6: memref<25x80xi32, #tpu.memory_space<vmem>>, %arg7: memref<25x80xi32, #tpu.memory_space<vmem>>, %arg8: memref<80x128xf32, #tpu.memory_space<vmem>>, %arg9: memref<80x128xf32, #tpu.memory_space<vmem>>, %arg10: memref<80x128xf32, #tpu.memory_space<vmem>>, %arg11: memref<10112x128xf32, #tpu.memory_space<vmem_shared>>, %arg12: memref<!tpu.dma_semaphore, #tpu.memory_space<semaphore_mem>>, %arg13: memref<!tpu.dma_semaphore, #tpu.memory_space<semaphore_mem>>, %arg14: memref<!tpu.dma_semaphore, #tpu.memory_space<semaphore_mem>>) attributes {dimension_semantics = [#tpu.dimension_semantics<core_parallel>, #tpu.dimension_semantics<subcore_parallel>], iteration_bounds = array<i64: 2, 16>, scalar_prefetch = 0 : i64, scratch_operands = 9 : i64, tpu.core_type = #tpu.core_type<sc_vector_subcore>, window_params = [{transform_indices = #map}, {transform_indices = #map1}, {transform_indices = #map1}, {transform_indices = #map2}]} {
    %mul3A = arith.constant 16 : i32
    %mul3A_0 = arith.muli %arg0, %mul3A : i32
    %add3A = arith.addi %mul3A_0, %arg1 : i32
    %scan3A = arith.constant 0 : i32
    %scan3A_1 = arith.constant 0 : i32
    %scan3A_2 = arith.constant 80 : i32
    %scan3A_3 = arith.addi %scan3A_1, %scan3A_2 : i32
    %scan3A_4 = arith.constant 1 : i32
    %scan3A_5 = scf.for %scan3A_51 = %scan3A_1 to %scan3A_3 step %scan3A_4 iter_args(%scan3A_52 = %scan3A) -> (i32)  : i32 {
      %scan3A_53 = arith.constant 0 : i32
      %scan3A_54 = arith.constant 0 : i32
      %scan3A_55 = arith.constant 8 : i32
      %scan3A_56 = arith.addi %scan3A_54, %scan3A_55 : i32
      %scan3A_57 = arith.constant 1 : i32
      %scan3A_58 = scf.for %scan3A_60 = %scan3A_54 to %scan3A_56 step %scan3A_57 iter_args(%scan3A_61 = %scan3A_53) -> (i32)  : i32 {
        %broadcast_in_dim3A = arith.constant 0.000000e+00 : f32
        %broadcast_in_dim3A_62 = vector.broadcast %broadcast_in_dim3A : f32 to vector<16xf32>
        %mul3A_63 = arith.constant 16 : i32
        %mul3A_64 = arith.muli %scan3A_60, %mul3A_63 : i32
        %swap3A = arith.index_cast %scan3A_51 : i32 to index
        %swap3A_65 = arith.index_cast %mul3A_64 : i32 to index
        %swap3A_66 = tpu.vector_load %arg8[%swap3A, %swap3A_65] {strides = array<i32>} : memref<80x128xf32, #tpu.memory_space<vmem>>, vector<1x16xf32>,
        %swap3A_67 = vector.shape_cast %swap3A_66 : vector<1x16xf32> to vector<16xf32>
        %swap3A_68 = vector.shape_cast %broadcast_in_dim3A_62 : vector<16xf32> to vector<1x16xf32>
        tpu.vector_store %arg8[%swap3A, %swap3A_65], %swap3A_68 {strides = array<i32>} : memref<80x128xf32, #tpu.memory_space<vmem>>, vector<1x16xf32>,
        %scan3A_69 = arith.constant 0 : i32
        scf.yield %scan3A_69 : i32
      }
      %scan3A_59 = arith.constant 8 : i32
      scf.yield %scan3A_58 : i32
    }
    %scan3A_6 = arith.constant 80 : i32
    %mul3A_7 = arith.constant 632 : i32
    %mul3A_8 = arith.muli %arg1, %mul3A_7 : i32
    %add3A_9 = arith.constant 0 : i32
    %add3A_10 = arith.addi %mul3A_8, %add3A_9 : i32
    "tpu.region"() ({
      %run_scoped3A = tpu.sem_alloc : memref<!tpu.dma_semaphore, #tpu.memory_space<semaphore_mem>>
      %dma_start3A = arith.constant 0 : i32
      %dma_start3A_51 = arith.constant 0 : i32
      %dma_start3A_52 = tpu.memref_slice %arg8[%dma_start3A, %dma_start3A_51] : memref<80x128xf32, #tpu.memory_space<vmem>> -> memref<79x128xf32, #tpu.memory_space<vmem>>
      %dma_start3A_53 = arith.constant 0 : i32
      %dma_start3A_54 = tpu.memref_slice %arg11[%add3A_10, %dma_start3A_53] : memref<10112x128xf32, #tpu.memory_space<vmem_shared>> -> memref<79x128xf32, #tpu.memory_space<vmem_shared>>
      %dma_start3A_55 = arith.constant 0 : i32
      %dma_start3A_56 = tpu.memref_slice %arg11[%add3A_10, %dma_start3A_55] : memref<10112x128xf32, #tpu.memory_space<vmem_shared>> -> memref<79x128xf32, #tpu.memory_space<vmem_shared>>
      %dma_start3A_57 = arith.constant 0 : i32
      %dma_start3A_58 = arith.constant 0 : i32
      %dma_start3A_59 = tpu.memref_slice %arg8[%dma_start3A_57, %dma_start3A_58] : memref<80x128xf32, #tpu.memory_space<vmem>> -> memref<79x128xf32, #tpu.memory_space<vmem>>
      tpu.enqueue_dma source(%dma_start3A_59 : memref<79x128xf32, #tpu.memory_space<vmem>>) target(%dma_start3A_56 : memref<79x128xf32, #tpu.memory_space<vmem_shared>>) target_semaphore(%run_scoped3A : memref<!tpu.dma_semaphore, #tpu.memory_space<semaphore_mem>>)
      %dma_wait3A = arith.constant 0 : i32
      %dma_wait3A_60 = arith.constant 0 : i32
      %dma_wait3A_61 = tpu.memref_slice %arg8[%dma_wait3A, %dma_wait3A_60] : memref<80x128xf32, #tpu.memory_space<vmem>> -> memref<79x128xf32, #tpu.memory_space<vmem>>
      %dma_wait3A_62 = arith.constant 0 : i32
      %dma_wait3A_63 = tpu.memref_slice %arg11[%add3A_10, %dma_wait3A_62] : memref<10112x128xf32, #tpu.memory_space<vmem_shared>> -> memref<79x128xf32, #tpu.memory_space<vmem_shared>>
      %dma_wait3A_64 = arith.constant 0 : i32
      %dma_wait3A_65 = tpu.memref_slice %arg11[%add3A_10, %dma_wait3A_64] : memref<10112x128xf32, #tpu.memory_space<vmem_shared>> -> memref<79x128xf32, #tpu.memory_space<vmem_shared>>
      %dma_wait3A_66 = arith.constant 0 : i32
      %dma_wait3A_67 = arith.constant 0 : i32
      %dma_wait3A_68 = tpu.memref_slice %arg8[%dma_wait3A_66, %dma_wait3A_67] : memref<80x128xf32, #tpu.memory_space<vmem>> -> memref<79x128xf32, #tpu.memory_space<vmem>>
      tpu.wait_dma2 semaphore(%run_scoped3A : memref<!tpu.dma_semaphore, #tpu.memory_space<semaphore_mem>>) src(%dma_wait3A_68 : memref<79x128xf32, #tpu.memory_space<vmem>>) dst(%dma_wait3A_65 : memref<79x128xf32, #tpu.memory_space<vmem_shared>>)
      tpu.yield
    }) : () -> ()
    %mul3A_11 = arith.constant 632 : i32
    %mul3A_12 = arith.muli %arg1, %mul3A_11 : i32
    %add3A_13 = arith.constant 79 : i32
    %add3A_14 = arith.addi %mul3A_12, %add3A_13 : i32
    "tpu.region"() ({
      %run_scoped3A = tpu.sem_alloc : memref<!tpu.dma_semaphore, #tpu.memory_space<semaphore_mem>>
      %dma_start3A = arith.constant 0 : i32
      %dma_start3A_51 = arith.constant 0 : i32
      %dma_start3A_52 = tpu.memref_slice %arg8[%dma_start3A, %dma_start3A_51] : memref<80x128xf32, #tpu.memory_space<vmem>> -> memref<79x128xf32, #tpu.memory_space<vmem>>
      %dma_start3A_53 = arith.constant 0 : i32
      %dma_start3A_54 = tpu.memref_slice %arg11[%add3A_14, %dma_start3A_53] : memref<10112x128xf32, #tpu.memory_space<vmem_shared>> -> memref<79x128xf32, #tpu.memory_space<vmem_shared>>
      %dma_start3A_55 = arith.constant 0 : i32
      %dma_start3A_56 = tpu.memref_slice %arg11[%add3A_14, %dma_start3A_55] : memref<10112x128xf32, #tpu.memory_space<vmem_shared>> -> memref<79x128xf32, #tpu.memory_space<vmem_shared>>
      %dma_start3A_57 = arith.constant 0 : i32
      %dma_start3A_58 = arith.constant 0 : i32
      %dma_start3A_59 = tpu.memref_slice %arg8[%dma_start3A_57, %dma_start3A_58] : memref<80x128xf32, #tpu.memory_space<vmem>> -> memref<79x128xf32, #tpu.memory_space<vmem>>
      tpu.enqueue_dma source(%dma_start3A_59 : memref<79x128xf32, #tpu.memory_space<vmem>>) target(%dma_start3A_56 : memref<79x128xf32, #tpu.memory_space<vmem_shared>>) target_semaphore(%run_scoped3A : memref<!tpu.dma_semaphore, #tpu.memory_space<semaphore_mem>>)
      %dma_wait3A = arith.constant 0 : i32
      %dma_wait3A_60 = arith.constant 0 : i32
      %dma_wait3A_61 = tpu.memref_slice %arg8[%dma_wait3A, %dma_wait3A_60] : memref<80x128xf32, #tpu.memory_space<vmem>> -> memref<79x128xf32, #tpu.memory_space<vmem>>
      %dma_wait3A_62 = arith.constant 0 : i32
      %dma_wait3A_63 = tpu.memref_slice %arg11[%add3A_14, %dma_wait3A_62] : memref<10112x128xf32, #tpu.memory_space<vmem_shared>> -> memref<79x128xf32, #tpu.memory_space<vmem_shared>>
      %dma_wait3A_64 = arith.constant 0 : i32
      %dma_wait3A_65 = tpu.memref_slice %arg11[%add3A_14, %dma_wait3A_64] : memref<10112x128xf32, #tpu.memory_space<vmem_shared>> -> memref<79x128xf32, #tpu.memory_space<vmem_shared>>
      %dma_wait3A_66 = arith.constant 0 : i32
      %dma_wait3A_67 = arith.constant 0 : i32
      %dma_wait3A_68 = tpu.memref_slice %arg8[%dma_wait3A_66, %dma_wait3A_67] : memref<80x128xf32, #tpu.memory_space<vmem>> -> memref<79x128xf32, #tpu.memory_space<vmem>>
      tpu.wait_dma2 semaphore(%run_scoped3A : memref<!tpu.dma_semaphore, #tpu.memory_space<semaphore_mem>>) src(%dma_wait3A_68 : memref<79x128xf32, #tpu.memory_space<vmem>>) dst(%dma_wait3A_65 : memref<79x128xf32, #tpu.memory_space<vmem_shared>>)
      tpu.yield
    }) : () -> ()
    %mul3A_15 = arith.constant 632 : i32
    %mul3A_16 = arith.muli %arg1, %mul3A_15 : i32
    %add3A_17 = arith.constant 158 : i32
    %add3A_18 = arith.addi %mul3A_16, %add3A_17 : i32
    "tpu.region"() ({
      %run_scoped3A = tpu.sem_alloc : memref<!tpu.dma_semaphore, #tpu.memory_space<semaphore_mem>>
      %dma_start3A = arith.constant 0 : i32
      %dma_start3A_51 = arith.constant 0 : i32
      %dma_start3A_52 = tpu.memref_slice %arg8[%dma_start3A, %dma_start3A_51] : memref<80x128xf32, #tpu.memory_space<vmem>> -> memref<79x128xf32, #tpu.memory_space<vmem>>
      %dma_start3A_53 = arith.constant 0 : i32
      %dma_start3A_54 = tpu.memref_slice %arg11[%add3A_18, %dma_start3A_53] : memref<10112x128xf32, #tpu.memory_space<vmem_shared>> -> memref<79x128xf32, #tpu.memory_space<vmem_shared>>
      %dma_start3A_55 = arith.constant 0 : i32
      %dma_start3A_56 = tpu.memref_slice %arg11[%add3A_18, %dma_start3A_55] : memref<10112x128xf32, #tpu.memory_space<vmem_shared>> -> memref<79x128xf32, #tpu.memory_space<vmem_shared>>
      %dma_start3A_57 = arith.constant 0 : i32
      %dma_start3A_58 = arith.constant 0 : i32
      %dma_start3A_59 = tpu.memref_slice %arg8[%dma_start3A_57, %dma_start3A_58] : memref<80x128xf32, #tpu.memory_space<vmem>> -> memref<79x128xf32, #tpu.memory_space<vmem>>
      tpu.enqueue_dma source(%dma_start3A_59 : memref<79x128xf32, #tpu.memory_space<vmem>>) target(%dma_start3A_56 : memref<79x128xf32, #tpu.memory_space<vmem_shared>>) target_semaphore(%run_scoped3A : memref<!tpu.dma_semaphore, #tpu.memory_space<semaphore_mem>>)
      %dma_wait3A = arith.constant 0 : i32
      %dma_wait3A_60 = arith.constant 0 : i32
      %dma_wait3A_61 = tpu.memref_slice %arg8[%dma_wait3A, %dma_wait3A_60] : memref<80x128xf32, #tpu.memory_space<vmem>> -> memref<79x128xf32, #tpu.memory_space<vmem>>
      %dma_wait3A_62 = arith.constant 0 : i32
      %dma_wait3A_63 = tpu.memref_slice %arg11[%add3A_18, %dma_wait3A_62] : memref<10112x128xf32, #tpu.memory_space<vmem_shared>> -> memref<79x128xf32, #tpu.memory_space<vmem_shared>>
      %dma_wait3A_64 = arith.constant 0 : i32
      %dma_wait3A_65 = tpu.memref_slice %arg11[%add3A_18, %dma_wait3A_64] : memref<10112x128xf32, #tpu.memory_space<vmem_shared>> -> memref<79x128xf32, #tpu.memory_space<vmem_shared>>
      %dma_wait3A_66 = arith.constant 0 : i32
      %dma_wait3A_67 = arith.constant 0 : i32
      %dma_wait3A_68 = tpu.memref_slice %arg8[%dma_wait3A_66, %dma_wait3A_67] : memref<80x128xf32, #tpu.memory_space<vmem>> -> memref<79x128xf32, #tpu.memory_space<vmem>>
      tpu.wait_dma2 semaphore(%run_scoped3A : memref<!tpu.dma_semaphore, #tpu.memory_space<semaphore_mem>>) src(%dma_wait3A_68 : memref<79x128xf32, #tpu.memory_space<vmem>>) dst(%dma_wait3A_65 : memref<79x128xf32, #tpu.memory_space<vmem_shared>>)
      tpu.yield
    }) : () -> ()
    %mul3A_19 = arith.constant 632 : i32
    %mul3A_20 = arith.muli %arg1, %mul3A_19 : i32
    %add3A_21 = arith.constant 237 : i32
    %add3A_22 = arith.addi %mul3A_20, %add3A_21 : i32
    "tpu.region"() ({
      %run_scoped3A = tpu.sem_alloc : memref<!tpu.dma_semaphore, #tpu.memory_space<semaphore_mem>>
      %dma_start3A = arith.constant 0 : i32
      %dma_start3A_51 = arith.constant 0 : i32
      %dma_start3A_52 = tpu.memref_slice %arg8[%dma_start3A, %dma_start3A_51] : memref<80x128xf32, #tpu.memory_space<vmem>> -> memref<79x128xf32, #tpu.memory_space<vmem>>
      %dma_start3A_53 = arith.constant 0 : i32
      %dma_start3A_54 = tpu.memref_slice %arg11[%add3A_22, %dma_start3A_53] : memref<10112x128xf32, #tpu.memory_space<vmem_shared>> -> memref<79x128xf32, #tpu.memory_space<vmem_shared>>
      %dma_start3A_55 = arith.constant 0 : i32
      %dma_start3A_56 = tpu.memref_slice %arg11[%add3A_22, %dma_start3A_55] : memref<10112x128xf32, #tpu.memory_space<vmem_shared>> -> memref<79x128xf32, #tpu.memory_space<vmem_shared>>
      %dma_start3A_57 = arith.constant 0 : i32
      %dma_start3A_58 = arith.constant 0 : i32
      %dma_start3A_59 = tpu.memref_slice %arg8[%dma_start3A_57, %dma_start3A_58] : memref<80x128xf32, #tpu.memory_space<vmem>> -> memref<79x128xf32, #tpu.memory_space<vmem>>
      tpu.enqueue_dma source(%dma_start3A_59 : memref<79x128xf32, #tpu.memory_space<vmem>>) target(%dma_start3A_56 : memref<79x128xf32, #tpu.memory_space<vmem_shared>>) target_semaphore(%run_scoped3A : memref<!tpu.dma_semaphore, #tpu.memory_space<semaphore_mem>>)
      %dma_wait3A = arith.constant 0 : i32
      %dma_wait3A_60 = arith.constant 0 : i32
      %dma_wait3A_61 = tpu.memref_slice %arg8[%dma_wait3A, %dma_wait3A_60] : memref<80x128xf32, #tpu.memory_space<vmem>> -> memref<79x128xf32, #tpu.memory_space<vmem>>
      %dma_wait3A_62 = arith.constant 0 : i32
      %dma_wait3A_63 = tpu.memref_slice %arg11[%add3A_22, %dma_wait3A_62] : memref<10112x128xf32, #tpu.memory_space<vmem_shared>> -> memref<79x128xf32, #tpu.memory_space<vmem_shared>>
      %dma_wait3A_64 = arith.constant 0 : i32
      %dma_wait3A_65 = tpu.memref_slice %arg11[%add3A_22, %dma_wait3A_64] : memref<10112x128xf32, #tpu.memory_space<vmem_shared>> -> memref<79x128xf32, #tpu.memory_space<vmem_shared>>
      %dma_wait3A_66 = arith.constant 0 : i32
      %dma_wait3A_67 = arith.constant 0 : i32
      %dma_wait3A_68 = tpu.memref_slice %arg8[%dma_wait3A_66, %dma_wait3A_67] : memref<80x128xf32, #tpu.memory_space<vmem>> -> memref<79x128xf32, #tpu.memory_space<vmem>>
      tpu.wait_dma2 semaphore(%run_scoped3A : memref<!tpu.dma_semaphore, #tpu.memory_space<semaphore_mem>>) src(%dma_wait3A_68 : memref<79x128xf32, #tpu.memory_space<vmem>>) dst(%dma_wait3A_65 : memref<79x128xf32, #tpu.memory_space<vmem_shared>>)
      tpu.yield
    }) : () -> ()
    %mul3A_23 = arith.constant 632 : i32
    %mul3A_24 = arith.muli %arg1, %mul3A_23 : i32
    %add3A_25 = arith.constant 316 : i32
    %add3A_26 = arith.addi %mul3A_24, %add3A_25 : i32
    "tpu.region"() ({
      %run_scoped3A = tpu.sem_alloc : memref<!tpu.dma_semaphore, #tpu.memory_space<semaphore_mem>>
      %dma_start3A = arith.constant 0 : i32
      %dma_start3A_51 = arith.constant 0 : i32
      %dma_start3A_52 = tpu.memref_slice %arg8[%dma_start3A, %dma_start3A_51] : memref<80x128xf32, #tpu.memory_space<vmem>> -> memref<79x128xf32, #tpu.memory_space<vmem>>
      %dma_start3A_53 = arith.constant 0 : i32
      %dma_start3A_54 = tpu.memref_slice %arg11[%add3A_26, %dma_start3A_53] : memref<10112x128xf32, #tpu.memory_space<vmem_shared>> -> memref<79x128xf32, #tpu.memory_space<vmem_shared>>
      %dma_start3A_55 = arith.constant 0 : i32
      %dma_start3A_56 = tpu.memref_slice %arg11[%add3A_26, %dma_start3A_55] : memref<10112x128xf32, #tpu.memory_space<vmem_shared>> -> memref<79x128xf32, #tpu.memory_space<vmem_shared>>
      %dma_start3A_57 = arith.constant 0 : i32
      %dma_start3A_58 = arith.constant 0 : i32
      %dma_start3A_59 = tpu.memref_slice %arg8[%dma_start3A_57, %dma_start3A_58] : memref<80x128xf32, #tpu.memory_space<vmem>> -> memref<79x128xf32, #tpu.memory_space<vmem>>
      tpu.enqueue_dma source(%dma_start3A_59 : memref<79x128xf32, #tpu.memory_space<vmem>>) target(%dma_start3A_56 : memref<79x128xf32, #tpu.memory_space<vmem_shared>>) target_semaphore(%run_scoped3A : memref<!tpu.dma_semaphore, #tpu.memory_space<semaphore_mem>>)
      %dma_wait3A = arith.constant 0 : i32
      %dma_wait3A_60 = arith.constant 0 : i32
      %dma_wait3A_61 = tpu.memref_slice %arg8[%dma_wait3A, %dma_wait3A_60] : memref<80x128xf32, #tpu.memory_space<vmem>> -> memref<79x128xf32, #tpu.memory_space<vmem>>
      %dma_wait3A_62 = arith.constant 0 : i32
      %dma_wait3A_63 = tpu.memref_slice %arg11[%add3A_26, %dma_wait3A_62] : memref<10112x128xf32, #tpu.memory_space<vmem_shared>> -> memref<79x128xf32, #tpu.memory_space<vmem_shared>>
      %dma_wait3A_64 = arith.constant 0 : i32
      %dma_wait3A_65 = tpu.memref_slice %arg11[%add3A_26, %dma_wait3A_64] : memref<10112x128xf32, #tpu.memory_space<vmem_shared>> -> memref<79x128xf32, #tpu.memory_space<vmem_shared>>
      %dma_wait3A_66 = arith.constant 0 : i32
      %dma_wait3A_67 = arith.constant 0 : i32
      %dma_wait3A_68 = tpu.memref_slice %arg8[%dma_wait3A_66, %dma_wait3A_67] : memref<80x128xf32, #tpu.memory_space<vmem>> -> memref<79x128xf32, #tpu.memory_space<vmem>>
      tpu.wait_dma2 semaphore(%run_scoped3A : memref<!tpu.dma_semaphore, #tpu.memory_space<semaphore_mem>>) src(%dma_wait3A_68 : memref<79x128xf32, #tpu.memory_space<vmem>>) dst(%dma_wait3A_65 : memref<79x128xf32, #tpu.memory_space<vmem_shared>>)
      tpu.yield
    }) : () -> ()
    %mul3A_27 = arith.constant 632 : i32
    %mul3A_28 = arith.muli %arg1, %mul3A_27 : i32
    %add3A_29 = arith.constant 395 : i32
    %add3A_30 = arith.addi %mul3A_28, %add3A_29 : i32
    "tpu.region"() ({
      %run_scoped3A = tpu.sem_alloc : memref<!tpu.dma_semaphore, #tpu.memory_space<semaphore_mem>>
      %dma_start3A = arith.constant 0 : i32
      %dma_start3A_51 = arith.constant 0 : i32
      %dma_start3A_52 = tpu.memref_slice %arg8[%dma_start3A, %dma_start3A_51] : memref<80x128xf32, #tpu.memory_space<vmem>> -> memref<79x128xf32, #tpu.memory_space<vmem>>
      %dma_start3A_53 = arith.constant 0 : i32
      %dma_start3A_54 = tpu.memref_slice %arg11[%add3A_30, %dma_start3A_53] : memref<10112x128xf32, #tpu.memory_space<vmem_shared>> -> memref<79x128xf32, #tpu.memory_space<vmem_shared>>
      %dma_start3A_55 = arith.constant 0 : i32
      %dma_start3A_56 = tpu.memref_slice %arg11[%add3A_30, %dma_start3A_55] : memref<10112x128xf32, #tpu.memory_space<vmem_shared>> -> memref<79x128xf32, #tpu.memory_space<vmem_shared>>
      %dma_start3A_57 = arith.constant 0 : i32
      %dma_start3A_58 = arith.constant 0 : i32
      %dma_start3A_59 = tpu.memref_slice %arg8[%dma_start3A_57, %dma_start3A_58] : memref<80x128xf32, #tpu.memory_space<vmem>> -> memref<79x128xf32, #tpu.memory_space<vmem>>
      tpu.enqueue_dma source(%dma_start3A_59 : memref<79x128xf32, #tpu.memory_space<vmem>>) target(%dma_start3A_56 : memref<79x128xf32, #tpu.memory_space<vmem_shared>>) target_semaphore(%run_scoped3A : memref<!tpu.dma_semaphore, #tpu.memory_space<semaphore_mem>>)
      %dma_wait3A = arith.constant 0 : i32
      %dma_wait3A_60 = arith.constant 0 : i32
      %dma_wait3A_61 = tpu.memref_slice %arg8[%dma_wait3A, %dma_wait3A_60] : memref<80x128xf32, #tpu.memory_space<vmem>> -> memref<79x128xf32, #tpu.memory_space<vmem>>
      %dma_wait3A_62 = arith.constant 0 : i32
      %dma_wait3A_63 = tpu.memref_slice %arg11[%add3A_30, %dma_wait3A_62] : memref<10112x128xf32, #tpu.memory_space<vmem_shared>> -> memref<79x128xf32, #tpu.memory_space<vmem_shared>>
      %dma_wait3A_64 = arith.constant 0 : i32
      %dma_wait3A_65 = tpu.memref_slice %arg11[%add3A_30, %dma_wait3A_64] : memref<10112x128xf32, #tpu.memory_space<vmem_shared>> -> memref<79x128xf32, #tpu.memory_space<vmem_shared>>
      %dma_wait3A_66 = arith.constant 0 : i32
      %dma_wait3A_67 = arith.constant 0 : i32
      %dma_wait3A_68 = tpu.memref_slice %arg8[%dma_wait3A_66, %dma_wait3A_67] : memref<80x128xf32, #tpu.memory_space<vmem>> -> memref<79x128xf32, #tpu.memory_space<vmem>>
      tpu.wait_dma2 semaphore(%run_scoped3A : memref<!tpu.dma_semaphore, #tpu.memory_space<semaphore_mem>>) src(%dma_wait3A_68 : memref<79x128xf32, #tpu.memory_space<vmem>>) dst(%dma_wait3A_65 : memref<79x128xf32, #tpu.memory_space<vmem_shared>>)
      tpu.yield
    }) : () -> ()
    %mul3A_31 = arith.constant 632 : i32
    %mul3A_32 = arith.muli %arg1, %mul3A_31 : i32
    %add3A_33 = arith.constant 474 : i32
    %add3A_34 = arith.addi %mul3A_32, %add3A_33 : i32
    "tpu.region"() ({
      %run_scoped3A = tpu.sem_alloc : memref<!tpu.dma_semaphore, #tpu.memory_space<semaphore_mem>>
      %dma_start3A = arith.constant 0 : i32
      %dma_start3A_51 = arith.constant 0 : i32
      %dma_start3A_52 = tpu.memref_slice %arg8[%dma_start3A, %dma_start3A_51] : memref<80x128xf32, #tpu.memory_space<vmem>> -> memref<79x128xf32, #tpu.memory_space<vmem>>
      %dma_start3A_53 = arith.constant 0 : i32
      %dma_start3A_54 = tpu.memref_slice %arg11[%add3A_34, %dma_start3A_53] : memref<10112x128xf32, #tpu.memory_space<vmem_shared>> -> memref<79x128xf32, #tpu.memory_space<vmem_shared>>
      %dma_start3A_55 = arith.constant 0 : i32
      %dma_start3A_56 = tpu.memref_slice %arg11[%add3A_34, %dma_start3A_55] : memref<10112x128xf32, #tpu.memory_space<vmem_shared>> -> memref<79x128xf32, #tpu.memory_space<vmem_shared>>
      %dma_start3A_57 = arith.constant 0 : i32
      %dma_start3A_58 = arith.constant 0 : i32
      %dma_start3A_59 = tpu.memref_slice %arg8[%dma_start3A_57, %dma_start3A_58] : memref<80x128xf32, #tpu.memory_space<vmem>> -> memref<79x128xf32, #tpu.memory_space<vmem>>
      tpu.enqueue_dma source(%dma_start3A_59 : memref<79x128xf32, #tpu.memory_space<vmem>>) target(%dma_start3A_56 : memref<79x128xf32, #tpu.memory_space<vmem_shared>>) target_semaphore(%run_scoped3A : memref<!tpu.dma_semaphore, #tpu.memory_space<semaphore_mem>>)
      %dma_wait3A = arith.constant 0 : i32
      %dma_wait3A_60 = arith.constant 0 : i32
      %dma_wait3A_61 = tpu.memref_slice %arg8[%dma_wait3A, %dma_wait3A_60] : memref<80x128xf32, #tpu.memory_space<vmem>> -> memref<79x128xf32, #tpu.memory_space<vmem>>
      %dma_wait3A_62 = arith.constant 0 : i32
      %dma_wait3A_63 = tpu.memref_slice %arg11[%add3A_34, %dma_wait3A_62] : memref<10112x128xf32, #tpu.memory_space<vmem_shared>> -> memref<79x128xf32, #tpu.memory_space<vmem_shared>>
      %dma_wait3A_64 = arith.constant 0 : i32
      %dma_wait3A_65 = tpu.memref_slice %arg11[%add3A_34, %dma_wait3A_64] : memref<10112x128xf32, #tpu.memory_space<vmem_shared>> -> memref<79x128xf32, #tpu.memory_space<vmem_shared>>
      %dma_wait3A_66 = arith.constant 0 : i32
      %dma_wait3A_67 = arith.constant 0 : i32
      %dma_wait3A_68 = tpu.memref_slice %arg8[%dma_wait3A_66, %dma_wait3A_67] : memref<80x128xf32, #tpu.memory_space<vmem>> -> memref<79x128xf32, #tpu.memory_space<vmem>>
      tpu.wait_dma2 semaphore(%run_scoped3A : memref<!tpu.dma_semaphore, #tpu.memory_space<semaphore_mem>>) src(%dma_wait3A_68 : memref<79x128xf32, #tpu.memory_space<vmem>>) dst(%dma_wait3A_65 : memref<79x128xf32, #tpu.memory_space<vmem_shared>>)
      tpu.yield
    }) : () -> ()
    %mul3A_35 = arith.constant 632 : i32
    %mul3A_36 = arith.muli %arg1, %mul3A_35 : i32
    %add3A_37 = arith.constant 553 : i32
    %add3A_38 = arith.addi %mul3A_36, %add3A_37 : i32
    "tpu.region"() ({
      %run_scoped3A = tpu.sem_alloc : memref<!tpu.dma_semaphore, #tpu.memory_space<semaphore_mem>>
      %dma_start3A = arith.constant 0 : i32
      %dma_start3A_51 = arith.constant 0 : i32
      %dma_start3A_52 = tpu.memref_slice %arg8[%dma_start3A, %dma_start3A_51] : memref<80x128xf32, #tpu.memory_space<vmem>> -> memref<79x128xf32, #tpu.memory_space<vmem>>
      %dma_start3A_53 = arith.constant 0 : i32
      %dma_start3A_54 = tpu.memref_slice %arg11[%add3A_38, %dma_start3A_53] : memref<10112x128xf32, #tpu.memory_space<vmem_shared>> -> memref<79x128xf32, #tpu.memory_space<vmem_shared>>
      %dma_start3A_55 = arith.constant 0 : i32
      %dma_start3A_56 = tpu.memref_slice %arg11[%add3A_38, %dma_start3A_55] : memref<10112x128xf32, #tpu.memory_space<vmem_shared>> -> memref<79x128xf32, #tpu.memory_space<vmem_shared>>
      %dma_start3A_57 = arith.constant 0 : i32
      %dma_start3A_58 = arith.constant 0 : i32
      %dma_start3A_59 = tpu.memref_slice %arg8[%dma_start3A_57, %dma_start3A_58] : memref<80x128xf32, #tpu.memory_space<vmem>> -> memref<79x128xf32, #tpu.memory_space<vmem>>
      tpu.enqueue_dma source(%dma_start3A_59 : memref<79x128xf32, #tpu.memory_space<vmem>>) target(%dma_start3A_56 : memref<79x128xf32, #tpu.memory_space<vmem_shared>>) target_semaphore(%run_scoped3A : memref<!tpu.dma_semaphore, #tpu.memory_space<semaphore_mem>>)
      %dma_wait3A = arith.constant 0 : i32
      %dma_wait3A_60 = arith.constant 0 : i32
      %dma_wait3A_61 = tpu.memref_slice %arg8[%dma_wait3A, %dma_wait3A_60] : memref<80x128xf32, #tpu.memory_space<vmem>> -> memref<79x128xf32, #tpu.memory_space<vmem>>
      %dma_wait3A_62 = arith.constant 0 : i32
      %dma_wait3A_63 = tpu.memref_slice %arg11[%add3A_38, %dma_wait3A_62] : memref<10112x128xf32, #tpu.memory_space<vmem_shared>> -> memref<79x128xf32, #tpu.memory_space<vmem_shared>>
      %dma_wait3A_64 = arith.constant 0 : i32
      %dma_wait3A_65 = tpu.memref_slice %arg11[%add3A_38, %dma_wait3A_64] : memref<10112x128xf32, #tpu.memory_space<vmem_shared>> -> memref<79x128xf32, #tpu.memory_space<vmem_shared>>
      %dma_wait3A_66 = arith.constant 0 : i32
      %dma_wait3A_67 = arith.constant 0 : i32
      %dma_wait3A_68 = tpu.memref_slice %arg8[%dma_wait3A_66, %dma_wait3A_67] : memref<80x128xf32, #tpu.memory_space<vmem>> -> memref<79x128xf32, #tpu.memory_space<vmem>>
      tpu.wait_dma2 semaphore(%run_scoped3A : memref<!tpu.dma_semaphore, #tpu.memory_space<semaphore_mem>>) src(%dma_wait3A_68 : memref<79x128xf32, #tpu.memory_space<vmem>>) dst(%dma_wait3A_65 : memref<79x128xf32, #tpu.memory_space<vmem_shared>>)
      tpu.yield
    }) : () -> ()
    %barrier3A = arith.constant 0 : index
    tpu.barrier barrier_id(%barrier3A)
    %scan3A_39 = arith.constant 0 : i32
    %scan3A_40 = arith.constant 0 : i32
    %scan3A_41 = arith.constant 5 : i32
    %scan3A_42 = arith.addi %scan3A_40, %scan3A_41 : i32
    %scan3A_43 = arith.constant 1 : i32
    %scan3A_44 = scf.for %scan3A_51 = %scan3A_40 to %scan3A_42 step %scan3A_43 iter_args(%scan3A_52 = %scan3A_39) -> (i32)  : i32 {
      "tpu.region"() ({
        %run_scoped3A = tpu.sem_alloc : memref<!tpu.dma_semaphore, #tpu.memory_space<semaphore_mem>>
        %dma_start3A_81 = arith.constant 0 : i32
        %dma_start3A_82 = arith.constant 0 : i32
        %dma_start3A_83 = tpu.memref_slice %arg3[%add3A, %scan3A_51, %dma_start3A_81, %dma_start3A_82] : memref<32x5x25x80xi32, #tpu.memory_space<hbm>> -> memref<1x1x25x80xi32, #tpu.memory_space<hbm>>
        %dma_start3A_84 = tpu.memref_squeeze %dma_start3A_83 : memref<1x1x25x80xi32, #tpu.memory_space<hbm>> -> memref<25x80xi32, #tpu.memory_space<hbm>>
        %dma_start3A_85 = arith.constant 0 : i32
        %dma_start3A_86 = arith.constant 0 : i32
        %dma_start3A_87 = tpu.memref_slice %arg3[%add3A, %scan3A_51, %dma_start3A_85, %dma_start3A_86] : memref<32x5x25x80xi32, #tpu.memory_space<hbm>> -> memref<1x1x25x80xi32, #tpu.memory_space<hbm>>
        %dma_start3A_88 = tpu.memref_squeeze %dma_start3A_87 : memref<1x1x25x80xi32, #tpu.memory_space<hbm>> -> memref<25x80xi32, #tpu.memory_space<hbm>>
        tpu.enqueue_dma source(%dma_start3A_88 : memref<25x80xi32, #tpu.memory_space<hbm>>) target(%arg6 : memref<25x80xi32, #tpu.memory_space<vmem>>) target_semaphore(%run_scoped3A : memref<!tpu.dma_semaphore, #tpu.memory_space<semaphore_mem>>)
        %dma_wait3A = arith.constant 0 : i32
        %dma_wait3A_89 = arith.constant 0 : i32
        %dma_wait3A_90 = tpu.memref_slice %arg3[%add3A, %scan3A_51, %dma_wait3A, %dma_wait3A_89] : memref<32x5x25x80xi32, #tpu.memory_space<hbm>> -> memref<1x1x25x80xi32, #tpu.memory_space<hbm>>
        %dma_wait3A_91 = tpu.memref_squeeze %dma_wait3A_90 : memref<1x1x25x80xi32, #tpu.memory_space<hbm>> -> memref<25x80xi32, #tpu.memory_space<hbm>>
        %dma_wait3A_92 = arith.constant 0 : i32
        %dma_wait3A_93 = arith.constant 0 : i32
        %dma_wait3A_94 = tpu.memref_slice %arg3[%add3A, %scan3A_51, %dma_wait3A_92, %dma_wait3A_93] : memref<32x5x25x80xi32, #tpu.memory_space<hbm>> -> memref<1x1x25x80xi32, #tpu.memory_space<hbm>>
        %dma_wait3A_95 = tpu.memref_squeeze %dma_wait3A_94 : memref<1x1x25x80xi32, #tpu.memory_space<hbm>> -> memref<25x80xi32, #tpu.memory_space<hbm>>
        tpu.wait_dma2 semaphore(%run_scoped3A : memref<!tpu.dma_semaphore, #tpu.memory_space<semaphore_mem>>) src(%dma_wait3A_95 : memref<25x80xi32, #tpu.memory_space<hbm>>) dst(%arg6 : memref<25x80xi32, #tpu.memory_space<vmem>>)
        tpu.yield
      }) : () -> ()
      "tpu.region"() ({
        %run_scoped3A = tpu.sem_alloc : memref<!tpu.dma_semaphore, #tpu.memory_space<semaphore_mem>>
        %dma_start3A_81 = arith.constant 0 : i32
        %dma_start3A_82 = arith.constant 0 : i32
        %dma_start3A_83 = tpu.memref_slice %arg4[%add3A, %scan3A_51, %dma_start3A_81, %dma_start3A_82] : memref<32x5x25x80xi32, #tpu.memory_space<hbm>> -> memref<1x1x25x80xi32, #tpu.memory_space<hbm>>
        %dma_start3A_84 = tpu.memref_squeeze %dma_start3A_83 : memref<1x1x25x80xi32, #tpu.memory_space<hbm>> -> memref<25x80xi32, #tpu.memory_space<hbm>>
        %dma_start3A_85 = arith.constant 0 : i32
        %dma_start3A_86 = arith.constant 0 : i32
        %dma_start3A_87 = tpu.memref_slice %arg4[%add3A, %scan3A_51, %dma_start3A_85, %dma_start3A_86] : memref<32x5x25x80xi32, #tpu.memory_space<hbm>> -> memref<1x1x25x80xi32, #tpu.memory_space<hbm>>
        %dma_start3A_88 = tpu.memref_squeeze %dma_start3A_87 : memref<1x1x25x80xi32, #tpu.memory_space<hbm>> -> memref<25x80xi32, #tpu.memory_space<hbm>>
        tpu.enqueue_dma source(%dma_start3A_88 : memref<25x80xi32, #tpu.memory_space<hbm>>) target(%arg7 : memref<25x80xi32, #tpu.memory_space<vmem>>) target_semaphore(%run_scoped3A : memref<!tpu.dma_semaphore, #tpu.memory_space<semaphore_mem>>)
        %dma_wait3A = arith.constant 0 : i32
        %dma_wait3A_89 = arith.constant 0 : i32
        %dma_wait3A_90 = tpu.memref_slice %arg4[%add3A, %scan3A_51, %dma_wait3A, %dma_wait3A_89] : memref<32x5x25x80xi32, #tpu.memory_space<hbm>> -> memref<1x1x25x80xi32, #tpu.memory_space<hbm>>
        %dma_wait3A_91 = tpu.memref_squeeze %dma_wait3A_90 : memref<1x1x25x80xi32, #tpu.memory_space<hbm>> -> memref<25x80xi32, #tpu.memory_space<hbm>>
        %dma_wait3A_92 = arith.constant 0 : i32
        %dma_wait3A_93 = arith.constant 0 : i32
        %dma_wait3A_94 = tpu.memref_slice %arg4[%add3A, %scan3A_51, %dma_wait3A_92, %dma_wait3A_93] : memref<32x5x25x80xi32, #tpu.memory_space<hbm>> -> memref<1x1x25x80xi32, #tpu.memory_space<hbm>>
        %dma_wait3A_95 = tpu.memref_squeeze %dma_wait3A_94 : memref<1x1x25x80xi32, #tpu.memory_space<hbm>> -> memref<25x80xi32, #tpu.memory_space<hbm>>
        tpu.wait_dma2 semaphore(%run_scoped3A : memref<!tpu.dma_semaphore, #tpu.memory_space<semaphore_mem>>) src(%dma_wait3A_95 : memref<25x80xi32, #tpu.memory_space<hbm>>) dst(%arg7 : memref<25x80xi32, #tpu.memory_space<vmem>>)
        tpu.yield
      }) : () -> ()
      %dma_start3A = arith.constant 0 : i32
      %dma_start3A_53 = arith.constant 0 : i32
      %dma_start3A_54 = tpu.memref_slice %arg6[%dma_start3A, %dma_start3A_53] : memref<25x80xi32, #tpu.memory_space<vmem>> -> memref<1x80xi32, #tpu.memory_space<vmem>>
      %dma_start3A_55 = tpu.memref_squeeze %dma_start3A_54 : memref<1x80xi32, #tpu.memory_space<vmem>> -> memref<80xi32, #tpu.memory_space<vmem>>
      %dma_start3A_56 = arith.constant 0 : i32
      %dma_start3A_57 = arith.constant 0 : i32
      %dma_start3A_58 = tpu.memref_slice %arg2[%dma_start3A_56, %dma_start3A_57] : memref<10000x128xf32, #tpu.memory_space<hbm>> -> memref<10000x128xf32, #tpu.memory_space<hbm>>
      tpu.enqueue_indirect_dma source(%dma_start3A_58 : memref<10000x128xf32, #tpu.memory_space<hbm>>) target(%arg8 : memref<80x128xf32, #tpu.memory_space<vmem>>) offsets(%dma_start3A_55 : memref<80xi32, #tpu.memory_space<vmem>>) semaphore(%arg12 : memref<!tpu.dma_semaphore, #tpu.memory_space<semaphore_mem>>)
      %dma_start3A_59 = arith.constant 1 : i32
      %dma_start3A_60 = arith.constant 0 : i32
      %dma_start3A_61 = tpu.memref_slice %arg6[%dma_start3A_59, %dma_start3A_60] : memref<25x80xi32, #tpu.memory_space<vmem>> -> memref<1x80xi32, #tpu.memory_space<vmem>>
      %dma_start3A_62 = tpu.memref_squeeze %dma_start3A_61 : memref<1x80xi32, #tpu.memory_space<vmem>> -> memref<80xi32, #tpu.memory_space<vmem>>
      %dma_start3A_63 = arith.constant 0 : i32
      %dma_start3A_64 = arith.constant 0 : i32
      %dma_start3A_65 = tpu.memref_slice %arg2[%dma_start3A_63, %dma_start3A_64] : memref<10000x128xf32, #tpu.memory_space<hbm>> -> memref<10000x128xf32, #tpu.memory_space<hbm>>
      tpu.enqueue_indirect_dma source(%dma_start3A_65 : memref<10000x128xf32, #tpu.memory_space<hbm>>) target(%arg9 : memref<80x128xf32, #tpu.memory_space<vmem>>) offsets(%dma_start3A_62 : memref<80xi32, #tpu.memory_space<vmem>>) semaphore(%arg13 : memref<!tpu.dma_semaphore, #tpu.memory_space<semaphore_mem>>)
      %dma_start3A_66 = arith.constant 2 : i32
      %dma_start3A_67 = arith.constant 0 : i32
      %dma_start3A_68 = tpu.memref_slice %arg6[%dma_start3A_66, %dma_start3A_67] : memref<25x80xi32, #tpu.memory_space<vmem>> -> memref<1x80xi32, #tpu.memory_space<vmem>>
      %dma_start3A_69 = tpu.memref_squeeze %dma_start3A_68 : memref<1x80xi32, #tpu.memory_space<vmem>> -> memref<80xi32, #tpu.memory_space<vmem>>
      %dma_start3A_70 = arith.constant 0 : i32
      %dma_start3A_71 = arith.constant 0 : i32
      %dma_start3A_72 = tpu.memref_slice %arg2[%dma_start3A_70, %dma_start3A_71] : memref<10000x128xf32, #tpu.memory_space<hbm>> -> memref<10000x128xf32, #tpu.memory_space<hbm>>
      tpu.enqueue_indirect_dma source(%dma_start3A_72 : memref<10000x128xf32, #tpu.memory_space<hbm>>) target(%arg10 : memref<80x128xf32, #tpu.memory_space<vmem>>) offsets(%dma_start3A_69 : memref<80xi32, #tpu.memory_space<vmem>>) semaphore(%arg14 : memref<!tpu.dma_semaphore, #tpu.memory_space<semaphore_mem>>)
      %scan3A_73 = arith.constant 0 : i32
      %scan3A_74 = arith.constant 0 : i32
      %scan3A_75 = arith.constant 9 : i32
      %scan3A_76 = arith.addi %scan3A_74, %scan3A_75 : i32
      %scan3A_77 = arith.constant 1 : i32
      %scan3A_78 = scf.for %scan3A_81 = %scan3A_74 to %scan3A_76 step %scan3A_77 iter_args(%scan3A_82 = %scan3A_73) -> (i32)  : i32 {
        %mul3A_83 = arith.constant 3 : i32
        %mul3A_84 = arith.muli %scan3A_81, %mul3A_83 : i32
        %add3A_85 = arith.constant 0 : i32
        %add3A_86 = arith.addi %mul3A_84, %add3A_85 : i32
        %lt3A = arith.constant 25 : i32
        %lt3A_87 = arith.cmpi slt, %add3A_86, %lt3A : i32
        %convert_element_type3A = arith.extui %lt3A_87 : i1 to i32
        %cond3A = arith.constant 0 : i32
        %cond3A_88 = arith.cmpi ne, %convert_element_type3A, %cond3A : i32
        scf.if %cond3A_88 {
          %dma_wait3A = arith.constant 0 : i32
          %dma_wait3A_104 = tpu.memref_slice %arg6[%add3A_86, %dma_wait3A] : memref<25x80xi32, #tpu.memory_space<vmem>> -> memref<1x80xi32, #tpu.memory_space<vmem>>
          %dma_wait3A_105 = tpu.memref_squeeze %dma_wait3A_104 : memref<1x80xi32, #tpu.memory_space<vmem>> -> memref<80xi32, #tpu.memory_space<vmem>>
          %dma_wait3A_106 = arith.constant 0 : i32
          %dma_wait3A_107 = arith.constant 0 : i32
          %dma_wait3A_108 = tpu.memref_slice %arg2[%dma_wait3A_106, %dma_wait3A_107] : memref<10000x128xf32, #tpu.memory_space<hbm>> -> memref<10000x128xf32, #tpu.memory_space<hbm>>
          tpu.wait_indirect_dma semaphore(%arg12 : memref<!tpu.dma_semaphore, #tpu.memory_space<semaphore_mem>>) src(%dma_wait3A_108 : memref<10000x128xf32, #tpu.memory_space<hbm>>) dst(%arg8 : memref<80x128xf32, #tpu.memory_space<vmem>>)
          "tpu.region"() ({
            %run_scoped3A = tpu.sem_alloc : memref<!tpu.dma_semaphore, #tpu.memory_space<semaphore_mem>>
            %dma_start3A_116 = arith.constant 0 : i32
            %dma_start3A_117 = tpu.memref_slice %arg7[%add3A_86, %dma_start3A_116] : memref<25x80xi32, #tpu.memory_space<vmem>> -> memref<1x80xi32, #tpu.memory_space<vmem>>
            %dma_start3A_118 = tpu.memref_squeeze %dma_start3A_117 : memref<1x80xi32, #tpu.memory_space<vmem>> -> memref<80xi32, #tpu.memory_space<vmem>>
            %dma_start3A_119 = arith.constant 0 : i32
            %dma_start3A_120 = arith.constant 0 : i32
            %dma_start3A_121 = tpu.memref_slice %arg11[%dma_start3A_119, %dma_start3A_120] : memref<10112x128xf32, #tpu.memory_space<vmem_shared>> -> memref<10112x128xf32, #tpu.memory_space<vmem_shared>>
            tpu.enqueue_indirect_dma source(%arg8 : memref<80x128xf32, #tpu.memory_space<vmem>>) target(%dma_start3A_121 : memref<10112x128xf32, #tpu.memory_space<vmem_shared>>) offsets(%dma_start3A_118 : memref<80xi32, #tpu.memory_space<vmem>>) semaphore(%run_scoped3A : memref<!tpu.dma_semaphore, #tpu.memory_space<semaphore_mem>>) {add = true}
            %dma_wait3A_122 = arith.constant 0 : i32
            %dma_wait3A_123 = tpu.memref_slice %arg7[%add3A_86, %dma_wait3A_122] : memref<25x80xi32, #tpu.memory_space<vmem>> -> memref<1x80xi32, #tpu.memory_space<vmem>>
            %dma_wait3A_124 = tpu.memref_squeeze %dma_wait3A_123 : memref<1x80xi32, #tpu.memory_space<vmem>> -> memref<80xi32, #tpu.memory_space<vmem>>
            %dma_wait3A_125 = arith.constant 0 : i32
            %dma_wait3A_126 = arith.constant 0 : i32
            %dma_wait3A_127 = tpu.memref_slice %arg11[%dma_wait3A_125, %dma_wait3A_126] : memref<10112x128xf32, #tpu.memory_space<vmem_shared>> -> memref<10112x128xf32, #tpu.memory_space<vmem_shared>>
            tpu.wait_indirect_dma semaphore(%run_scoped3A : memref<!tpu.dma_semaphore, #tpu.memory_space<semaphore_mem>>) src(%arg8 : memref<80x128xf32, #tpu.memory_space<vmem>>) dst(%dma_wait3A_127 : memref<10112x128xf32, #tpu.memory_space<vmem_shared>>)
            tpu.yield
          }) : () -> ()
          %add3A_109 = arith.constant 3 : i32
          %add3A_110 = arith.addi %add3A_86, %add3A_109 : i32
          %lt3A_111 = arith.constant 25 : i32
          %lt3A_112 = arith.cmpi slt, %add3A_110, %lt3A_111 : i32
          %convert_element_type3A_113 = arith.extui %lt3A_112 : i1 to i32
          %cond3A_114 = arith.constant 0 : i32
          %cond3A_115 = arith.cmpi ne, %convert_element_type3A_113, %cond3A_114 : i32
          scf.if %cond3A_115 {
            %add3A_116 = arith.constant 3 : i32
            %add3A_117 = arith.addi %add3A_86, %add3A_116 : i32
            %dma_start3A_118 = arith.constant 0 : i32
            %dma_start3A_119 = tpu.memref_slice %arg6[%add3A_117, %dma_start3A_118] : memref<25x80xi32, #tpu.memory_space<vmem>> -> memref<1x80xi32, #tpu.memory_space<vmem>>
            %dma_start3A_120 = tpu.memref_squeeze %dma_start3A_119 : memref<1x80xi32, #tpu.memory_space<vmem>> -> memref<80xi32, #tpu.memory_space<vmem>>
            %dma_start3A_121 = arith.constant 0 : i32
            %dma_start3A_122 = arith.constant 0 : i32
            %dma_start3A_123 = tpu.memref_slice %arg2[%dma_start3A_121, %dma_start3A_122] : memref<10000x128xf32, #tpu.memory_space<hbm>> -> memref<10000x128xf32, #tpu.memory_space<hbm>>
            tpu.enqueue_indirect_dma source(%dma_start3A_123 : memref<10000x128xf32, #tpu.memory_space<hbm>>) target(%arg8 : memref<80x128xf32, #tpu.memory_space<vmem>>) offsets(%dma_start3A_120 : memref<80xi32, #tpu.memory_space<vmem>>) semaphore(%arg12 : memref<!tpu.dma_semaphore, #tpu.memory_space<semaphore_mem>>)
          } else {
          }
        } else {
        }
        %add3A_89 = arith.constant 1 : i32
        %add3A_90 = arith.addi %mul3A_84, %add3A_89 : i32
        %lt3A_91 = arith.constant 25 : i32
        %lt3A_92 = arith.cmpi slt, %add3A_90, %lt3A_91 : i32
        %convert_element_type3A_93 = arith.extui %lt3A_92 : i1 to i32
        %cond3A_94 = arith.constant 0 : i32
        %cond3A_95 = arith.cmpi ne, %convert_element_type3A_93, %cond3A_94 : i32
        scf.if %cond3A_95 {
          %dma_wait3A = arith.constant 0 : i32
          %dma_wait3A_104 = tpu.memref_slice %arg6[%add3A_90, %dma_wait3A] : memref<25x80xi32, #tpu.memory_space<vmem>> -> memref<1x80xi32, #tpu.memory_space<vmem>>
          %dma_wait3A_105 = tpu.memref_squeeze %dma_wait3A_104 : memref<1x80xi32, #tpu.memory_space<vmem>> -> memref<80xi32, #tpu.memory_space<vmem>>
          %dma_wait3A_106 = arith.constant 0 : i32
          %dma_wait3A_107 = arith.constant 0 : i32
          %dma_wait3A_108 = tpu.memref_slice %arg2[%dma_wait3A_106, %dma_wait3A_107] : memref<10000x128xf32, #tpu.memory_space<hbm>> -> memref<10000x128xf32, #tpu.memory_space<hbm>>
          tpu.wait_indirect_dma semaphore(%arg13 : memref<!tpu.dma_semaphore, #tpu.memory_space<semaphore_mem>>) src(%dma_wait3A_108 : memref<10000x128xf32, #tpu.memory_space<hbm>>) dst(%arg9 : memref<80x128xf32, #tpu.memory_space<vmem>>)
          "tpu.region"() ({
            %run_scoped3A = tpu.sem_alloc : memref<!tpu.dma_semaphore, #tpu.memory_space<semaphore_mem>>
            %dma_start3A_116 = arith.constant 0 : i32
            %dma_start3A_117 = tpu.memref_slice %arg7[%add3A_90, %dma_start3A_116] : memref<25x80xi32, #tpu.memory_space<vmem>> -> memref<1x80xi32, #tpu.memory_space<vmem>>
            %dma_start3A_118 = tpu.memref_squeeze %dma_start3A_117 : memref<1x80xi32, #tpu.memory_space<vmem>> -> memref<80xi32, #tpu.memory_space<vmem>>
            %dma_start3A_119 = arith.constant 0 : i32
            %dma_start3A_120 = arith.constant 0 : i32
            %dma_start3A_121 = tpu.memref_slice %arg11[%dma_start3A_119, %dma_start3A_120] : memref<10112x128xf32, #tpu.memory_space<vmem_shared>> -> memref<10112x128xf32, #tpu.memory_space<vmem_shared>>
            tpu.enqueue_indirect_dma source(%arg9 : memref<80x128xf32, #tpu.memory_space<vmem>>) target(%dma_start3A_121 : memref<10112x128xf32, #tpu.memory_space<vmem_shared>>) offsets(%dma_start3A_118 : memref<80xi32, #tpu.memory_space<vmem>>) semaphore(%run_scoped3A : memref<!tpu.dma_semaphore, #tpu.memory_space<semaphore_mem>>) {add = true}
            %dma_wait3A_122 = arith.constant 0 : i32
            %dma_wait3A_123 = tpu.memref_slice %arg7[%add3A_90, %dma_wait3A_122] : memref<25x80xi32, #tpu.memory_space<vmem>> -> memref<1x80xi32, #tpu.memory_space<vmem>>
            %dma_wait3A_124 = tpu.memref_squeeze %dma_wait3A_123 : memref<1x80xi32, #tpu.memory_space<vmem>> -> memref<80xi32, #tpu.memory_space<vmem>>
            %dma_wait3A_125 = arith.constant 0 : i32
            %dma_wait3A_126 = arith.constant 0 : i32
            %dma_wait3A_127 = tpu.memref_slice %arg11[%dma_wait3A_125, %dma_wait3A_126] : memref<10112x128xf32, #tpu.memory_space<vmem_shared>> -> memref<10112x128xf32, #tpu.memory_space<vmem_shared>>
            tpu.wait_indirect_dma semaphore(%run_scoped3A : memref<!tpu.dma_semaphore, #tpu.memory_space<semaphore_mem>>) src(%arg9 : memref<80x128xf32, #tpu.memory_space<vmem>>) dst(%dma_wait3A_127 : memref<10112x128xf32, #tpu.memory_space<vmem_shared>>)
            tpu.yield
          }) : () -> ()
          %add3A_109 = arith.constant 3 : i32
          %add3A_110 = arith.addi %add3A_90, %add3A_109 : i32
          %lt3A_111 = arith.constant 25 : i32
          %lt3A_112 = arith.cmpi slt, %add3A_110, %lt3A_111 : i32
          %convert_element_type3A_113 = arith.extui %lt3A_112 : i1 to i32
          %cond3A_114 = arith.constant 0 : i32
          %cond3A_115 = arith.cmpi ne, %convert_element_type3A_113, %cond3A_114 : i32
          scf.if %cond3A_115 {
            %add3A_116 = arith.constant 3 : i32
            %add3A_117 = arith.addi %add3A_90, %add3A_116 : i32
            %dma_start3A_118 = arith.constant 0 : i32
            %dma_start3A_119 = tpu.memref_slice %arg6[%add3A_117, %dma_start3A_118] : memref<25x80xi32, #tpu.memory_space<vmem>> -> memref<1x80xi32, #tpu.memory_space<vmem>>
            %dma_start3A_120 = tpu.memref_squeeze %dma_start3A_119 : memref<1x80xi32, #tpu.memory_space<vmem>> -> memref<80xi32, #tpu.memory_space<vmem>>
            %dma_start3A_121 = arith.constant 0 : i32
            %dma_start3A_122 = arith.constant 0 : i32
            %dma_start3A_123 = tpu.memref_slice %arg2[%dma_start3A_121, %dma_start3A_122] : memref<10000x128xf32, #tpu.memory_space<hbm>> -> memref<10000x128xf32, #tpu.memory_space<hbm>>
            tpu.enqueue_indirect_dma source(%dma_start3A_123 : memref<10000x128xf32, #tpu.memory_space<hbm>>) target(%arg9 : memref<80x128xf32, #tpu.memory_space<vmem>>) offsets(%dma_start3A_120 : memref<80xi32, #tpu.memory_space<vmem>>) semaphore(%arg13 : memref<!tpu.dma_semaphore, #tpu.memory_space<semaphore_mem>>)
          } else {
          }
        } else {
        }
        %add3A_96 = arith.constant 2 : i32
        %add3A_97 = arith.addi %mul3A_84, %add3A_96 : i32
        %lt3A_98 = arith.constant 25 : i32
        %lt3A_99 = arith.cmpi slt, %add3A_97, %lt3A_98 : i32
        %convert_element_type3A_100 = arith.extui %lt3A_99 : i1 to i32
        %cond3A_101 = arith.constant 0 : i32
        %cond3A_102 = arith.cmpi ne, %convert_element_type3A_100, %cond3A_101 : i32
        scf.if %cond3A_102 {
          %dma_wait3A = arith.constant 0 : i32
          %dma_wait3A_104 = tpu.memref_slice %arg6[%add3A_97, %dma_wait3A] : memref<25x80xi32, #tpu.memory_space<vmem>> -> memref<1x80xi32, #tpu.memory_space<vmem>>
          %dma_wait3A_105 = tpu.memref_squeeze %dma_wait3A_104 : memref<1x80xi32, #tpu.memory_space<vmem>> -> memref<80xi32, #tpu.memory_space<vmem>>
          %dma_wait3A_106 = arith.constant 0 : i32
          %dma_wait3A_107 = arith.constant 0 : i32
          %dma_wait3A_108 = tpu.memref_slice %arg2[%dma_wait3A_106, %dma_wait3A_107] : memref<10000x128xf32, #tpu.memory_space<hbm>> -> memref<10000x128xf32, #tpu.memory_space<hbm>>
          tpu.wait_indirect_dma semaphore(%arg14 : memref<!tpu.dma_semaphore, #tpu.memory_space<semaphore_mem>>) src(%dma_wait3A_108 : memref<10000x128xf32, #tpu.memory_space<hbm>>) dst(%arg10 : memref<80x128xf32, #tpu.memory_space<vmem>>)
          "tpu.region"() ({
            %run_scoped3A = tpu.sem_alloc : memref<!tpu.dma_semaphore, #tpu.memory_space<semaphore_mem>>
            %dma_start3A_116 = arith.constant 0 : i32
            %dma_start3A_117 = tpu.memref_slice %arg7[%add3A_97, %dma_start3A_116] : memref<25x80xi32, #tpu.memory_space<vmem>> -> memref<1x80xi32, #tpu.memory_space<vmem>>
            %dma_start3A_118 = tpu.memref_squeeze %dma_start3A_117 : memref<1x80xi32, #tpu.memory_space<vmem>> -> memref<80xi32, #tpu.memory_space<vmem>>
            %dma_start3A_119 = arith.constant 0 : i32
            %dma_start3A_120 = arith.constant 0 : i32
            %dma_start3A_121 = tpu.memref_slice %arg11[%dma_start3A_119, %dma_start3A_120] : memref<10112x128xf32, #tpu.memory_space<vmem_shared>> -> memref<10112x128xf32, #tpu.memory_space<vmem_shared>>
            tpu.enqueue_indirect_dma source(%arg10 : memref<80x128xf32, #tpu.memory_space<vmem>>) target(%dma_start3A_121 : memref<10112x128xf32, #tpu.memory_space<vmem_shared>>) offsets(%dma_start3A_118 : memref<80xi32, #tpu.memory_space<vmem>>) semaphore(%run_scoped3A : memref<!tpu.dma_semaphore, #tpu.memory_space<semaphore_mem>>) {add = true}
            %dma_wait3A_122 = arith.constant 0 : i32
            %dma_wait3A_123 = tpu.memref_slice %arg7[%add3A_97, %dma_wait3A_122] : memref<25x80xi32, #tpu.memory_space<vmem>> -> memref<1x80xi32, #tpu.memory_space<vmem>>
            %dma_wait3A_124 = tpu.memref_squeeze %dma_wait3A_123 : memref<1x80xi32, #tpu.memory_space<vmem>> -> memref<80xi32, #tpu.memory_space<vmem>>
            %dma_wait3A_125 = arith.constant 0 : i32
            %dma_wait3A_126 = arith.constant 0 : i32
            %dma_wait3A_127 = tpu.memref_slice %arg11[%dma_wait3A_125, %dma_wait3A_126] : memref<10112x128xf32, #tpu.memory_space<vmem_shared>> -> memref<10112x128xf32, #tpu.memory_space<vmem_shared>>
            tpu.wait_indirect_dma semaphore(%run_scoped3A : memref<!tpu.dma_semaphore, #tpu.memory_space<semaphore_mem>>) src(%arg10 : memref<80x128xf32, #tpu.memory_space<vmem>>) dst(%dma_wait3A_127 : memref<10112x128xf32, #tpu.memory_space<vmem_shared>>)
            tpu.yield
          }) : () -> ()
          %add3A_109 = arith.constant 3 : i32
          %add3A_110 = arith.addi %add3A_97, %add3A_109 : i32
          %lt3A_111 = arith.constant 25 : i32
          %lt3A_112 = arith.cmpi slt, %add3A_110, %lt3A_111 : i32
          %convert_element_type3A_113 = arith.extui %lt3A_112 : i1 to i32
          %cond3A_114 = arith.constant 0 : i32
          %cond3A_115 = arith.cmpi ne, %convert_element_type3A_113, %cond3A_114 : i32
          scf.if %cond3A_115 {
            %add3A_116 = arith.constant 3 : i32
            %add3A_117 = arith.addi %add3A_97, %add3A_116 : i32
            %dma_start3A_118 = arith.constant 0 : i32
            %dma_start3A_119 = tpu.memref_slice %arg6[%add3A_117, %dma_start3A_118] : memref<25x80xi32, #tpu.memory_space<vmem>> -> memref<1x80xi32, #tpu.memory_space<vmem>>
            %dma_start3A_120 = tpu.memref_squeeze %dma_start3A_119 : memref<1x80xi32, #tpu.memory_space<vmem>> -> memref<80xi32, #tpu.memory_space<vmem>>
            %dma_start3A_121 = arith.constant 0 : i32
            %dma_start3A_122 = arith.constant 0 : i32
            %dma_start3A_123 = tpu.memref_slice %arg2[%dma_start3A_121, %dma_start3A_122] : memref<10000x128xf32, #tpu.memory_space<hbm>> -> memref<10000x128xf32, #tpu.memory_space<hbm>>
            tpu.enqueue_indirect_dma source(%dma_start3A_123 : memref<10000x128xf32, #tpu.memory_space<hbm>>) target(%arg10 : memref<80x128xf32, #tpu.memory_space<vmem>>) offsets(%dma_start3A_120 : memref<80xi32, #tpu.memory_space<vmem>>) semaphore(%arg14 : memref<!tpu.dma_semaphore, #tpu.memory_space<semaphore_mem>>)
          } else {
          }
        } else {
        }
        %scan3A_103 = arith.constant 0 : i32
        scf.yield %scan3A_103 : i32
      }
      %scan3A_79 = arith.constant 9 : i32
      %scan3A_80 = arith.constant 0 : i32
      scf.yield %scan3A_80 : i32
    }
    %scan3A_45 = arith.constant 5 : i32
    %barrier3A_46 = arith.constant 0 : index
    tpu.barrier barrier_id(%barrier3A_46)
    %mul3A_47 = arith.constant 632 : i32
    %mul3A_48 = arith.muli %arg1, %mul3A_47 : i32
    %mul3A_49 = arith.constant 632 : i32
    %mul3A_50 = arith.muli %arg1, %mul3A_49 : i32
    "tpu.region"() ({
      %run_scoped3A = tpu.sem_alloc : memref<!tpu.dma_semaphore, #tpu.memory_space<semaphore_mem>>
      %dma_start3A = arith.constant 0 : i32
      %dma_start3A_51 = tpu.memref_slice %arg5[%arg0, %mul3A_50, %dma_start3A] : memref<2x10112x128xf32, #tpu.memory_space<hbm>> -> memref<1x632x128xf32, #tpu.memory_space<hbm>>
      %dma_start3A_52 = tpu.memref_squeeze %dma_start3A_51 : memref<1x632x128xf32, #tpu.memory_space<hbm>> -> memref<632x128xf32, #tpu.memory_space<hbm>>
      %dma_start3A_53 = arith.constant 0 : i32
      %dma_start3A_54 = tpu.memref_slice %arg11[%mul3A_48, %dma_start3A_53] : memref<10112x128xf32, #tpu.memory_space<vmem_shared>> -> memref<632x128xf32, #tpu.memory_space<vmem_shared>>
      tpu.enqueue_dma source(%dma_start3A_54 : memref<632x128xf32, #tpu.memory_space<vmem_shared>>) target(%dma_start3A_52 : memref<632x128xf32, #tpu.memory_space<hbm>>) target_semaphore(%run_scoped3A : memref<!tpu.dma_semaphore, #tpu.memory_space<semaphore_mem>>)
      %dma_wait3A = arith.constant 0 : i32
      %dma_wait3A_55 = tpu.memref_slice %arg5[%arg0, %mul3A_50, %dma_wait3A] : memref<2x10112x128xf32, #tpu.memory_space<hbm>> -> memref<1x632x128xf32, #tpu.memory_space<hbm>>
      %dma_wait3A_56 = tpu.memref_squeeze %dma_wait3A_55 : memref<1x632x128xf32, #tpu.memory_space<hbm>> -> memref<632x128xf32, #tpu.memory_space<hbm>>
      %dma_wait3A_57 = arith.constant 0 : i32
      %dma_wait3A_58 = tpu.memref_slice %arg11[%mul3A_48, %dma_wait3A_57] : memref<10112x128xf32, #tpu.memory_space<vmem_shared>> -> memref<632x128xf32, #tpu.memory_space<vmem_shared>>
      tpu.wait_dma2 semaphore(%run_scoped3A : memref<!tpu.dma_semaphore, #tpu.memory_space<semaphore_mem>>) src(%dma_wait3A_58 : memref<632x128xf32, #tpu.memory_space<vmem_shared>>) dst(%dma_wait3A_56 : memref<632x128xf32, #tpu.memory_space<hbm>>)
      tpu.yield
    }) : () -> ()
    return
  }
}

#map = affine_map<(d0, d1) -> (0, 0)>
#map1 = affine_map<(d0, d1) -> (0, 0, 0, 0)>
#map2 = affine_map<(d0, d1) -> (0, 0, 0)>
module attributes {stable_mosaic.version = 14 : i64} {
  func.func @body(%arg0: i32, %arg1: i32, %arg2: memref<10000x128xf32, #tpu.memory_space<hbm>>, %arg3: memref<32x5x25x80xi32, #tpu.memory_space<hbm>>, %arg4: memref<32x5x25x80xi32, #tpu.memory_space<hbm>>, %arg5: memref<2x10112x128xf32, #tpu.memory_space<hbm>>, %arg6: memref<25x80xi32, #tpu.memory_space<vmem>>, %arg7: memref<25x80xi32, #tpu.memory_space<vmem>>, %arg8: memref<80x128xf32, #tpu.memory_space<vmem>>, %arg9: memref<80x128xf32, #tpu.memory_space<vmem>>, %arg10: memref<80x128xf32, #tpu.memory_space<vmem>>, %arg11: memref<10112x128xf32, #tpu.memory_space<vmem_shared>>, %arg12: memref<!tpu.dma_semaphore, #tpu.memory_space<semaphore_mem>>, %arg13: memref<!tpu.dma_semaphore, #tpu.memory_space<semaphore_mem>>, %arg14: memref<!tpu.dma_semaphore, #tpu.memory_space<semaphore_mem>>) attributes {dimension_semantics = [#tpu.dimension_semantics<core_parallel>, #tpu.dimension_semantics<subcore_parallel>], iteration_bounds = array<i64: 2, 16>, scalar_prefetch = 0 : i64, scratch_operands = 9 : i64, tpu.core_type = #tpu.core_type<sc_vector_subcore>, window_params = [{transform_indices = #map}, {transform_indices = #map1}, {transform_indices = #map1}, {transform_indices = #map2}]} {
    %mul3A = arith.constant 16 : i32
    %mul3A_0 = arith.muli %arg0, %mul3A : i32
    %add3A = arith.addi %mul3A_0, %arg1 : i32
    %scan3A = arith.constant 0 : i32
    %scan3A_1 = arith.constant 0 : i32
    %scan3A_2 = arith.constant 80 : i32
    %scan3A_3 = arith.addi %scan3A_1, %scan3A_2 : i32
    %scan3A_4 = arith.constant 1 : i32
    %scan3A_5 = scf.for %scan3A_51 = %scan3A_1 to %scan3A_3 step %scan3A_4 iter_args(%scan3A_52 = %scan3A) -> (i32)  : i32 {
      %scan3A_53 = arith.constant 0 : i32
      %scan3A_54 = arith.constant 0 : i32
      %scan3A_55 = arith.constant 8 : i32
      %scan3A_56 = arith.addi %scan3A_54, %scan3A_55 : i32
      %scan3A_57 = arith.constant 1 : i32
      %scan3A_58 = scf.for %scan3A_60 = %scan3A_54 to %scan3A_56 step %scan3A_57 iter_args(%scan3A_61 = %scan3A_53) -> (i32)  : i32 {
        %broadcast_in_dim3A = arith.constant 0.000000e+00 : f32
        %broadcast_in_dim3A_62 = vector.broadcast %broadcast_in_dim3A : f32 to vector<16xf32>
        %mul3A_63 = arith.constant 16 : i32
        %mul3A_64 = arith.muli %scan3A_60, %mul3A_63 : i32
        %swap3A = arith.index_cast %scan3A_51 : i32 to index
        %swap3A_65 = arith.index_cast %mul3A_64 : i32 to index
        %swap3A_66 = tpu.vector_load %arg8[%swap3A, %swap3A_65] {strides = array<i32>} : memref<80x128xf32, #tpu.memory_space<vmem>>, vector<1x16xf32>,
        %swap3A_67 = vector.shape_cast %swap3A_66 : vector<1x16xf32> to vector<16xf32>
        %swap3A_68 = vector.shape_cast %broadcast_in_dim3A_62 : vector<16xf32> to vector<1x16xf32>
        tpu.vector_store %arg8[%swap3A, %swap3A_65], %swap3A_68 {strides = array<i32>} : memref<80x128xf32, #tpu.memory_space<vmem>>, vector<1x16xf32>,
        %scan3A_69 = arith.constant 0 : i32
        scf.yield %scan3A_69 : i32
      }
      %scan3A_59 = arith.constant 8 : i32
      scf.yield %scan3A_58 : i32
    }
    %scan3A_6 = arith.constant 80 : i32
    %mul3A_7 = arith.constant 632 : i32
    %mul3A_8 = arith.muli %arg1, %mul3A_7 : i32
    %add3A_9 = arith.constant 0 : i32
    %add3A_10 = arith.addi %mul3A_8, %add3A_9 : i32
    "tpu.region"() ({
      %run_scoped3A = tpu.sem_alloc : memref<!tpu.dma_semaphore, #tpu.memory_space<semaphore_mem>>
      %dma_start3A = arith.constant 0 : i32
      %dma_start3A_51 = arith.constant 0 : i32
      %dma_start3A_52 = tpu.memref_slice %arg8[%dma_start3A, %dma_start3A_51] : memref<80x128xf32, #tpu.memory_space<vmem>> -> memref<79x128xf32, #tpu.memory_space<vmem>>
      %dma_start3A_53 = arith.constant 0 : i32
      %dma_start3A_54 = tpu.memref_slice %arg11[%add3A_10, %dma_start3A_53] : memref<10112x128xf32, #tpu.memory_space<vmem_shared>> -> memref<79x128xf32, #tpu.memory_space<vmem_shared>>
      %dma_start3A_55 = arith.constant 0 : i32
      %dma_start3A_56 = tpu.memref_slice %arg11[%add3A_10, %dma_start3A_55] : memref<10112x128xf32, #tpu.memory_space<vmem_shared>> -> memref<79x128xf32, #tpu.memory_space<vmem_shared>>
      %dma_start3A_57 = arith.constant 0 : i32
      %dma_start3A_58 = arith.constant 0 : i32
      %dma_start3A_59 = tpu.memref_slice %arg8[%dma_start3A_57, %dma_start3A_58] : memref<80x128xf32, #tpu.memory_space<vmem>> -> memref<79x128xf32, #tpu.memory_space<vmem>>
      tpu.enqueue_dma source(%dma_start3A_59 : memref<79x128xf32, #tpu.memory_space<vmem>>) target(%dma_start3A_56 : memref<79x128xf32, #tpu.memory_space<vmem_shared>>) target_semaphore(%run_scoped3A : memref<!tpu.dma_semaphore, #tpu.memory_space<semaphore_mem>>)
      %dma_wait3A = arith.constant 0 : i32
      %dma_wait3A_60 = arith.constant 0 : i32
      %dma_wait3A_61 = tpu.memref_slice %arg8[%dma_wait3A, %dma_wait3A_60] : memref<80x128xf32, #tpu.memory_space<vmem>> -> memref<79x128xf32, #tpu.memory_space<vmem>>
      %dma_wait3A_62 = arith.constant 0 : i32
      %dma_wait3A_63 = tpu.memref_slice %arg11[%add3A_10, %dma_wait3A_62] : memref<10112x128xf32, #tpu.memory_space<vmem_shared>> -> memref<79x128xf32, #tpu.memory_space<vmem_shared>>
      %dma_wait3A_64 = arith.constant 0 : i32
      %dma_wait3A_65 = tpu.memref_slice %arg11[%add3A_10, %dma_wait3A_64] : memref<10112x128xf32, #tpu.memory_space<vmem_shared>> -> memref<79x128xf32, #tpu.memory_space<vmem_shared>>
      %dma_wait3A_66 = arith.constant 0 : i32
      %dma_wait3A_67 = arith.constant 0 : i32
      %dma_wait3A_68 = tpu.memref_slice %arg8[%dma_wait3A_66, %dma_wait3A_67] : memref<80x128xf32, #tpu.memory_space<vmem>> -> memref<79x128xf32, #tpu.memory_space<vmem>>
      tpu.wait_dma2 semaphore(%run_scoped3A : memref<!tpu.dma_semaphore, #tpu.memory_space<semaphore_mem>>) src(%dma_wait3A_68 : memref<79x128xf32, #tpu.memory_space<vmem>>) dst(%dma_wait3A_65 : memref<79x128xf32, #tpu.memory_space<vmem_shared>>)
      tpu.yield
    }) : () -> ()
    %mul3A_11 = arith.constant 632 : i32
    %mul3A_12 = arith.muli %arg1, %mul3A_11 : i32
    %add3A_13 = arith.constant 79 : i32
    %add3A_14 = arith.addi %mul3A_12, %add3A_13 : i32
    "tpu.region"() ({
      %run_scoped3A = tpu.sem_alloc : memref<!tpu.dma_semaphore, #tpu.memory_space<semaphore_mem>>
      %dma_start3A = arith.constant 0 : i32
      %dma_start3A_51 = arith.constant 0 : i32
      %dma_start3A_52 = tpu.memref_slice %arg8[%dma_start3A, %dma_start3A_51] : memref<80x128xf32, #tpu.memory_space<vmem>> -> memref<79x128xf32, #tpu.memory_space<vmem>>
      %dma_start3A_53 = arith.constant 0 : i32
      %dma_start3A_54 = tpu.memref_slice %arg11[%add3A_14, %dma_start3A_53] : memref<10112x128xf32, #tpu.memory_space<vmem_shared>> -> memref<79x128xf32, #tpu.memory_space<vmem_shared>>
      %dma_start3A_55 = arith.constant 0 : i32
      %dma_start3A_56 = tpu.memref_slice %arg11[%add3A_14, %dma_start3A_55] : memref<10112x128xf32, #tpu.memory_space<vmem_shared>> -> memref<79x128xf32, #tpu.memory_space<vmem_shared>>
      %dma_start3A_57 = arith.constant 0 : i32
      %dma_start3A_58 = arith.constant 0 : i32
      %dma_start3A_59 = tpu.memref_slice %arg8[%dma_start3A_57, %dma_start3A_58] : memref<80x128xf32, #tpu.memory_space<vmem>> -> memref<79x128xf32, #tpu.memory_space<vmem>>
      tpu.enqueue_dma source(%dma_start3A_59 : memref<79x128xf32, #tpu.memory_space<vmem>>) target(%dma_start3A_56 : memref<79x128xf32, #tpu.memory_space<vmem_shared>>) target_semaphore(%run_scoped3A : memref<!tpu.dma_semaphore, #tpu.memory_space<semaphore_mem>>)
      %dma_wait3A = arith.constant 0 : i32
      %dma_wait3A_60 = arith.constant 0 : i32
      %dma_wait3A_61 = tpu.memref_slice %arg8[%dma_wait3A, %dma_wait3A_60] : memref<80x128xf32, #tpu.memory_space<vmem>> -> memref<79x128xf32, #tpu.memory_space<vmem>>
      %dma_wait3A_62 = arith.constant 0 : i32
      %dma_wait3A_63 = tpu.memref_slice %arg11[%add3A_14, %dma_wait3A_62] : memref<10112x128xf32, #tpu.memory_space<vmem_shared>> -> memref<79x128xf32, #tpu.memory_space<vmem_shared>>
      %dma_wait3A_64 = arith.constant 0 : i32
      %dma_wait3A_65 = tpu.memref_slice %arg11[%add3A_14, %dma_wait3A_64] : memref<10112x128xf32, #tpu.memory_space<vmem_shared>> -> memref<79x128xf32, #tpu.memory_space<vmem_shared>>
      %dma_wait3A_66 = arith.constant 0 : i32
      %dma_wait3A_67 = arith.constant 0 : i32
      %dma_wait3A_68 = tpu.memref_slice %arg8[%dma_wait3A_66, %dma_wait3A_67] : memref<80x128xf32, #tpu.memory_space<vmem>> -> memref<79x128xf32, #tpu.memory_space<vmem>>
      tpu.wait_dma2 semaphore(%run_scoped3A : memref<!tpu.dma_semaphore, #tpu.memory_space<semaphore_mem>>) src(%dma_wait3A_68 : memref<79x128xf32, #tpu.memory_space<vmem>>) dst(%dma_wait3A_65 : memref<79x128xf32, #tpu.memory_space<vmem_shared>>)
      tpu.yield
    }) : () -> ()
    %mul3A_15 = arith.constant 632 : i32
    %mul3A_16 = arith.muli %arg1, %mul3A_15 : i32
    %add3A_17 = arith.constant 158 : i32
    %add3A_18 = arith.addi %mul3A_16, %add3A_17 : i32
    "tpu.region"() ({
      %run_scoped3A = tpu.sem_alloc : memref<!tpu.dma_semaphore, #tpu.memory_space<semaphore_mem>>
      %dma_start3A = arith.constant 0 : i32
      %dma_start3A_51 = arith.constant 0 : i32
      %dma_start3A_52 = tpu.memref_slice %arg8[%dma_start3A, %dma_start3A_51] : memref<80x128xf32, #tpu.memory_space<vmem>> -> memref<79x128xf32, #tpu.memory_space<vmem>>
      %dma_start3A_53 = arith.constant 0 : i32
      %dma_start3A_54 = tpu.memref_slice %arg11[%add3A_18, %dma_start3A_53] : memref<10112x128xf32, #tpu.memory_space<vmem_shared>> -> memref<79x128xf32, #tpu.memory_space<vmem_shared>>
      %dma_start3A_55 = arith.constant 0 : i32
      %dma_start3A_56 = tpu.memref_slice %arg11[%add3A_18, %dma_start3A_55] : memref<10112x128xf32, #tpu.memory_space<vmem_shared>> -> memref<79x128xf32, #tpu.memory_space<vmem_shared>>
      %dma_start3A_57 = arith.constant 0 : i32
      %dma_start3A_58 = arith.constant 0 : i32
      %dma_start3A_59 = tpu.memref_slice %arg8[%dma_start3A_57, %dma_start3A_58] : memref<80x128xf32, #tpu.memory_space<vmem>> -> memref<79x128xf32, #tpu.memory_space<vmem>>
      tpu.enqueue_dma source(%dma_start3A_59 : memref<79x128xf32, #tpu.memory_space<vmem>>) target(%dma_start3A_56 : memref<79x128xf32, #tpu.memory_space<vmem_shared>>) target_semaphore(%run_scoped3A : memref<!tpu.dma_semaphore, #tpu.memory_space<semaphore_mem>>)
      %dma_wait3A = arith.constant 0 : i32
      %dma_wait3A_60 = arith.constant 0 : i32
      %dma_wait3A_61 = tpu.memref_slice %arg8[%dma_wait3A, %dma_wait3A_60] : memref<80x128xf32, #tpu.memory_space<vmem>> -> memref<79x128xf32, #tpu.memory_space<vmem>>
      %dma_wait3A_62 = arith.constant 0 : i32
      %dma_wait3A_63 = tpu.memref_slice %arg11[%add3A_18, %dma_wait3A_62] : memref<10112x128xf32, #tpu.memory_space<vmem_shared>> -> memref<79x128xf32, #tpu.memory_space<vmem_shared>>
      %dma_wait3A_64 = arith.constant 0 : i32
      %dma_wait3A_65 = tpu.memref_slice %arg11[%add3A_18, %dma_wait3A_64] : memref<10112x128xf32, #tpu.memory_space<vmem_shared>> -> memref<79x128xf32, #tpu.memory_space<vmem_shared>>
      %dma_wait3A_66 = arith.constant 0 : i32
      %dma_wait3A_67 = arith.constant 0 : i32
      %dma_wait3A_68 = tpu.memref_slice %arg8[%dma_wait3A_66, %dma_wait3A_67] : memref<80x128xf32, #tpu.memory_space<vmem>> -> memref<79x128xf32, #tpu.memory_space<vmem>>
      tpu.wait_dma2 semaphore(%run_scoped3A : memref<!tpu.dma_semaphore, #tpu.memory_space<semaphore_mem>>) src(%dma_wait3A_68 : memref<79x128xf32, #tpu.memory_space<vmem>>) dst(%dma_wait3A_65 : memref<79x128xf32, #tpu.memory_space<vmem_shared>>)
      tpu.yield
    }) : () -> ()
    %mul3A_19 = arith.constant 632 : i32
    %mul3A_20 = arith.muli %arg1, %mul3A_19 : i32
    %add3A_21 = arith.constant 237 : i32
    %add3A_22 = arith.addi %mul3A_20, %add3A_21 : i32
    "tpu.region"() ({
      %run_scoped3A = tpu.sem_alloc : memref<!tpu.dma_semaphore, #tpu.memory_space<semaphore_mem>>
      %dma_start3A = arith.constant 0 : i32
      %dma_start3A_51 = arith.constant 0 : i32
      %dma_start3A_52 = tpu.memref_slice %arg8[%dma_start3A, %dma_start3A_51] : memref<80x128xf32, #tpu.memory_space<vmem>> -> memref<79x128xf32, #tpu.memory_space<vmem>>
      %dma_start3A_53 = arith.constant 0 : i32
      %dma_start3A_54 = tpu.memref_slice %arg11[%add3A_22, %dma_start3A_53] : memref<10112x128xf32, #tpu.memory_space<vmem_shared>> -> memref<79x128xf32, #tpu.memory_space<vmem_shared>>
      %dma_start3A_55 = arith.constant 0 : i32
      %dma_start3A_56 = tpu.memref_slice %arg11[%add3A_22, %dma_start3A_55] : memref<10112x128xf32, #tpu.memory_space<vmem_shared>> -> memref<79x128xf32, #tpu.memory_space<vmem_shared>>
      %dma_start3A_57 = arith.constant 0 : i32
      %dma_start3A_58 = arith.constant 0 : i32
      %dma_start3A_59 = tpu.memref_slice %arg8[%dma_start3A_57, %dma_start3A_58] : memref<80x128xf32, #tpu.memory_space<vmem>> -> memref<79x128xf32, #tpu.memory_space<vmem>>
      tpu.enqueue_dma source(%dma_start3A_59 : memref<79x128xf32, #tpu.memory_space<vmem>>) target(%dma_start3A_56 : memref<79x128xf32, #tpu.memory_space<vmem_shared>>) target_semaphore(%run_scoped3A : memref<!tpu.dma_semaphore, #tpu.memory_space<semaphore_mem>>)
      %dma_wait3A = arith.constant 0 : i32
      %dma_wait3A_60 = arith.constant 0 : i32
      %dma_wait3A_61 = tpu.memref_slice %arg8[%dma_wait3A, %dma_wait3A_60] : memref<80x128xf32, #tpu.memory_space<vmem>> -> memref<79x128xf32, #tpu.memory_space<vmem>>
      %dma_wait3A_62 = arith.constant 0 : i32
      %dma_wait3A_63 = tpu.memref_slice %arg11[%add3A_22, %dma_wait3A_62] : memref<10112x128xf32, #tpu.memory_space<vmem_shared>> -> memref<79x128xf32, #tpu.memory_space<vmem_shared>>
      %dma_wait3A_64 = arith.constant 0 : i32
      %dma_wait3A_65 = tpu.memref_slice %arg11[%add3A_22, %dma_wait3A_64] : memref<10112x128xf32, #tpu.memory_space<vmem_shared>> -> memref<79x128xf32, #tpu.memory_space<vmem_shared>>
      %dma_wait3A_66 = arith.constant 0 : i32
      %dma_wait3A_67 = arith.constant 0 : i32
      %dma_wait3A_68 = tpu.memref_slice %arg8[%dma_wait3A_66, %dma_wait3A_67] : memref<80x128xf32, #tpu.memory_space<vmem>> -> memref<79x128xf32, #tpu.memory_space<vmem>>
      tpu.wait_dma2 semaphore(%run_scoped3A : memref<!tpu.dma_semaphore, #tpu.memory_space<semaphore_mem>>) src(%dma_wait3A_68 : memref<79x128xf32, #tpu.memory_space<vmem>>) dst(%dma_wait3A_65 : memref<79x128xf32, #tpu.memory_space<vmem_shared>>)
      tpu.yield
    }) : () -> ()
    %mul3A_23 = arith.constant 632 : i32
    %mul3A_24 = arith.muli %arg1, %mul3A_23 : i32
    %add3A_25 = arith.constant 316 : i32
    %add3A_26 = arith.addi %mul3A_24, %add3A_25 : i32
    "tpu.region"() ({
      %run_scoped3A = tpu.sem_alloc : memref<!tpu.dma_semaphore, #tpu.memory_space<semaphore_mem>>
      %dma_start3A = arith.constant 0 : i32
      %dma_start3A_51 = arith.constant 0 : i32
      %dma_start3A_52 = tpu.memref_slice %arg8[%dma_start3A, %dma_start3A_51] : memref<80x128xf32, #tpu.memory_space<vmem>> -> memref<79x128xf32, #tpu.memory_space<vmem>>
      %dma_start3A_53 = arith.constant 0 : i32
      %dma_start3A_54 = tpu.memref_slice %arg11[%add3A_26, %dma_start3A_53] : memref<10112x128xf32, #tpu.memory_space<vmem_shared>> -> memref<79x128xf32, #tpu.memory_space<vmem_shared>>
      %dma_start3A_55 = arith.constant 0 : i32
      %dma_start3A_56 = tpu.memref_slice %arg11[%add3A_26, %dma_start3A_55] : memref<10112x128xf32, #tpu.memory_space<vmem_shared>> -> memref<79x128xf32, #tpu.memory_space<vmem_shared>>
      %dma_start3A_57 = arith.constant 0 : i32
      %dma_start3A_58 = arith.constant 0 : i32
      %dma_start3A_59 = tpu.memref_slice %arg8[%dma_start3A_57, %dma_start3A_58] : memref<80x128xf32, #tpu.memory_space<vmem>> -> memref<79x128xf32, #tpu.memory_space<vmem>>
      tpu.enqueue_dma source(%dma_start3A_59 : memref<79x128xf32, #tpu.memory_space<vmem>>) target(%dma_start3A_56 : memref<79x128xf32, #tpu.memory_space<vmem_shared>>) target_semaphore(%run_scoped3A : memref<!tpu.dma_semaphore, #tpu.memory_space<semaphore_mem>>)
      %dma_wait3A = arith.constant 0 : i32
      %dma_wait3A_60 = arith.constant 0 : i32
      %dma_wait3A_61 = tpu.memref_slice %arg8[%dma_wait3A, %dma_wait3A_60] : memref<80x128xf32, #tpu.memory_space<vmem>> -> memref<79x128xf32, #tpu.memory_space<vmem>>
      %dma_wait3A_62 = arith.constant 0 : i32
      %dma_wait3A_63 = tpu.memref_slice %arg11[%add3A_26, %dma_wait3A_62] : memref<10112x128xf32, #tpu.memory_space<vmem_shared>> -> memref<79x128xf32, #tpu.memory_space<vmem_shared>>
      %dma_wait3A_64 = arith.constant 0 : i32
      %dma_wait3A_65 = tpu.memref_slice %arg11[%add3A_26, %dma_wait3A_64] : memref<10112x128xf32, #tpu.memory_space<vmem_shared>> -> memref<79x128xf32, #tpu.memory_space<vmem_shared>>
      %dma_wait3A_66 = arith.constant 0 : i32
      %dma_wait3A_67 = arith.constant 0 : i32
      %dma_wait3A_68 = tpu.memref_slice %arg8[%dma_wait3A_66, %dma_wait3A_67] : memref<80x128xf32, #tpu.memory_space<vmem>> -> memref<79x128xf32, #tpu.memory_space<vmem>>
      tpu.wait_dma2 semaphore(%run_scoped3A : memref<!tpu.dma_semaphore, #tpu.memory_space<semaphore_mem>>) src(%dma_wait3A_68 : memref<79x128xf32, #tpu.memory_space<vmem>>) dst(%dma_wait3A_65 : memref<79x128xf32, #tpu.memory_space<vmem_shared>>)
      tpu.yield
    }) : () -> ()
    %mul3A_27 = arith.constant 632 : i32
    %mul3A_28 = arith.muli %arg1, %mul3A_27 : i32
    %add3A_29 = arith.constant 395 : i32
    %add3A_30 = arith.addi %mul3A_28, %add3A_29 : i32
    "tpu.region"() ({
      %run_scoped3A = tpu.sem_alloc : memref<!tpu.dma_semaphore, #tpu.memory_space<semaphore_mem>>
      %dma_start3A = arith.constant 0 : i32
      %dma_start3A_51 = arith.constant 0 : i32
      %dma_start3A_52 = tpu.memref_slice %arg8[%dma_start3A, %dma_start3A_51] : memref<80x128xf32, #tpu.memory_space<vmem>> -> memref<79x128xf32, #tpu.memory_space<vmem>>
      %dma_start3A_53 = arith.constant 0 : i32
      %dma_start3A_54 = tpu.memref_slice %arg11[%add3A_30, %dma_start3A_53] : memref<10112x128xf32, #tpu.memory_space<vmem_shared>> -> memref<79x128xf32, #tpu.memory_space<vmem_shared>>
      %dma_start3A_55 = arith.constant 0 : i32
      %dma_start3A_56 = tpu.memref_slice %arg11[%add3A_30, %dma_start3A_55] : memref<10112x128xf32, #tpu.memory_space<vmem_shared>> -> memref<79x128xf32, #tpu.memory_space<vmem_shared>>
      %dma_start3A_57 = arith.constant 0 : i32
      %dma_start3A_58 = arith.constant 0 : i32
      %dma_start3A_59 = tpu.memref_slice %arg8[%dma_start3A_57, %dma_start3A_58] : memref<80x128xf32, #tpu.memory_space<vmem>> -> memref<79x128xf32, #tpu.memory_space<vmem>>
      tpu.enqueue_dma source(%dma_start3A_59 : memref<79x128xf32, #tpu.memory_space<vmem>>) target(%dma_start3A_56 : memref<79x128xf32, #tpu.memory_space<vmem_shared>>) target_semaphore(%run_scoped3A : memref<!tpu.dma_semaphore, #tpu.memory_space<semaphore_mem>>)
      %dma_wait3A = arith.constant 0 : i32
      %dma_wait3A_60 = arith.constant 0 : i32
      %dma_wait3A_61 = tpu.memref_slice %arg8[%dma_wait3A, %dma_wait3A_60] : memref<80x128xf32, #tpu.memory_space<vmem>> -> memref<79x128xf32, #tpu.memory_space<vmem>>
      %dma_wait3A_62 = arith.constant 0 : i32
      %dma_wait3A_63 = tpu.memref_slice %arg11[%add3A_30, %dma_wait3A_62] : memref<10112x128xf32, #tpu.memory_space<vmem_shared>> -> memref<79x128xf32, #tpu.memory_space<vmem_shared>>
      %dma_wait3A_64 = arith.constant 0 : i32
      %dma_wait3A_65 = tpu.memref_slice %arg11[%add3A_30, %dma_wait3A_64] : memref<10112x128xf32, #tpu.memory_space<vmem_shared>> -> memref<79x128xf32, #tpu.memory_space<vmem_shared>>
      %dma_wait3A_66 = arith.constant 0 : i32
      %dma_wait3A_67 = arith.constant 0 : i32
      %dma_wait3A_68 = tpu.memref_slice %arg8[%dma_wait3A_66, %dma_wait3A_67] : memref<80x128xf32, #tpu.memory_space<vmem>> -> memref<79x128xf32, #tpu.memory_space<vmem>>
      tpu.wait_dma2 semaphore(%run_scoped3A : memref<!tpu.dma_semaphore, #tpu.memory_space<semaphore_mem>>) src(%dma_wait3A_68 : memref<79x128xf32, #tpu.memory_space<vmem>>) dst(%dma_wait3A_65 : memref<79x128xf32, #tpu.memory_space<vmem_shared>>)
      tpu.yield
    }) : () -> ()
    %mul3A_31 = arith.constant 632 : i32
    %mul3A_32 = arith.muli %arg1, %mul3A_31 : i32
    %add3A_33 = arith.constant 474 : i32
    %add3A_34 = arith.addi %mul3A_32, %add3A_33 : i32
    "tpu.region"() ({
      %run_scoped3A = tpu.sem_alloc : memref<!tpu.dma_semaphore, #tpu.memory_space<semaphore_mem>>
      %dma_start3A = arith.constant 0 : i32
      %dma_start3A_51 = arith.constant 0 : i32
      %dma_start3A_52 = tpu.memref_slice %arg8[%dma_start3A, %dma_start3A_51] : memref<80x128xf32, #tpu.memory_space<vmem>> -> memref<79x128xf32, #tpu.memory_space<vmem>>
      %dma_start3A_53 = arith.constant 0 : i32
      %dma_start3A_54 = tpu.memref_slice %arg11[%add3A_34, %dma_start3A_53] : memref<10112x128xf32, #tpu.memory_space<vmem_shared>> -> memref<79x128xf32, #tpu.memory_space<vmem_shared>>
      %dma_start3A_55 = arith.constant 0 : i32
      %dma_start3A_56 = tpu.memref_slice %arg11[%add3A_34, %dma_start3A_55] : memref<10112x128xf32, #tpu.memory_space<vmem_shared>> -> memref<79x128xf32, #tpu.memory_space<vmem_shared>>
      %dma_start3A_57 = arith.constant 0 : i32
      %dma_start3A_58 = arith.constant 0 : i32
      %dma_start3A_59 = tpu.memref_slice %arg8[%dma_start3A_57, %dma_start3A_58] : memref<80x128xf32, #tpu.memory_space<vmem>> -> memref<79x128xf32, #tpu.memory_space<vmem>>
      tpu.enqueue_dma source(%dma_start3A_59 : memref<79x128xf32, #tpu.memory_space<vmem>>) target(%dma_start3A_56 : memref<79x128xf32, #tpu.memory_space<vmem_shared>>) target_semaphore(%run_scoped3A : memref<!tpu.dma_semaphore, #tpu.memory_space<semaphore_mem>>)
      %dma_wait3A = arith.constant 0 : i32
      %dma_wait3A_60 = arith.constant 0 : i32
      %dma_wait3A_61 = tpu.memref_slice %arg8[%dma_wait3A, %dma_wait3A_60] : memref<80x128xf32, #tpu.memory_space<vmem>> -> memref<79x128xf32, #tpu.memory_space<vmem>>
      %dma_wait3A_62 = arith.constant 0 : i32
      %dma_wait3A_63 = tpu.memref_slice %arg11[%add3A_34, %dma_wait3A_62] : memref<10112x128xf32, #tpu.memory_space<vmem_shared>> -> memref<79x128xf32, #tpu.memory_space<vmem_shared>>
      %dma_wait3A_64 = arith.constant 0 : i32
      %dma_wait3A_65 = tpu.memref_slice %arg11[%add3A_34, %dma_wait3A_64] : memref<10112x128xf32, #tpu.memory_space<vmem_shared>> -> memref<79x128xf32, #tpu.memory_space<vmem_shared>>
      %dma_wait3A_66 = arith.constant 0 : i32
      %dma_wait3A_67 = arith.constant 0 : i32
      %dma_wait3A_68 = tpu.memref_slice %arg8[%dma_wait3A_66, %dma_wait3A_67] : memref<80x128xf32, #tpu.memory_space<vmem>> -> memref<79x128xf32, #tpu.memory_space<vmem>>
      tpu.wait_dma2 semaphore(%run_scoped3A : memref<!tpu.dma_semaphore, #tpu.memory_space<semaphore_mem>>) src(%dma_wait3A_68 : memref<79x128xf32, #tpu.memory_space<vmem>>) dst(%dma_wait3A_65 : memref<79x128xf32, #tpu.memory_space<vmem_shared>>)
      tpu.yield
    }) : () -> ()
    %mul3A_35 = arith.constant 632 : i32
    %mul3A_36 = arith.muli %arg1, %mul3A_35 : i32
    %add3A_37 = arith.constant 553 : i32
    %add3A_38 = arith.addi %mul3A_36, %add3A_37 : i32
    "tpu.region"() ({
      %run_scoped3A = tpu.sem_alloc : memref<!tpu.dma_semaphore, #tpu.memory_space<semaphore_mem>>
      %dma_start3A = arith.constant 0 : i32
      %dma_start3A_51 = arith.constant 0 : i32
      %dma_start3A_52 = tpu.memref_slice %arg8[%dma_start3A, %dma_start3A_51] : memref<80x128xf32, #tpu.memory_space<vmem>> -> memref<79x128xf32, #tpu.memory_space<vmem>>
      %dma_start3A_53 = arith.constant 0 : i32
      %dma_start3A_54 = tpu.memref_slice %arg11[%add3A_38, %dma_start3A_53] : memref<10112x128xf32, #tpu.memory_space<vmem_shared>> -> memref<79x128xf32, #tpu.memory_space<vmem_shared>>
      %dma_start3A_55 = arith.constant 0 : i32
      %dma_start3A_56 = tpu.memref_slice %arg11[%add3A_38, %dma_start3A_55] : memref<10112x128xf32, #tpu.memory_space<vmem_shared>> -> memref<79x128xf32, #tpu.memory_space<vmem_shared>>
      %dma_start3A_57 = arith.constant 0 : i32
      %dma_start3A_58 = arith.constant 0 : i32
      %dma_start3A_59 = tpu.memref_slice %arg8[%dma_start3A_57, %dma_start3A_58] : memref<80x128xf32, #tpu.memory_space<vmem>> -> memref<79x128xf32, #tpu.memory_space<vmem>>
      tpu.enqueue_dma source(%dma_start3A_59 : memref<79x128xf32, #tpu.memory_space<vmem>>) target(%dma_start3A_56 : memref<79x128xf32, #tpu.memory_space<vmem_shared>>) target_semaphore(%run_scoped3A : memref<!tpu.dma_semaphore, #tpu.memory_space<semaphore_mem>>)
      %dma_wait3A = arith.constant 0 : i32
      %dma_wait3A_60 = arith.constant 0 : i32
      %dma_wait3A_61 = tpu.memref_slice %arg8[%dma_wait3A, %dma_wait3A_60] : memref<80x128xf32, #tpu.memory_space<vmem>> -> memref<79x128xf32, #tpu.memory_space<vmem>>
      %dma_wait3A_62 = arith.constant 0 : i32
      %dma_wait3A_63 = tpu.memref_slice %arg11[%add3A_38, %dma_wait3A_62] : memref<10112x128xf32, #tpu.memory_space<vmem_shared>> -> memref<79x128xf32, #tpu.memory_space<vmem_shared>>
      %dma_wait3A_64 = arith.constant 0 : i32
      %dma_wait3A_65 = tpu.memref_slice %arg11[%add3A_38, %dma_wait3A_64] : memref<10112x128xf32, #tpu.memory_space<vmem_shared>> -> memref<79x128xf32, #tpu.memory_space<vmem_shared>>
      %dma_wait3A_66 = arith.constant 0 : i32
      %dma_wait3A_67 = arith.constant 0 : i32
      %dma_wait3A_68 = tpu.memref_slice %arg8[%dma_wait3A_66, %dma_wait3A_67] : memref<80x128xf32, #tpu.memory_space<vmem>> -> memref<79x128xf32, #tpu.memory_space<vmem>>
      tpu.wait_dma2 semaphore(%run_scoped3A : memref<!tpu.dma_semaphore, #tpu.memory_space<semaphore_mem>>) src(%dma_wait3A_68 : memref<79x128xf32, #tpu.memory_space<vmem>>) dst(%dma_wait3A_65 : memref<79x128xf32, #tpu.memory_space<vmem_shared>>)
      tpu.yield
    }) : () -> ()
    %barrier3A = arith.constant 0 : index
    tpu.barrier barrier_id(%barrier3A)
    %scan3A_39 = arith.constant 0 : i32
    %scan3A_40 = arith.constant 0 : i32
    %scan3A_41 = arith.constant 5 : i32
    %scan3A_42 = arith.addi %scan3A_40, %scan3A_41 : i32
    %scan3A_43 = arith.constant 1 : i32
    %scan3A_44 = scf.for %scan3A_51 = %scan3A_40 to %scan3A_42 step %scan3A_43 iter_args(%scan3A_52 = %scan3A_39) -> (i32)  : i32 {
      "tpu.region"() ({
        %run_scoped3A = tpu.sem_alloc : memref<!tpu.dma_semaphore, #tpu.memory_space<semaphore_mem>>
        %dma_start3A_81 = arith.constant 0 : i32
        %dma_start3A_82 = arith.constant 0 : i32
        %dma_start3A_83 = tpu.memref_slice %arg3[%add3A, %scan3A_51, %dma_start3A_81, %dma_start3A_82] : memref<32x5x25x80xi32, #tpu.memory_space<hbm>> -> memref<1x1x25x80xi32, #tpu.memory_space<hbm>>
        %dma_start3A_84 = tpu.memref_squeeze %dma_start3A_83 : memref<1x1x25x80xi32, #tpu.memory_space<hbm>> -> memref<25x80xi32, #tpu.memory_space<hbm>>
        %dma_start3A_85 = arith.constant 0 : i32
        %dma_start3A_86 = arith.constant 0 : i32
        %dma_start3A_87 = tpu.memref_slice %arg3[%add3A, %scan3A_51, %dma_start3A_85, %dma_start3A_86] : memref<32x5x25x80xi32, #tpu.memory_space<hbm>> -> memref<1x1x25x80xi32, #tpu.memory_space<hbm>>
        %dma_start3A_88 = tpu.memref_squeeze %dma_start3A_87 : memref<1x1x25x80xi32, #tpu.memory_space<hbm>> -> memref<25x80xi32, #tpu.memory_space<hbm>>
        tpu.enqueue_dma source(%dma_start3A_88 : memref<25x80xi32, #tpu.memory_space<hbm>>) target(%arg6 : memref<25x80xi32, #tpu.memory_space<vmem>>) target_semaphore(%run_scoped3A : memref<!tpu.dma_semaphore, #tpu.memory_space<semaphore_mem>>)
        %dma_wait3A = arith.constant 0 : i32
        %dma_wait3A_89 = arith.constant 0 : i32
        %dma_wait3A_90 = tpu.memref_slice %arg3[%add3A, %scan3A_51, %dma_wait3A, %dma_wait3A_89] : memref<32x5x25x80xi32, #tpu.memory_space<hbm>> -> memref<1x1x25x80xi32, #tpu.memory_space<hbm>>
        %dma_wait3A_91 = tpu.memref_squeeze %dma_wait3A_90 : memref<1x1x25x80xi32, #tpu.memory_space<hbm>> -> memref<25x80xi32, #tpu.memory_space<hbm>>
        %dma_wait3A_92 = arith.constant 0 : i32
        %dma_wait3A_93 = arith.constant 0 : i32
        %dma_wait3A_94 = tpu.memref_slice %arg3[%add3A, %scan3A_51, %dma_wait3A_92, %dma_wait3A_93] : memref<32x5x25x80xi32, #tpu.memory_space<hbm>> -> memref<1x1x25x80xi32, #tpu.memory_space<hbm>>
        %dma_wait3A_95 = tpu.memref_squeeze %dma_wait3A_94 : memref<1x1x25x80xi32, #tpu.memory_space<hbm>> -> memref<25x80xi32, #tpu.memory_space<hbm>>
        tpu.wait_dma2 semaphore(%run_scoped3A : memref<!tpu.dma_semaphore, #tpu.memory_space<semaphore_mem>>) src(%dma_wait3A_95 : memref<25x80xi32, #tpu.memory_space<hbm>>) dst(%arg6 : memref<25x80xi32, #tpu.memory_space<vmem>>)
        tpu.yield
      }) : () -> ()
      "tpu.region"() ({
        %run_scoped3A = tpu.sem_alloc : memref<!tpu.dma_semaphore, #tpu.memory_space<semaphore_mem>>
        %dma_start3A_81 = arith.constant 0 : i32
        %dma_start3A_82 = arith.constant 0 : i32
        %dma_start3A_83 = tpu.memref_slice %arg4[%add3A, %scan3A_51, %dma_start3A_81, %dma_start3A_82] : memref<32x5x25x80xi32, #tpu.memory_space<hbm>> -> memref<1x1x25x80xi32, #tpu.memory_space<hbm>>
        %dma_start3A_84 = tpu.memref_squeeze %dma_start3A_83 : memref<1x1x25x80xi32, #tpu.memory_space<hbm>> -> memref<25x80xi32, #tpu.memory_space<hbm>>
        %dma_start3A_85 = arith.constant 0 : i32
        %dma_start3A_86 = arith.constant 0 : i32
        %dma_start3A_87 = tpu.memref_slice %arg4[%add3A, %scan3A_51, %dma_start3A_85, %dma_start3A_86] : memref<32x5x25x80xi32, #tpu.memory_space<hbm>> -> memref<1x1x25x80xi32, #tpu.memory_space<hbm>>
        %dma_start3A_88 = tpu.memref_squeeze %dma_start3A_87 : memref<1x1x25x80xi32, #tpu.memory_space<hbm>> -> memref<25x80xi32, #tpu.memory_space<hbm>>
        tpu.enqueue_dma source(%dma_start3A_88 : memref<25x80xi32, #tpu.memory_space<hbm>>) target(%arg7 : memref<25x80xi32, #tpu.memory_space<vmem>>) target_semaphore(%run_scoped3A : memref<!tpu.dma_semaphore, #tpu.memory_space<semaphore_mem>>)
        %dma_wait3A = arith.constant 0 : i32
        %dma_wait3A_89 = arith.constant 0 : i32
        %dma_wait3A_90 = tpu.memref_slice %arg4[%add3A, %scan3A_51, %dma_wait3A, %dma_wait3A_89] : memref<32x5x25x80xi32, #tpu.memory_space<hbm>> -> memref<1x1x25x80xi32, #tpu.memory_space<hbm>>
        %dma_wait3A_91 = tpu.memref_squeeze %dma_wait3A_90 : memref<1x1x25x80xi32, #tpu.memory_space<hbm>> -> memref<25x80xi32, #tpu.memory_space<hbm>>
        %dma_wait3A_92 = arith.constant 0 : i32
        %dma_wait3A_93 = arith.constant 0 : i32
        %dma_wait3A_94 = tpu.memref_slice %arg4[%add3A, %scan3A_51, %dma_wait3A_92, %dma_wait3A_93] : memref<32x5x25x80xi32, #tpu.memory_space<hbm>> -> memref<1x1x25x80xi32, #tpu.memory_space<hbm>>
        %dma_wait3A_95 = tpu.memref_squeeze %dma_wait3A_94 : memref<1x1x25x80xi32, #tpu.memory_space<hbm>> -> memref<25x80xi32, #tpu.memory_space<hbm>>
        tpu.wait_dma2 semaphore(%run_scoped3A : memref<!tpu.dma_semaphore, #tpu.memory_space<semaphore_mem>>) src(%dma_wait3A_95 : memref<25x80xi32, #tpu.memory_space<hbm>>) dst(%arg7 : memref<25x80xi32, #tpu.memory_space<vmem>>)
        tpu.yield
      }) : () -> ()
      %dma_start3A = arith.constant 0 : i32
      %dma_start3A_53 = arith.constant 0 : i32
      %dma_start3A_54 = tpu.memref_slice %arg6[%dma_start3A, %dma_start3A_53] : memref<25x80xi32, #tpu.memory_space<vmem>> -> memref<1x80xi32, #tpu.memory_space<vmem>>
      %dma_start3A_55 = tpu.memref_squeeze %dma_start3A_54 : memref<1x80xi32, #tpu.memory_space<vmem>> -> memref<80xi32, #tpu.memory_space<vmem>>
      %dma_start3A_56 = arith.constant 0 : i32
      %dma_start3A_57 = arith.constant 0 : i32
      %dma_start3A_58 = tpu.memref_slice %arg2[%dma_start3A_56, %dma_start3A_57] : memref<10000x128xf32, #tpu.memory_space<hbm>> -> memref<10000x128xf32, #tpu.memory_space<hbm>>
      tpu.enqueue_indirect_dma source(%dma_start3A_58 : memref<10000x128xf32, #tpu.memory_space<hbm>>) target(%arg8 : memref<80x128xf32, #tpu.memory_space<vmem>>) offsets(%dma_start3A_55 : memref<80xi32, #tpu.memory_space<vmem>>) semaphore(%arg12 : memref<!tpu.dma_semaphore, #tpu.memory_space<semaphore_mem>>)
      %dma_start3A_59 = arith.constant 1 : i32
      %dma_start3A_60 = arith.constant 0 : i32
      %dma_start3A_61 = tpu.memref_slice %arg6[%dma_start3A_59, %dma_start3A_60] : memref<25x80xi32, #tpu.memory_space<vmem>> -> memref<1x80xi32, #tpu.memory_space<vmem>>
      %dma_start3A_62 = tpu.memref_squeeze %dma_start3A_61 : memref<1x80xi32, #tpu.memory_space<vmem>> -> memref<80xi32, #tpu.memory_space<vmem>>
      %dma_start3A_63 = arith.constant 0 : i32
      %dma_start3A_64 = arith.constant 0 : i32
      %dma_start3A_65 = tpu.memref_slice %arg2[%dma_start3A_63, %dma_start3A_64] : memref<10000x128xf32, #tpu.memory_space<hbm>> -> memref<10000x128xf32, #tpu.memory_space<hbm>>
      tpu.enqueue_indirect_dma source(%dma_start3A_65 : memref<10000x128xf32, #tpu.memory_space<hbm>>) target(%arg9 : memref<80x128xf32, #tpu.memory_space<vmem>>) offsets(%dma_start3A_62 : memref<80xi32, #tpu.memory_space<vmem>>) semaphore(%arg13 : memref<!tpu.dma_semaphore, #tpu.memory_space<semaphore_mem>>)
      %dma_start3A_66 = arith.constant 2 : i32
      %dma_start3A_67 = arith.constant 0 : i32
      %dma_start3A_68 = tpu.memref_slice %arg6[%dma_start3A_66, %dma_start3A_67] : memref<25x80xi32, #tpu.memory_space<vmem>> -> memref<1x80xi32, #tpu.memory_space<vmem>>
      %dma_start3A_69 = tpu.memref_squeeze %dma_start3A_68 : memref<1x80xi32, #tpu.memory_space<vmem>> -> memref<80xi32, #tpu.memory_space<vmem>>
      %dma_start3A_70 = arith.constant 0 : i32
      %dma_start3A_71 = arith.constant 0 : i32
      %dma_start3A_72 = tpu.memref_slice %arg2[%dma_start3A_70, %dma_start3A_71] : memref<10000x128xf32, #tpu.memory_space<hbm>> -> memref<10000x128xf32, #tpu.memory_space<hbm>>
      tpu.enqueue_indirect_dma source(%dma_start3A_72 : memref<10000x128xf32, #tpu.memory_space<hbm>>) target(%arg10 : memref<80x128xf32, #tpu.memory_space<vmem>>) offsets(%dma_start3A_69 : memref<80xi32, #tpu.memory_space<vmem>>) semaphore(%arg14 : memref<!tpu.dma_semaphore, #tpu.memory_space<semaphore_mem>>)
      %scan3A_73 = arith.constant 0 : i32
      %scan3A_74 = arith.constant 0 : i32
      %scan3A_75 = arith.constant 9 : i32
      %scan3A_76 = arith.addi %scan3A_74, %scan3A_75 : i32
      %scan3A_77 = arith.constant 1 : i32
      %scan3A_78 = scf.for %scan3A_81 = %scan3A_74 to %scan3A_76 step %scan3A_77 iter_args(%scan3A_82 = %scan3A_73) -> (i32)  : i32 {
        %mul3A_83 = arith.constant 3 : i32
        %mul3A_84 = arith.muli %scan3A_81, %mul3A_83 : i32
        %add3A_85 = arith.constant 0 : i32
        %add3A_86 = arith.addi %mul3A_84, %add3A_85 : i32
        %lt3A = arith.constant 25 : i32
        %lt3A_87 = arith.cmpi slt, %add3A_86, %lt3A : i32
        %convert_element_type3A = arith.extui %lt3A_87 : i1 to i32
        %cond3A = arith.constant 0 : i32
        %cond3A_88 = arith.cmpi ne, %convert_element_type3A, %cond3A : i32
        scf.if %cond3A_88 {
          %dma_wait3A = arith.constant 0 : i32
          %dma_wait3A_104 = tpu.memref_slice %arg6[%add3A_86, %dma_wait3A] : memref<25x80xi32, #tpu.memory_space<vmem>> -> memref<1x80xi32, #tpu.memory_space<vmem>>
          %dma_wait3A_105 = tpu.memref_squeeze %dma_wait3A_104 : memref<1x80xi32, #tpu.memory_space<vmem>> -> memref<80xi32, #tpu.memory_space<vmem>>
          %dma_wait3A_106 = arith.constant 0 : i32
          %dma_wait3A_107 = arith.constant 0 : i32
          %dma_wait3A_108 = tpu.memref_slice %arg2[%dma_wait3A_106, %dma_wait3A_107] : memref<10000x128xf32, #tpu.memory_space<hbm>> -> memref<10000x128xf32, #tpu.memory_space<hbm>>
          tpu.wait_indirect_dma semaphore(%arg12 : memref<!tpu.dma_semaphore, #tpu.memory_space<semaphore_mem>>) src(%dma_wait3A_108 : memref<10000x128xf32, #tpu.memory_space<hbm>>) dst(%arg8 : memref<80x128xf32, #tpu.memory_space<vmem>>)
          "tpu.region"() ({
            %run_scoped3A = tpu.sem_alloc : memref<!tpu.dma_semaphore, #tpu.memory_space<semaphore_mem>>
            %dma_start3A_116 = arith.constant 0 : i32
            %dma_start3A_117 = tpu.memref_slice %arg7[%add3A_86, %dma_start3A_116] : memref<25x80xi32, #tpu.memory_space<vmem>> -> memref<1x80xi32, #tpu.memory_space<vmem>>
            %dma_start3A_118 = tpu.memref_squeeze %dma_start3A_117 : memref<1x80xi32, #tpu.memory_space<vmem>> -> memref<80xi32, #tpu.memory_space<vmem>>
            %dma_start3A_119 = arith.constant 0 : i32
            %dma_start3A_120 = arith.constant 0 : i32
            %dma_start3A_121 = tpu.memref_slice %arg11[%dma_start3A_119, %dma_start3A_120] : memref<10112x128xf32, #tpu.memory_space<vmem_shared>> -> memref<10112x128xf32, #tpu.memory_space<vmem_shared>>
            tpu.enqueue_indirect_dma source(%arg8 : memref<80x128xf32, #tpu.memory_space<vmem>>) target(%dma_start3A_121 : memref<10112x128xf32, #tpu.memory_space<vmem_shared>>) offsets(%dma_start3A_118 : memref<80xi32, #tpu.memory_space<vmem>>) semaphore(%run_scoped3A : memref<!tpu.dma_semaphore, #tpu.memory_space<semaphore_mem>>) {add = true}
            %dma_wait3A_122 = arith.constant 0 : i32
            %dma_wait3A_123 = tpu.memref_slice %arg7[%add3A_86, %dma_wait3A_122] : memref<25x80xi32, #tpu.memory_space<vmem>> -> memref<1x80xi32, #tpu.memory_space<vmem>>
            %dma_wait3A_124 = tpu.memref_squeeze %dma_wait3A_123 : memref<1x80xi32, #tpu.memory_space<vmem>> -> memref<80xi32, #tpu.memory_space<vmem>>
            %dma_wait3A_125 = arith.constant 0 : i32
            %dma_wait3A_126 = arith.constant 0 : i32
            %dma_wait3A_127 = tpu.memref_slice %arg11[%dma_wait3A_125, %dma_wait3A_126] : memref<10112x128xf32, #tpu.memory_space<vmem_shared>> -> memref<10112x128xf32, #tpu.memory_space<vmem_shared>>
            tpu.wait_indirect_dma semaphore(%run_scoped3A : memref<!tpu.dma_semaphore, #tpu.memory_space<semaphore_mem>>) src(%arg8 : memref<80x128xf32, #tpu.memory_space<vmem>>) dst(%dma_wait3A_127 : memref<10112x128xf32, #tpu.memory_space<vmem_shared>>)
            tpu.yield
          }) : () -> ()
          %add3A_109 = arith.constant 3 : i32
          %add3A_110 = arith.addi %add3A_86, %add3A_109 : i32
          %lt3A_111 = arith.constant 25 : i32
          %lt3A_112 = arith.cmpi slt, %add3A_110, %lt3A_111 : i32
          %convert_element_type3A_113 = arith.extui %lt3A_112 : i1 to i32
          %cond3A_114 = arith.constant 0 : i32
          %cond3A_115 = arith.cmpi ne, %convert_element_type3A_113, %cond3A_114 : i32
          scf.if %cond3A_115 {
            %add3A_116 = arith.constant 3 : i32
            %add3A_117 = arith.addi %add3A_86, %add3A_116 : i32
            %dma_start3A_118 = arith.constant 0 : i32
            %dma_start3A_119 = tpu.memref_slice %arg6[%add3A_117, %dma_start3A_118] : memref<25x80xi32, #tpu.memory_space<vmem>> -> memref<1x80xi32, #tpu.memory_space<vmem>>
            %dma_start3A_120 = tpu.memref_squeeze %dma_start3A_119 : memref<1x80xi32, #tpu.memory_space<vmem>> -> memref<80xi32, #tpu.memory_space<vmem>>
            %dma_start3A_121 = arith.constant 0 : i32
            %dma_start3A_122 = arith.constant 0 : i32
            %dma_start3A_123 = tpu.memref_slice %arg2[%dma_start3A_121, %dma_start3A_122] : memref<10000x128xf32, #tpu.memory_space<hbm>> -> memref<10000x128xf32, #tpu.memory_space<hbm>>
            tpu.enqueue_indirect_dma source(%dma_start3A_123 : memref<10000x128xf32, #tpu.memory_space<hbm>>) target(%arg8 : memref<80x128xf32, #tpu.memory_space<vmem>>) offsets(%dma_start3A_120 : memref<80xi32, #tpu.memory_space<vmem>>) semaphore(%arg12 : memref<!tpu.dma_semaphore, #tpu.memory_space<semaphore_mem>>)
          } else {
          }
        } else {
        }
        %add3A_89 = arith.constant 1 : i32
        %add3A_90 = arith.addi %mul3A_84, %add3A_89 : i32
        %lt3A_91 = arith.constant 25 : i32
        %lt3A_92 = arith.cmpi slt, %add3A_90, %lt3A_91 : i32
        %convert_element_type3A_93 = arith.extui %lt3A_92 : i1 to i32
        %cond3A_94 = arith.constant 0 : i32
        %cond3A_95 = arith.cmpi ne, %convert_element_type3A_93, %cond3A_94 : i32
        scf.if %cond3A_95 {
          %dma_wait3A = arith.constant 0 : i32
          %dma_wait3A_104 = tpu.memref_slice %arg6[%add3A_90, %dma_wait3A] : memref<25x80xi32, #tpu.memory_space<vmem>> -> memref<1x80xi32, #tpu.memory_space<vmem>>
          %dma_wait3A_105 = tpu.memref_squeeze %dma_wait3A_104 : memref<1x80xi32, #tpu.memory_space<vmem>> -> memref<80xi32, #tpu.memory_space<vmem>>
          %dma_wait3A_106 = arith.constant 0 : i32
          %dma_wait3A_107 = arith.constant 0 : i32
          %dma_wait3A_108 = tpu.memref_slice %arg2[%dma_wait3A_106, %dma_wait3A_107] : memref<10000x128xf32, #tpu.memory_space<hbm>> -> memref<10000x128xf32, #tpu.memory_space<hbm>>
          tpu.wait_indirect_dma semaphore(%arg13 : memref<!tpu.dma_semaphore, #tpu.memory_space<semaphore_mem>>) src(%dma_wait3A_108 : memref<10000x128xf32, #tpu.memory_space<hbm>>) dst(%arg9 : memref<80x128xf32, #tpu.memory_space<vmem>>)
          "tpu.region"() ({
            %run_scoped3A = tpu.sem_alloc : memref<!tpu.dma_semaphore, #tpu.memory_space<semaphore_mem>>
            %dma_start3A_116 = arith.constant 0 : i32
            %dma_start3A_117 = tpu.memref_slice %arg7[%add3A_90, %dma_start3A_116] : memref<25x80xi32, #tpu.memory_space<vmem>> -> memref<1x80xi32, #tpu.memory_space<vmem>>
            %dma_start3A_118 = tpu.memref_squeeze %dma_start3A_117 : memref<1x80xi32, #tpu.memory_space<vmem>> -> memref<80xi32, #tpu.memory_space<vmem>>
            %dma_start3A_119 = arith.constant 0 : i32
            %dma_start3A_120 = arith.constant 0 : i32
            %dma_start3A_121 = tpu.memref_slice %arg11[%dma_start3A_119, %dma_start3A_120] : memref<10112x128xf32, #tpu.memory_space<vmem_shared>> -> memref<10112x128xf32, #tpu.memory_space<vmem_shared>>
            tpu.enqueue_indirect_dma source(%arg9 : memref<80x128xf32, #tpu.memory_space<vmem>>) target(%dma_start3A_121 : memref<10112x128xf32, #tpu.memory_space<vmem_shared>>) offsets(%dma_start3A_118 : memref<80xi32, #tpu.memory_space<vmem>>) semaphore(%run_scoped3A : memref<!tpu.dma_semaphore, #tpu.memory_space<semaphore_mem>>) {add = true}
            %dma_wait3A_122 = arith.constant 0 : i32
            %dma_wait3A_123 = tpu.memref_slice %arg7[%add3A_90, %dma_wait3A_122] : memref<25x80xi32, #tpu.memory_space<vmem>> -> memref<1x80xi32, #tpu.memory_space<vmem>>
            %dma_wait3A_124 = tpu.memref_squeeze %dma_wait3A_123 : memref<1x80xi32, #tpu.memory_space<vmem>> -> memref<80xi32, #tpu.memory_space<vmem>>
            %dma_wait3A_125 = arith.constant 0 : i32
            %dma_wait3A_126 = arith.constant 0 : i32
            %dma_wait3A_127 = tpu.memref_slice %arg11[%dma_wait3A_125, %dma_wait3A_126] : memref<10112x128xf32, #tpu.memory_space<vmem_shared>> -> memref<10112x128xf32, #tpu.memory_space<vmem_shared>>
            tpu.wait_indirect_dma semaphore(%run_scoped3A : memref<!tpu.dma_semaphore, #tpu.memory_space<semaphore_mem>>) src(%arg9 : memref<80x128xf32, #tpu.memory_space<vmem>>) dst(%dma_wait3A_127 : memref<10112x128xf32, #tpu.memory_space<vmem_shared>>)
            tpu.yield
          }) : () -> ()
          %add3A_109 = arith.constant 3 : i32
          %add3A_110 = arith.addi %add3A_90, %add3A_109 : i32
          %lt3A_111 = arith.constant 25 : i32
          %lt3A_112 = arith.cmpi slt, %add3A_110, %lt3A_111 : i32
          %convert_element_type3A_113 = arith.extui %lt3A_112 : i1 to i32
          %cond3A_114 = arith.constant 0 : i32
          %cond3A_115 = arith.cmpi ne, %convert_element_type3A_113, %cond3A_114 : i32
          scf.if %cond3A_115 {
            %add3A_116 = arith.constant 3 : i32
            %add3A_117 = arith.addi %add3A_90, %add3A_116 : i32
            %dma_start3A_118 = arith.constant 0 : i32
            %dma_start3A_119 = tpu.memref_slice %arg6[%add3A_117, %dma_start3A_118] : memref<25x80xi32, #tpu.memory_space<vmem>> -> memref<1x80xi32, #tpu.memory_space<vmem>>
            %dma_start3A_120 = tpu.memref_squeeze %dma_start3A_119 : memref<1x80xi32, #tpu.memory_space<vmem>> -> memref<80xi32, #tpu.memory_space<vmem>>
            %dma_start3A_121 = arith.constant 0 : i32
            %dma_start3A_122 = arith.constant 0 : i32
            %dma_start3A_123 = tpu.memref_slice %arg2[%dma_start3A_121, %dma_start3A_122] : memref<10000x128xf32, #tpu.memory_space<hbm>> -> memref<10000x128xf32, #tpu.memory_space<hbm>>
            tpu.enqueue_indirect_dma source(%dma_start3A_123 : memref<10000x128xf32, #tpu.memory_space<hbm>>) target(%arg9 : memref<80x128xf32, #tpu.memory_space<vmem>>) offsets(%dma_start3A_120 : memref<80xi32, #tpu.memory_space<vmem>>) semaphore(%arg13 : memref<!tpu.dma_semaphore, #tpu.memory_space<semaphore_mem>>)
          } else {
          }
        } else {
        }
        %add3A_96 = arith.constant 2 : i32
        %add3A_97 = arith.addi %mul3A_84, %add3A_96 : i32
        %lt3A_98 = arith.constant 25 : i32
        %lt3A_99 = arith.cmpi slt, %add3A_97, %lt3A_98 : i32
        %convert_element_type3A_100 = arith.extui %lt3A_99 : i1 to i32
        %cond3A_101 = arith.constant 0 : i32
        %cond3A_102 = arith.cmpi ne, %convert_element_type3A_100, %cond3A_101 : i32
        scf.if %cond3A_102 {
          %dma_wait3A = arith.constant 0 : i32
          %dma_wait3A_104 = tpu.memref_slice %arg6[%add3A_97, %dma_wait3A] : memref<25x80xi32, #tpu.memory_space<vmem>> -> memref<1x80xi32, #tpu.memory_space<vmem>>
          %dma_wait3A_105 = tpu.memref_squeeze %dma_wait3A_104 : memref<1x80xi32, #tpu.memory_space<vmem>> -> memref<80xi32, #tpu.memory_space<vmem>>
          %dma_wait3A_106 = arith.constant 0 : i32
          %dma_wait3A_107 = arith.constant 0 : i32
          %dma_wait3A_108 = tpu.memref_slice %arg2[%dma_wait3A_106, %dma_wait3A_107] : memref<10000x128xf32, #tpu.memory_space<hbm>> -> memref<10000x128xf32, #tpu.memory_space<hbm>>
          tpu.wait_indirect_dma semaphore(%arg14 : memref<!tpu.dma_semaphore, #tpu.memory_space<semaphore_mem>>) src(%dma_wait3A_108 : memref<10000x128xf32, #tpu.memory_space<hbm>>) dst(%arg10 : memref<80x128xf32, #tpu.memory_space<vmem>>)
          "tpu.region"() ({
            %run_scoped3A = tpu.sem_alloc : memref<!tpu.dma_semaphore, #tpu.memory_space<semaphore_mem>>
            %dma_start3A_116 = arith.constant 0 : i32
            %dma_start3A_117 = tpu.memref_slice %arg7[%add3A_97, %dma_start3A_116] : memref<25x80xi32, #tpu.memory_space<vmem>> -> memref<1x80xi32, #tpu.memory_space<vmem>>
            %dma_start3A_118 = tpu.memref_squeeze %dma_start3A_117 : memref<1x80xi32, #tpu.memory_space<vmem>> -> memref<80xi32, #tpu.memory_space<vmem>>
            %dma_start3A_119 = arith.constant 0 : i32
            %dma_start3A_120 = arith.constant 0 : i32
            %dma_start3A_121 = tpu.memref_slice %arg11[%dma_start3A_119, %dma_start3A_120] : memref<10112x128xf32, #tpu.memory_space<vmem_shared>> -> memref<10112x128xf32, #tpu.memory_space<vmem_shared>>
            tpu.enqueue_indirect_dma source(%arg10 : memref<80x128xf32, #tpu.memory_space<vmem>>) target(%dma_start3A_121 : memref<10112x128xf32, #tpu.memory_space<vmem_shared>>) offsets(%dma_start3A_118 : memref<80xi32, #tpu.memory_space<vmem>>) semaphore(%run_scoped3A : memref<!tpu.dma_semaphore, #tpu.memory_space<semaphore_mem>>) {add = true}
            %dma_wait3A_122 = arith.constant 0 : i32
            %dma_wait3A_123 = tpu.memref_slice %arg7[%add3A_97, %dma_wait3A_122] : memref<25x80xi32, #tpu.memory_space<vmem>> -> memref<1x80xi32, #tpu.memory_space<vmem>>
            %dma_wait3A_124 = tpu.memref_squeeze %dma_wait3A_123 : memref<1x80xi32, #tpu.memory_space<vmem>> -> memref<80xi32, #tpu.memory_space<vmem>>
            %dma_wait3A_125 = arith.constant 0 : i32
            %dma_wait3A_126 = arith.constant 0 : i32
            %dma_wait3A_127 = tpu.memref_slice %arg11[%dma_wait3A_125, %dma_wait3A_126] : memref<10112x128xf32, #tpu.memory_space<vmem_shared>> -> memref<10112x128xf32, #tpu.memory_space<vmem_shared>>
            tpu.wait_indirect_dma semaphore(%run_scoped3A : memref<!tpu.dma_semaphore, #tpu.memory_space<semaphore_mem>>) src(%arg10 : memref<80x128xf32, #tpu.memory_space<vmem>>) dst(%dma_wait3A_127 : memref<10112x128xf32, #tpu.memory_space<vmem_shared>>)
            tpu.yield
          }) : () -> ()
          %add3A_109 = arith.constant 3 : i32
          %add3A_110 = arith.addi %add3A_97, %add3A_109 : i32
          %lt3A_111 = arith.constant 25 : i32
          %lt3A_112 = arith.cmpi slt, %add3A_110, %lt3A_111 : i32
          %convert_element_type3A_113 = arith.extui %lt3A_112 : i1 to i32
          %cond3A_114 = arith.constant 0 : i32
          %cond3A_115 = arith.cmpi ne, %convert_element_type3A_113, %cond3A_114 : i32
          scf.if %cond3A_115 {
            %add3A_116 = arith.constant 3 : i32
            %add3A_117 = arith.addi %add3A_97, %add3A_116 : i32
            %dma_start3A_118 = arith.constant 0 : i32
            %dma_start3A_119 = tpu.memref_slice %arg6[%add3A_117, %dma_start3A_118] : memref<25x80xi32, #tpu.memory_space<vmem>> -> memref<1x80xi32, #tpu.memory_space<vmem>>
            %dma_start3A_120 = tpu.memref_squeeze %dma_start3A_119 : memref<1x80xi32, #tpu.memory_space<vmem>> -> memref<80xi32, #tpu.memory_space<vmem>>
            %dma_start3A_121 = arith.constant 0 : i32
            %dma_start3A_122 = arith.constant 0 : i32
            %dma_start3A_123 = tpu.memref_slice %arg2[%dma_start3A_121, %dma_start3A_122] : memref<10000x128xf32, #tpu.memory_space<hbm>> -> memref<10000x128xf32, #tpu.memory_space<hbm>>
            tpu.enqueue_indirect_dma source(%dma_start3A_123 : memref<10000x128xf32, #tpu.memory_space<hbm>>) target(%arg10 : memref<80x128xf32, #tpu.memory_space<vmem>>) offsets(%dma_start3A_120 : memref<80xi32, #tpu.memory_space<vmem>>) semaphore(%arg14 : memref<!tpu.dma_semaphore, #tpu.memory_space<semaphore_mem>>)
          } else {
          }
        } else {
        }
        %scan3A_103 = arith.constant 0 : i32
        scf.yield %scan3A_103 : i32
      }
      %scan3A_79 = arith.constant 9 : i32
      %scan3A_80 = arith.constant 0 : i32
      scf.yield %scan3A_80 : i32
    }
    %scan3A_45 = arith.constant 5 : i32
    %barrier3A_46 = arith.constant 0 : index
    tpu.barrier barrier_id(%barrier3A_46)
    %mul3A_47 = arith.constant 632 : i32
    %mul3A_48 = arith.muli %arg1, %mul3A_47 : i32
    %mul3A_49 = arith.constant 632 : i32
    %mul3A_50 = arith.muli %arg1, %mul3A_49 : i32
    "tpu.region"() ({
      %run_scoped3A = tpu.sem_alloc : memref<!tpu.dma_semaphore, #tpu.memory_space<semaphore_mem>>
      %dma_start3A = arith.constant 0 : i32
      %dma_start3A_51 = tpu.memref_slice %arg5[%arg0, %mul3A_50, %dma_start3A] : memref<2x10112x128xf32, #tpu.memory_space<hbm>> -> memref<1x632x128xf32, #tpu.memory_space<hbm>>
      %dma_start3A_52 = tpu.memref_squeeze %dma_start3A_51 : memref<1x632x128xf32, #tpu.memory_space<hbm>> -> memref<632x128xf32, #tpu.memory_space<hbm>>
      %dma_start3A_53 = arith.constant 0 : i32
      %dma_start3A_54 = tpu.memref_slice %arg11[%mul3A_48, %dma_start3A_53] : memref<10112x128xf32, #tpu.memory_space<vmem_shared>> -> memref<632x128xf32, #tpu.memory_space<vmem_shared>>
      tpu.enqueue_dma source(%dma_start3A_54 : memref<632x128xf32, #tpu.memory_space<vmem_shared>>) target(%dma_start3A_52 : memref<632x128xf32, #tpu.memory_space<hbm>>) target_semaphore(%run_scoped3A : memref<!tpu.dma_semaphore, #tpu.memory_space<semaphore_mem>>)
      %dma_wait3A = arith.constant 0 : i32
      %dma_wait3A_55 = tpu.memref_slice %arg5[%arg0, %mul3A_50, %dma_wait3A] : memref<2x10112x128xf32, #tpu.memory_space<hbm>> -> memref<1x632x128xf32, #tpu.memory_space<hbm>>
      %dma_wait3A_56 = tpu.memref_squeeze %dma_wait3A_55 : memref<1x632x128xf32, #tpu.memory_space<hbm>> -> memref<632x128xf32, #tpu.memory_space<hbm>>
      %dma_wait3A_57 = arith.constant 0 : i32
      %dma_wait3A_58 = tpu.memref_slice %arg11[%mul3A_48, %dma_wait3A_57] : memref<10112x128xf32, #tpu.memory_space<vmem_shared>> -> memref<632x128xf32, #tpu.memory_space<vmem_shared>>
      tpu.wait_dma2 semaphore(%run_scoped3A : memref<!tpu.dma_semaphore, #tpu.memory_space<semaphore_mem>>) src(%dma_wait3A_58 : memref<632x128xf32, #tpu.memory_space<vmem_shared>>) dst(%dma_wait3A_56 : memref<632x128xf32, #tpu.memory_space<hbm>>)
      tpu.yield
    }) : () -> ()
    return
  }
}

#map = affine_map<(d0, d1) -> (0, 0)>
#map1 = affine_map<(d0, d1) -> (0, 0, 0, 0)>
#map2 = affine_map<(d0, d1) -> (0, 0, 0)>
module attributes {stable_mosaic.version = 14 : i64} {
  func.func @body(%arg0: i32, %arg1: i32, %arg2: memref<10000x128xf32, #tpu.memory_space<hbm>>, %arg3: memref<32x5x25x80xi32, #tpu.memory_space<hbm>>, %arg4: memref<32x5x25x80xi32, #tpu.memory_space<hbm>>, %arg5: memref<2x10112x128xf32, #tpu.memory_space<hbm>>, %arg6: memref<25x80xi32, #tpu.memory_space<vmem>>, %arg7: memref<25x80xi32, #tpu.memory_space<vmem>>, %arg8: memref<80x128xf32, #tpu.memory_space<vmem>>, %arg9: memref<80x128xf32, #tpu.memory_space<vmem>>, %arg10: memref<80x128xf32, #tpu.memory_space<vmem>>, %arg11: memref<10112x128xf32, #tpu.memory_space<vmem_shared>>, %arg12: memref<!tpu.dma_semaphore, #tpu.memory_space<semaphore_mem>>, %arg13: memref<!tpu.dma_semaphore, #tpu.memory_space<semaphore_mem>>, %arg14: memref<!tpu.dma_semaphore, #tpu.memory_space<semaphore_mem>>) attributes {dimension_semantics = [#tpu.dimension_semantics<core_parallel>, #tpu.dimension_semantics<subcore_parallel>], iteration_bounds = array<i64: 2, 16>, scalar_prefetch = 0 : i64, scratch_operands = 9 : i64, tpu.core_type = #tpu.core_type<sc_vector_subcore>, window_params = [{transform_indices = #map}, {transform_indices = #map1}, {transform_indices = #map1}, {transform_indices = #map2}]} {
    %mul3A = arith.constant 16 : i32
    %mul3A_0 = arith.muli %arg0, %mul3A : i32
    %add3A = arith.addi %mul3A_0, %arg1 : i32
    %scan3A = arith.constant 0 : i32
    %scan3A_1 = arith.constant 0 : i32
    %scan3A_2 = arith.constant 80 : i32
    %scan3A_3 = arith.addi %scan3A_1, %scan3A_2 : i32
    %scan3A_4 = arith.constant 1 : i32
    %scan3A_5 = scf.for %scan3A_51 = %scan3A_1 to %scan3A_3 step %scan3A_4 iter_args(%scan3A_52 = %scan3A) -> (i32)  : i32 {
      %scan3A_53 = arith.constant 0 : i32
      %scan3A_54 = arith.constant 0 : i32
      %scan3A_55 = arith.constant 8 : i32
      %scan3A_56 = arith.addi %scan3A_54, %scan3A_55 : i32
      %scan3A_57 = arith.constant 1 : i32
      %scan3A_58 = scf.for %scan3A_60 = %scan3A_54 to %scan3A_56 step %scan3A_57 iter_args(%scan3A_61 = %scan3A_53) -> (i32)  : i32 {
        %broadcast_in_dim3A = arith.constant 0.000000e+00 : f32
        %broadcast_in_dim3A_62 = vector.broadcast %broadcast_in_dim3A : f32 to vector<16xf32>
        %mul3A_63 = arith.constant 16 : i32
        %mul3A_64 = arith.muli %scan3A_60, %mul3A_63 : i32
        %swap3A = arith.index_cast %scan3A_51 : i32 to index
        %swap3A_65 = arith.index_cast %mul3A_64 : i32 to index
        %swap3A_66 = tpu.vector_load %arg8[%swap3A, %swap3A_65] {strides = array<i32>} : memref<80x128xf32, #tpu.memory_space<vmem>>, vector<1x16xf32>,
        %swap3A_67 = vector.shape_cast %swap3A_66 : vector<1x16xf32> to vector<16xf32>
        %swap3A_68 = vector.shape_cast %broadcast_in_dim3A_62 : vector<16xf32> to vector<1x16xf32>
        tpu.vector_store %arg8[%swap3A, %swap3A_65], %swap3A_68 {strides = array<i32>} : memref<80x128xf32, #tpu.memory_space<vmem>>, vector<1x16xf32>,
        %scan3A_69 = arith.constant 0 : i32
        scf.yield %scan3A_69 : i32
      }
      %scan3A_59 = arith.constant 8 : i32
      scf.yield %scan3A_58 : i32
    }
    %scan3A_6 = arith.constant 80 : i32
    %mul3A_7 = arith.constant 632 : i32
    %mul3A_8 = arith.muli %arg1, %mul3A_7 : i32
    %add3A_9 = arith.constant 0 : i32
    %add3A_10 = arith.addi %mul3A_8, %add3A_9 : i32
    "tpu.region"() ({
      %run_scoped3A = tpu.sem_alloc : memref<!tpu.dma_semaphore, #tpu.memory_space<semaphore_mem>>
      %dma_start3A = arith.constant 0 : i32
      %dma_start3A_51 = arith.constant 0 : i32
      %dma_start3A_52 = tpu.memref_slice %arg8[%dma_start3A, %dma_start3A_51] : memref<80x128xf32, #tpu.memory_space<vmem>> -> memref<79x128xf32, #tpu.memory_space<vmem>>
      %dma_start3A_53 = arith.constant 0 : i32
      %dma_start3A_54 = tpu.memref_slice %arg11[%add3A_10, %dma_start3A_53] : memref<10112x128xf32, #tpu.memory_space<vmem_shared>> -> memref<79x128xf32, #tpu.memory_space<vmem_shared>>
      %dma_start3A_55 = arith.constant 0 : i32
      %dma_start3A_56 = tpu.memref_slice %arg11[%add3A_10, %dma_start3A_55] : memref<10112x128xf32, #tpu.memory_space<vmem_shared>> -> memref<79x128xf32, #tpu.memory_space<vmem_shared>>
      %dma_start3A_57 = arith.constant 0 : i32
      %dma_start3A_58 = arith.constant 0 : i32
      %dma_start3A_59 = tpu.memref_slice %arg8[%dma_start3A_57, %dma_start3A_58] : memref<80x128xf32, #tpu.memory_space<vmem>> -> memref<79x128xf32, #tpu.memory_space<vmem>>
      tpu.enqueue_dma source(%dma_start3A_59 : memref<79x128xf32, #tpu.memory_space<vmem>>) target(%dma_start3A_56 : memref<79x128xf32, #tpu.memory_space<vmem_shared>>) target_semaphore(%run_scoped3A : memref<!tpu.dma_semaphore, #tpu.memory_space<semaphore_mem>>)
      %dma_wait3A = arith.constant 0 : i32
      %dma_wait3A_60 = arith.constant 0 : i32
      %dma_wait3A_61 = tpu.memref_slice %arg8[%dma_wait3A, %dma_wait3A_60] : memref<80x128xf32, #tpu.memory_space<vmem>> -> memref<79x128xf32, #tpu.memory_space<vmem>>
      %dma_wait3A_62 = arith.constant 0 : i32
      %dma_wait3A_63 = tpu.memref_slice %arg11[%add3A_10, %dma_wait3A_62] : memref<10112x128xf32, #tpu.memory_space<vmem_shared>> -> memref<79x128xf32, #tpu.memory_space<vmem_shared>>
      %dma_wait3A_64 = arith.constant 0 : i32
      %dma_wait3A_65 = tpu.memref_slice %arg11[%add3A_10, %dma_wait3A_64] : memref<10112x128xf32, #tpu.memory_space<vmem_shared>> -> memref<79x128xf32, #tpu.memory_space<vmem_shared>>
      %dma_wait3A_66 = arith.constant 0 : i32
      %dma_wait3A_67 = arith.constant 0 : i32
      %dma_wait3A_68 = tpu.memref_slice %arg8[%dma_wait3A_66, %dma_wait3A_67] : memref<80x128xf32, #tpu.memory_space<vmem>> -> memref<79x128xf32, #tpu.memory_space<vmem>>
      tpu.wait_dma2 semaphore(%run_scoped3A : memref<!tpu.dma_semaphore, #tpu.memory_space<semaphore_mem>>) src(%dma_wait3A_68 : memref<79x128xf32, #tpu.memory_space<vmem>>) dst(%dma_wait3A_65 : memref<79x128xf32, #tpu.memory_space<vmem_shared>>)
      tpu.yield
    }) : () -> ()
    %mul3A_11 = arith.constant 632 : i32
    %mul3A_12 = arith.muli %arg1, %mul3A_11 : i32
    %add3A_13 = arith.constant 79 : i32
    %add3A_14 = arith.addi %mul3A_12, %add3A_13 : i32
    "tpu.region"() ({
      %run_scoped3A = tpu.sem_alloc : memref<!tpu.dma_semaphore, #tpu.memory_space<semaphore_mem>>
      %dma_start3A = arith.constant 0 : i32
      %dma_start3A_51 = arith.constant 0 : i32
      %dma_start3A_52 = tpu.memref_slice %arg8[%dma_start3A, %dma_start3A_51] : memref<80x128xf32, #tpu.memory_space<vmem>> -> memref<79x128xf32, #tpu.memory_space<vmem>>
      %dma_start3A_53 = arith.constant 0 : i32
      %dma_start3A_54 = tpu.memref_slice %arg11[%add3A_14, %dma_start3A_53] : memref<10112x128xf32, #tpu.memory_space<vmem_shared>> -> memref<79x128xf32, #tpu.memory_space<vmem_shared>>
      %dma_start3A_55 = arith.constant 0 : i32
      %dma_start3A_56 = tpu.memref_slice %arg11[%add3A_14, %dma_start3A_55] : memref<10112x128xf32, #tpu.memory_space<vmem_shared>> -> memref<79x128xf32, #tpu.memory_space<vmem_shared>>
      %dma_start3A_57 = arith.constant 0 : i32
      %dma_start3A_58 = arith.constant 0 : i32
      %dma_start3A_59 = tpu.memref_slice %arg8[%dma_start3A_57, %dma_start3A_58] : memref<80x128xf32, #tpu.memory_space<vmem>> -> memref<79x128xf32, #tpu.memory_space<vmem>>
      tpu.enqueue_dma source(%dma_start3A_59 : memref<79x128xf32, #tpu.memory_space<vmem>>) target(%dma_start3A_56 : memref<79x128xf32, #tpu.memory_space<vmem_shared>>) target_semaphore(%run_scoped3A : memref<!tpu.dma_semaphore, #tpu.memory_space<semaphore_mem>>)
      %dma_wait3A = arith.constant 0 : i32
      %dma_wait3A_60 = arith.constant 0 : i32
      %dma_wait3A_61 = tpu.memref_slice %arg8[%dma_wait3A, %dma_wait3A_60] : memref<80x128xf32, #tpu.memory_space<vmem>> -> memref<79x128xf32, #tpu.memory_space<vmem>>
      %dma_wait3A_62 = arith.constant 0 : i32
      %dma_wait3A_63 = tpu.memref_slice %arg11[%add3A_14, %dma_wait3A_62] : memref<10112x128xf32, #tpu.memory_space<vmem_shared>> -> memref<79x128xf32, #tpu.memory_space<vmem_shared>>
      %dma_wait3A_64 = arith.constant 0 : i32
      %dma_wait3A_65 = tpu.memref_slice %arg11[%add3A_14, %dma_wait3A_64] : memref<10112x128xf32, #tpu.memory_space<vmem_shared>> -> memref<79x128xf32, #tpu.memory_space<vmem_shared>>
      %dma_wait3A_66 = arith.constant 0 : i32
      %dma_wait3A_67 = arith.constant 0 : i32
      %dma_wait3A_68 = tpu.memref_slice %arg8[%dma_wait3A_66, %dma_wait3A_67] : memref<80x128xf32, #tpu.memory_space<vmem>> -> memref<79x128xf32, #tpu.memory_space<vmem>>
      tpu.wait_dma2 semaphore(%run_scoped3A : memref<!tpu.dma_semaphore, #tpu.memory_space<semaphore_mem>>) src(%dma_wait3A_68 : memref<79x128xf32, #tpu.memory_space<vmem>>) dst(%dma_wait3A_65 : memref<79x128xf32, #tpu.memory_space<vmem_shared>>)
      tpu.yield
    }) : () -> ()
    %mul3A_15 = arith.constant 632 : i32
    %mul3A_16 = arith.muli %arg1, %mul3A_15 : i32
    %add3A_17 = arith.constant 158 : i32
    %add3A_18 = arith.addi %mul3A_16, %add3A_17 : i32
    "tpu.region"() ({
      %run_scoped3A = tpu.sem_alloc : memref<!tpu.dma_semaphore, #tpu.memory_space<semaphore_mem>>
      %dma_start3A = arith.constant 0 : i32
      %dma_start3A_51 = arith.constant 0 : i32
      %dma_start3A_52 = tpu.memref_slice %arg8[%dma_start3A, %dma_start3A_51] : memref<80x128xf32, #tpu.memory_space<vmem>> -> memref<79x128xf32, #tpu.memory_space<vmem>>
      %dma_start3A_53 = arith.constant 0 : i32
      %dma_start3A_54 = tpu.memref_slice %arg11[%add3A_18, %dma_start3A_53] : memref<10112x128xf32, #tpu.memory_space<vmem_shared>> -> memref<79x128xf32, #tpu.memory_space<vmem_shared>>
      %dma_start3A_55 = arith.constant 0 : i32
      %dma_start3A_56 = tpu.memref_slice %arg11[%add3A_18, %dma_start3A_55] : memref<10112x128xf32, #tpu.memory_space<vmem_shared>> -> memref<79x128xf32, #tpu.memory_space<vmem_shared>>
      %dma_start3A_57 = arith.constant 0 : i32
      %dma_start3A_58 = arith.constant 0 : i32
      %dma_start3A_59 = tpu.memref_slice %arg8[%dma_start3A_57, %dma_start3A_58] : memref<80x128xf32, #tpu.memory_space<vmem>> -> memref<79x128xf32, #tpu.memory_space<vmem>>
      tpu.enqueue_dma source(%dma_start3A_59 : memref<79x128xf32, #tpu.memory_space<vmem>>) target(%dma_start3A_56 : memref<79x128xf32, #tpu.memory_space<vmem_shared>>) target_semaphore(%run_scoped3A : memref<!tpu.dma_semaphore, #tpu.memory_space<semaphore_mem>>)
      %dma_wait3A = arith.constant 0 : i32
      %dma_wait3A_60 = arith.constant 0 : i32
      %dma_wait3A_61 = tpu.memref_slice %arg8[%dma_wait3A, %dma_wait3A_60] : memref<80x128xf32, #tpu.memory_space<vmem>> -> memref<79x128xf32, #tpu.memory_space<vmem>>
      %dma_wait3A_62 = arith.constant 0 : i32
      %dma_wait3A_63 = tpu.memref_slice %arg11[%add3A_18, %dma_wait3A_62] : memref<10112x128xf32, #tpu.memory_space<vmem_shared>> -> memref<79x128xf32, #tpu.memory_space<vmem_shared>>
      %dma_wait3A_64 = arith.constant 0 : i32
      %dma_wait3A_65 = tpu.memref_slice %arg11[%add3A_18, %dma_wait3A_64] : memref<10112x128xf32, #tpu.memory_space<vmem_shared>> -> memref<79x128xf32, #tpu.memory_space<vmem_shared>>
      %dma_wait3A_66 = arith.constant 0 : i32
      %dma_wait3A_67 = arith.constant 0 : i32
      %dma_wait3A_68 = tpu.memref_slice %arg8[%dma_wait3A_66, %dma_wait3A_67] : memref<80x128xf32, #tpu.memory_space<vmem>> -> memref<79x128xf32, #tpu.memory_space<vmem>>
      tpu.wait_dma2 semaphore(%run_scoped3A : memref<!tpu.dma_semaphore, #tpu.memory_space<semaphore_mem>>) src(%dma_wait3A_68 : memref<79x128xf32, #tpu.memory_space<vmem>>) dst(%dma_wait3A_65 : memref<79x128xf32, #tpu.memory_space<vmem_shared>>)
      tpu.yield
    }) : () -> ()
    %mul3A_19 = arith.constant 632 : i32
    %mul3A_20 = arith.muli %arg1, %mul3A_19 : i32
    %add3A_21 = arith.constant 237 : i32
    %add3A_22 = arith.addi %mul3A_20, %add3A_21 : i32
    "tpu.region"() ({
      %run_scoped3A = tpu.sem_alloc : memref<!tpu.dma_semaphore, #tpu.memory_space<semaphore_mem>>
      %dma_start3A = arith.constant 0 : i32
      %dma_start3A_51 = arith.constant 0 : i32
      %dma_start3A_52 = tpu.memref_slice %arg8[%dma_start3A, %dma_start3A_51] : memref<80x128xf32, #tpu.memory_space<vmem>> -> memref<79x128xf32, #tpu.memory_space<vmem>>
      %dma_start3A_53 = arith.constant 0 : i32
      %dma_start3A_54 = tpu.memref_slice %arg11[%add3A_22, %dma_start3A_53] : memref<10112x128xf32, #tpu.memory_space<vmem_shared>> -> memref<79x128xf32, #tpu.memory_space<vmem_shared>>
      %dma_start3A_55 = arith.constant 0 : i32
      %dma_start3A_56 = tpu.memref_slice %arg11[%add3A_22, %dma_start3A_55] : memref<10112x128xf32, #tpu.memory_space<vmem_shared>> -> memref<79x128xf32, #tpu.memory_space<vmem_shared>>
      %dma_start3A_57 = arith.constant 0 : i32
      %dma_start3A_58 = arith.constant 0 : i32
      %dma_start3A_59 = tpu.memref_slice %arg8[%dma_start3A_57, %dma_start3A_58] : memref<80x128xf32, #tpu.memory_space<vmem>> -> memref<79x128xf32, #tpu.memory_space<vmem>>
      tpu.enqueue_dma source(%dma_start3A_59 : memref<79x128xf32, #tpu.memory_space<vmem>>) target(%dma_start3A_56 : memref<79x128xf32, #tpu.memory_space<vmem_shared>>) target_semaphore(%run_scoped3A : memref<!tpu.dma_semaphore, #tpu.memory_space<semaphore_mem>>)
      %dma_wait3A = arith.constant 0 : i32
      %dma_wait3A_60 = arith.constant 0 : i32
      %dma_wait3A_61 = tpu.memref_slice %arg8[%dma_wait3A, %dma_wait3A_60] : memref<80x128xf32, #tpu.memory_space<vmem>> -> memref<79x128xf32, #tpu.memory_space<vmem>>
      %dma_wait3A_62 = arith.constant 0 : i32
      %dma_wait3A_63 = tpu.memref_slice %arg11[%add3A_22, %dma_wait3A_62] : memref<10112x128xf32, #tpu.memory_space<vmem_shared>> -> memref<79x128xf32, #tpu.memory_space<vmem_shared>>
      %dma_wait3A_64 = arith.constant 0 : i32
      %dma_wait3A_65 = tpu.memref_slice %arg11[%add3A_22, %dma_wait3A_64] : memref<10112x128xf32, #tpu.memory_space<vmem_shared>> -> memref<79x128xf32, #tpu.memory_space<vmem_shared>>
      %dma_wait3A_66 = arith.constant 0 : i32
      %dma_wait3A_67 = arith.constant 0 : i32
      %dma_wait3A_68 = tpu.memref_slice %arg8[%dma_wait3A_66, %dma_wait3A_67] : memref<80x128xf32, #tpu.memory_space<vmem>> -> memref<79x128xf32, #tpu.memory_space<vmem>>
      tpu.wait_dma2 semaphore(%run_scoped3A : memref<!tpu.dma_semaphore, #tpu.memory_space<semaphore_mem>>) src(%dma_wait3A_68 : memref<79x128xf32, #tpu.memory_space<vmem>>) dst(%dma_wait3A_65 : memref<79x128xf32, #tpu.memory_space<vmem_shared>>)
      tpu.yield
    }) : () -> ()
    %mul3A_23 = arith.constant 632 : i32
    %mul3A_24 = arith.muli %arg1, %mul3A_23 : i32
    %add3A_25 = arith.constant 316 : i32
    %add3A_26 = arith.addi %mul3A_24, %add3A_25 : i32
    "tpu.region"() ({
      %run_scoped3A = tpu.sem_alloc : memref<!tpu.dma_semaphore, #tpu.memory_space<semaphore_mem>>
      %dma_start3A = arith.constant 0 : i32
      %dma_start3A_51 = arith.constant 0 : i32
      %dma_start3A_52 = tpu.memref_slice %arg8[%dma_start3A, %dma_start3A_51] : memref<80x128xf32, #tpu.memory_space<vmem>> -> memref<79x128xf32, #tpu.memory_space<vmem>>
      %dma_start3A_53 = arith.constant 0 : i32
      %dma_start3A_54 = tpu.memref_slice %arg11[%add3A_26, %dma_start3A_53] : memref<10112x128xf32, #tpu.memory_space<vmem_shared>> -> memref<79x128xf32, #tpu.memory_space<vmem_shared>>
      %dma_start3A_55 = arith.constant 0 : i32
      %dma_start3A_56 = tpu.memref_slice %arg11[%add3A_26, %dma_start3A_55] : memref<10112x128xf32, #tpu.memory_space<vmem_shared>> -> memref<79x128xf32, #tpu.memory_space<vmem_shared>>
      %dma_start3A_57 = arith.constant 0 : i32
      %dma_start3A_58 = arith.constant 0 : i32
      %dma_start3A_59 = tpu.memref_slice %arg8[%dma_start3A_57, %dma_start3A_58] : memref<80x128xf32, #tpu.memory_space<vmem>> -> memref<79x128xf32, #tpu.memory_space<vmem>>
      tpu.enqueue_dma source(%dma_start3A_59 : memref<79x128xf32, #tpu.memory_space<vmem>>) target(%dma_start3A_56 : memref<79x128xf32, #tpu.memory_space<vmem_shared>>) target_semaphore(%run_scoped3A : memref<!tpu.dma_semaphore, #tpu.memory_space<semaphore_mem>>)
      %dma_wait3A = arith.constant 0 : i32
      %dma_wait3A_60 = arith.constant 0 : i32
      %dma_wait3A_61 = tpu.memref_slice %arg8[%dma_wait3A, %dma_wait3A_60] : memref<80x128xf32, #tpu.memory_space<vmem>> -> memref<79x128xf32, #tpu.memory_space<vmem>>
      %dma_wait3A_62 = arith.constant 0 : i32
      %dma_wait3A_63 = tpu.memref_slice %arg11[%add3A_26, %dma_wait3A_62] : memref<10112x128xf32, #tpu.memory_space<vmem_shared>> -> memref<79x128xf32, #tpu.memory_space<vmem_shared>>
      %dma_wait3A_64 = arith.constant 0 : i32
      %dma_wait3A_65 = tpu.memref_slice %arg11[%add3A_26, %dma_wait3A_64] : memref<10112x128xf32, #tpu.memory_space<vmem_shared>> -> memref<79x128xf32, #tpu.memory_space<vmem_shared>>
      %dma_wait3A_66 = arith.constant 0 : i32
      %dma_wait3A_67 = arith.constant 0 : i32
      %dma_wait3A_68 = tpu.memref_slice %arg8[%dma_wait3A_66, %dma_wait3A_67] : memref<80x128xf32, #tpu.memory_space<vmem>> -> memref<79x128xf32, #tpu.memory_space<vmem>>
      tpu.wait_dma2 semaphore(%run_scoped3A : memref<!tpu.dma_semaphore, #tpu.memory_space<semaphore_mem>>) src(%dma_wait3A_68 : memref<79x128xf32, #tpu.memory_space<vmem>>) dst(%dma_wait3A_65 : memref<79x128xf32, #tpu.memory_space<vmem_shared>>)
      tpu.yield
    }) : () -> ()
    %mul3A_27 = arith.constant 632 : i32
    %mul3A_28 = arith.muli %arg1, %mul3A_27 : i32
    %add3A_29 = arith.constant 395 : i32
    %add3A_30 = arith.addi %mul3A_28, %add3A_29 : i32
    "tpu.region"() ({
      %run_scoped3A = tpu.sem_alloc : memref<!tpu.dma_semaphore, #tpu.memory_space<semaphore_mem>>
      %dma_start3A = arith.constant 0 : i32
      %dma_start3A_51 = arith.constant 0 : i32
      %dma_start3A_52 = tpu.memref_slice %arg8[%dma_start3A, %dma_start3A_51] : memref<80x128xf32, #tpu.memory_space<vmem>> -> memref<79x128xf32, #tpu.memory_space<vmem>>
      %dma_start3A_53 = arith.constant 0 : i32
      %dma_start3A_54 = tpu.memref_slice %arg11[%add3A_30, %dma_start3A_53] : memref<10112x128xf32, #tpu.memory_space<vmem_shared>> -> memref<79x128xf32, #tpu.memory_space<vmem_shared>>
      %dma_start3A_55 = arith.constant 0 : i32
      %dma_start3A_56 = tpu.memref_slice %arg11[%add3A_30, %dma_start3A_55] : memref<10112x128xf32, #tpu.memory_space<vmem_shared>> -> memref<79x128xf32, #tpu.memory_space<vmem_shared>>
      %dma_start3A_57 = arith.constant 0 : i32
      %dma_start3A_58 = arith.constant 0 : i32
      %dma_start3A_59 = tpu.memref_slice %arg8[%dma_start3A_57, %dma_start3A_58] : memref<80x128xf32, #tpu.memory_space<vmem>> -> memref<79x128xf32, #tpu.memory_space<vmem>>
      tpu.enqueue_dma source(%dma_start3A_59 : memref<79x128xf32, #tpu.memory_space<vmem>>) target(%dma_start3A_56 : memref<79x128xf32, #tpu.memory_space<vmem_shared>>) target_semaphore(%run_scoped3A : memref<!tpu.dma_semaphore, #tpu.memory_space<semaphore_mem>>)
      %dma_wait3A = arith.constant 0 : i32
      %dma_wait3A_60 = arith.constant 0 : i32
      %dma_wait3A_61 = tpu.memref_slice %arg8[%dma_wait3A, %dma_wait3A_60] : memref<80x128xf32, #tpu.memory_space<vmem>> -> memref<79x128xf32, #tpu.memory_space<vmem>>
      %dma_wait3A_62 = arith.constant 0 : i32
      %dma_wait3A_63 = tpu.memref_slice %arg11[%add3A_30, %dma_wait3A_62] : memref<10112x128xf32, #tpu.memory_space<vmem_shared>> -> memref<79x128xf32, #tpu.memory_space<vmem_shared>>
      %dma_wait3A_64 = arith.constant 0 : i32
      %dma_wait3A_65 = tpu.memref_slice %arg11[%add3A_30, %dma_wait3A_64] : memref<10112x128xf32, #tpu.memory_space<vmem_shared>> -> memref<79x128xf32, #tpu.memory_space<vmem_shared>>
      %dma_wait3A_66 = arith.constant 0 : i32
      %dma_wait3A_67 = arith.constant 0 : i32
      %dma_wait3A_68 = tpu.memref_slice %arg8[%dma_wait3A_66, %dma_wait3A_67] : memref<80x128xf32, #tpu.memory_space<vmem>> -> memref<79x128xf32, #tpu.memory_space<vmem>>
      tpu.wait_dma2 semaphore(%run_scoped3A : memref<!tpu.dma_semaphore, #tpu.memory_space<semaphore_mem>>) src(%dma_wait3A_68 : memref<79x128xf32, #tpu.memory_space<vmem>>) dst(%dma_wait3A_65 : memref<79x128xf32, #tpu.memory_space<vmem_shared>>)
      tpu.yield
    }) : () -> ()
    %mul3A_31 = arith.constant 632 : i32
    %mul3A_32 = arith.muli %arg1, %mul3A_31 : i32
    %add3A_33 = arith.constant 474 : i32
    %add3A_34 = arith.addi %mul3A_32, %add3A_33 : i32
    "tpu.region"() ({
      %run_scoped3A = tpu.sem_alloc : memref<!tpu.dma_semaphore, #tpu.memory_space<semaphore_mem>>
      %dma_start3A = arith.constant 0 : i32
      %dma_start3A_51 = arith.constant 0 : i32
      %dma_start3A_52 = tpu.memref_slice %arg8[%dma_start3A, %dma_start3A_51] : memref<80x128xf32, #tpu.memory_space<vmem>> -> memref<79x128xf32, #tpu.memory_space<vmem>>
      %dma_start3A_53 = arith.constant 0 : i32
      %dma_start3A_54 = tpu.memref_slice %arg11[%add3A_34, %dma_start3A_53] : memref<10112x128xf32, #tpu.memory_space<vmem_shared>> -> memref<79x128xf32, #tpu.memory_space<vmem_shared>>
      %dma_start3A_55 = arith.constant 0 : i32
      %dma_start3A_56 = tpu.memref_slice %arg11[%add3A_34, %dma_start3A_55] : memref<10112x128xf32, #tpu.memory_space<vmem_shared>> -> memref<79x128xf32, #tpu.memory_space<vmem_shared>>
      %dma_start3A_57 = arith.constant 0 : i32
      %dma_start3A_58 = arith.constant 0 : i32
      %dma_start3A_59 = tpu.memref_slice %arg8[%dma_start3A_57, %dma_start3A_58] : memref<80x128xf32, #tpu.memory_space<vmem>> -> memref<79x128xf32, #tpu.memory_space<vmem>>
      tpu.enqueue_dma source(%dma_start3A_59 : memref<79x128xf32, #tpu.memory_space<vmem>>) target(%dma_start3A_56 : memref<79x128xf32, #tpu.memory_space<vmem_shared>>) target_semaphore(%run_scoped3A : memref<!tpu.dma_semaphore, #tpu.memory_space<semaphore_mem>>)
      %dma_wait3A = arith.constant 0 : i32
      %dma_wait3A_60 = arith.constant 0 : i32
      %dma_wait3A_61 = tpu.memref_slice %arg8[%dma_wait3A, %dma_wait3A_60] : memref<80x128xf32, #tpu.memory_space<vmem>> -> memref<79x128xf32, #tpu.memory_space<vmem>>
      %dma_wait3A_62 = arith.constant 0 : i32
      %dma_wait3A_63 = tpu.memref_slice %arg11[%add3A_34, %dma_wait3A_62] : memref<10112x128xf32, #tpu.memory_space<vmem_shared>> -> memref<79x128xf32, #tpu.memory_space<vmem_shared>>
      %dma_wait3A_64 = arith.constant 0 : i32
      %dma_wait3A_65 = tpu.memref_slice %arg11[%add3A_34, %dma_wait3A_64] : memref<10112x128xf32, #tpu.memory_space<vmem_shared>> -> memref<79x128xf32, #tpu.memory_space<vmem_shared>>
      %dma_wait3A_66 = arith.constant 0 : i32
      %dma_wait3A_67 = arith.constant 0 : i32
      %dma_wait3A_68 = tpu.memref_slice %arg8[%dma_wait3A_66, %dma_wait3A_67] : memref<80x128xf32, #tpu.memory_space<vmem>> -> memref<79x128xf32, #tpu.memory_space<vmem>>
      tpu.wait_dma2 semaphore(%run_scoped3A : memref<!tpu.dma_semaphore, #tpu.memory_space<semaphore_mem>>) src(%dma_wait3A_68 : memref<79x128xf32, #tpu.memory_space<vmem>>) dst(%dma_wait3A_65 : memref<79x128xf32, #tpu.memory_space<vmem_shared>>)
      tpu.yield
    }) : () -> ()
    %mul3A_35 = arith.constant 632 : i32
    %mul3A_36 = arith.muli %arg1, %mul3A_35 : i32
    %add3A_37 = arith.constant 553 : i32
    %add3A_38 = arith.addi %mul3A_36, %add3A_37 : i32
    "tpu.region"() ({
      %run_scoped3A = tpu.sem_alloc : memref<!tpu.dma_semaphore, #tpu.memory_space<semaphore_mem>>
      %dma_start3A = arith.constant 0 : i32
      %dma_start3A_51 = arith.constant 0 : i32
      %dma_start3A_52 = tpu.memref_slice %arg8[%dma_start3A, %dma_start3A_51] : memref<80x128xf32, #tpu.memory_space<vmem>> -> memref<79x128xf32, #tpu.memory_space<vmem>>
      %dma_start3A_53 = arith.constant 0 : i32
      %dma_start3A_54 = tpu.memref_slice %arg11[%add3A_38, %dma_start3A_53] : memref<10112x128xf32, #tpu.memory_space<vmem_shared>> -> memref<79x128xf32, #tpu.memory_space<vmem_shared>>
      %dma_start3A_55 = arith.constant 0 : i32
      %dma_start3A_56 = tpu.memref_slice %arg11[%add3A_38, %dma_start3A_55] : memref<10112x128xf32, #tpu.memory_space<vmem_shared>> -> memref<79x128xf32, #tpu.memory_space<vmem_shared>>
      %dma_start3A_57 = arith.constant 0 : i32
      %dma_start3A_58 = arith.constant 0 : i32
      %dma_start3A_59 = tpu.memref_slice %arg8[%dma_start3A_57, %dma_start3A_58] : memref<80x128xf32, #tpu.memory_space<vmem>> -> memref<79x128xf32, #tpu.memory_space<vmem>>
      tpu.enqueue_dma source(%dma_start3A_59 : memref<79x128xf32, #tpu.memory_space<vmem>>) target(%dma_start3A_56 : memref<79x128xf32, #tpu.memory_space<vmem_shared>>) target_semaphore(%run_scoped3A : memref<!tpu.dma_semaphore, #tpu.memory_space<semaphore_mem>>)
      %dma_wait3A = arith.constant 0 : i32
      %dma_wait3A_60 = arith.constant 0 : i32
      %dma_wait3A_61 = tpu.memref_slice %arg8[%dma_wait3A, %dma_wait3A_60] : memref<80x128xf32, #tpu.memory_space<vmem>> -> memref<79x128xf32, #tpu.memory_space<vmem>>
      %dma_wait3A_62 = arith.constant 0 : i32
      %dma_wait3A_63 = tpu.memref_slice %arg11[%add3A_38, %dma_wait3A_62] : memref<10112x128xf32, #tpu.memory_space<vmem_shared>> -> memref<79x128xf32, #tpu.memory_space<vmem_shared>>
      %dma_wait3A_64 = arith.constant 0 : i32
      %dma_wait3A_65 = tpu.memref_slice %arg11[%add3A_38, %dma_wait3A_64] : memref<10112x128xf32, #tpu.memory_space<vmem_shared>> -> memref<79x128xf32, #tpu.memory_space<vmem_shared>>
      %dma_wait3A_66 = arith.constant 0 : i32
      %dma_wait3A_67 = arith.constant 0 : i32
      %dma_wait3A_68 = tpu.memref_slice %arg8[%dma_wait3A_66, %dma_wait3A_67] : memref<80x128xf32, #tpu.memory_space<vmem>> -> memref<79x128xf32, #tpu.memory_space<vmem>>
      tpu.wait_dma2 semaphore(%run_scoped3A : memref<!tpu.dma_semaphore, #tpu.memory_space<semaphore_mem>>) src(%dma_wait3A_68 : memref<79x128xf32, #tpu.memory_space<vmem>>) dst(%dma_wait3A_65 : memref<79x128xf32, #tpu.memory_space<vmem_shared>>)
      tpu.yield
    }) : () -> ()
    %barrier3A = arith.constant 0 : index
    tpu.barrier barrier_id(%barrier3A)
    %scan3A_39 = arith.constant 0 : i32
    %scan3A_40 = arith.constant 0 : i32
    %scan3A_41 = arith.constant 5 : i32
    %scan3A_42 = arith.addi %scan3A_40, %scan3A_41 : i32
    %scan3A_43 = arith.constant 1 : i32
    %scan3A_44 = scf.for %scan3A_51 = %scan3A_40 to %scan3A_42 step %scan3A_43 iter_args(%scan3A_52 = %scan3A_39) -> (i32)  : i32 {
      "tpu.region"() ({
        %run_scoped3A = tpu.sem_alloc : memref<!tpu.dma_semaphore, #tpu.memory_space<semaphore_mem>>
        %dma_start3A_81 = arith.constant 0 : i32
        %dma_start3A_82 = arith.constant 0 : i32
        %dma_start3A_83 = tpu.memref_slice %arg3[%add3A, %scan3A_51, %dma_start3A_81, %dma_start3A_82] : memref<32x5x25x80xi32, #tpu.memory_space<hbm>> -> memref<1x1x25x80xi32, #tpu.memory_space<hbm>>
        %dma_start3A_84 = tpu.memref_squeeze %dma_start3A_83 : memref<1x1x25x80xi32, #tpu.memory_space<hbm>> -> memref<25x80xi32, #tpu.memory_space<hbm>>
        %dma_start3A_85 = arith.constant 0 : i32
        %dma_start3A_86 = arith.constant 0 : i32
        %dma_start3A_87 = tpu.memref_slice %arg3[%add3A, %scan3A_51, %dma_start3A_85, %dma_start3A_86] : memref<32x5x25x80xi32, #tpu.memory_space<hbm>> -> memref<1x1x25x80xi32, #tpu.memory_space<hbm>>
        %dma_start3A_88 = tpu.memref_squeeze %dma_start3A_87 : memref<1x1x25x80xi32, #tpu.memory_space<hbm>> -> memref<25x80xi32, #tpu.memory_space<hbm>>
        tpu.enqueue_dma source(%dma_start3A_88 : memref<25x80xi32, #tpu.memory_space<hbm>>) target(%arg6 : memref<25x80xi32, #tpu.memory_space<vmem>>) target_semaphore(%run_scoped3A : memref<!tpu.dma_semaphore, #tpu.memory_space<semaphore_mem>>)
        %dma_wait3A = arith.constant 0 : i32
        %dma_wait3A_89 = arith.constant 0 : i32
        %dma_wait3A_90 = tpu.memref_slice %arg3[%add3A, %scan3A_51, %dma_wait3A, %dma_wait3A_89] : memref<32x5x25x80xi32, #tpu.memory_space<hbm>> -> memref<1x1x25x80xi32, #tpu.memory_space<hbm>>
        %dma_wait3A_91 = tpu.memref_squeeze %dma_wait3A_90 : memref<1x1x25x80xi32, #tpu.memory_space<hbm>> -> memref<25x80xi32, #tpu.memory_space<hbm>>
        %dma_wait3A_92 = arith.constant 0 : i32
        %dma_wait3A_93 = arith.constant 0 : i32
        %dma_wait3A_94 = tpu.memref_slice %arg3[%add3A, %scan3A_51, %dma_wait3A_92, %dma_wait3A_93] : memref<32x5x25x80xi32, #tpu.memory_space<hbm>> -> memref<1x1x25x80xi32, #tpu.memory_space<hbm>>
        %dma_wait3A_95 = tpu.memref_squeeze %dma_wait3A_94 : memref<1x1x25x80xi32, #tpu.memory_space<hbm>> -> memref<25x80xi32, #tpu.memory_space<hbm>>
        tpu.wait_dma2 semaphore(%run_scoped3A : memref<!tpu.dma_semaphore, #tpu.memory_space<semaphore_mem>>) src(%dma_wait3A_95 : memref<25x80xi32, #tpu.memory_space<hbm>>) dst(%arg6 : memref<25x80xi32, #tpu.memory_space<vmem>>)
        tpu.yield
      }) : () -> ()
      "tpu.region"() ({
        %run_scoped3A = tpu.sem_alloc : memref<!tpu.dma_semaphore, #tpu.memory_space<semaphore_mem>>
        %dma_start3A_81 = arith.constant 0 : i32
        %dma_start3A_82 = arith.constant 0 : i32
        %dma_start3A_83 = tpu.memref_slice %arg4[%add3A, %scan3A_51, %dma_start3A_81, %dma_start3A_82] : memref<32x5x25x80xi32, #tpu.memory_space<hbm>> -> memref<1x1x25x80xi32, #tpu.memory_space<hbm>>
        %dma_start3A_84 = tpu.memref_squeeze %dma_start3A_83 : memref<1x1x25x80xi32, #tpu.memory_space<hbm>> -> memref<25x80xi32, #tpu.memory_space<hbm>>
        %dma_start3A_85 = arith.constant 0 : i32
        %dma_start3A_86 = arith.constant 0 : i32
        %dma_start3A_87 = tpu.memref_slice %arg4[%add3A, %scan3A_51, %dma_start3A_85, %dma_start3A_86] : memref<32x5x25x80xi32, #tpu.memory_space<hbm>> -> memref<1x1x25x80xi32, #tpu.memory_space<hbm>>
        %dma_start3A_88 = tpu.memref_squeeze %dma_start3A_87 : memref<1x1x25x80xi32, #tpu.memory_space<hbm>> -> memref<25x80xi32, #tpu.memory_space<hbm>>
        tpu.enqueue_dma source(%dma_start3A_88 : memref<25x80xi32, #tpu.memory_space<hbm>>) target(%arg7 : memref<25x80xi32, #tpu.memory_space<vmem>>) target_semaphore(%run_scoped3A : memref<!tpu.dma_semaphore, #tpu.memory_space<semaphore_mem>>)
        %dma_wait3A = arith.constant 0 : i32
        %dma_wait3A_89 = arith.constant 0 : i32
        %dma_wait3A_90 = tpu.memref_slice %arg4[%add3A, %scan3A_51, %dma_wait3A, %dma_wait3A_89] : memref<32x5x25x80xi32, #tpu.memory_space<hbm>> -> memref<1x1x25x80xi32, #tpu.memory_space<hbm>>
        %dma_wait3A_91 = tpu.memref_squeeze %dma_wait3A_90 : memref<1x1x25x80xi32, #tpu.memory_space<hbm>> -> memref<25x80xi32, #tpu.memory_space<hbm>>
        %dma_wait3A_92 = arith.constant 0 : i32
        %dma_wait3A_93 = arith.constant 0 : i32
        %dma_wait3A_94 = tpu.memref_slice %arg4[%add3A, %scan3A_51, %dma_wait3A_92, %dma_wait3A_93] : memref<32x5x25x80xi32, #tpu.memory_space<hbm>> -> memref<1x1x25x80xi32, #tpu.memory_space<hbm>>
        %dma_wait3A_95 = tpu.memref_squeeze %dma_wait3A_94 : memref<1x1x25x80xi32, #tpu.memory_space<hbm>> -> memref<25x80xi32, #tpu.memory_space<hbm>>
        tpu.wait_dma2 semaphore(%run_scoped3A : memref<!tpu.dma_semaphore, #tpu.memory_space<semaphore_mem>>) src(%dma_wait3A_95 : memref<25x80xi32, #tpu.memory_space<hbm>>) dst(%arg7 : memref<25x80xi32, #tpu.memory_space<vmem>>)
        tpu.yield
      }) : () -> ()
      %dma_start3A = arith.constant 0 : i32
      %dma_start3A_53 = arith.constant 0 : i32
      %dma_start3A_54 = tpu.memref_slice %arg6[%dma_start3A, %dma_start3A_53] : memref<25x80xi32, #tpu.memory_space<vmem>> -> memref<1x80xi32, #tpu.memory_space<vmem>>
      %dma_start3A_55 = tpu.memref_squeeze %dma_start3A_54 : memref<1x80xi32, #tpu.memory_space<vmem>> -> memref<80xi32, #tpu.memory_space<vmem>>
      %dma_start3A_56 = arith.constant 0 : i32
      %dma_start3A_57 = arith.constant 0 : i32
      %dma_start3A_58 = tpu.memref_slice %arg2[%dma_start3A_56, %dma_start3A_57] : memref<10000x128xf32, #tpu.memory_space<hbm>> -> memref<10000x128xf32, #tpu.memory_space<hbm>>
      tpu.enqueue_indirect_dma source(%dma_start3A_58 : memref<10000x128xf32, #tpu.memory_space<hbm>>) target(%arg8 : memref<80x128xf32, #tpu.memory_space<vmem>>) offsets(%dma_start3A_55 : memref<80xi32, #tpu.memory_space<vmem>>) semaphore(%arg12 : memref<!tpu.dma_semaphore, #tpu.memory_space<semaphore_mem>>)
      %dma_start3A_59 = arith.constant 1 : i32
      %dma_start3A_60 = arith.constant 0 : i32
      %dma_start3A_61 = tpu.memref_slice %arg6[%dma_start3A_59, %dma_start3A_60] : memref<25x80xi32, #tpu.memory_space<vmem>> -> memref<1x80xi32, #tpu.memory_space<vmem>>
      %dma_start3A_62 = tpu.memref_squeeze %dma_start3A_61 : memref<1x80xi32, #tpu.memory_space<vmem>> -> memref<80xi32, #tpu.memory_space<vmem>>
      %dma_start3A_63 = arith.constant 0 : i32
      %dma_start3A_64 = arith.constant 0 : i32
      %dma_start3A_65 = tpu.memref_slice %arg2[%dma_start3A_63, %dma_start3A_64] : memref<10000x128xf32, #tpu.memory_space<hbm>> -> memref<10000x128xf32, #tpu.memory_space<hbm>>
      tpu.enqueue_indirect_dma source(%dma_start3A_65 : memref<10000x128xf32, #tpu.memory_space<hbm>>) target(%arg9 : memref<80x128xf32, #tpu.memory_space<vmem>>) offsets(%dma_start3A_62 : memref<80xi32, #tpu.memory_space<vmem>>) semaphore(%arg13 : memref<!tpu.dma_semaphore, #tpu.memory_space<semaphore_mem>>)
      %dma_start3A_66 = arith.constant 2 : i32
      %dma_start3A_67 = arith.constant 0 : i32
      %dma_start3A_68 = tpu.memref_slice %arg6[%dma_start3A_66, %dma_start3A_67] : memref<25x80xi32, #tpu.memory_space<vmem>> -> memref<1x80xi32, #tpu.memory_space<vmem>>
      %dma_start3A_69 = tpu.memref_squeeze %dma_start3A_68 : memref<1x80xi32, #tpu.memory_space<vmem>> -> memref<80xi32, #tpu.memory_space<vmem>>
      %dma_start3A_70 = arith.constant 0 : i32
      %dma_start3A_71 = arith.constant 0 : i32
      %dma_start3A_72 = tpu.memref_slice %arg2[%dma_start3A_70, %dma_start3A_71] : memref<10000x128xf32, #tpu.memory_space<hbm>> -> memref<10000x128xf32, #tpu.memory_space<hbm>>
      tpu.enqueue_indirect_dma source(%dma_start3A_72 : memref<10000x128xf32, #tpu.memory_space<hbm>>) target(%arg10 : memref<80x128xf32, #tpu.memory_space<vmem>>) offsets(%dma_start3A_69 : memref<80xi32, #tpu.memory_space<vmem>>) semaphore(%arg14 : memref<!tpu.dma_semaphore, #tpu.memory_space<semaphore_mem>>)
      %scan3A_73 = arith.constant 0 : i32
      %scan3A_74 = arith.constant 0 : i32
      %scan3A_75 = arith.constant 9 : i32
      %scan3A_76 = arith.addi %scan3A_74, %scan3A_75 : i32
      %scan3A_77 = arith.constant 1 : i32
      %scan3A_78 = scf.for %scan3A_81 = %scan3A_74 to %scan3A_76 step %scan3A_77 iter_args(%scan3A_82 = %scan3A_73) -> (i32)  : i32 {
        %mul3A_83 = arith.constant 3 : i32
        %mul3A_84 = arith.muli %scan3A_81, %mul3A_83 : i32
        %add3A_85 = arith.constant 0 : i32
        %add3A_86 = arith.addi %mul3A_84, %add3A_85 : i32
        %lt3A = arith.constant 25 : i32
        %lt3A_87 = arith.cmpi slt, %add3A_86, %lt3A : i32
        %convert_element_type3A = arith.extui %lt3A_87 : i1 to i32
        %cond3A = arith.constant 0 : i32
        %cond3A_88 = arith.cmpi ne, %convert_element_type3A, %cond3A : i32
        scf.if %cond3A_88 {
          %dma_wait3A = arith.constant 0 : i32
          %dma_wait3A_104 = tpu.memref_slice %arg6[%add3A_86, %dma_wait3A] : memref<25x80xi32, #tpu.memory_space<vmem>> -> memref<1x80xi32, #tpu.memory_space<vmem>>
          %dma_wait3A_105 = tpu.memref_squeeze %dma_wait3A_104 : memref<1x80xi32, #tpu.memory_space<vmem>> -> memref<80xi32, #tpu.memory_space<vmem>>
          %dma_wait3A_106 = arith.constant 0 : i32
          %dma_wait3A_107 = arith.constant 0 : i32
          %dma_wait3A_108 = tpu.memref_slice %arg2[%dma_wait3A_106, %dma_wait3A_107] : memref<10000x128xf32, #tpu.memory_space<hbm>> -> memref<10000x128xf32, #tpu.memory_space<hbm>>
          tpu.wait_indirect_dma semaphore(%arg12 : memref<!tpu.dma_semaphore, #tpu.memory_space<semaphore_mem>>) src(%dma_wait3A_108 : memref<10000x128xf32, #tpu.memory_space<hbm>>) dst(%arg8 : memref<80x128xf32, #tpu.memory_space<vmem>>)
          "tpu.region"() ({
            %run_scoped3A = tpu.sem_alloc : memref<!tpu.dma_semaphore, #tpu.memory_space<semaphore_mem>>
            %dma_start3A_116 = arith.constant 0 : i32
            %dma_start3A_117 = tpu.memref_slice %arg7[%add3A_86, %dma_start3A_116] : memref<25x80xi32, #tpu.memory_space<vmem>> -> memref<1x80xi32, #tpu.memory_space<vmem>>
            %dma_start3A_118 = tpu.memref_squeeze %dma_start3A_117 : memref<1x80xi32, #tpu.memory_space<vmem>> -> memref<80xi32, #tpu.memory_space<vmem>>
            %dma_start3A_119 = arith.constant 0 : i32
            %dma_start3A_120 = arith.constant 0 : i32
            %dma_start3A_121 = tpu.memref_slice %arg11[%dma_start3A_119, %dma_start3A_120] : memref<10112x128xf32, #tpu.memory_space<vmem_shared>> -> memref<10112x128xf32, #tpu.memory_space<vmem_shared>>
            tpu.enqueue_indirect_dma source(%arg8 : memref<80x128xf32, #tpu.memory_space<vmem>>) target(%dma_start3A_121 : memref<10112x128xf32, #tpu.memory_space<vmem_shared>>) offsets(%dma_start3A_118 : memref<80xi32, #tpu.memory_space<vmem>>) semaphore(%run_scoped3A : memref<!tpu.dma_semaphore, #tpu.memory_space<semaphore_mem>>) {add = true}
            %dma_wait3A_122 = arith.constant 0 : i32
            %dma_wait3A_123 = tpu.memref_slice %arg7[%add3A_86, %dma_wait3A_122] : memref<25x80xi32, #tpu.memory_space<vmem>> -> memref<1x80xi32, #tpu.memory_space<vmem>>
            %dma_wait3A_124 = tpu.memref_squeeze %dma_wait3A_123 : memref<1x80xi32, #tpu.memory_space<vmem>> -> memref<80xi32, #tpu.memory_space<vmem>>
            %dma_wait3A_125 = arith.constant 0 : i32
            %dma_wait3A_126 = arith.constant 0 : i32
            %dma_wait3A_127 = tpu.memref_slice %arg11[%dma_wait3A_125, %dma_wait3A_126] : memref<10112x128xf32, #tpu.memory_space<vmem_shared>> -> memref<10112x128xf32, #tpu.memory_space<vmem_shared>>
            tpu.wait_indirect_dma semaphore(%run_scoped3A : memref<!tpu.dma_semaphore, #tpu.memory_space<semaphore_mem>>) src(%arg8 : memref<80x128xf32, #tpu.memory_space<vmem>>) dst(%dma_wait3A_127 : memref<10112x128xf32, #tpu.memory_space<vmem_shared>>)
            tpu.yield
          }) : () -> ()
          %add3A_109 = arith.constant 3 : i32
          %add3A_110 = arith.addi %add3A_86, %add3A_109 : i32
          %lt3A_111 = arith.constant 25 : i32
          %lt3A_112 = arith.cmpi slt, %add3A_110, %lt3A_111 : i32
          %convert_element_type3A_113 = arith.extui %lt3A_112 : i1 to i32
          %cond3A_114 = arith.constant 0 : i32
          %cond3A_115 = arith.cmpi ne, %convert_element_type3A_113, %cond3A_114 : i32
          scf.if %cond3A_115 {
            %add3A_116 = arith.constant 3 : i32
            %add3A_117 = arith.addi %add3A_86, %add3A_116 : i32
            %dma_start3A_118 = arith.constant 0 : i32
            %dma_start3A_119 = tpu.memref_slice %arg6[%add3A_117, %dma_start3A_118] : memref<25x80xi32, #tpu.memory_space<vmem>> -> memref<1x80xi32, #tpu.memory_space<vmem>>
            %dma_start3A_120 = tpu.memref_squeeze %dma_start3A_119 : memref<1x80xi32, #tpu.memory_space<vmem>> -> memref<80xi32, #tpu.memory_space<vmem>>
            %dma_start3A_121 = arith.constant 0 : i32
            %dma_start3A_122 = arith.constant 0 : i32
            %dma_start3A_123 = tpu.memref_slice %arg2[%dma_start3A_121, %dma_start3A_122] : memref<10000x128xf32, #tpu.memory_space<hbm>> -> memref<10000x128xf32, #tpu.memory_space<hbm>>
            tpu.enqueue_indirect_dma source(%dma_start3A_123 : memref<10000x128xf32, #tpu.memory_space<hbm>>) target(%arg8 : memref<80x128xf32, #tpu.memory_space<vmem>>) offsets(%dma_start3A_120 : memref<80xi32, #tpu.memory_space<vmem>>) semaphore(%arg12 : memref<!tpu.dma_semaphore, #tpu.memory_space<semaphore_mem>>)
          } else {
          }
        } else {
        }
        %add3A_89 = arith.constant 1 : i32
        %add3A_90 = arith.addi %mul3A_84, %add3A_89 : i32
        %lt3A_91 = arith.constant 25 : i32
        %lt3A_92 = arith.cmpi slt, %add3A_90, %lt3A_91 : i32
        %convert_element_type3A_93 = arith.extui %lt3A_92 : i1 to i32
        %cond3A_94 = arith.constant 0 : i32
        %cond3A_95 = arith.cmpi ne, %convert_element_type3A_93, %cond3A_94 : i32
        scf.if %cond3A_95 {
          %dma_wait3A = arith.constant 0 : i32
          %dma_wait3A_104 = tpu.memref_slice %arg6[%add3A_90, %dma_wait3A] : memref<25x80xi32, #tpu.memory_space<vmem>> -> memref<1x80xi32, #tpu.memory_space<vmem>>
          %dma_wait3A_105 = tpu.memref_squeeze %dma_wait3A_104 : memref<1x80xi32, #tpu.memory_space<vmem>> -> memref<80xi32, #tpu.memory_space<vmem>>
          %dma_wait3A_106 = arith.constant 0 : i32
          %dma_wait3A_107 = arith.constant 0 : i32
          %dma_wait3A_108 = tpu.memref_slice %arg2[%dma_wait3A_106, %dma_wait3A_107] : memref<10000x128xf32, #tpu.memory_space<hbm>> -> memref<10000x128xf32, #tpu.memory_space<hbm>>
          tpu.wait_indirect_dma semaphore(%arg13 : memref<!tpu.dma_semaphore, #tpu.memory_space<semaphore_mem>>) src(%dma_wait3A_108 : memref<10000x128xf32, #tpu.memory_space<hbm>>) dst(%arg9 : memref<80x128xf32, #tpu.memory_space<vmem>>)
          "tpu.region"() ({
            %run_scoped3A = tpu.sem_alloc : memref<!tpu.dma_semaphore, #tpu.memory_space<semaphore_mem>>
            %dma_start3A_116 = arith.constant 0 : i32
            %dma_start3A_117 = tpu.memref_slice %arg7[%add3A_90, %dma_start3A_116] : memref<25x80xi32, #tpu.memory_space<vmem>> -> memref<1x80xi32, #tpu.memory_space<vmem>>
            %dma_start3A_118 = tpu.memref_squeeze %dma_start3A_117 : memref<1x80xi32, #tpu.memory_space<vmem>> -> memref<80xi32, #tpu.memory_space<vmem>>
            %dma_start3A_119 = arith.constant 0 : i32
            %dma_start3A_120 = arith.constant 0 : i32
            %dma_start3A_121 = tpu.memref_slice %arg11[%dma_start3A_119, %dma_start3A_120] : memref<10112x128xf32, #tpu.memory_space<vmem_shared>> -> memref<10112x128xf32, #tpu.memory_space<vmem_shared>>
            tpu.enqueue_indirect_dma source(%arg9 : memref<80x128xf32, #tpu.memory_space<vmem>>) target(%dma_start3A_121 : memref<10112x128xf32, #tpu.memory_space<vmem_shared>>) offsets(%dma_start3A_118 : memref<80xi32, #tpu.memory_space<vmem>>) semaphore(%run_scoped3A : memref<!tpu.dma_semaphore, #tpu.memory_space<semaphore_mem>>) {add = true}
            %dma_wait3A_122 = arith.constant 0 : i32
            %dma_wait3A_123 = tpu.memref_slice %arg7[%add3A_90, %dma_wait3A_122] : memref<25x80xi32, #tpu.memory_space<vmem>> -> memref<1x80xi32, #tpu.memory_space<vmem>>
            %dma_wait3A_124 = tpu.memref_squeeze %dma_wait3A_123 : memref<1x80xi32, #tpu.memory_space<vmem>> -> memref<80xi32, #tpu.memory_space<vmem>>
            %dma_wait3A_125 = arith.constant 0 : i32
            %dma_wait3A_126 = arith.constant 0 : i32
            %dma_wait3A_127 = tpu.memref_slice %arg11[%dma_wait3A_125, %dma_wait3A_126] : memref<10112x128xf32, #tpu.memory_space<vmem_shared>> -> memref<10112x128xf32, #tpu.memory_space<vmem_shared>>
            tpu.wait_indirect_dma semaphore(%run_scoped3A : memref<!tpu.dma_semaphore, #tpu.memory_space<semaphore_mem>>) src(%arg9 : memref<80x128xf32, #tpu.memory_space<vmem>>) dst(%dma_wait3A_127 : memref<10112x128xf32, #tpu.memory_space<vmem_shared>>)
            tpu.yield
          }) : () -> ()
          %add3A_109 = arith.constant 3 : i32
          %add3A_110 = arith.addi %add3A_90, %add3A_109 : i32
          %lt3A_111 = arith.constant 25 : i32
          %lt3A_112 = arith.cmpi slt, %add3A_110, %lt3A_111 : i32
          %convert_element_type3A_113 = arith.extui %lt3A_112 : i1 to i32
          %cond3A_114 = arith.constant 0 : i32
          %cond3A_115 = arith.cmpi ne, %convert_element_type3A_113, %cond3A_114 : i32
          scf.if %cond3A_115 {
            %add3A_116 = arith.constant 3 : i32
            %add3A_117 = arith.addi %add3A_90, %add3A_116 : i32
            %dma_start3A_118 = arith.constant 0 : i32
            %dma_start3A_119 = tpu.memref_slice %arg6[%add3A_117, %dma_start3A_118] : memref<25x80xi32, #tpu.memory_space<vmem>> -> memref<1x80xi32, #tpu.memory_space<vmem>>
            %dma_start3A_120 = tpu.memref_squeeze %dma_start3A_119 : memref<1x80xi32, #tpu.memory_space<vmem>> -> memref<80xi32, #tpu.memory_space<vmem>>
            %dma_start3A_121 = arith.constant 0 : i32
            %dma_start3A_122 = arith.constant 0 : i32
            %dma_start3A_123 = tpu.memref_slice %arg2[%dma_start3A_121, %dma_start3A_122] : memref<10000x128xf32, #tpu.memory_space<hbm>> -> memref<10000x128xf32, #tpu.memory_space<hbm>>
            tpu.enqueue_indirect_dma source(%dma_start3A_123 : memref<10000x128xf32, #tpu.memory_space<hbm>>) target(%arg9 : memref<80x128xf32, #tpu.memory_space<vmem>>) offsets(%dma_start3A_120 : memref<80xi32, #tpu.memory_space<vmem>>) semaphore(%arg13 : memref<!tpu.dma_semaphore, #tpu.memory_space<semaphore_mem>>)
          } else {
          }
        } else {
        }
        %add3A_96 = arith.constant 2 : i32
        %add3A_97 = arith.addi %mul3A_84, %add3A_96 : i32
        %lt3A_98 = arith.constant 25 : i32
        %lt3A_99 = arith.cmpi slt, %add3A_97, %lt3A_98 : i32
        %convert_element_type3A_100 = arith.extui %lt3A_99 : i1 to i32
        %cond3A_101 = arith.constant 0 : i32
        %cond3A_102 = arith.cmpi ne, %convert_element_type3A_100, %cond3A_101 : i32
        scf.if %cond3A_102 {
          %dma_wait3A = arith.constant 0 : i32
          %dma_wait3A_104 = tpu.memref_slice %arg6[%add3A_97, %dma_wait3A] : memref<25x80xi32, #tpu.memory_space<vmem>> -> memref<1x80xi32, #tpu.memory_space<vmem>>
          %dma_wait3A_105 = tpu.memref_squeeze %dma_wait3A_104 : memref<1x80xi32, #tpu.memory_space<vmem>> -> memref<80xi32, #tpu.memory_space<vmem>>
          %dma_wait3A_106 = arith.constant 0 : i32
          %dma_wait3A_107 = arith.constant 0 : i32
          %dma_wait3A_108 = tpu.memref_slice %arg2[%dma_wait3A_106, %dma_wait3A_107] : memref<10000x128xf32, #tpu.memory_space<hbm>> -> memref<10000x128xf32, #tpu.memory_space<hbm>>
          tpu.wait_indirect_dma semaphore(%arg14 : memref<!tpu.dma_semaphore, #tpu.memory_space<semaphore_mem>>) src(%dma_wait3A_108 : memref<10000x128xf32, #tpu.memory_space<hbm>>) dst(%arg10 : memref<80x128xf32, #tpu.memory_space<vmem>>)
          "tpu.region"() ({
            %run_scoped3A = tpu.sem_alloc : memref<!tpu.dma_semaphore, #tpu.memory_space<semaphore_mem>>
            %dma_start3A_116 = arith.constant 0 : i32
            %dma_start3A_117 = tpu.memref_slice %arg7[%add3A_97, %dma_start3A_116] : memref<25x80xi32, #tpu.memory_space<vmem>> -> memref<1x80xi32, #tpu.memory_space<vmem>>
            %dma_start3A_118 = tpu.memref_squeeze %dma_start3A_117 : memref<1x80xi32, #tpu.memory_space<vmem>> -> memref<80xi32, #tpu.memory_space<vmem>>
            %dma_start3A_119 = arith.constant 0 : i32
            %dma_start3A_120 = arith.constant 0 : i32
            %dma_start3A_121 = tpu.memref_slice %arg11[%dma_start3A_119, %dma_start3A_120] : memref<10112x128xf32, #tpu.memory_space<vmem_shared>> -> memref<10112x128xf32, #tpu.memory_space<vmem_shared>>
            tpu.enqueue_indirect_dma source(%arg10 : memref<80x128xf32, #tpu.memory_space<vmem>>) target(%dma_start3A_121 : memref<10112x128xf32, #tpu.memory_space<vmem_shared>>) offsets(%dma_start3A_118 : memref<80xi32, #tpu.memory_space<vmem>>) semaphore(%run_scoped3A : memref<!tpu.dma_semaphore, #tpu.memory_space<semaphore_mem>>) {add = true}
            %dma_wait3A_122 = arith.constant 0 : i32
            %dma_wait3A_123 = tpu.memref_slice %arg7[%add3A_97, %dma_wait3A_122] : memref<25x80xi32, #tpu.memory_space<vmem>> -> memref<1x80xi32, #tpu.memory_space<vmem>>
            %dma_wait3A_124 = tpu.memref_squeeze %dma_wait3A_123 : memref<1x80xi32, #tpu.memory_space<vmem>> -> memref<80xi32, #tpu.memory_space<vmem>>
            %dma_wait3A_125 = arith.constant 0 : i32
            %dma_wait3A_126 = arith.constant 0 : i32
            %dma_wait3A_127 = tpu.memref_slice %arg11[%dma_wait3A_125, %dma_wait3A_126] : memref<10112x128xf32, #tpu.memory_space<vmem_shared>> -> memref<10112x128xf32, #tpu.memory_space<vmem_shared>>
            tpu.wait_indirect_dma semaphore(%run_scoped3A : memref<!tpu.dma_semaphore, #tpu.memory_space<semaphore_mem>>) src(%arg10 : memref<80x128xf32, #tpu.memory_space<vmem>>) dst(%dma_wait3A_127 : memref<10112x128xf32, #tpu.memory_space<vmem_shared>>)
            tpu.yield
          }) : () -> ()
          %add3A_109 = arith.constant 3 : i32
          %add3A_110 = arith.addi %add3A_97, %add3A_109 : i32
          %lt3A_111 = arith.constant 25 : i32
          %lt3A_112 = arith.cmpi slt, %add3A_110, %lt3A_111 : i32
          %convert_element_type3A_113 = arith.extui %lt3A_112 : i1 to i32
          %cond3A_114 = arith.constant 0 : i32
          %cond3A_115 = arith.cmpi ne, %convert_element_type3A_113, %cond3A_114 : i32
          scf.if %cond3A_115 {
            %add3A_116 = arith.constant 3 : i32
            %add3A_117 = arith.addi %add3A_97, %add3A_116 : i32
            %dma_start3A_118 = arith.constant 0 : i32
            %dma_start3A_119 = tpu.memref_slice %arg6[%add3A_117, %dma_start3A_118] : memref<25x80xi32, #tpu.memory_space<vmem>> -> memref<1x80xi32, #tpu.memory_space<vmem>>
            %dma_start3A_120 = tpu.memref_squeeze %dma_start3A_119 : memref<1x80xi32, #tpu.memory_space<vmem>> -> memref<80xi32, #tpu.memory_space<vmem>>
            %dma_start3A_121 = arith.constant 0 : i32
            %dma_start3A_122 = arith.constant 0 : i32
            %dma_start3A_123 = tpu.memref_slice %arg2[%dma_start3A_121, %dma_start3A_122] : memref<10000x128xf32, #tpu.memory_space<hbm>> -> memref<10000x128xf32, #tpu.memory_space<hbm>>
            tpu.enqueue_indirect_dma source(%dma_start3A_123 : memref<10000x128xf32, #tpu.memory_space<hbm>>) target(%arg10 : memref<80x128xf32, #tpu.memory_space<vmem>>) offsets(%dma_start3A_120 : memref<80xi32, #tpu.memory_space<vmem>>) semaphore(%arg14 : memref<!tpu.dma_semaphore, #tpu.memory_space<semaphore_mem>>)
          } else {
          }
        } else {
        }
        %scan3A_103 = arith.constant 0 : i32
        scf.yield %scan3A_103 : i32
      }
      %scan3A_79 = arith.constant 9 : i32
      %scan3A_80 = arith.constant 0 : i32
      scf.yield %scan3A_80 : i32
    }
    %scan3A_45 = arith.constant 5 : i32
    %barrier3A_46 = arith.constant 0 : index
    tpu.barrier barrier_id(%barrier3A_46)
    %mul3A_47 = arith.constant 632 : i32
    %mul3A_48 = arith.muli %arg1, %mul3A_47 : i32
    %mul3A_49 = arith.constant 632 : i32
    %mul3A_50 = arith.muli %arg1, %mul3A_49 : i32
    "tpu.region"() ({
      %run_scoped3A = tpu.sem_alloc : memref<!tpu.dma_semaphore, #tpu.memory_space<semaphore_mem>>
      %dma_start3A = arith.constant 0 : i32
      %dma_start3A_51 = tpu.memref_slice %arg5[%arg0, %mul3A_50, %dma_start3A] : memref<2x10112x128xf32, #tpu.memory_space<hbm>> -> memref<1x632x128xf32, #tpu.memory_space<hbm>>
      %dma_start3A_52 = tpu.memref_squeeze %dma_start3A_51 : memref<1x632x128xf32, #tpu.memory_space<hbm>> -> memref<632x128xf32, #tpu.memory_space<hbm>>
      %dma_start3A_53 = arith.constant 0 : i32
      %dma_start3A_54 = tpu.memref_slice %arg11[%mul3A_48, %dma_start3A_53] : memref<10112x128xf32, #tpu.memory_space<vmem_shared>> -> memref<632x128xf32, #tpu.memory_space<vmem_shared>>
      tpu.enqueue_dma source(%dma_start3A_54 : memref<632x128xf32, #tpu.memory_space<vmem_shared>>) target(%dma_start3A_52 : memref<632x128xf32, #tpu.memory_space<hbm>>) target_semaphore(%run_scoped3A : memref<!tpu.dma_semaphore, #tpu.memory_space<semaphore_mem>>)
      %dma_wait3A = arith.constant 0 : i32
      %dma_wait3A_55 = tpu.memref_slice %arg5[%arg0, %mul3A_50, %dma_wait3A] : memref<2x10112x128xf32, #tpu.memory_space<hbm>> -> memref<1x632x128xf32, #tpu.memory_space<hbm>>
      %dma_wait3A_56 = tpu.memref_squeeze %dma_wait3A_55 : memref<1x632x128xf32, #tpu.memory_space<hbm>> -> memref<632x128xf32, #tpu.memory_space<hbm>>
      %dma_wait3A_57 = arith.constant 0 : i32
      %dma_wait3A_58 = tpu.memref_slice %arg11[%mul3A_48, %dma_wait3A_57] : memref<10112x128xf32, #tpu.memory_space<vmem_shared>> -> memref<632x128xf32, #tpu.memory_space<vmem_shared>>
      tpu.wait_dma2 semaphore(%run_scoped3A : memref<!tpu.dma_semaphore, #tpu.memory_space<semaphore_mem>>) src(%dma_wait3A_58 : memref<632x128xf32, #tpu.memory_space<vmem_shared>>) dst(%dma_wait3A_56 : memref<632x128xf32, #tpu.memory_space<hbm>>)
      tpu.yield
    }) : () -> ()
    return
  }
}

module attributes {stable_mosaic.version = 14 : i64} {
  func.func @_proj_body(%arg0: i32, %arg1: memref<1000x1280xf32, #tpu.memory_space<vmem>>, %arg2: memref<1280x128xf32, #tpu.memory_space<vmem>>, %arg3: memref<1x128xf32, #tpu.memory_space<vmem>>, %arg4: memref<1000x128xf32, #tpu.memory_space<vmem>>) attributes {dimension_semantics = [#tpu.dimension_semantics<arbitrary>], iteration_bounds = array<i64: 10>, scalar_prefetch = 0 : i64, scratch_operands = 0 : i64, tpu.core_type = #tpu.core_type<tc>, window_params = [{transform_indices = @transform_0, window_bounds = array<i64: 1000, 1280>}, {pipeline_mode = #tpu.pipeline_mode<synchronous>, transform_indices = @transform_1, window_bounds = array<i64: 1280, 128>}, {pipeline_mode = #tpu.pipeline_mode<synchronous>, transform_indices = @transform_2, window_bounds = array<i64: 1, 128>}, {transform_indices = @transform_3, window_bounds = array<i64: 1000, 128>}]} {
    %get3A = arith.constant 0 : index
    %get3A_0 = arith.constant 0 : index
    %get3A_1 = vector.load %arg1[%get3A, %get3A_0] : memref<1000x1280xf32, #tpu.memory_space<vmem>>, vector<1000x1280xf32>
    %get3A_2 = arith.constant 0 : index
    %get3A_3 = arith.constant 0 : index
    %get3A_4 = vector.load %arg2[%get3A_2, %get3A_3] : memref<1280x128xf32, #tpu.memory_space<vmem>>, vector<1280x128xf32>
    %dot_general3A = arith.constant dense<0.000000e+00> : vector<1000x128xf32>
    %dot_general3A_5 = tpu.matmul %get3A_1, %get3A_4, %dot_general3A {dimension_numbers = #tpu.dot_dimension_numbers<[1], [0], [0], [1], [0, 0, 1, 1], [], []>, transpose_lhs_hint = false} : vector<1000x1280xf32>, vector<1280x128xf32>, vector<1000x128xf32> -> vector<1000x128xf32>
    %get3A_6 = arith.constant 0 : index
    %get3A_7 = arith.constant 0 : index
    %get3A_8 = vector.load %arg3[%get3A_6, %get3A_7] : memref<1x128xf32, #tpu.memory_space<vmem>>, vector<1x128xf32>
    %add3A = vector.broadcast %get3A_8 : vector<1x128xf32> to vector<1000x128xf32>
    %add3A_9 = arith.addf %dot_general3A_5, %add3A : vector<1000x128xf32>
    %swap3A = arith.constant 0 : index
    %swap3A_10 = arith.constant 0 : index
    %swap3A_11 = vector.load %arg4[%swap3A, %swap3A_10] : memref<1000x128xf32, #tpu.memory_space<vmem>>, vector<1000x128xf32>
    tpu.vector_store %arg4[%swap3A, %swap3A_10], %add3A_9 {strides = array<i32>} : memref<1000x128xf32, #tpu.memory_space<vmem>>, vector<1000x128xf32>,
    return
  }
  func.func @transform_0(%arg0: i32) -> (i32, i32) {
    %c0_i32 = arith.constant 0 : i32
    %c0_i32_0 = arith.constant 0 : i32
    return %arg0, %c0_i32 : i32, i32
  }
  func.func @transform_1(%arg0: i32) -> (i32, i32) {
    %c0_i32 = arith.constant 0 : i32
    %c0_i32_0 = arith.constant 0 : i32
    %c0_i32_1 = arith.constant 0 : i32
    return %c0_i32, %c0_i32_0 : i32, i32
  }
  func.func @transform_2(%arg0: i32) -> (i32, i32) {
    %c0_i32 = arith.constant 0 : i32
    %c0_i32_0 = arith.constant 0 : i32
    %c0_i32_1 = arith.constant 0 : i32
    return %c0_i32, %c0_i32_0 : i32, i32
  }
  func.func @transform_3(%arg0: i32) -> (i32, i32) {
    %c0_i32 = arith.constant 0 : i32
    %c0_i32_0 = arith.constant 0 : i32
    return %arg0, %c0_i32 : i32, i32
  }
}

module attributes {stable_mosaic.version = 14 : i64} {
  func.func @_layer_body(%arg0: memref<10000x128xf32, #tpu.memory_space<vmem>>, %arg1: memref<2x10112x128xf32, #tpu.memory_space<vmem>>, %arg2: memref<1x128xf32, #tpu.memory_space<vmem>>, %arg3: memref<128x128xf32, #tpu.memory_space<vmem>>, %arg4: memref<1x128xf32, #tpu.memory_space<vmem>>, %arg5: memref<128x128xf32, #tpu.memory_space<vmem>>, %arg6: memref<1x128xf32, #tpu.memory_space<vmem>>, %arg7: memref<1x128xf32, #tpu.memory_space<vmem>>, %arg8: memref<1x128xf32, #tpu.memory_space<vmem>>, %arg9: memref<10000x128xf32, #tpu.memory_space<vmem>>) attributes {dimension_semantics = [], scalar_prefetch = 0 : i64, scratch_operands = 0 : i64, tpu.core_type = #tpu.core_type<tc>} {
    %get3A = arith.constant 0 : index
    %get3A_0 = arith.constant 0 : index
    %get3A_1 = arith.constant 0 : index
    %get3A_2 = vector.load %arg1[%get3A, %get3A_0, %get3A_1] : memref<2x10112x128xf32, #tpu.memory_space<vmem>>, vector<1x10000x128xf32>
    %get3A_3 = vector.shape_cast %get3A_2 : vector<1x10000x128xf32> to vector<10000x128xf32>
    %get3A_4 = arith.constant 1 : index
    %get3A_5 = arith.constant 0 : index
    %get3A_6 = arith.constant 0 : index
    %get3A_7 = vector.load %arg1[%get3A_4, %get3A_5, %get3A_6] : memref<2x10112x128xf32, #tpu.memory_space<vmem>>, vector<1x10000x128xf32>
    %get3A_8 = vector.shape_cast %get3A_7 : vector<1x10000x128xf32> to vector<10000x128xf32>
    %add3A = arith.addf %get3A_3, %get3A_8 : vector<10000x128xf32>
    %get3A_9 = arith.constant 0 : index
    %get3A_10 = arith.constant 0 : index
    %get3A_11 = vector.load %arg0[%get3A_9, %get3A_10] : memref<10000x128xf32, #tpu.memory_space<vmem>>, vector<10000x128xf32>
    %get3A_12 = arith.constant 0 : index
    %get3A_13 = arith.constant 0 : index
    %get3A_14 = vector.load %arg2[%get3A_12, %get3A_13] : memref<1x128xf32, #tpu.memory_space<vmem>>, vector<1x128xf32>
    %mul3A = vector.broadcast %get3A_14 : vector<1x128xf32> to vector<10000x128xf32>
    %mul3A_15 = arith.mulf %get3A_11, %mul3A : vector<10000x128xf32>
    %add3A_16 = arith.addf %mul3A_15, %add3A : vector<10000x128xf32>
    %get3A_17 = arith.constant 0 : index
    %get3A_18 = arith.constant 0 : index
    %get3A_19 = vector.load %arg3[%get3A_17, %get3A_18] : memref<128x128xf32, #tpu.memory_space<vmem>>, vector<128x128xf32>
    %dot_general3A = arith.constant dense<0.000000e+00> : vector<10000x128xf32>
    %dot_general3A_20 = tpu.matmul %add3A_16, %get3A_19, %dot_general3A {dimension_numbers = #tpu.dot_dimension_numbers<[1], [0], [0], [1], [0, 0, 1, 1], [], []>, transpose_lhs_hint = false} : vector<10000x128xf32>, vector<128x128xf32>, vector<10000x128xf32> -> vector<10000x128xf32>
    %get3A_21 = arith.constant 0 : index
    %get3A_22 = arith.constant 0 : index
    %get3A_23 = vector.load %arg4[%get3A_21, %get3A_22] : memref<1x128xf32, #tpu.memory_space<vmem>>, vector<1x128xf32>
    %add3A_24 = vector.broadcast %get3A_23 : vector<1x128xf32> to vector<10000x128xf32>
    %add3A_25 = arith.addf %dot_general3A_20, %add3A_24 : vector<10000x128xf32>
    %max3A = arith.constant 0.000000e+00 : f32
    %max3A_26 = vector.broadcast %max3A : f32 to vector<10000x128xf32>
    %max3A_27 = arith.maximumf %add3A_25, %max3A_26 : vector<10000x128xf32>
    %get3A_28 = arith.constant 0 : index
    %get3A_29 = arith.constant 0 : index
    %get3A_30 = vector.load %arg5[%get3A_28, %get3A_29] : memref<128x128xf32, #tpu.memory_space<vmem>>, vector<128x128xf32>
    %dot_general3A_31 = arith.constant dense<0.000000e+00> : vector<10000x128xf32>
    %dot_general3A_32 = tpu.matmul %max3A_27, %get3A_30, %dot_general3A_31 {dimension_numbers = #tpu.dot_dimension_numbers<[1], [0], [0], [1], [0, 0, 1, 1], [], []>, transpose_lhs_hint = false} : vector<10000x128xf32>, vector<128x128xf32>, vector<10000x128xf32> -> vector<10000x128xf32>
    %get3A_33 = arith.constant 0 : index
    %get3A_34 = arith.constant 0 : index
    %get3A_35 = vector.load %arg6[%get3A_33, %get3A_34] : memref<1x128xf32, #tpu.memory_space<vmem>>, vector<1x128xf32>
    %add3A_36 = vector.broadcast %get3A_35 : vector<1x128xf32> to vector<10000x128xf32>
    %add3A_37 = arith.addf %dot_general3A_32, %add3A_36 : vector<10000x128xf32>
    %reduce_sum3A = arith.constant dense<0.000000e+00> : vector<128xf32>
    %reduce_sum3A_38 = vector.multi_reduction <add>, %add3A_37, %reduce_sum3A [0] : vector<10000x128xf32> to vector<128xf32>
    %broadcast_in_dim3A = vector.shape_cast %reduce_sum3A_38 : vector<128xf32> to vector<1x128xf32>
    %div3A = arith.constant 1.000000e+04 : f32
    %div3A_39 = vector.broadcast %div3A : f32 to vector<1x128xf32>
    %div3A_40 = arith.divf %broadcast_in_dim3A, %div3A_39 : vector<1x128xf32>
    %sub3A = vector.broadcast %div3A_40 : vector<1x128xf32> to vector<10000x128xf32>
    %sub3A_41 = arith.subf %add3A_37, %sub3A : vector<10000x128xf32>
    %integer_pow3A = arith.mulf %sub3A_41, %sub3A_41 : vector<10000x128xf32>
    %reduce_sum3A_42 = arith.constant dense<0.000000e+00> : vector<128xf32>
    %reduce_sum3A_43 = vector.multi_reduction <add>, %integer_pow3A, %reduce_sum3A_42 [0] : vector<10000x128xf32> to vector<128xf32>
    %broadcast_in_dim3A_44 = vector.shape_cast %reduce_sum3A_43 : vector<128xf32> to vector<1x128xf32>
    %div3A_45 = arith.constant 1.000000e+04 : f32
    %div3A_46 = vector.broadcast %div3A_45 : f32 to vector<1x128xf32>
    %div3A_47 = arith.divf %broadcast_in_dim3A_44, %div3A_46 : vector<1x128xf32>
    %get3A_48 = arith.constant 0 : index
    %get3A_49 = arith.constant 0 : index
    %get3A_50 = vector.load %arg7[%get3A_48, %get3A_49] : memref<1x128xf32, #tpu.memory_space<vmem>>, vector<1x128xf32>
    %sub3A_51 = vector.broadcast %div3A_40 : vector<1x128xf32> to vector<10000x128xf32>
    %sub3A_52 = arith.subf %add3A_37, %sub3A_51 : vector<10000x128xf32>
    %mul3A_53 = vector.broadcast %get3A_50 : vector<1x128xf32> to vector<10000x128xf32>
    %mul3A_54 = arith.mulf %mul3A_53, %sub3A_52 : vector<10000x128xf32>
    %add3A_55 = arith.constant 9.99999974E-6 : f32
    %add3A_56 = vector.broadcast %add3A_55 : f32 to vector<1x128xf32>
    %add3A_57 = arith.addf %div3A_47, %add3A_56 : vector<1x128xf32>
    %sqrt3A = math.sqrt %add3A_57 : vector<1x128xf32>
    %div3A_58 = vector.broadcast %sqrt3A : vector<1x128xf32> to vector<10000x128xf32>
    %div3A_59 = arith.divf %mul3A_54, %div3A_58 : vector<10000x128xf32>
    %get3A_60 = arith.constant 0 : index
    %get3A_61 = arith.constant 0 : index
    %get3A_62 = vector.load %arg8[%get3A_60, %get3A_61] : memref<1x128xf32, #tpu.memory_space<vmem>>, vector<1x128xf32>
    %add3A_63 = vector.broadcast %get3A_62 : vector<1x128xf32> to vector<10000x128xf32>
    %add3A_64 = arith.addf %div3A_59, %add3A_63 : vector<10000x128xf32>
    %get3A_65 = arith.constant 0 : index
    %get3A_66 = arith.constant 0 : index
    %get3A_67 = vector.load %arg0[%get3A_65, %get3A_66] : memref<10000x128xf32, #tpu.memory_space<vmem>>, vector<10000x128xf32>
    %max3A_68 = arith.constant 0.000000e+00 : f32
    %max3A_69 = vector.broadcast %max3A_68 : f32 to vector<10000x128xf32>
    %max3A_70 = arith.maximumf %add3A_64, %max3A_69 : vector<10000x128xf32>
    %add3A_71 = arith.addf %get3A_67, %max3A_70 : vector<10000x128xf32>
    %swap3A = arith.constant 0 : index
    %swap3A_72 = arith.constant 0 : index
    %swap3A_73 = vector.load %arg9[%swap3A, %swap3A_72] : memref<10000x128xf32, #tpu.memory_space<vmem>>, vector<10000x128xf32>
    tpu.vector_store %arg9[%swap3A, %swap3A_72], %add3A_71 {strides = array<i32>} : memref<10000x128xf32, #tpu.memory_space<vmem>>, vector<10000x128xf32>,
    return
  }
}

module attributes {stable_mosaic.version = 14 : i64} {
  func.func @_pool_body(%arg0: memref<10000x128xf32, #tpu.memory_space<vmem>>, %arg1: memref<10000x1xi32, #tpu.memory_space<vmem>>, %arg2: memref<1x128xf32, #tpu.memory_space<vmem>>, %arg3: memref<128x128xf32, #tpu.memory_space<vmem>>, %arg4: memref<1x128xf32, #tpu.memory_space<vmem>>, %arg5: memref<64x128xf32, #tpu.memory_space<vmem>>) attributes {dimension_semantics = [], scalar_prefetch = 0 : i64, scratch_operands = 0 : i64, tpu.core_type = #tpu.core_type<tc>} {
    %get3A = arith.constant 0 : index
    %get3A_0 = arith.constant 0 : index
    %get3A_1 = vector.load %arg1[%get3A, %get3A_0] : memref<10000x1xi32, #tpu.memory_space<vmem>>, vector<10000x1xi32>
    %iota3A = tpu.iota {dimensions = array<i32: 1>} : vector<1x64xi32>
    %eq3A = vector.broadcast %get3A_1 : vector<10000x1xi32> to vector<10000x64xi32>
    %eq3A_2 = vector.broadcast %iota3A : vector<1x64xi32> to vector<10000x64xi32>
    %eq3A_3 = arith.cmpi eq, %eq3A, %eq3A_2 : vector<10000x64xi32>
    %convert_element_type3A = arith.extui %eq3A_3 : vector<10000x64xi1> to vector<10000x64xi32>
    %convert_element_type3A_4 = arith.sitofp %convert_element_type3A : vector<10000x64xi32> to vector<10000x64xf32>
    %get3A_5 = arith.constant 0 : index
    %get3A_6 = arith.constant 0 : index
    %get3A_7 = vector.load %arg0[%get3A_5, %get3A_6] : memref<10000x128xf32, #tpu.memory_space<vmem>>, vector<10000x128xf32>
    %get3A_8 = arith.constant 0 : index
    %get3A_9 = arith.constant 0 : index
    %get3A_10 = vector.load %arg2[%get3A_8, %get3A_9] : memref<1x128xf32, #tpu.memory_space<vmem>>, vector<1x128xf32>
    %add3A = vector.broadcast %get3A_10 : vector<1x128xf32> to vector<10000x128xf32>
    %add3A_11 = arith.addf %get3A_7, %add3A : vector<10000x128xf32>
    %dot_general3A = arith.constant dense<0.000000e+00> : vector<64x128xf32>
    %dot_general3A_12 = tpu.matmul %convert_element_type3A_4, %add3A_11, %dot_general3A {dimension_numbers = #tpu.dot_dimension_numbers<[0], [0], [1], [1], [0, 1, 1, 1], [], []>, transpose_lhs_hint = false} : vector<10000x64xf32>, vector<10000x128xf32>, vector<64x128xf32> -> vector<64x128xf32>
    %broadcast_in_dim3A = arith.constant 1.000000e+00 : f32
    %broadcast_in_dim3A_13 = vector.broadcast %broadcast_in_dim3A : f32 to vector<10000x1xf32>
    %dot_general3A_14 = arith.constant dense<0.000000e+00> : vector<64x1xf32>
    %dot_general3A_15 = tpu.matmul %convert_element_type3A_4, %broadcast_in_dim3A_13, %dot_general3A_14 {dimension_numbers = #tpu.dot_dimension_numbers<[0], [0], [1], [1], [0, 1, 1, 1], [], []>, transpose_lhs_hint = false} : vector<10000x64xf32>, vector<10000x1xf32>, vector<64x1xf32> -> vector<64x1xf32>
    %max3A = arith.constant 1.000000e+00 : f32
    %max3A_16 = vector.broadcast %max3A : f32 to vector<64x1xf32>
    %max3A_17 = arith.maximumf %dot_general3A_15, %max3A_16 : vector<64x1xf32>
    %div3A = vector.broadcast %max3A_17 : vector<64x1xf32> to vector<64x128xf32>
    %div3A_18 = arith.divf %dot_general3A_12, %div3A : vector<64x128xf32>
    %get3A_19 = arith.constant 0 : index
    %get3A_20 = arith.constant 0 : index
    %get3A_21 = vector.load %arg3[%get3A_19, %get3A_20] : memref<128x128xf32, #tpu.memory_space<vmem>>, vector<128x128xf32>
    %dot_general3A_22 = arith.constant dense<0.000000e+00> : vector<64x128xf32>
    %dot_general3A_23 = tpu.matmul %div3A_18, %get3A_21, %dot_general3A_22 {dimension_numbers = #tpu.dot_dimension_numbers<[1], [0], [0], [1], [0, 0, 1, 1], [], []>, transpose_lhs_hint = false} : vector<64x128xf32>, vector<128x128xf32>, vector<64x128xf32> -> vector<64x128xf32>
    %get3A_24 = arith.constant 0 : index
    %get3A_25 = arith.constant 0 : index
    %get3A_26 = vector.load %arg4[%get3A_24, %get3A_25] : memref<1x128xf32, #tpu.memory_space<vmem>>, vector<1x128xf32>
    %add3A_27 = vector.broadcast %get3A_26 : vector<1x128xf32> to vector<64x128xf32>
    %add3A_28 = arith.addf %dot_general3A_23, %add3A_27 : vector<64x128xf32>
    %swap3A = arith.constant 0 : index
    %swap3A_29 = arith.constant 0 : index
    %swap3A_30 = vector.load %arg5[%swap3A, %swap3A_29] : memref<64x128xf32, #tpu.memory_space<vmem>>, vector<64x128xf32>
    tpu.vector_store %arg5[%swap3A, %swap3A_29], %add3A_28 {strides = array<i32>} : memref<64x128xf32, #tpu.memory_space<vmem>>, vector<64x128xf32>,
    return
  }
}

</mosaic_0001>

<sc_bundles>
// kernel: kernel.14.cloned.1.call-start
scs
__scs_entry_jumppad:
0x0: {  	(pc) =	sbr.rel $0x88, $3  }
0x1: {  	(tag) =	ssettag $0x0;
	lr =	simm.s32 $0x1  }
0x2: {  	[smem:$0x3F92] =	sst lr;
	_ =	strace $0xD0000000  }
0x3: {  	_ = 	snop  }
0x4: {  	_ = 	snop  }
0x5: {  	_ = 	snop  }
0x6: {  	_ = 	snop  }
0x7: {  	_ = 	snop  }
__scs_overlays_trampoline_lowered:
0x8: {  	[smem:$0x3FA1] =	sst s0  }
0x9: {  	[smem:$0x3FA2] =	sst s1  }
0xa: {  	[smem:$0x3FA3] =	sst s2  }
0xb: {  	[smem:$0x3FA4] =	sst s3  }
0xc: {  	[smem:$0x3FA5] =	sst s4  }
0xd: {  	[smem:$0x3FA6] =	sst s5  }
0xe: {  	[smem:$0x3FA7] =	sst s6  }
0xf: {  	[smem:$0x3FA8] =	sst s7  }
0x10: {  	[smem:$0x3FA9] =	sst s8  }
0x11: {  	[smem:$0x3FAA] =	sst s9;
	s0 =	simm.s32 @!p0 $0x0  }
0x12: {  	s1 =	sld [smem:$0x3F90];
	s0 =	simm.s32 @p0 $0x1  }
0x13: {  	[smem:$0x3FAB] =	sst s0;
	s0 =	simm.s32 @!p1 $0x0  }
0x14: {  	s2 =	sld [smem:$0x3F8F];
	s0 =	simm.s32 @p1 $0x1  }
0x15: {  	[smem:$0x3FAC] =	sst s0;
	s0 =	simm.s32 @!p2 $0x0  }
0x16: {  	s3 =	sld [smem:$0x3FDB];
	s0 =	simm.s32 @p2 $0x1  }
0x17: {  	s4 =	simm.s32 $0x1BF5;
	[smem:$0x3FAE] =	sst s0  }
0x18: {  	s0 =	sld [smem:$0x3F91];
	_ =	swait.ge [sflag:s4], $0x0  }
0x19: {  	s7 =	sld [smem:$0x3F92]  }
0x1a: {  	s8 =	sadd.s32 $0xFFFFE003, lr  }
0x1b: {  	s9 =	sadd.s32 $0xFFFFFEF7, lr;
	s5 =	simm.s32 $0xFFFFFFFF;
	p2 =	slt.u32 s8, $0xFFFFF086  }
0x1c: {  	p1 =	slt.u32 s9, $0xF7A;
	s5 =	simm.s32 @!p2 $0x0  }
0x1d: {  	s5 =	simm.s32 @p1 $0x1;
	p0 =	seq.s32 s7, s2  }
0x1e: {  	s7 =	smul.u32 @!p0 $0xF7A, s2;
	p2 =	seq.s32 @!p0 s5, $0x0  }
0x1f: {  	s9 =	smul.u32 $0xF7A, s1;
	s8 =	simm.s32 @!p0 $0x1BF5;
	p2 =	por !p2, p0  }
0x20: {  	[sflag:s8] =	ssyncset.s32 @!p0 $0xFFFFF086;
	s6 =	sadd.s32 @!p0 s3, s7;
	s7 =	simm.s32 @!p0 $0x108  }
0x21: {  	s3 =	sadd.s32 s3, s9;
	s6 =	sadd.s32 @!p0 $0x88, s6;
	s7 =	simm.s32 @p2 $0x1082  }
0x22: {  	[simem:s7], [sflag:s8] =	dma.local @!p0 [hbm:s6], $0xF7A  }
0x23: {  	s9 =	sor.u32 $0xD0000000, s2;
	s6 =	simm.s32 $0x108;
	_ =	swait.ge @!p0 [sflag:s8], $0x0  }
0x24: {  	s3 =	sadd.s32 $0x88, s3;
	s6 =	simm.s32 @!p1 $0x1082;
	[sflag:s4] =	ssyncset.s32 $0xFFFFF086  }
0x25: {  	[simem:s6], [sflag:s4] =	dma.local [hbm:s3], $0xF7A  }
0x26: {  	[smem:$0x3F92] =	sst s1;
	(tag) =	ssettag s2;
	_ =	strace s9  }
0x27: {  	s1 =	sld [smem:$0x3FA2]  }
0x28: {  	s2 =	sld [smem:$0x3FA3]  }
0x29: {  	s4 =	sld [smem:$0x3FA5]  }
0x2a: {  	p0 =	seq.s32 s5, $0x0;
	s5 =	sld [smem:$0x3FA6]  }
0x2b: {  	s6 =	sld [smem:$0x3FA7]  }
0x2c: {  	s7 =	sld [smem:$0x3FA8]  }
0x2d: {  	s3 =	simm.s32 $0x108;
	s8 =	sld [smem:$0x3FA9]  }
0x2e: {  	s3 =	simm.s32 @!p0 $0x1082;
	s9 =	sld [smem:$0x3FAA]  }
0x2f: {  	lr =	sadd.s32 s0, s3;
	s0 =	sld [smem:$0x3FA1]  }
0x30: {  	s3 =	sld [smem:$0x3FA4]  }
0x31: {  	[smem:$0x3FAD] =	sst s10  }
0x32: {  	s10 =	sld [smem:$0x3FAB];
	_ =	sdelay $0x3  }
0x33: {  	p0 =	seq.s32 s10, $0x1;
	s10 =	sld [smem:$0x3FAD];
	_ =	sdelay $0x3  }
0x34: {  	[smem:$0x3FAD] =	sst s10  }
0x35: {  	s10 =	sld [smem:$0x3FAC];
	_ =	sdelay $0x3  }
0x36: {  	p1 =	seq.s32 s10, $0x1;
	s10 =	sld [smem:$0x3FAD];
	_ =	sdelay $0x3  }
0x37: {  	[smem:$0x3FAD] =	sst s10  }
0x38: {  	s10 =	sld [smem:$0x3FAE]  }
0x39: {  	_ = 	snop;
	(pc) =	sbr.ind lr, $3  }
0x3a: {  	_ = 	snop  }
0x3b: {  	_ = 	snop  }
0x3c: {  	p2 =	seq.s32 s10, $0x1;
	s10 =	sld [smem:$0x3FAD]  }
0x3d: {  	_ =	shalt  }
0x3e: {  	_ =	shalt  }
0x3f: {  	_ =	shalt  }
0x40: {  	_ =	shalt  }
0x41: {  	_ =	shalt  }
0x42: {  	_ =	shalt  }
0x43: {  	_ =	shalt  }
0x44: {  	_ =	shalt  }
0x45: {  	_ =	shalt  }
0x46: {  	_ =	shalt  }
0x47: {  	_ =	shalt  }
0x48: {  	_ =	shalt  }
0x49: {  	_ =	shalt  }
0x4a: {  	_ =	shalt  }
0x4b: {  	_ =	shalt  }
0x4c: {  	_ =	shalt  }
0x4d: {  	_ =	shalt  }
0x4e: {  	_ =	shalt  }
0x4f: {  	_ =	shalt  }
0x50: {  	_ =	shalt  }
0x51: {  	_ =	shalt  }
0x52: {  	_ =	shalt  }
0x53: {  	_ =	shalt  }
0x54: {  	_ =	shalt  }
0x55: {  	_ =	shalt  }
0x56: {  	_ =	shalt  }
0x57: {  	_ =	shalt  }
0x58: {  	_ =	shalt  }
0x59: {  	_ =	shalt  }
0x5a: {  	_ =	shalt  }
0x5b: {  	_ =	shalt  }
0x5c: {  	_ =	shalt  }
0x5d: {  	_ =	shalt  }
0x5e: {  	_ =	shalt  }
0x5f: {  	_ =	shalt  }
0x60: {  	_ =	shalt  }
0x61: {  	_ =	shalt  }
0x62: {  	_ =	shalt  }
0x63: {  	_ =	shalt  }
0x64: {  	_ =	shalt  }
0x65: {  	_ =	shalt  }
0x66: {  	_ =	shalt  }
0x67: {  	_ =	shalt  }
0x68: {  	_ =	shalt  }
0x69: {  	_ =	shalt  }
0x6a: {  	_ =	shalt  }
0x6b: {  	_ =	shalt  }
0x6c: {  	_ =	shalt  }
0x6d: {  	_ =	shalt  }
0x6e: {  	_ =	shalt  }
0x6f: {  	_ =	shalt  }
0x70: {  	_ =	shalt  }
0x71: {  	_ =	shalt  }
0x72: {  	_ =	shalt  }
0x73: {  	_ =	shalt  }
0x74: {  	_ =	shalt  }
0x75: {  	_ =	shalt  }
0x76: {  	_ =	shalt  }
0x77: {  	_ =	shalt  }
0x78: {  	_ =	shalt  }
0x79: {  	_ =	shalt  }
0x7a: {  	_ =	shalt  }
0x7b: {  	_ =	shalt  }
0x7c: {  	_ =	shalt  }
0x7d: {  	_ =	shalt  }
0x7e: {  	_ =	shalt  }
0x7f: {  	_ =	shalt  }
0x80: {  	_ =	shalt  }
0x81: {  	_ =	shalt  }
0x82: {  	_ =	shalt  }
0x83: {  	_ =	shalt  }
0x84: {  	_ =	shalt  }
0x85: {  	_ =	shalt  }
0x86: {  	_ =	shalt  }
0x87: {  	_ =	shalt  }
.Lfunc_end0:
.L_simem_size_0:
called_computation_lowered:
.L_overlay_start_0:
0x88: {  	s2 =	sld [smem:$0x3FD9]  }
0x89: {  	s3 =	sld [smem:$0x3FFE];
	_ =	sdelay $0x1  }
0x8a: {  	s1 =	srdreg.scid  }
0x8b: {  	s0 =	sand.u32 $0x1, s1  }
0x8c: {  	s16 =	sshll.u32 s0, $0xA;
	s2 =	sadd.s32 s3, s2  }
0x8d: {  	s2 =	sadd.s32 s2, s16  }
0x8e: {  	[smem:$0x3FB9] =	sst s2  }
0x8f: {  	_ = 	snop  }
0x90: {  	(tm) =	ssettm $0x1  }
0x91: {  	s17 =	sld [smem:$0x3FFB];
	_ =	sdelay $0x3  }
0x92: {  	_ =	strace s17  }
0x93: {  	s2 =	sld [smem:$0x3FFC];
	_ =	sdelay $0x3  }
0x94: {  	_ =	strace s2  }
0x95: {  	s2 =	sld [smem:$0x3FFD];
	_ =	sdelay $0x3  }
0x96: {  	_ =	strace s2  }
0x97: {  	_ =	strace $0x8FFFFFFF  }
0x98: {  	s18 =	sld [smem:$0x3FDB];
	_ =	sdelay $0x1  }
0x99: {  	s19 =	simm.s32 $_scs_section_size  }
0x9a: {  	s4 =	simm.s32 $_size__tile_overlayer_lowered;
	s5 =	simm.s32 $_tile_overlayer_lowered  }
0x9b: {  	s22 =	simm.s32 $0x1BFF;
	s21 =	sshll.u32 s5, $0x1;
	s2 =	sadd.s32 s19, s18  }
0x9c: {  	s6 =	simm.s32 $0x0;
	s20 =	sshll.u32 s4, $0x1;
	s4 =	sadd.s32 s21, s2  }
0x9d: {  	[timem:s6], [sflag:s22] =	dma.local [hbm:s4], s20  }
0x9e: {  	_ =	swait.ge [sflag:s22], s20  }
0x9f: {  	s3 =	ssub.s32 $0x0, s20;
	[sflag:s22] =	ssyncset.done $0x0  }
0xa0: {  	[sflag:s22] =	ssyncadd.s32 s3;
	_ =	sdelay $0x1  }
0xa1: {  	s23 =	simm.s32 $0x1B8B  }
0xa2: {  	_ =	swait.ge [sflag:s23], $0x1  }
0xa3: {  	[sflag:s23] =	ssyncset.done $0x0  }
0xa4: {  	s25 =	simm.s32 $0x1B8E;
	s24 =	sld [smem:$0x3FFE];
	[sflag:s23] =	ssyncadd.s32 $0xFFFFFFFF  }
0xa5: {  	s26 =	simm.s32 $execute0_lowered;
	[smem:$0x3FD2] =	sst s25  }
0xa6: {  	s4 =	sshll.u32 s26, $0x1;
	_ =	strace $0x80000046;
	[dreg:$0x1] =	wrdreg $0xFFFFFFFF  }
0xa7: {  	s28 =	simm.s32 $_size_execute0_lowered;
	s2 =	sadd.s32 s2, s4;
	[dreg:$0x0] =	wrdreg $0x0  }
0xa8: {  	s4 =	sshll.u32 s28, $0x1;
	[dreg:$0x2] =	wrdreg s2  }
0xa9: {  	[dreg:$0x3] =	wrdreg s4  }
0xaa: {  	[dreg:$0x4] =	wrdreg $0xC0  }
0xab: {  	_ =	task [dreg:s6], $0x5FFFF  }
0xac: {  	[dreg:$0x1] =	wrdreg $0xFFFFFFFF  }
0xad: {  	[dreg:$0x0] =	wrdreg $0x60  }
0xae: {  	[dreg:$0x2] =	wrdreg s24  }
0xaf: {  	[dreg:$0x3] =	wrdreg $0x98000  }
0xb0: {  	[dreg:$0x4] =	wrdreg $0x9  }
0xb1: {  	_ =	task.clear_ibuf [dreg:s6], $0x5FFFF;
	_ =	strace $0x90000046  }
0xb2: {  	s29 =	simm.s32 $0x9;
	_ =	strace $0x80000048  }
0xb3: {  	_ =	swait.ge [sflag:s29], $0x1  }
0xb4: {  	[sflag:s29] =	ssyncadd.s32 $0xFFFFFFFF  }
0xb5: {  	_ =	strace $0x90000048  }
0xb6: {  	_ =	sfence  }
0xb7: {  	s30 =	sld [smem:$0x0];
	_ =	sdelay $0x2  }
0xb8: {  	s31 =	sshll.u32 s1, $0xD;
	s1 =	sshrl.u32 s1, $0x2  }
0xb9: {  	s3 =	sand.u32 $0x4000, s31;
	s1 =	sadd.s32 s1, s30  }
0xba: {  	s0 =	sor.u32 s3, s0;
	s1 =	sshll.u32 s1, $0x11  }
0xbb: {  	s0 =	sor.u32 s1, s0  }
0xbc: {  	s0 =	sadd.s32 $0x8F2B, s0  }
0xbd: {  	[sflag:s0] =	ssyncadd.remote.s32 $0x1  }
0xbe: {  	_ =	sfence.sel $0xFFFF  }
0xbf: {  	[dreg:$0x0] =	wrdreg $0xFFFFFFFF;
	(pc) =	sbr.abs _section_cstart, $3  }
0xc0: {  	[dreg:$0x1] =	wrdreg $0xFFFFFFFF  }
0xc1: {  	_ =	task.clear_ibuf [dreg:s6], $0x2FFFF;
	_ =	strace $0x9FFFFFFF  }
0xc2: {  	(tm) =	ssettm $0x7FFFFFFF  }
0xc3: {  	_ =	shalt  }
tec
execute0_lowered:
.L_overlay_start_1:
0x0: {  	(tag) =	ssettag $0x1  }
0x1: {  	s0 =	rddreg [dreg:$0x0]  }
0x2: {  	s1 =	rddreg [dreg:$0x1];
	s2 =	srdreg.scid;
	s3 =	simm.s32 $0x0  }
0x3: {  	s10 =	stileid.u32;
	s18 =	simm.s32 $0x2000;
	s19 =	simm.s32 $0x4  }
0x4: {  	s20 =	simm.s32 $0x1000;
	s21 =	simm.s32 $0x50;
	s22 =	simm.s32 $0x80  }
0x5: {  	s28 =	simm.s32 $0x2;
	s29 =	simm.s32 $0x3;
	s30 =	simm.s32 $0x1C00  }
0x6: {  	s31 =	simm.s32 $0x0;
	s2 =	sand.u32 $0x1, s2;
	s6 =	smul.u32 $0x13C00, s10  }
0x7: {  	[smem:$0x7FF] =	sst s3;
	s4 =	sadd.s32 $0x2CE00, s0;
	s8 =	smul.u32 $0x4F000, s10  }
0x8: {  	s5 =	smul.u32 $0x13C000, s2;
	_ =	strace $0x80000047;
	s9 =	ssub.s32 $0x2, s2  }
0x9: {  	s2 =	sshll.u32 s2, $0x4;
	s23 =	sshrl.u32 s8, $0x2;
	s24 =	sshrl.u32 s9, $0x1  }
0xa: {  	s2 =	sor.u32 s10, s2;
	s7 =	sadd.s32 s6, s5;
	s5 =	sadd.s32 $0x4E00, s0  }
0xb: {  	s6 =	sadd.s32 $0x18E00, s0;
	s8 =	ssub.s32 s9, s24;
	s15 =	smul.u32 $0x5000, s2  }
0xc: {  	s24 =	simm.s32 $0x100;
	s7 =	sshrl.u32 s7, $0x3;
	s17 =	smax.u32 s8, $0x1  }
0xd: {  	s0 =	sadd.s32 s7, s0;
	s7 =	sadd.s32 s23, s1;
	s23 =	simm.s32 $0x4800  }
0xe: {  	s25 =	sadd.s32 $0x2780, s7;
	s26 =	sadd.s32 $0x4F00, s7;
	s10 =	sadd.s32 $0x7680, s7  }
0xf: {  	s11 =	sadd.s32 $0x9E00, s7;
	s12 =	sadd.s32 $0xC580, s7;
	s13 =	sadd.s32 $0xED00, s7  }
0x10: {  	s14 =	sadd.s32 $0x11480, s7;
	s16 =	sadd.s32 $0x54000, s0;
	[dreg:$0x3] =	wrdreg s25  }
0x11: {  	v0 =	vimm.f32 $0.0e+00;
	[dreg:$0x4] =	wrdreg s26;
	s25 =	simm.s32 $0x7000;
	s26 =	simm.s32 $0x1  }
.LBB2_1:
0x12: {  	s0 =	simm.s32 $0x70;
	s2 =	simm.s32 $0x3C0  }
.LBB2_2:
0x13: {  	p0 =	sne.s32 s2, $0x9FC0;
	[tilespmem:s0+$0x2000] =	vst v0  }
0x14: {  	[tilespmem:s0+$0x1F90] =	vst v0  }
0x15: {  	[tilespmem:s0+$0x1FA0] =	vst v0  }
.Ltmp0:
0x16: {  	[tilespmem:s0+$0x1FB0] =	vst v0;
	(pc) =	sbr.rel @p0 .LBB2_2-.Ltmp0, $4  }
0x17: {  	[tilespmem:s0+$0x1FC0] =	vst v0  }
0x18: {  	[tilespmem:s0+$0x1FD0] =	vst v0  }
0x19: {  	[tilespmem:s0+$0x1FE0] =	vst v0  }
0x1a: {  	[tilespmem:s0+$0x1FF0] =	vst v0;
	s0 =	sshra.s32 s2, $0x2;
	s2 =	sadd.s32 $0x200, s2  }
0x1b: {  	[tilespmem:s0+$0x2000] =	vst v0  }
0x1c: {  	[tilespmem:s0+$0x1F90] =	vst v0  }
0x1d: {  	[tilespmem:s0+$0x1FA0] =	vst v0  }
0x1e: {  	[tilespmem:s0+$0x1FB0] =	vst v0  }
0x1f: {  	[tilespmem:s0+$0x1FC0] =	vst v0  }
0x20: {  	[tilespmem:s0+$0x1FD0] =	vst v0  }
0x21: {  	[tilespmem:s0+$0x1FE0] =	vst v0  }
0x22: {  	[tilespmem:s0+$0x1FF0] =	vst v0  }
0x23: {  	[spmem:s7] =	stream.linear.scatter [tilespmem:s18], [sflag:$0x4], $0x2780, $0x38;
	[tilespmem:$0x1D400] =	vst v63  }
0x24: {  	_ =	swait.ge [sflag:s19], $0x2780  }
0x25: {  	[sflag:s19] =	ssyncset.done $0x0  }
0x26: {  	s8 =	rddreg [dreg:$0x3];
	[sflag:s19] =	ssyncadd.s32 $0xFFFFD880  }
0x27: {  	[spmem:s8] =	stream.linear.scatter [tilespmem:s18], [sflag:$0x4], $0x2780, $0x38;
	[tilespmem:$0x1D400] =	vst v63  }
0x28: {  	_ =	swait.ge [sflag:s19], $0x2780  }
0x29: {  	[sflag:s19] =	ssyncset.done $0x0  }
0x2a: {  	s9 =	rddreg [dreg:$0x4];
	[sflag:s19] =	ssyncadd.s32 $0xFFFFD880  }
0x2b: {  	[spmem:s9] =	stream.linear.scatter [tilespmem:s18], [sflag:$0x4], $0x2780, $0x38;
	[tilespmem:$0x1D400] =	vst v63  }
0x2c: {  	_ =	swait.ge [sflag:s19], $0x2780  }
0x2d: {  	[sflag:s19] =	ssyncset.done $0x0  }
0x2e: {  	[sflag:s19] =	ssyncadd.s32 $0xFFFFD880  }
0x2f: {  	[spmem:s10] =	stream.linear.scatter [tilespmem:s18], [sflag:$0x4], $0x2780, $0x38;
	[tilespmem:$0x1D400] =	vst v63  }
0x30: {  	_ =	swait.ge [sflag:s19], $0x2780  }
0x31: {  	[sflag:s19] =	ssyncset.done $0x0  }
0x32: {  	[sflag:s19] =	ssyncadd.s32 $0xFFFFD880  }
0x33: {  	[spmem:s11] =	stream.linear.scatter [tilespmem:s18], [sflag:$0x4], $0x2780, $0x38;
	[tilespmem:$0x1D400] =	vst v63  }
0x34: {  	_ =	swait.ge [sflag:s19], $0x2780  }
0x35: {  	[sflag:s19] =	ssyncset.done $0x0  }
0x36: {  	[sflag:s19] =	ssyncadd.s32 $0xFFFFD880  }
0x37: {  	[spmem:s12] =	stream.linear.scatter [tilespmem:s18], [sflag:$0x4], $0x2780, $0x38;
	[tilespmem:$0x1D400] =	vst v63  }
0x38: {  	_ =	swait.ge [sflag:s19], $0x2780  }
0x39: {  	[sflag:s19] =	ssyncset.done $0x0  }
0x3a: {  	[sflag:s19] =	ssyncadd.s32 $0xFFFFD880  }
0x3b: {  	[spmem:s13] =	stream.linear.scatter [tilespmem:s18], [sflag:$0x4], $0x2780, $0x38;
	[tilespmem:$0x1D400] =	vst v63  }
0x3c: {  	_ =	swait.ge [sflag:s19], $0x2780  }
0x3d: {  	[sflag:s19] =	ssyncset.done $0x0  }
0x3e: {  	[sflag:s19] =	ssyncadd.s32 $0xFFFFD880  }
0x3f: {  	[spmem:s14] =	stream.linear.scatter [tilespmem:s18], [sflag:$0x4], $0x2780, $0x38;
	[tilespmem:$0x1D400] =	vst v63  }
0x40: {  	_ =	swait.ge [sflag:s19], $0x2780  }
0x41: {  	[sflag:s19] =	ssyncset.done $0x0  }
0x42: {  	[sflag:s19] =	ssyncadd.s32 $0xFFFFD880  }
0x43: {  	s0 =	simm.s32 $0x0;
	[bflag:$0x0] =	sbarrier.arrive $0xFFFF  }
.LBB2_4:
0x44: {  	s2 =	sshll.u32 s0, $0xC  }
0x45: {  	s2 =	sadd.s32 s15, s2  }
0x46: {  	s2 =	sshrl.u32 s2, $0x3  }
0x47: {  	s8 =	sadd.s32 s5, s2  }
0x48: {  	[tilespmem:s31], [sflag:$0x4] =	stream.linear.gather [hbm4b:s8+s31], $0xC80, $0x38;
	[tilespmem:$0x1D400] =	vst v63  }
0x49: {  	_ =	swait.ge [sflag:s19], $0xC80  }
0x4a: {  	[sflag:s19] =	ssyncset.done $0x0  }
0x4b: {  	s2 =	sadd.s32 s6, s2;
	[sflag:s19] =	ssyncadd.s32 $0xFFFFF380  }
0x4c: {  	[tilespmem:s20], [sflag:$0x4] =	stream.linear.gather [hbm4b:s2+s31], $0xC80, $0x38;
	[tilespmem:$0x1D400] =	vst v63  }
0x4d: {  	_ =	swait.ge [sflag:s19], $0xC80  }
0x4e: {  	[sflag:s19] =	ssyncset.done $0x0  }
0x4f: {  	[sflag:s19] =	ssyncadd.s32 $0xFFFFF380  }
0x50: {  	[tilespmem:s18], [sflag:$0x1] =	stream.indirect.gather [hbm4b:s4+s21], $0x80, s31, s21, $0xb8;
	[tilespmem:$0x1D400] =	vst v63  }
0x51: {  	_ = 	snop  }
0x52: {  	[tilespmem:s23], [sflag:$0x2] =	stream.indirect.gather [hbm4b:s4+s21], $0x80, s22, s21, $0xb8;
	[tilespmem:$0x1D400] =	vst v63  }
0x53: {  	_ = 	snop  }
0x54: {  	[tilespmem:s25], [sflag:$0x3] =	stream.indirect.gather [hbm4b:s4+s21], $0x80, s24, s21, $0xb8;
	[tilespmem:$0x1D400] =	vst v63  }
0x55: {  	_ =	swait.ge [sflag:s26], $0x2800  }
0x56: {  	[sflag:s26] =	ssyncset.done $0x0  }
0x57: {  	s9 =	simm.s32 $0x1000;
	[sflag:s26] =	ssyncadd.s32 $0xFFFFD800  }
0x58: {  	[spmem:s1] =	stream.indirect.scatter.add.f32 [tilespmem:s18], [sflag:$0x4], $0x80, s9, s21, $0xb8;
	[tilespmem:$0x1D400] =	vst v63  }
0x59: {  	_ =	swait.ge [sflag:s19], $0x2800  }
0x5a: {  	[sflag:s19] =	ssyncset.done $0x0  }
0x5b: {  	s8 =	simm.s32 $0x180;
	[sflag:s19] =	ssyncadd.s32 $0xFFFFD800  }
0x5c: {  	[tilespmem:s18], [sflag:$0x1] =	stream.indirect.gather [hbm4b:s4+s21], $0x80, s8, s21, $0xb8;
	[tilespmem:$0x1D400] =	vst v63  }
0x5d: {  	_ =	swait.ge [sflag:s28], $0x2800  }
0x5e: {  	[sflag:s28] =	ssyncset.done $0x0  }
0x5f: {  	s9 =	simm.s32 $0x1080;
	[sflag:s28] =	ssyncadd.s32 $0xFFFFD800  }
0x60: {  	[spmem:s1] =	stream.indirect.scatter.add.f32 [tilespmem:s23], [sflag:$0x4], $0x80, s9, s21, $0xb8;
	[tilespmem:$0x1D400] =	vst v63  }
0x61: {  	_ =	swait.ge [sflag:s19], $0x2800  }
0x62: {  	[sflag:s19] =	ssyncset.done $0x0  }
0x63: {  	s8 =	simm.s32 $0x200;
	[sflag:s19] =	ssyncadd.s32 $0xFFFFD800  }
0x64: {  	[tilespmem:s23], [sflag:$0x2] =	stream.indirect.gather [hbm4b:s4+s21], $0x80, s8, s21, $0xb8;
	[tilespmem:$0x1D400] =	vst v63  }
0x65: {  	_ =	swait.ge [sflag:s29], $0x2800  }
0x66: {  	[sflag:s29] =	ssyncset.done $0x0  }
0x67: {  	s9 =	simm.s32 $0x1100;
	[sflag:s29] =	ssyncadd.s32 $0xFFFFD800  }
0x68: {  	[spmem:s1] =	stream.indirect.scatter.add.f32 [tilespmem:s25], [sflag:$0x4], $0x80, s9, s21, $0xb8;
	[tilespmem:$0x1D400] =	vst v63  }
0x69: {  	_ =	swait.ge [sflag:s19], $0x2800  }
0x6a: {  	[sflag:s19] =	ssyncset.done $0x0  }
0x6b: {  	s2 =	simm.s32 $0x600;
	s8 =	simm.s32 $0x280;
	[sflag:s19] =	ssyncadd.s32 $0xFFFFD800  }
.LBB2_5:
0x6c: {  	[tilespmem:s25], [sflag:$0x3] =	stream.indirect.gather [hbm4b:s4+s21], $0x80, s8, s21, $0xb8;
	[tilespmem:$0x1D400] =	vst v63  }
0x6d: {  	s8 =	smov.u32 s2;
	s2 =	sadd.s32 $0x600, s2;
	_ =	swait.ge [sflag:s26], $0x2800  }
0x6e: {  	s8 =	sshra.s32 s8, $0x2;
	p0 =	sne.s32 s2, $0x2A00;
	[sflag:s26] =	ssyncset.done $0x0  }
0x6f: {  	s9 =	sadd.s32 $0x1000, s8;
	[sflag:s26] =	ssyncadd.s32 $0xFFFFD800  }
0x70: {  	[spmem:s1] =	stream.indirect.scatter.add.f32 [tilespmem:s18], [sflag:$0x4], $0x80, s9, s21, $0xb8;
	[tilespmem:$0x1D400] =	vst v63  }
0x71: {  	_ =	swait.ge [sflag:s19], $0x2800  }
0x72: {  	[sflag:s19] =	ssyncset.done $0x0  }
0x73: {  	s9 =	sadd.s32 $0x180, s8;
	[sflag:s19] =	ssyncadd.s32 $0xFFFFD800  }
0x74: {  	[tilespmem:s18], [sflag:$0x1] =	stream.indirect.gather [hbm4b:s4+s21], $0x80, s9, s21, $0xb8;
	[tilespmem:$0x1D400] =	vst v63  }
0x75: {  	_ =	swait.ge [sflag:s28], $0x2800  }
0x76: {  	[sflag:s28] =	ssyncset.done $0x0  }
0x77: {  	s9 =	sadd.s32 $0x1080, s8;
	[sflag:s28] =	ssyncadd.s32 $0xFFFFD800  }
0x78: {  	[spmem:s1] =	stream.indirect.scatter.add.f32 [tilespmem:s23], [sflag:$0x4], $0x80, s9, s21, $0xb8;
	[tilespmem:$0x1D400] =	vst v63  }
0x79: {  	_ =	swait.ge [sflag:s19], $0x2800  }
0x7a: {  	[sflag:s19] =	ssyncset.done $0x0  }
0x7b: {  	s9 =	sadd.s32 $0x200, s8;
	[sflag:s19] =	ssyncadd.s32 $0xFFFFD800  }
0x7c: {  	[tilespmem:s23], [sflag:$0x2] =	stream.indirect.gather [hbm4b:s4+s21], $0x80, s9, s21, $0xb8;
	[tilespmem:$0x1D400] =	vst v63  }
0x7d: {  	_ =	swait.ge [sflag:s29], $0x2800  }
0x7e: {  	[sflag:s29] =	ssyncset.done $0x0  }
.Ltmp1:
0x7f: {  	s9 =	sadd.s32 $0x1100, s8;
	[sflag:s29] =	ssyncadd.s32 $0xFFFFD800;
	(pc) =	sbr.rel @p0 .LBB2_5-.Ltmp1, $4  }
0x80: {  	[spmem:s1] =	stream.indirect.scatter.add.f32 [tilespmem:s25], [sflag:$0x4], $0x80, s9, s21, $0xb8;
	[tilespmem:$0x1D400] =	vst v63  }
0x81: {  	_ =	swait.ge [sflag:s19], $0x2800  }
0x82: {  	[sflag:s19] =	ssyncset.done $0x0  }
0x83: {  	s8 =	sadd.s32 $0x280, s8;
	[sflag:s19] =	ssyncadd.s32 $0xFFFFD800  }
0x84: {  	[tilespmem:s25], [sflag:$0x3] =	stream.indirect.gather [hbm4b:s4+s21], $0x80, s8, s21, $0xb8;
	[tilespmem:$0x1D400] =	vst v63  }
0x85: {  	_ =	swait.ge [sflag:s26], $0x2800  }
0x86: {  	s2 =	sshra.s32 s2, $0x2;
	[sflag:s26] =	ssyncset.done $0x0  }
0x87: {  	s9 =	sadd.s32 $0x1000, s2;
	[sflag:s26] =	ssyncadd.s32 $0xFFFFD800  }
0x88: {  	[spmem:s1] =	stream.indirect.scatter.add.f32 [tilespmem:s18], [sflag:$0x4], $0x80, s9, s21, $0xb8;
	[tilespmem:$0x1D400] =	vst v63  }
0x89: {  	_ =	swait.ge [sflag:s19], $0x2800  }
0x8a: {  	[sflag:s19] =	ssyncset.done $0x0  }
0x8b: {  	s9 =	sadd.s32 $0x180, s2;
	[sflag:s19] =	ssyncadd.s32 $0xFFFFD800  }
0x8c: {  	[tilespmem:s18], [sflag:$0x1] =	stream.indirect.gather [hbm4b:s4+s21], $0x80, s9, s21, $0xb8;
	[tilespmem:$0x1D400] =	vst v63  }
0x8d: {  	_ =	swait.ge [sflag:s28], $0x2800  }
0x8e: {  	[sflag:s28] =	ssyncset.done $0x0  }
0x8f: {  	s9 =	sadd.s32 $0x1080, s2;
	[sflag:s28] =	ssyncadd.s32 $0xFFFFD800  }
0x90: {  	[spmem:s1] =	stream.indirect.scatter.add.f32 [tilespmem:s23], [sflag:$0x4], $0x80, s9, s21, $0xb8;
	[tilespmem:$0x1D400] =	vst v63  }
0x91: {  	_ =	swait.ge [sflag:s19], $0x2800  }
0x92: {  	[sflag:s19] =	ssyncset.done $0x0  }
0x93: {  	[sflag:s19] =	ssyncadd.s32 $0xFFFFD800  }
0x94: {  	_ =	swait.ge [sflag:s29], $0x2800  }
0x95: {  	[sflag:s29] =	ssyncset.done $0x0  }
0x96: {  	s2 =	sadd.s32 $0x1100, s2;
	[sflag:s29] =	ssyncadd.s32 $0xFFFFD800  }
0x97: {  	[spmem:s1] =	stream.indirect.scatter.add.f32 [tilespmem:s25], [sflag:$0x4], $0x80, s2, s21, $0xb8;
	[tilespmem:$0x1D400] =	vst v63  }
0x98: {  	_ =	swait.ge [sflag:s19], $0x2800  }
0x99: {  	[sflag:s19] =	ssyncset.done $0x0  }
0x9a: {  	[sflag:s19] =	ssyncadd.s32 $0xFFFFD800  }
0x9b: {  	s0 =	sadd.s32 $0x1, s0;
	_ =	swait.ge [sflag:s26], $0x2800  }
0x9c: {  	p0 =	sne.s32 s0, $0x5;
	[sflag:s26] =	ssyncset.done $0x0  }
.Ltmp2:
0x9d: {  	[sflag:s26] =	ssyncadd.s32 $0xFFFFD800;
	(pc) =	sbr.rel @p0 .LBB2_4-.Ltmp2, $4  }
0x9e: {  	[spmem:s1] =	stream.indirect.scatter.add.f32 [tilespmem:s18], [sflag:$0x4], $0x80, s30, s21, $0xb8;
	[tilespmem:$0x1D400] =	vst v63  }
0x9f: {  	_ =	swait.ge [sflag:s19], $0x2800  }
0xa0: {  	[sflag:s19] =	ssyncset.done $0x0  }
0xa1: {  	[sflag:s19] =	ssyncadd.s32 $0xFFFFD800  }
0xa2: {  	s0 =	stileid.u32;
	s3 =	sadd.s32 $0x1, s3  }
0xa3: {  	[bflag:$0x0] =	sbarrier.arrive $0xFFFF;
	s0 =	sshll.u32 s0, $0x6;
	p0 =	sne.s32 s3, s17  }
.Ltmp3:
0xa4: {  	s2 =	sshrl.u32 s7, $0x3;
	s0 =	sor.u32 $0x1C04, s0;
	(pc) =	sbr.rel @p0 .LBB2_1-.Ltmp3, $4  }
0xa5: {  	[hbm:s16], [sflag:s0] =	dma.local [spmem:s2], $0x2780  }
0xa6: {  	_ =	swait.ge [sflag:s19], $0x2780  }
0xa7: {  	[sflag:s19] =	ssyncset.done $0x0  }
0xa8: {  	[sflag:s19] =	ssyncadd.s32 $0xFFFFD880  }
0xa9: {  	_ =	sfence.sel $0x180000  }
0xaa: {  	[bflag:$0x0] =	sbarrier.arrive $0xFFFF  }
0xab: {  	_ =	strace $0x90000047  }
0xac: {  	s0 =	stileid.u32;
	[bflag:$0x2] =	sbarrier.arrive $0xFFFF  }
0xad: {  	p0 =	sne.s32 s0, $0x0;
	s0 =	rddreg [dreg:$0x2]  }
0xae: {  	s0 =	sadd.s32 @!p0 $0x100000, s0  }
0xaf: {  	[sflag:s0] =	ssyncadd.tile.s32 @!p0 $0x1;
	_ =	shalt  }
.Lfunc_end2:
_tile_overlayer_lowered:
.L_overlay_start_2:
0xb0: {  	(tag) =	ssettag $0x2  }
0xb1: {  	s0 =	rddreg [dreg:$0x0];
	s2 =	stileid.u32  }
0xb2: {  	s1 =	rddreg [dreg:$0x1];
	p0 =	sne.s32 s2, $0x0  }
0xb3: {  	s3 =	rddreg [dreg:$0x2];
	[bflag:$0x3] =	sbarrier.arrive $0xFFFF;
	s2 =	simm.s32 @!p0 $0x1C04  }
0xb4: {  	[timem:s3], [sflag:s2] =	dma.local @!p0 [hbm:s0], s1  }
0xb5: {  	s0 =	simm.s32 @!p0 $0x4  }
0xb6: {  	_ =	swait.ge @!p0 [sflag:s0], s1  }
0xb7: {  	s1 =	ssub.s32 @!p0 $0x0, s1;
	[sflag:s0] =	ssyncset.done @!p0 $0x0  }
0xb8: {  	[sflag:s0] =	ssyncadd.s32 @!p0 s1  }
0xb9: {  	[bflag:$0x3] =	sbarrier.arrive $0xFFFF  }
0xba: {  	_ =	shalt  }

// kernel: kernel.17.cloned.1.call-start
scs
__scs_entry_jumppad:
0x0: {  	(pc) =	sbr.rel $0x88, $3  }
0x1: {  	(tag) =	ssettag $0x0;
	lr =	simm.s32 $0x1  }
0x2: {  	[smem:$0x3F92] =	sst lr;
	_ =	strace $0xD0000000  }
0x3: {  	_ = 	snop  }
0x4: {  	_ = 	snop  }
0x5: {  	_ = 	snop  }
0x6: {  	_ = 	snop  }
0x7: {  	_ = 	snop  }
__scs_overlays_trampoline_lowered:
0x8: {  	[smem:$0x3FA1] =	sst s0  }
0x9: {  	[smem:$0x3FA2] =	sst s1  }
0xa: {  	[smem:$0x3FA3] =	sst s2  }
0xb: {  	[smem:$0x3FA4] =	sst s3  }
0xc: {  	[smem:$0x3FA5] =	sst s4  }
0xd: {  	[smem:$0x3FA6] =	sst s5  }
0xe: {  	[smem:$0x3FA7] =	sst s6  }
0xf: {  	[smem:$0x3FA8] =	sst s7  }
0x10: {  	[smem:$0x3FA9] =	sst s8  }
0x11: {  	[smem:$0x3FAA] =	sst s9;
	s0 =	simm.s32 @!p0 $0x0  }
0x12: {  	s1 =	sld [smem:$0x3F90];
	s0 =	simm.s32 @p0 $0x1  }
0x13: {  	[smem:$0x3FAB] =	sst s0;
	s0 =	simm.s32 @!p1 $0x0  }
0x14: {  	s2 =	sld [smem:$0x3F8F];
	s0 =	simm.s32 @p1 $0x1  }
0x15: {  	[smem:$0x3FAC] =	sst s0;
	s0 =	simm.s32 @!p2 $0x0  }
0x16: {  	s3 =	sld [smem:$0x3FDB];
	s0 =	simm.s32 @p2 $0x1  }
0x17: {  	s4 =	simm.s32 $0x1BF5;
	[smem:$0x3FAE] =	sst s0  }
0x18: {  	s0 =	sld [smem:$0x3F91];
	_ =	swait.ge [sflag:s4], $0x0  }
0x19: {  	s7 =	sld [smem:$0x3F92]  }
0x1a: {  	s8 =	sadd.s32 $0xFFFFE003, lr  }
0x1b: {  	s9 =	sadd.s32 $0xFFFFFEF7, lr;
	s5 =	simm.s32 $0xFFFFFFFF;
	p2 =	slt.u32 s8, $0xFFFFF086  }
0x1c: {  	p1 =	slt.u32 s9, $0xF7A;
	s5 =	simm.s32 @!p2 $0x0  }
0x1d: {  	s5 =	simm.s32 @p1 $0x1;
	p0 =	seq.s32 s7, s2  }
0x1e: {  	s7 =	smul.u32 @!p0 $0xF7A, s2;
	p2 =	seq.s32 @!p0 s5, $0x0  }
0x1f: {  	s9 =	smul.u32 $0xF7A, s1;
	s8 =	simm.s32 @!p0 $0x1BF5;
	p2 =	por !p2, p0  }
0x20: {  	[sflag:s8] =	ssyncset.s32 @!p0 $0xFFFFF086;
	s6 =	sadd.s32 @!p0 s3, s7;
	s7 =	simm.s32 @!p0 $0x108  }
0x21: {  	s3 =	sadd.s32 s3, s9;
	s6 =	sadd.s32 @!p0 $0x88, s6;
	s7 =	simm.s32 @p2 $0x1082  }
0x22: {  	[simem:s7], [sflag:s8] =	dma.local @!p0 [hbm:s6], $0xF7A  }
0x23: {  	s9 =	sor.u32 $0xD0000000, s2;
	s6 =	simm.s32 $0x108;
	_ =	swait.ge @!p0 [sflag:s8], $0x0  }
0x24: {  	s3 =	sadd.s32 $0x88, s3;
	s6 =	simm.s32 @!p1 $0x1082;
	[sflag:s4] =	ssyncset.s32 $0xFFFFF086  }
0x25: {  	[simem:s6], [sflag:s4] =	dma.local [hbm:s3], $0xF7A  }
0x26: {  	[smem:$0x3F92] =	sst s1;
	(tag) =	ssettag s2;
	_ =	strace s9  }
0x27: {  	s1 =	sld [smem:$0x3FA2]  }
0x28: {  	s2 =	sld [smem:$0x3FA3]  }
0x29: {  	s4 =	sld [smem:$0x3FA5]  }
0x2a: {  	p0 =	seq.s32 s5, $0x0;
	s5 =	sld [smem:$0x3FA6]  }
0x2b: {  	s6 =	sld [smem:$0x3FA7]  }
0x2c: {  	s7 =	sld [smem:$0x3FA8]  }
0x2d: {  	s3 =	simm.s32 $0x108;
	s8 =	sld [smem:$0x3FA9]  }
0x2e: {  	s3 =	simm.s32 @!p0 $0x1082;
	s9 =	sld [smem:$0x3FAA]  }
0x2f: {  	lr =	sadd.s32 s0, s3;
	s0 =	sld [smem:$0x3FA1]  }
0x30: {  	s3 =	sld [smem:$0x3FA4]  }
0x31: {  	[smem:$0x3FAD] =	sst s10  }
0x32: {  	s10 =	sld [smem:$0x3FAB];
	_ =	sdelay $0x3  }
0x33: {  	p0 =	seq.s32 s10, $0x1;
	s10 =	sld [smem:$0x3FAD];
	_ =	sdelay $0x3  }
0x34: {  	[smem:$0x3FAD] =	sst s10  }
0x35: {  	s10 =	sld [smem:$0x3FAC];
	_ =	sdelay $0x3  }
0x36: {  	p1 =	seq.s32 s10, $0x1;
	s10 =	sld [smem:$0x3FAD];
	_ =	sdelay $0x3  }
0x37: {  	[smem:$0x3FAD] =	sst s10  }
0x38: {  	s10 =	sld [smem:$0x3FAE]  }
0x39: {  	_ = 	snop;
	(pc) =	sbr.ind lr, $3  }
0x3a: {  	_ = 	snop  }
0x3b: {  	_ = 	snop  }
0x3c: {  	p2 =	seq.s32 s10, $0x1;
	s10 =	sld [smem:$0x3FAD]  }
0x3d: {  	_ =	shalt  }
0x3e: {  	_ =	shalt  }
0x3f: {  	_ =	shalt  }
0x40: {  	_ =	shalt  }
0x41: {  	_ =	shalt  }
0x42: {  	_ =	shalt  }
0x43: {  	_ =	shalt  }
0x44: {  	_ =	shalt  }
0x45: {  	_ =	shalt  }
0x46: {  	_ =	shalt  }
0x47: {  	_ =	shalt  }
0x48: {  	_ =	shalt  }
0x49: {  	_ =	shalt  }
0x4a: {  	_ =	shalt  }
0x4b: {  	_ =	shalt  }
0x4c: {  	_ =	shalt  }
0x4d: {  	_ =	shalt  }
0x4e: {  	_ =	shalt  }
0x4f: {  	_ =	shalt  }
0x50: {  	_ =	shalt  }
0x51: {  	_ =	shalt  }
0x52: {  	_ =	shalt  }
0x53: {  	_ =	shalt  }
0x54: {  	_ =	shalt  }
0x55: {  	_ =	shalt  }
0x56: {  	_ =	shalt  }
0x57: {  	_ =	shalt  }
0x58: {  	_ =	shalt  }
0x59: {  	_ =	shalt  }
0x5a: {  	_ =	shalt  }
0x5b: {  	_ =	shalt  }
0x5c: {  	_ =	shalt  }
0x5d: {  	_ =	shalt  }
0x5e: {  	_ =	shalt  }
0x5f: {  	_ =	shalt  }
0x60: {  	_ =	shalt  }
0x61: {  	_ =	shalt  }
0x62: {  	_ =	shalt  }
0x63: {  	_ =	shalt  }
0x64: {  	_ =	shalt  }
0x65: {  	_ =	shalt  }
0x66: {  	_ =	shalt  }
0x67: {  	_ =	shalt  }
0x68: {  	_ =	shalt  }
0x69: {  	_ =	shalt  }
0x6a: {  	_ =	shalt  }
0x6b: {  	_ =	shalt  }
0x6c: {  	_ =	shalt  }
0x6d: {  	_ =	shalt  }
0x6e: {  	_ =	shalt  }
0x6f: {  	_ =	shalt  }
0x70: {  	_ =	shalt  }
0x71: {  	_ =	shalt  }
0x72: {  	_ =	shalt  }
0x73: {  	_ =	shalt  }
0x74: {  	_ =	shalt  }
0x75: {  	_ =	shalt  }
0x76: {  	_ =	shalt  }
0x77: {  	_ =	shalt  }
0x78: {  	_ =	shalt  }
0x79: {  	_ =	shalt  }
0x7a: {  	_ =	shalt  }
0x7b: {  	_ =	shalt  }
0x7c: {  	_ =	shalt  }
0x7d: {  	_ =	shalt  }
0x7e: {  	_ =	shalt  }
0x7f: {  	_ =	shalt  }
0x80: {  	_ =	shalt  }
0x81: {  	_ =	shalt  }
0x82: {  	_ =	shalt  }
0x83: {  	_ =	shalt  }
0x84: {  	_ =	shalt  }
0x85: {  	_ =	shalt  }
0x86: {  	_ =	shalt  }
0x87: {  	_ =	shalt  }
.Lfunc_end0:
.L_simem_size_0:
called_computation.1_lowered:
.L_overlay_start_0:
0x88: {  	s2 =	sld [smem:$0x3FD9]  }
0x89: {  	s3 =	sld [smem:$0x3FFE];
	_ =	sdelay $0x1  }
0x8a: {  	s1 =	srdreg.scid  }
0x8b: {  	s0 =	sand.u32 $0x1, s1  }
0x8c: {  	s16 =	sshll.u32 s0, $0xA;
	s2 =	sadd.s32 s3, s2  }
0x8d: {  	s2 =	sadd.s32 s2, s16  }
0x8e: {  	[smem:$0x3FB9] =	sst s2  }
0x8f: {  	_ = 	snop  }
0x90: {  	(tm) =	ssettm $0x1  }
0x91: {  	s17 =	sld [smem:$0x3FFB];
	_ =	sdelay $0x3  }
0x92: {  	_ =	strace s17  }
0x93: {  	s2 =	sld [smem:$0x3FFC];
	_ =	sdelay $0x3  }
0x94: {  	_ =	strace s2  }
0x95: {  	s2 =	sld [smem:$0x3FFD];
	_ =	sdelay $0x3  }
0x96: {  	_ =	strace s2  }
0x97: {  	_ =	strace $0x8FFFFFFF  }
0x98: {  	s18 =	sld [smem:$0x3FDB];
	_ =	sdelay $0x1  }
0x99: {  	s19 =	simm.s32 $_scs_section_size  }
0x9a: {  	s4 =	simm.s32 $_size__tile_overlayer_lowered;
	s5 =	simm.s32 $_tile_overlayer_lowered  }
0x9b: {  	s22 =	simm.s32 $0x1BFF;
	s21 =	sshll.u32 s5, $0x1;
	s2 =	sadd.s32 s19, s18  }
0x9c: {  	s6 =	simm.s32 $0x0;
	s20 =	sshll.u32 s4, $0x1;
	s4 =	sadd.s32 s21, s2  }
0x9d: {  	[timem:s6], [sflag:s22] =	dma.local [hbm:s4], s20  }
0x9e: {  	_ =	swait.ge [sflag:s22], s20  }
0x9f: {  	s3 =	ssub.s32 $0x0, s20;
	[sflag:s22] =	ssyncset.done $0x0  }
0xa0: {  	[sflag:s22] =	ssyncadd.s32 s3;
	_ =	sdelay $0x1  }
0xa1: {  	s23 =	simm.s32 $0x1B8B  }
0xa2: {  	_ =	swait.ge [sflag:s23], $0x1  }
0xa3: {  	[sflag:s23] =	ssyncset.done $0x0  }
0xa4: {  	s25 =	simm.s32 $0x1B8E;
	s24 =	sld [smem:$0x3FFE];
	[sflag:s23] =	ssyncadd.s32 $0xFFFFFFFF  }
0xa5: {  	s26 =	simm.s32 $execute0_lowered;
	[smem:$0x3FD2] =	sst s25  }
0xa6: {  	s4 =	sshll.u32 s26, $0x1;
	_ =	strace $0x80000049;
	[dreg:$0x1] =	wrdreg $0xFFFFFFFF  }
0xa7: {  	s28 =	simm.s32 $_size_execute0_lowered;
	s2 =	sadd.s32 s2, s4;
	[dreg:$0x0] =	wrdreg $0x0  }
0xa8: {  	s4 =	sshll.u32 s28, $0x1;
	[dreg:$0x2] =	wrdreg s2  }
0xa9: {  	[dreg:$0x3] =	wrdreg s4  }
0xaa: {  	[dreg:$0x4] =	wrdreg $0xC0  }
0xab: {  	_ =	task [dreg:s6], $0x5FFFF  }
0xac: {  	[dreg:$0x1] =	wrdreg $0xFFFFFFFF  }
0xad: {  	[dreg:$0x0] =	wrdreg $0x60  }
0xae: {  	[dreg:$0x2] =	wrdreg s24  }
0xaf: {  	[dreg:$0x3] =	wrdreg $0x98000  }
0xb0: {  	[dreg:$0x4] =	wrdreg $0x9  }
0xb1: {  	_ =	task.clear_ibuf [dreg:s6], $0x5FFFF;
	_ =	strace $0x90000049  }
0xb2: {  	s29 =	simm.s32 $0x9;
	_ =	strace $0x8000004B  }
0xb3: {  	_ =	swait.ge [sflag:s29], $0x1  }
0xb4: {  	[sflag:s29] =	ssyncadd.s32 $0xFFFFFFFF  }
0xb5: {  	_ =	strace $0x9000004B  }
0xb6: {  	_ =	sfence  }
0xb7: {  	s30 =	sld [smem:$0x0];
	_ =	sdelay $0x2  }
0xb8: {  	s31 =	sshll.u32 s1, $0xD;
	s1 =	sshrl.u32 s1, $0x2  }
0xb9: {  	s3 =	sand.u32 $0x4000, s31;
	s1 =	sadd.s32 s1, s30  }
0xba: {  	s0 =	sor.u32 s3, s0;
	s1 =	sshll.u32 s1, $0x11  }
0xbb: {  	s0 =	sor.u32 s1, s0  }
0xbc: {  	s0 =	sadd.s32 $0x8F2B, s0  }
0xbd: {  	[sflag:s0] =	ssyncadd.remote.s32 $0x1  }
0xbe: {  	_ =	sfence.sel $0xFFFF  }
0xbf: {  	[dreg:$0x0] =	wrdreg $0xFFFFFFFF;
	(pc) =	sbr.abs _section_cstart, $3  }
0xc0: {  	[dreg:$0x1] =	wrdreg $0xFFFFFFFF  }
0xc1: {  	_ =	task.clear_ibuf [dreg:s6], $0x2FFFF;
	_ =	strace $0x9FFFFFFF  }
0xc2: {  	(tm) =	ssettm $0x7FFFFFFF  }
0xc3: {  	_ =	shalt  }
tec
execute0_lowered:
.L_overlay_start_1:
0x0: {  	(tag) =	ssettag $0x1  }
0x1: {  	s0 =	rddreg [dreg:$0x0]  }
0x2: {  	s1 =	rddreg [dreg:$0x1];
	s2 =	srdreg.scid;
	s3 =	simm.s32 $0x0  }
0x3: {  	s10 =	stileid.u32;
	s18 =	simm.s32 $0x2000;
	s19 =	simm.s32 $0x4  }
0x4: {  	s20 =	simm.s32 $0x1000;
	s21 =	simm.s32 $0x50;
	s22 =	simm.s32 $0x80  }
0x5: {  	s28 =	simm.s32 $0x2;
	s29 =	simm.s32 $0x3;
	s30 =	simm.s32 $0x1C00  }
0x6: {  	s31 =	simm.s32 $0x0;
	s2 =	sand.u32 $0x1, s2;
	s6 =	smul.u32 $0x13C00, s10  }
0x7: {  	[smem:$0x7FF] =	sst s3;
	s4 =	sadd.s32 $0x2CE00, s0;
	s8 =	smul.u32 $0x4F000, s10  }
0x8: {  	s5 =	smul.u32 $0x13C000, s2;
	_ =	strace $0x8000004A;
	s9 =	ssub.s32 $0x2, s2  }
0x9: {  	s2 =	sshll.u32 s2, $0x4;
	s23 =	sshrl.u32 s8, $0x2;
	s24 =	sshrl.u32 s9, $0x1  }
0xa: {  	s2 =	sor.u32 s10, s2;
	s7 =	sadd.s32 s6, s5;
	s5 =	sadd.s32 $0x4E00, s0  }
0xb: {  	s6 =	sadd.s32 $0x18E00, s0;
	s8 =	ssub.s32 s9, s24;
	s15 =	smul.u32 $0x5000, s2  }
0xc: {  	s24 =	simm.s32 $0x100;
	s7 =	sshrl.u32 s7, $0x3;
	s17 =	smax.u32 s8, $0x1  }
0xd: {  	s0 =	sadd.s32 s7, s0;
	s7 =	sadd.s32 s23, s1;
	s23 =	simm.s32 $0x4800  }
0xe: {  	s25 =	sadd.s32 $0x2780, s7;
	s26 =	sadd.s32 $0x4F00, s7;
	s10 =	sadd.s32 $0x7680, s7  }
0xf: {  	s11 =	sadd.s32 $0x9E00, s7;
	s12 =	sadd.s32 $0xC580, s7;
	s13 =	sadd.s32 $0xED00, s7  }
0x10: {  	s14 =	sadd.s32 $0x11480, s7;
	s16 =	sadd.s32 $0x54000, s0;
	[dreg:$0x3] =	wrdreg s25  }
0x11: {  	v0 =	vimm.f32 $0.0e+00;
	[dreg:$0x4] =	wrdreg s26;
	s25 =	simm.s32 $0x7000;
	s26 =	simm.s32 $0x1  }
.LBB2_1:
0x12: {  	s0 =	simm.s32 $0x70;
	s2 =	simm.s32 $0x3C0  }
.LBB2_2:
0x13: {  	p0 =	sne.s32 s2, $0x9FC0;
	[tilespmem:s0+$0x2000] =	vst v0  }
0x14: {  	[tilespmem:s0+$0x1F90] =	vst v0  }
0x15: {  	[tilespmem:s0+$0x1FA0] =	vst v0  }
.Ltmp0:
0x16: {  	[tilespmem:s0+$0x1FB0] =	vst v0;
	(pc) =	sbr.rel @p0 .LBB2_2-.Ltmp0, $4  }
0x17: {  	[tilespmem:s0+$0x1FC0] =	vst v0  }
0x18: {  	[tilespmem:s0+$0x1FD0] =	vst v0  }
0x19: {  	[tilespmem:s0+$0x1FE0] =	vst v0  }
0x1a: {  	[tilespmem:s0+$0x1FF0] =	vst v0;
	s0 =	sshra.s32 s2, $0x2;
	s2 =	sadd.s32 $0x200, s2  }
0x1b: {  	[tilespmem:s0+$0x2000] =	vst v0  }
0x1c: {  	[tilespmem:s0+$0x1F90] =	vst v0  }
0x1d: {  	[tilespmem:s0+$0x1FA0] =	vst v0  }
0x1e: {  	[tilespmem:s0+$0x1FB0] =	vst v0  }
0x1f: {  	[tilespmem:s0+$0x1FC0] =	vst v0  }
0x20: {  	[tilespmem:s0+$0x1FD0] =	vst v0  }
0x21: {  	[tilespmem:s0+$0x1FE0] =	vst v0  }
0x22: {  	[tilespmem:s0+$0x1FF0] =	vst v0  }
0x23: {  	[spmem:s7] =	stream.linear.scatter [tilespmem:s18], [sflag:$0x4], $0x2780, $0x38;
	[tilespmem:$0x1D400] =	vst v63  }
0x24: {  	_ =	swait.ge [sflag:s19], $0x2780  }
0x25: {  	[sflag:s19] =	ssyncset.done $0x0  }
0x26: {  	s8 =	rddreg [dreg:$0x3];
	[sflag:s19] =	ssyncadd.s32 $0xFFFFD880  }
0x27: {  	[spmem:s8] =	stream.linear.scatter [tilespmem:s18], [sflag:$0x4], $0x2780, $0x38;
	[tilespmem:$0x1D400] =	vst v63  }
0x28: {  	_ =	swait.ge [sflag:s19], $0x2780  }
0x29: {  	[sflag:s19] =	ssyncset.done $0x0  }
0x2a: {  	s9 =	rddreg [dreg:$0x4];
	[sflag:s19] =	ssyncadd.s32 $0xFFFFD880  }
0x2b: {  	[spmem:s9] =	stream.linear.scatter [tilespmem:s18], [sflag:$0x4], $0x2780, $0x38;
	[tilespmem:$0x1D400] =	vst v63  }
0x2c: {  	_ =	swait.ge [sflag:s19], $0x2780  }
0x2d: {  	[sflag:s19] =	ssyncset.done $0x0  }
0x2e: {  	[sflag:s19] =	ssyncadd.s32 $0xFFFFD880  }
0x2f: {  	[spmem:s10] =	stream.linear.scatter [tilespmem:s18], [sflag:$0x4], $0x2780, $0x38;
	[tilespmem:$0x1D400] =	vst v63  }
0x30: {  	_ =	swait.ge [sflag:s19], $0x2780  }
0x31: {  	[sflag:s19] =	ssyncset.done $0x0  }
0x32: {  	[sflag:s19] =	ssyncadd.s32 $0xFFFFD880  }
0x33: {  	[spmem:s11] =	stream.linear.scatter [tilespmem:s18], [sflag:$0x4], $0x2780, $0x38;
	[tilespmem:$0x1D400] =	vst v63  }
0x34: {  	_ =	swait.ge [sflag:s19], $0x2780  }
0x35: {  	[sflag:s19] =	ssyncset.done $0x0  }
0x36: {  	[sflag:s19] =	ssyncadd.s32 $0xFFFFD880  }
0x37: {  	[spmem:s12] =	stream.linear.scatter [tilespmem:s18], [sflag:$0x4], $0x2780, $0x38;
	[tilespmem:$0x1D400] =	vst v63  }
0x38: {  	_ =	swait.ge [sflag:s19], $0x2780  }
0x39: {  	[sflag:s19] =	ssyncset.done $0x0  }
0x3a: {  	[sflag:s19] =	ssyncadd.s32 $0xFFFFD880  }
0x3b: {  	[spmem:s13] =	stream.linear.scatter [tilespmem:s18], [sflag:$0x4], $0x2780, $0x38;
	[tilespmem:$0x1D400] =	vst v63  }
0x3c: {  	_ =	swait.ge [sflag:s19], $0x2780  }
0x3d: {  	[sflag:s19] =	ssyncset.done $0x0  }
0x3e: {  	[sflag:s19] =	ssyncadd.s32 $0xFFFFD880  }
0x3f: {  	[spmem:s14] =	stream.linear.scatter [tilespmem:s18], [sflag:$0x4], $0x2780, $0x38;
	[tilespmem:$0x1D400] =	vst v63  }
0x40: {  	_ =	swait.ge [sflag:s19], $0x2780  }
0x41: {  	[sflag:s19] =	ssyncset.done $0x0  }
0x42: {  	[sflag:s19] =	ssyncadd.s32 $0xFFFFD880  }
0x43: {  	s0 =	simm.s32 $0x0;
	[bflag:$0x0] =	sbarrier.arrive $0xFFFF  }
.LBB2_4:
0x44: {  	s2 =	sshll.u32 s0, $0xC  }
0x45: {  	s2 =	sadd.s32 s15, s2  }
0x46: {  	s2 =	sshrl.u32 s2, $0x3  }
0x47: {  	s8 =	sadd.s32 s5, s2  }
0x48: {  	[tilespmem:s31], [sflag:$0x4] =	stream.linear.gather [hbm4b:s8+s31], $0xC80, $0x38;
	[tilespmem:$0x1D400] =	vst v63  }
0x49: {  	_ =	swait.ge [sflag:s19], $0xC80  }
0x4a: {  	[sflag:s19] =	ssyncset.done $0x0  }
0x4b: {  	s2 =	sadd.s32 s6, s2;
	[sflag:s19] =	ssyncadd.s32 $0xFFFFF380  }
0x4c: {  	[tilespmem:s20], [sflag:$0x4] =	stream.linear.gather [hbm4b:s2+s31], $0xC80, $0x38;
	[tilespmem:$0x1D400] =	vst v63  }
0x4d: {  	_ =	swait.ge [sflag:s19], $0xC80  }
0x4e: {  	[sflag:s19] =	ssyncset.done $0x0  }
0x4f: {  	[sflag:s19] =	ssyncadd.s32 $0xFFFFF380  }
0x50: {  	[tilespmem:s18], [sflag:$0x1] =	stream.indirect.gather [hbm4b:s4+s21], $0x80, s31, s21, $0xb8;
	[tilespmem:$0x1D400] =	vst v63  }
0x51: {  	_ = 	snop  }
0x52: {  	[tilespmem:s23], [sflag:$0x2] =	stream.indirect.gather [hbm4b:s4+s21], $0x80, s22, s21, $0xb8;
	[tilespmem:$0x1D400] =	vst v63  }
0x53: {  	_ = 	snop  }
0x54: {  	[tilespmem:s25], [sflag:$0x3] =	stream.indirect.gather [hbm4b:s4+s21], $0x80, s24, s21, $0xb8;
	[tilespmem:$0x1D400] =	vst v63  }
0x55: {  	_ =	swait.ge [sflag:s26], $0x2800  }
0x56: {  	[sflag:s26] =	ssyncset.done $0x0  }
0x57: {  	s9 =	simm.s32 $0x1000;
	[sflag:s26] =	ssyncadd.s32 $0xFFFFD800  }
0x58: {  	[spmem:s1] =	stream.indirect.scatter.add.f32 [tilespmem:s18], [sflag:$0x4], $0x80, s9, s21, $0xb8;
	[tilespmem:$0x1D400] =	vst v63  }
0x59: {  	_ =	swait.ge [sflag:s19], $0x2800  }
0x5a: {  	[sflag:s19] =	ssyncset.done $0x0  }
0x5b: {  	s8 =	simm.s32 $0x180;
	[sflag:s19] =	ssyncadd.s32 $0xFFFFD800  }
0x5c: {  	[tilespmem:s18], [sflag:$0x1] =	stream.indirect.gather [hbm4b:s4+s21], $0x80, s8, s21, $0xb8;
	[tilespmem:$0x1D400] =	vst v63  }
0x5d: {  	_ =	swait.ge [sflag:s28], $0x2800  }
0x5e: {  	[sflag:s28] =	ssyncset.done $0x0  }
0x5f: {  	s9 =	simm.s32 $0x1080;
	[sflag:s28] =	ssyncadd.s32 $0xFFFFD800  }
0x60: {  	[spmem:s1] =	stream.indirect.scatter.add.f32 [tilespmem:s23], [sflag:$0x4], $0x80, s9, s21, $0xb8;
	[tilespmem:$0x1D400] =	vst v63  }
0x61: {  	_ =	swait.ge [sflag:s19], $0x2800  }
0x62: {  	[sflag:s19] =	ssyncset.done $0x0  }
0x63: {  	s8 =	simm.s32 $0x200;
	[sflag:s19] =	ssyncadd.s32 $0xFFFFD800  }
0x64: {  	[tilespmem:s23], [sflag:$0x2] =	stream.indirect.gather [hbm4b:s4+s21], $0x80, s8, s21, $0xb8;
	[tilespmem:$0x1D400] =	vst v63  }
0x65: {  	_ =	swait.ge [sflag:s29], $0x2800  }
0x66: {  	[sflag:s29] =	ssyncset.done $0x0  }
0x67: {  	s9 =	simm.s32 $0x1100;
	[sflag:s29] =	ssyncadd.s32 $0xFFFFD800  }
0x68: {  	[spmem:s1] =	stream.indirect.scatter.add.f32 [tilespmem:s25], [sflag:$0x4], $0x80, s9, s21, $0xb8;
	[tilespmem:$0x1D400] =	vst v63  }
0x69: {  	_ =	swait.ge [sflag:s19], $0x2800  }
0x6a: {  	[sflag:s19] =	ssyncset.done $0x0  }
0x6b: {  	s2 =	simm.s32 $0x600;
	s8 =	simm.s32 $0x280;
	[sflag:s19] =	ssyncadd.s32 $0xFFFFD800  }
.LBB2_5:
0x6c: {  	[tilespmem:s25], [sflag:$0x3] =	stream.indirect.gather [hbm4b:s4+s21], $0x80, s8, s21, $0xb8;
	[tilespmem:$0x1D400] =	vst v63  }
0x6d: {  	s8 =	smov.u32 s2;
	s2 =	sadd.s32 $0x600, s2;
	_ =	swait.ge [sflag:s26], $0x2800  }
0x6e: {  	s8 =	sshra.s32 s8, $0x2;
	p0 =	sne.s32 s2, $0x2A00;
	[sflag:s26] =	ssyncset.done $0x0  }
0x6f: {  	s9 =	sadd.s32 $0x1000, s8;
	[sflag:s26] =	ssyncadd.s32 $0xFFFFD800  }
0x70: {  	[spmem:s1] =	stream.indirect.scatter.add.f32 [tilespmem:s18], [sflag:$0x4], $0x80, s9, s21, $0xb8;
	[tilespmem:$0x1D400] =	vst v63  }
0x71: {  	_ =	swait.ge [sflag:s19], $0x2800  }
0x72: {  	[sflag:s19] =	ssyncset.done $0x0  }
0x73: {  	s9 =	sadd.s32 $0x180, s8;
	[sflag:s19] =	ssyncadd.s32 $0xFFFFD800  }
0x74: {  	[tilespmem:s18], [sflag:$0x1] =	stream.indirect.gather [hbm4b:s4+s21], $0x80, s9, s21, $0xb8;
	[tilespmem:$0x1D400] =	vst v63  }
0x75: {  	_ =	swait.ge [sflag:s28], $0x2800  }
0x76: {  	[sflag:s28] =	ssyncset.done $0x0  }
0x77: {  	s9 =	sadd.s32 $0x1080, s8;
	[sflag:s28] =	ssyncadd.s32 $0xFFFFD800  }
0x78: {  	[spmem:s1] =	stream.indirect.scatter.add.f32 [tilespmem:s23], [sflag:$0x4], $0x80, s9, s21, $0xb8;
	[tilespmem:$0x1D400] =	vst v63  }
0x79: {  	_ =	swait.ge [sflag:s19], $0x2800  }
0x7a: {  	[sflag:s19] =	ssyncset.done $0x0  }
0x7b: {  	s9 =	sadd.s32 $0x200, s8;
	[sflag:s19] =	ssyncadd.s32 $0xFFFFD800  }
0x7c: {  	[tilespmem:s23], [sflag:$0x2] =	stream.indirect.gather [hbm4b:s4+s21], $0x80, s9, s21, $0xb8;
	[tilespmem:$0x1D400] =	vst v63  }
0x7d: {  	_ =	swait.ge [sflag:s29], $0x2800  }
0x7e: {  	[sflag:s29] =	ssyncset.done $0x0  }
.Ltmp1:
0x7f: {  	s9 =	sadd.s32 $0x1100, s8;
	[sflag:s29] =	ssyncadd.s32 $0xFFFFD800;
	(pc) =	sbr.rel @p0 .LBB2_5-.Ltmp1, $4  }
0x80: {  	[spmem:s1] =	stream.indirect.scatter.add.f32 [tilespmem:s25], [sflag:$0x4], $0x80, s9, s21, $0xb8;
	[tilespmem:$0x1D400] =	vst v63  }
0x81: {  	_ =	swait.ge [sflag:s19], $0x2800  }
0x82: {  	[sflag:s19] =	ssyncset.done $0x0  }
0x83: {  	s8 =	sadd.s32 $0x280, s8;
	[sflag:s19] =	ssyncadd.s32 $0xFFFFD800  }
0x84: {  	[tilespmem:s25], [sflag:$0x3] =	stream.indirect.gather [hbm4b:s4+s21], $0x80, s8, s21, $0xb8;
	[tilespmem:$0x1D400] =	vst v63  }
0x85: {  	_ =	swait.ge [sflag:s26], $0x2800  }
0x86: {  	s2 =	sshra.s32 s2, $0x2;
	[sflag:s26] =	ssyncset.done $0x0  }
0x87: {  	s9 =	sadd.s32 $0x1000, s2;
	[sflag:s26] =	ssyncadd.s32 $0xFFFFD800  }
0x88: {  	[spmem:s1] =	stream.indirect.scatter.add.f32 [tilespmem:s18], [sflag:$0x4], $0x80, s9, s21, $0xb8;
	[tilespmem:$0x1D400] =	vst v63  }
0x89: {  	_ =	swait.ge [sflag:s19], $0x2800  }
0x8a: {  	[sflag:s19] =	ssyncset.done $0x0  }
0x8b: {  	s9 =	sadd.s32 $0x180, s2;
	[sflag:s19] =	ssyncadd.s32 $0xFFFFD800  }
0x8c: {  	[tilespmem:s18], [sflag:$0x1] =	stream.indirect.gather [hbm4b:s4+s21], $0x80, s9, s21, $0xb8;
	[tilespmem:$0x1D400] =	vst v63  }
0x8d: {  	_ =	swait.ge [sflag:s28], $0x2800  }
0x8e: {  	[sflag:s28] =	ssyncset.done $0x0  }
0x8f: {  	s9 =	sadd.s32 $0x1080, s2;
	[sflag:s28] =	ssyncadd.s32 $0xFFFFD800  }
0x90: {  	[spmem:s1] =	stream.indirect.scatter.add.f32 [tilespmem:s23], [sflag:$0x4], $0x80, s9, s21, $0xb8;
	[tilespmem:$0x1D400] =	vst v63  }
0x91: {  	_ =	swait.ge [sflag:s19], $0x2800  }
0x92: {  	[sflag:s19] =	ssyncset.done $0x0  }
0x93: {  	[sflag:s19] =	ssyncadd.s32 $0xFFFFD800  }
0x94: {  	_ =	swait.ge [sflag:s29], $0x2800  }
0x95: {  	[sflag:s29] =	ssyncset.done $0x0  }
0x96: {  	s2 =	sadd.s32 $0x1100, s2;
	[sflag:s29] =	ssyncadd.s32 $0xFFFFD800  }
0x97: {  	[spmem:s1] =	stream.indirect.scatter.add.f32 [tilespmem:s25], [sflag:$0x4], $0x80, s2, s21, $0xb8;
	[tilespmem:$0x1D400] =	vst v63  }
0x98: {  	_ =	swait.ge [sflag:s19], $0x2800  }
0x99: {  	[sflag:s19] =	ssyncset.done $0x0  }
0x9a: {  	[sflag:s19] =	ssyncadd.s32 $0xFFFFD800  }
0x9b: {  	s0 =	sadd.s32 $0x1, s0;
	_ =	swait.ge [sflag:s26], $0x2800  }
0x9c: {  	p0 =	sne.s32 s0, $0x5;
	[sflag:s26] =	ssyncset.done $0x0  }
.Ltmp2:
0x9d: {  	[sflag:s26] =	ssyncadd.s32 $0xFFFFD800;
	(pc) =	sbr.rel @p0 .LBB2_4-.Ltmp2, $4  }
0x9e: {  	[spmem:s1] =	stream.indirect.scatter.add.f32 [tilespmem:s18], [sflag:$0x4], $0x80, s30, s21, $0xb8;
	[tilespmem:$0x1D400] =	vst v63  }
0x9f: {  	_ =	swait.ge [sflag:s19], $0x2800  }
0xa0: {  	[sflag:s19] =	ssyncset.done $0x0  }
0xa1: {  	[sflag:s19] =	ssyncadd.s32 $0xFFFFD800  }
0xa2: {  	s0 =	stileid.u32;
	s3 =	sadd.s32 $0x1, s3  }
0xa3: {  	[bflag:$0x0] =	sbarrier.arrive $0xFFFF;
	s0 =	sshll.u32 s0, $0x6;
	p0 =	sne.s32 s3, s17  }
.Ltmp3:
0xa4: {  	s2 =	sshrl.u32 s7, $0x3;
	s0 =	sor.u32 $0x1C04, s0;
	(pc) =	sbr.rel @p0 .LBB2_1-.Ltmp3, $4  }
0xa5: {  	[hbm:s16], [sflag:s0] =	dma.local [spmem:s2], $0x2780  }
0xa6: {  	_ =	swait.ge [sflag:s19], $0x2780  }
0xa7: {  	[sflag:s19] =	ssyncset.done $0x0  }
0xa8: {  	[sflag:s19] =	ssyncadd.s32 $0xFFFFD880  }
0xa9: {  	_ =	sfence.sel $0x180000  }
0xaa: {  	[bflag:$0x0] =	sbarrier.arrive $0xFFFF  }
0xab: {  	_ =	strace $0x9000004A  }
0xac: {  	s0 =	stileid.u32;
	[bflag:$0x2] =	sbarrier.arrive $0xFFFF  }
0xad: {  	p0 =	sne.s32 s0, $0x0;
	s0 =	rddreg [dreg:$0x2]  }
0xae: {  	s0 =	sadd.s32 @!p0 $0x100000, s0  }
0xaf: {  	[sflag:s0] =	ssyncadd.tile.s32 @!p0 $0x1;
	_ =	shalt  }
.Lfunc_end2:
_tile_overlayer_lowered:
.L_overlay_start_2:
0xb0: {  	(tag) =	ssettag $0x2  }
0xb1: {  	s0 =	rddreg [dreg:$0x0];
	s2 =	stileid.u32  }
0xb2: {  	s1 =	rddreg [dreg:$0x1];
	p0 =	sne.s32 s2, $0x0  }
0xb3: {  	s3 =	rddreg [dreg:$0x2];
	[bflag:$0x3] =	sbarrier.arrive $0xFFFF;
	s2 =	simm.s32 @!p0 $0x1C04  }
0xb4: {  	[timem:s3], [sflag:s2] =	dma.local @!p0 [hbm:s0], s1  }
0xb5: {  	s0 =	simm.s32 @!p0 $0x4  }
0xb6: {  	_ =	swait.ge @!p0 [sflag:s0], s1  }
0xb7: {  	s1 =	ssub.s32 @!p0 $0x0, s1;
	[sflag:s0] =	ssyncset.done @!p0 $0x0  }
0xb8: {  	[sflag:s0] =	ssyncadd.s32 @!p0 s1  }
0xb9: {  	[bflag:$0x3] =	sbarrier.arrive $0xFFFF  }
0xba: {  	_ =	shalt  }

// kernel: kernel.20.cloned.1.call-start
scs
__scs_entry_jumppad:
0x0: {  	(pc) =	sbr.rel $0x88, $3  }
0x1: {  	(tag) =	ssettag $0x0;
	lr =	simm.s32 $0x1  }
0x2: {  	[smem:$0x3F92] =	sst lr;
	_ =	strace $0xD0000000  }
0x3: {  	_ = 	snop  }
0x4: {  	_ = 	snop  }
0x5: {  	_ = 	snop  }
0x6: {  	_ = 	snop  }
0x7: {  	_ = 	snop  }
__scs_overlays_trampoline_lowered:
0x8: {  	[smem:$0x3FA1] =	sst s0  }
0x9: {  	[smem:$0x3FA2] =	sst s1  }
0xa: {  	[smem:$0x3FA3] =	sst s2  }
0xb: {  	[smem:$0x3FA4] =	sst s3  }
0xc: {  	[smem:$0x3FA5] =	sst s4  }
0xd: {  	[smem:$0x3FA6] =	sst s5  }
0xe: {  	[smem:$0x3FA7] =	sst s6  }
0xf: {  	[smem:$0x3FA8] =	sst s7  }
0x10: {  	[smem:$0x3FA9] =	sst s8  }
0x11: {  	[smem:$0x3FAA] =	sst s9;
	s0 =	simm.s32 @!p0 $0x0  }
0x12: {  	s1 =	sld [smem:$0x3F90];
	s0 =	simm.s32 @p0 $0x1  }
0x13: {  	[smem:$0x3FAB] =	sst s0;
	s0 =	simm.s32 @!p1 $0x0  }
0x14: {  	s2 =	sld [smem:$0x3F8F];
	s0 =	simm.s32 @p1 $0x1  }
0x15: {  	[smem:$0x3FAC] =	sst s0;
	s0 =	simm.s32 @!p2 $0x0  }
0x16: {  	s3 =	sld [smem:$0x3FDB];
	s0 =	simm.s32 @p2 $0x1  }
0x17: {  	s4 =	simm.s32 $0x1BF5;
	[smem:$0x3FAE] =	sst s0  }
0x18: {  	s0 =	sld [smem:$0x3F91];
	_ =	swait.ge [sflag:s4], $0x0  }
0x19: {  	s7 =	sld [smem:$0x3F92]  }
0x1a: {  	s8 =	sadd.s32 $0xFFFFE003, lr  }
0x1b: {  	s9 =	sadd.s32 $0xFFFFFEF7, lr;
	s5 =	simm.s32 $0xFFFFFFFF;
	p2 =	slt.u32 s8, $0xFFFFF086  }
0x1c: {  	p1 =	slt.u32 s9, $0xF7A;
	s5 =	simm.s32 @!p2 $0x0  }
0x1d: {  	s5 =	simm.s32 @p1 $0x1;
	p0 =	seq.s32 s7, s2  }
0x1e: {  	s7 =	smul.u32 @!p0 $0xF7A, s2;
	p2 =	seq.s32 @!p0 s5, $0x0  }
0x1f: {  	s9 =	smul.u32 $0xF7A, s1;
	s8 =	simm.s32 @!p0 $0x1BF5;
	p2 =	por !p2, p0  }
0x20: {  	[sflag:s8] =	ssyncset.s32 @!p0 $0xFFFFF086;
	s6 =	sadd.s32 @!p0 s3, s7;
	s7 =	simm.s32 @!p0 $0x108  }
0x21: {  	s3 =	sadd.s32 s3, s9;
	s6 =	sadd.s32 @!p0 $0x88, s6;
	s7 =	simm.s32 @p2 $0x1082  }
0x22: {  	[simem:s7], [sflag:s8] =	dma.local @!p0 [hbm:s6], $0xF7A  }
0x23: {  	s9 =	sor.u32 $0xD0000000, s2;
	s6 =	simm.s32 $0x108;
	_ =	swait.ge @!p0 [sflag:s8], $0x0  }
0x24: {  	s3 =	sadd.s32 $0x88, s3;
	s6 =	simm.s32 @!p1 $0x1082;
	[sflag:s4] =	ssyncset.s32 $0xFFFFF086  }
0x25: {  	[simem:s6], [sflag:s4] =	dma.local [hbm:s3], $0xF7A  }
0x26: {  	[smem:$0x3F92] =	sst s1;
	(tag) =	ssettag s2;
	_ =	strace s9  }
0x27: {  	s1 =	sld [smem:$0x3FA2]  }
0x28: {  	s2 =	sld [smem:$0x3FA3]  }
0x29: {  	s4 =	sld [smem:$0x3FA5]  }
0x2a: {  	p0 =	seq.s32 s5, $0x0;
	s5 =	sld [smem:$0x3FA6]  }
0x2b: {  	s6 =	sld [smem:$0x3FA7]  }
0x2c: {  	s7 =	sld [smem:$0x3FA8]  }
0x2d: {  	s3 =	simm.s32 $0x108;
	s8 =	sld [smem:$0x3FA9]  }
0x2e: {  	s3 =	simm.s32 @!p0 $0x1082;
	s9 =	sld [smem:$0x3FAA]  }
0x2f: {  	lr =	sadd.s32 s0, s3;
	s0 =	sld [smem:$0x3FA1]  }
0x30: {  	s3 =	sld [smem:$0x3FA4]  }
0x31: {  	[smem:$0x3FAD] =	sst s10  }
0x32: {  	s10 =	sld [smem:$0x3FAB];
	_ =	sdelay $0x3  }
0x33: {  	p0 =	seq.s32 s10, $0x1;
	s10 =	sld [smem:$0x3FAD];
	_ =	sdelay $0x3  }
0x34: {  	[smem:$0x3FAD] =	sst s10  }
0x35: {  	s10 =	sld [smem:$0x3FAC];
	_ =	sdelay $0x3  }
0x36: {  	p1 =	seq.s32 s10, $0x1;
	s10 =	sld [smem:$0x3FAD];
	_ =	sdelay $0x3  }
0x37: {  	[smem:$0x3FAD] =	sst s10  }
0x38: {  	s10 =	sld [smem:$0x3FAE]  }
0x39: {  	_ = 	snop;
	(pc) =	sbr.ind lr, $3  }
0x3a: {  	_ = 	snop  }
0x3b: {  	_ = 	snop  }
0x3c: {  	p2 =	seq.s32 s10, $0x1;
	s10 =	sld [smem:$0x3FAD]  }
0x3d: {  	_ =	shalt  }
0x3e: {  	_ =	shalt  }
0x3f: {  	_ =	shalt  }
0x40: {  	_ =	shalt  }
0x41: {  	_ =	shalt  }
0x42: {  	_ =	shalt  }
0x43: {  	_ =	shalt  }
0x44: {  	_ =	shalt  }
0x45: {  	_ =	shalt  }
0x46: {  	_ =	shalt  }
0x47: {  	_ =	shalt  }
0x48: {  	_ =	shalt  }
0x49: {  	_ =	shalt  }
0x4a: {  	_ =	shalt  }
0x4b: {  	_ =	shalt  }
0x4c: {  	_ =	shalt  }
0x4d: {  	_ =	shalt  }
0x4e: {  	_ =	shalt  }
0x4f: {  	_ =	shalt  }
0x50: {  	_ =	shalt  }
0x51: {  	_ =	shalt  }
0x52: {  	_ =	shalt  }
0x53: {  	_ =	shalt  }
0x54: {  	_ =	shalt  }
0x55: {  	_ =	shalt  }
0x56: {  	_ =	shalt  }
0x57: {  	_ =	shalt  }
0x58: {  	_ =	shalt  }
0x59: {  	_ =	shalt  }
0x5a: {  	_ =	shalt  }
0x5b: {  	_ =	shalt  }
0x5c: {  	_ =	shalt  }
0x5d: {  	_ =	shalt  }
0x5e: {  	_ =	shalt  }
0x5f: {  	_ =	shalt  }
0x60: {  	_ =	shalt  }
0x61: {  	_ =	shalt  }
0x62: {  	_ =	shalt  }
0x63: {  	_ =	shalt  }
0x64: {  	_ =	shalt  }
0x65: {  	_ =	shalt  }
0x66: {  	_ =	shalt  }
0x67: {  	_ =	shalt  }
0x68: {  	_ =	shalt  }
0x69: {  	_ =	shalt  }
0x6a: {  	_ =	shalt  }
0x6b: {  	_ =	shalt  }
0x6c: {  	_ =	shalt  }
0x6d: {  	_ =	shalt  }
0x6e: {  	_ =	shalt  }
0x6f: {  	_ =	shalt  }
0x70: {  	_ =	shalt  }
0x71: {  	_ =	shalt  }
0x72: {  	_ =	shalt  }
0x73: {  	_ =	shalt  }
0x74: {  	_ =	shalt  }
0x75: {  	_ =	shalt  }
0x76: {  	_ =	shalt  }
0x77: {  	_ =	shalt  }
0x78: {  	_ =	shalt  }
0x79: {  	_ =	shalt  }
0x7a: {  	_ =	shalt  }
0x7b: {  	_ =	shalt  }
0x7c: {  	_ =	shalt  }
0x7d: {  	_ =	shalt  }
0x7e: {  	_ =	shalt  }
0x7f: {  	_ =	shalt  }
0x80: {  	_ =	shalt  }
0x81: {  	_ =	shalt  }
0x82: {  	_ =	shalt  }
0x83: {  	_ =	shalt  }
0x84: {  	_ =	shalt  }
0x85: {  	_ =	shalt  }
0x86: {  	_ =	shalt  }
0x87: {  	_ =	shalt  }
.Lfunc_end0:
.L_simem_size_0:
called_computation.2_lowered:
.L_overlay_start_0:
0x88: {  	s2 =	sld [smem:$0x3FD9]  }
0x89: {  	s3 =	sld [smem:$0x3FFE];
	_ =	sdelay $0x1  }
0x8a: {  	s1 =	srdreg.scid  }
0x8b: {  	s0 =	sand.u32 $0x1, s1  }
0x8c: {  	s16 =	sshll.u32 s0, $0xA;
	s2 =	sadd.s32 s3, s2  }
0x8d: {  	s2 =	sadd.s32 s2, s16  }
0x8e: {  	[smem:$0x3FB9] =	sst s2  }
0x8f: {  	_ = 	snop  }
0x90: {  	(tm) =	ssettm $0x1  }
0x91: {  	s17 =	sld [smem:$0x3FFB];
	_ =	sdelay $0x3  }
0x92: {  	_ =	strace s17  }
0x93: {  	s2 =	sld [smem:$0x3FFC];
	_ =	sdelay $0x3  }
0x94: {  	_ =	strace s2  }
0x95: {  	s2 =	sld [smem:$0x3FFD];
	_ =	sdelay $0x3  }
0x96: {  	_ =	strace s2  }
0x97: {  	_ =	strace $0x8FFFFFFF  }
0x98: {  	s18 =	sld [smem:$0x3FDB];
	_ =	sdelay $0x1  }
0x99: {  	s19 =	simm.s32 $_scs_section_size  }
0x9a: {  	s4 =	simm.s32 $_size__tile_overlayer_lowered;
	s5 =	simm.s32 $_tile_overlayer_lowered  }
0x9b: {  	s22 =	simm.s32 $0x1BFF;
	s21 =	sshll.u32 s5, $0x1;
	s2 =	sadd.s32 s19, s18  }
0x9c: {  	s6 =	simm.s32 $0x0;
	s20 =	sshll.u32 s4, $0x1;
	s4 =	sadd.s32 s21, s2  }
0x9d: {  	[timem:s6], [sflag:s22] =	dma.local [hbm:s4], s20  }
0x9e: {  	_ =	swait.ge [sflag:s22], s20  }
0x9f: {  	s3 =	ssub.s32 $0x0, s20;
	[sflag:s22] =	ssyncset.done $0x0  }
0xa0: {  	[sflag:s22] =	ssyncadd.s32 s3;
	_ =	sdelay $0x1  }
0xa1: {  	s23 =	simm.s32 $0x1B8B  }
0xa2: {  	_ =	swait.ge [sflag:s23], $0x1  }
0xa3: {  	[sflag:s23] =	ssyncset.done $0x0  }
0xa4: {  	s25 =	simm.s32 $0x1B8E;
	s24 =	sld [smem:$0x3FFE];
	[sflag:s23] =	ssyncadd.s32 $0xFFFFFFFF  }
0xa5: {  	s26 =	simm.s32 $execute0_lowered;
	[smem:$0x3FD2] =	sst s25  }
0xa6: {  	s4 =	sshll.u32 s26, $0x1;
	_ =	strace $0x8000004C;
	[dreg:$0x1] =	wrdreg $0xFFFFFFFF  }
0xa7: {  	s28 =	simm.s32 $_size_execute0_lowered;
	s2 =	sadd.s32 s2, s4;
	[dreg:$0x0] =	wrdreg $0x0  }
0xa8: {  	s4 =	sshll.u32 s28, $0x1;
	[dreg:$0x2] =	wrdreg s2  }
0xa9: {  	[dreg:$0x3] =	wrdreg s4  }
0xaa: {  	[dreg:$0x4] =	wrdreg $0xC0  }
0xab: {  	_ =	task [dreg:s6], $0x5FFFF  }
0xac: {  	[dreg:$0x1] =	wrdreg $0xFFFFFFFF  }
0xad: {  	[dreg:$0x0] =	wrdreg $0x60  }
0xae: {  	[dreg:$0x2] =	wrdreg s24  }
0xaf: {  	[dreg:$0x3] =	wrdreg $0x98000  }
0xb0: {  	[dreg:$0x4] =	wrdreg $0x9  }
0xb1: {  	_ =	task.clear_ibuf [dreg:s6], $0x5FFFF;
	_ =	strace $0x9000004C  }
0xb2: {  	s29 =	simm.s32 $0x9;
	_ =	strace $0x8000004E  }
0xb3: {  	_ =	swait.ge [sflag:s29], $0x1  }
0xb4: {  	[sflag:s29] =	ssyncadd.s32 $0xFFFFFFFF  }
0xb5: {  	_ =	strace $0x9000004E  }
0xb6: {  	_ =	sfence  }
0xb7: {  	s30 =	sld [smem:$0x0];
	_ =	sdelay $0x2  }
0xb8: {  	s31 =	sshll.u32 s1, $0xD;
	s1 =	sshrl.u32 s1, $0x2  }
0xb9: {  	s3 =	sand.u32 $0x4000, s31;
	s1 =	sadd.s32 s1, s30  }
0xba: {  	s0 =	sor.u32 s3, s0;
	s1 =	sshll.u32 s1, $0x11  }
0xbb: {  	s0 =	sor.u32 s1, s0  }
0xbc: {  	s0 =	sadd.s32 $0x8F2B, s0  }
0xbd: {  	[sflag:s0] =	ssyncadd.remote.s32 $0x1  }
0xbe: {  	_ =	sfence.sel $0xFFFF  }
0xbf: {  	[dreg:$0x0] =	wrdreg $0xFFFFFFFF;
	(pc) =	sbr.abs _section_cstart, $3  }
0xc0: {  	[dreg:$0x1] =	wrdreg $0xFFFFFFFF  }
0xc1: {  	_ =	task.clear_ibuf [dreg:s6], $0x2FFFF;
	_ =	strace $0x9FFFFFFF  }
0xc2: {  	(tm) =	ssettm $0x7FFFFFFF  }
0xc3: {  	_ =	shalt  }
tec
execute0_lowered:
.L_overlay_start_1:
0x0: {  	(tag) =	ssettag $0x1  }
0x1: {  	s0 =	rddreg [dreg:$0x0]  }
0x2: {  	s1 =	rddreg [dreg:$0x1];
	s2 =	srdreg.scid;
	s3 =	simm.s32 $0x0  }
0x3: {  	s10 =	stileid.u32;
	s18 =	simm.s32 $0x2000;
	s19 =	simm.s32 $0x4  }
0x4: {  	s20 =	simm.s32 $0x1000;
	s21 =	simm.s32 $0x50;
	s22 =	simm.s32 $0x80  }
0x5: {  	s28 =	simm.s32 $0x2;
	s29 =	simm.s32 $0x3;
	s30 =	simm.s32 $0x1C00  }
0x6: {  	s31 =	simm.s32 $0x0;
	s2 =	sand.u32 $0x1, s2;
	s6 =	smul.u32 $0x13C00, s10  }
0x7: {  	[smem:$0x7FF] =	sst s3;
	s4 =	sadd.s32 $0x2CE00, s0;
	s8 =	smul.u32 $0x4F000, s10  }
0x8: {  	s5 =	smul.u32 $0x13C000, s2;
	_ =	strace $0x8000004D;
	s9 =	ssub.s32 $0x2, s2  }
0x9: {  	s2 =	sshll.u32 s2, $0x4;
	s23 =	sshrl.u32 s8, $0x2;
	s24 =	sshrl.u32 s9, $0x1  }
0xa: {  	s2 =	sor.u32 s10, s2;
	s7 =	sadd.s32 s6, s5;
	s5 =	sadd.s32 $0x4E00, s0  }
0xb: {  	s6 =	sadd.s32 $0x18E00, s0;
	s8 =	ssub.s32 s9, s24;
	s15 =	smul.u32 $0x5000, s2  }
0xc: {  	s24 =	simm.s32 $0x100;
	s7 =	sshrl.u32 s7, $0x3;
	s17 =	smax.u32 s8, $0x1  }
0xd: {  	s0 =	sadd.s32 s7, s0;
	s7 =	sadd.s32 s23, s1;
	s23 =	simm.s32 $0x4800  }
0xe: {  	s25 =	sadd.s32 $0x2780, s7;
	s26 =	sadd.s32 $0x4F00, s7;
	s10 =	sadd.s32 $0x7680, s7  }
0xf: {  	s11 =	sadd.s32 $0x9E00, s7;
	s12 =	sadd.s32 $0xC580, s7;
	s13 =	sadd.s32 $0xED00, s7  }
0x10: {  	s14 =	sadd.s32 $0x11480, s7;
	s16 =	sadd.s32 $0x54000, s0;
	[dreg:$0x3] =	wrdreg s25  }
0x11: {  	v0 =	vimm.f32 $0.0e+00;
	[dreg:$0x4] =	wrdreg s26;
	s25 =	simm.s32 $0x7000;
	s26 =	simm.s32 $0x1  }
.LBB2_1:
0x12: {  	s0 =	simm.s32 $0x70;
	s2 =	simm.s32 $0x3C0  }
.LBB2_2:
0x13: {  	p0 =	sne.s32 s2, $0x9FC0;
	[tilespmem:s0+$0x2000] =	vst v0  }
0x14: {  	[tilespmem:s0+$0x1F90] =	vst v0  }
0x15: {  	[tilespmem:s0+$0x1FA0] =	vst v0  }
.Ltmp0:
0x16: {  	[tilespmem:s0+$0x1FB0] =	vst v0;
	(pc) =	sbr.rel @p0 .LBB2_2-.Ltmp0, $4  }
0x17: {  	[tilespmem:s0+$0x1FC0] =	vst v0  }
0x18: {  	[tilespmem:s0+$0x1FD0] =	vst v0  }
0x19: {  	[tilespmem:s0+$0x1FE0] =	vst v0  }
0x1a: {  	[tilespmem:s0+$0x1FF0] =	vst v0;
	s0 =	sshra.s32 s2, $0x2;
	s2 =	sadd.s32 $0x200, s2  }
0x1b: {  	[tilespmem:s0+$0x2000] =	vst v0  }
0x1c: {  	[tilespmem:s0+$0x1F90] =	vst v0  }
0x1d: {  	[tilespmem:s0+$0x1FA0] =	vst v0  }
0x1e: {  	[tilespmem:s0+$0x1FB0] =	vst v0  }
0x1f: {  	[tilespmem:s0+$0x1FC0] =	vst v0  }
0x20: {  	[tilespmem:s0+$0x1FD0] =	vst v0  }
0x21: {  	[tilespmem:s0+$0x1FE0] =	vst v0  }
0x22: {  	[tilespmem:s0+$0x1FF0] =	vst v0  }
0x23: {  	[spmem:s7] =	stream.linear.scatter [tilespmem:s18], [sflag:$0x4], $0x2780, $0x38;
	[tilespmem:$0x1D400] =	vst v63  }
0x24: {  	_ =	swait.ge [sflag:s19], $0x2780  }
0x25: {  	[sflag:s19] =	ssyncset.done $0x0  }
0x26: {  	s8 =	rddreg [dreg:$0x3];
	[sflag:s19] =	ssyncadd.s32 $0xFFFFD880  }
0x27: {  	[spmem:s8] =	stream.linear.scatter [tilespmem:s18], [sflag:$0x4], $0x2780, $0x38;
	[tilespmem:$0x1D400] =	vst v63  }
0x28: {  	_ =	swait.ge [sflag:s19], $0x2780  }
0x29: {  	[sflag:s19] =	ssyncset.done $0x0  }
0x2a: {  	s9 =	rddreg [dreg:$0x4];
	[sflag:s19] =	ssyncadd.s32 $0xFFFFD880  }
0x2b: {  	[spmem:s9] =	stream.linear.scatter [tilespmem:s18], [sflag:$0x4], $0x2780, $0x38;
	[tilespmem:$0x1D400] =	vst v63  }
0x2c: {  	_ =	swait.ge [sflag:s19], $0x2780  }
0x2d: {  	[sflag:s19] =	ssyncset.done $0x0  }
0x2e: {  	[sflag:s19] =	ssyncadd.s32 $0xFFFFD880  }
0x2f: {  	[spmem:s10] =	stream.linear.scatter [tilespmem:s18], [sflag:$0x4], $0x2780, $0x38;
	[tilespmem:$0x1D400] =	vst v63  }
0x30: {  	_ =	swait.ge [sflag:s19], $0x2780  }
0x31: {  	[sflag:s19] =	ssyncset.done $0x0  }
0x32: {  	[sflag:s19] =	ssyncadd.s32 $0xFFFFD880  }
0x33: {  	[spmem:s11] =	stream.linear.scatter [tilespmem:s18], [sflag:$0x4], $0x2780, $0x38;
	[tilespmem:$0x1D400] =	vst v63  }
0x34: {  	_ =	swait.ge [sflag:s19], $0x2780  }
0x35: {  	[sflag:s19] =	ssyncset.done $0x0  }
0x36: {  	[sflag:s19] =	ssyncadd.s32 $0xFFFFD880  }
0x37: {  	[spmem:s12] =	stream.linear.scatter [tilespmem:s18], [sflag:$0x4], $0x2780, $0x38;
	[tilespmem:$0x1D400] =	vst v63  }
0x38: {  	_ =	swait.ge [sflag:s19], $0x2780  }
0x39: {  	[sflag:s19] =	ssyncset.done $0x0  }
0x3a: {  	[sflag:s19] =	ssyncadd.s32 $0xFFFFD880  }
0x3b: {  	[spmem:s13] =	stream.linear.scatter [tilespmem:s18], [sflag:$0x4], $0x2780, $0x38;
	[tilespmem:$0x1D400] =	vst v63  }
0x3c: {  	_ =	swait.ge [sflag:s19], $0x2780  }
0x3d: {  	[sflag:s19] =	ssyncset.done $0x0  }
0x3e: {  	[sflag:s19] =	ssyncadd.s32 $0xFFFFD880  }
0x3f: {  	[spmem:s14] =	stream.linear.scatter [tilespmem:s18], [sflag:$0x4], $0x2780, $0x38;
	[tilespmem:$0x1D400] =	vst v63  }
0x40: {  	_ =	swait.ge [sflag:s19], $0x2780  }
0x41: {  	[sflag:s19] =	ssyncset.done $0x0  }
0x42: {  	[sflag:s19] =	ssyncadd.s32 $0xFFFFD880  }
0x43: {  	s0 =	simm.s32 $0x0;
	[bflag:$0x0] =	sbarrier.arrive $0xFFFF  }
.LBB2_4:
0x44: {  	s2 =	sshll.u32 s0, $0xC  }
0x45: {  	s2 =	sadd.s32 s15, s2  }
0x46: {  	s2 =	sshrl.u32 s2, $0x3  }
0x47: {  	s8 =	sadd.s32 s5, s2  }
0x48: {  	[tilespmem:s31], [sflag:$0x4] =	stream.linear.gather [hbm4b:s8+s31], $0xC80, $0x38;
	[tilespmem:$0x1D400] =	vst v63  }
0x49: {  	_ =	swait.ge [sflag:s19], $0xC80  }
0x4a: {  	[sflag:s19] =	ssyncset.done $0x0  }
0x4b: {  	s2 =	sadd.s32 s6, s2;
	[sflag:s19] =	ssyncadd.s32 $0xFFFFF380  }
0x4c: {  	[tilespmem:s20], [sflag:$0x4] =	stream.linear.gather [hbm4b:s2+s31], $0xC80, $0x38;
	[tilespmem:$0x1D400] =	vst v63  }
0x4d: {  	_ =	swait.ge [sflag:s19], $0xC80  }
0x4e: {  	[sflag:s19] =	ssyncset.done $0x0  }
0x4f: {  	[sflag:s19] =	ssyncadd.s32 $0xFFFFF380  }
0x50: {  	[tilespmem:s18], [sflag:$0x1] =	stream.indirect.gather [hbm4b:s4+s21], $0x80, s31, s21, $0xb8;
	[tilespmem:$0x1D400] =	vst v63  }
0x51: {  	_ = 	snop  }
0x52: {  	[tilespmem:s23], [sflag:$0x2] =	stream.indirect.gather [hbm4b:s4+s21], $0x80, s22, s21, $0xb8;
	[tilespmem:$0x1D400] =	vst v63  }
0x53: {  	_ = 	snop  }
0x54: {  	[tilespmem:s25], [sflag:$0x3] =	stream.indirect.gather [hbm4b:s4+s21], $0x80, s24, s21, $0xb8;
	[tilespmem:$0x1D400] =	vst v63  }
0x55: {  	_ =	swait.ge [sflag:s26], $0x2800  }
0x56: {  	[sflag:s26] =	ssyncset.done $0x0  }
0x57: {  	s9 =	simm.s32 $0x1000;
	[sflag:s26] =	ssyncadd.s32 $0xFFFFD800  }
0x58: {  	[spmem:s1] =	stream.indirect.scatter.add.f32 [tilespmem:s18], [sflag:$0x4], $0x80, s9, s21, $0xb8;
	[tilespmem:$0x1D400] =	vst v63  }
0x59: {  	_ =	swait.ge [sflag:s19], $0x2800  }
0x5a: {  	[sflag:s19] =	ssyncset.done $0x0  }
0x5b: {  	s8 =	simm.s32 $0x180;
	[sflag:s19] =	ssyncadd.s32 $0xFFFFD800  }
0x5c: {  	[tilespmem:s18], [sflag:$0x1] =	stream.indirect.gather [hbm4b:s4+s21], $0x80, s8, s21, $0xb8;
	[tilespmem:$0x1D400] =	vst v63  }
0x5d: {  	_ =	swait.ge [sflag:s28], $0x2800  }
0x5e: {  	[sflag:s28] =	ssyncset.done $0x0  }
0x5f: {  	s9 =	simm.s32 $0x1080;
	[sflag:s28] =	ssyncadd.s32 $0xFFFFD800  }
0x60: {  	[spmem:s1] =	stream.indirect.scatter.add.f32 [tilespmem:s23], [sflag:$0x4], $0x80, s9, s21, $0xb8;
	[tilespmem:$0x1D400] =	vst v63  }
0x61: {  	_ =	swait.ge [sflag:s19], $0x2800  }
0x62: {  	[sflag:s19] =	ssyncset.done $0x0  }
0x63: {  	s8 =	simm.s32 $0x200;
	[sflag:s19] =	ssyncadd.s32 $0xFFFFD800  }
0x64: {  	[tilespmem:s23], [sflag:$0x2] =	stream.indirect.gather [hbm4b:s4+s21], $0x80, s8, s21, $0xb8;
	[tilespmem:$0x1D400] =	vst v63  }
0x65: {  	_ =	swait.ge [sflag:s29], $0x2800  }
0x66: {  	[sflag:s29] =	ssyncset.done $0x0  }
0x67: {  	s9 =	simm.s32 $0x1100;
	[sflag:s29] =	ssyncadd.s32 $0xFFFFD800  }
0x68: {  	[spmem:s1] =	stream.indirect.scatter.add.f32 [tilespmem:s25], [sflag:$0x4], $0x80, s9, s21, $0xb8;
	[tilespmem:$0x1D400] =	vst v63  }
0x69: {  	_ =	swait.ge [sflag:s19], $0x2800  }
0x6a: {  	[sflag:s19] =	ssyncset.done $0x0  }
0x6b: {  	s2 =	simm.s32 $0x600;
	s8 =	simm.s32 $0x280;
	[sflag:s19] =	ssyncadd.s32 $0xFFFFD800  }
.LBB2_5:
0x6c: {  	[tilespmem:s25], [sflag:$0x3] =	stream.indirect.gather [hbm4b:s4+s21], $0x80, s8, s21, $0xb8;
	[tilespmem:$0x1D400] =	vst v63  }
0x6d: {  	s8 =	smov.u32 s2;
	s2 =	sadd.s32 $0x600, s2;
	_ =	swait.ge [sflag:s26], $0x2800  }
0x6e: {  	s8 =	sshra.s32 s8, $0x2;
	p0 =	sne.s32 s2, $0x2A00;
	[sflag:s26] =	ssyncset.done $0x0  }
0x6f: {  	s9 =	sadd.s32 $0x1000, s8;
	[sflag:s26] =	ssyncadd.s32 $0xFFFFD800  }
0x70: {  	[spmem:s1] =	stream.indirect.scatter.add.f32 [tilespmem:s18], [sflag:$0x4], $0x80, s9, s21, $0xb8;
	[tilespmem:$0x1D400] =	vst v63  }
0x71: {  	_ =	swait.ge [sflag:s19], $0x2800  }
0x72: {  	[sflag:s19] =	ssyncset.done $0x0  }
0x73: {  	s9 =	sadd.s32 $0x180, s8;
	[sflag:s19] =	ssyncadd.s32 $0xFFFFD800  }
0x74: {  	[tilespmem:s18], [sflag:$0x1] =	stream.indirect.gather [hbm4b:s4+s21], $0x80, s9, s21, $0xb8;
	[tilespmem:$0x1D400] =	vst v63  }
0x75: {  	_ =	swait.ge [sflag:s28], $0x2800  }
0x76: {  	[sflag:s28] =	ssyncset.done $0x0  }
0x77: {  	s9 =	sadd.s32 $0x1080, s8;
	[sflag:s28] =	ssyncadd.s32 $0xFFFFD800  }
0x78: {  	[spmem:s1] =	stream.indirect.scatter.add.f32 [tilespmem:s23], [sflag:$0x4], $0x80, s9, s21, $0xb8;
	[tilespmem:$0x1D400] =	vst v63  }
0x79: {  	_ =	swait.ge [sflag:s19], $0x2800  }
0x7a: {  	[sflag:s19] =	ssyncset.done $0x0  }
0x7b: {  	s9 =	sadd.s32 $0x200, s8;
	[sflag:s19] =	ssyncadd.s32 $0xFFFFD800  }
0x7c: {  	[tilespmem:s23], [sflag:$0x2] =	stream.indirect.gather [hbm4b:s4+s21], $0x80, s9, s21, $0xb8;
	[tilespmem:$0x1D400] =	vst v63  }
0x7d: {  	_ =	swait.ge [sflag:s29], $0x2800  }
0x7e: {  	[sflag:s29] =	ssyncset.done $0x0  }
.Ltmp1:
0x7f: {  	s9 =	sadd.s32 $0x1100, s8;
	[sflag:s29] =	ssyncadd.s32 $0xFFFFD800;
	(pc) =	sbr.rel @p0 .LBB2_5-.Ltmp1, $4  }
0x80: {  	[spmem:s1] =	stream.indirect.scatter.add.f32 [tilespmem:s25], [sflag:$0x4], $0x80, s9, s21, $0xb8;
	[tilespmem:$0x1D400] =	vst v63  }
0x81: {  	_ =	swait.ge [sflag:s19], $0x2800  }
0x82: {  	[sflag:s19] =	ssyncset.done $0x0  }
0x83: {  	s8 =	sadd.s32 $0x280, s8;
	[sflag:s19] =	ssyncadd.s32 $0xFFFFD800  }
0x84: {  	[tilespmem:s25], [sflag:$0x3] =	stream.indirect.gather [hbm4b:s4+s21], $0x80, s8, s21, $0xb8;
	[tilespmem:$0x1D400] =	vst v63  }
0x85: {  	_ =	swait.ge [sflag:s26], $0x2800  }
0x86: {  	s2 =	sshra.s32 s2, $0x2;
	[sflag:s26] =	ssyncset.done $0x0  }
0x87: {  	s9 =	sadd.s32 $0x1000, s2;
	[sflag:s26] =	ssyncadd.s32 $0xFFFFD800  }
0x88: {  	[spmem:s1] =	stream.indirect.scatter.add.f32 [tilespmem:s18], [sflag:$0x4], $0x80, s9, s21, $0xb8;
	[tilespmem:$0x1D400] =	vst v63  }
0x89: {  	_ =	swait.ge [sflag:s19], $0x2800  }
0x8a: {  	[sflag:s19] =	ssyncset.done $0x0  }
0x8b: {  	s9 =	sadd.s32 $0x180, s2;
	[sflag:s19] =	ssyncadd.s32 $0xFFFFD800  }
0x8c: {  	[tilespmem:s18], [sflag:$0x1] =	stream.indirect.gather [hbm4b:s4+s21], $0x80, s9, s21, $0xb8;
	[tilespmem:$0x1D400] =	vst v63  }
0x8d: {  	_ =	swait.ge [sflag:s28], $0x2800  }
0x8e: {  	[sflag:s28] =	ssyncset.done $0x0  }
0x8f: {  	s9 =	sadd.s32 $0x1080, s2;
	[sflag:s28] =	ssyncadd.s32 $0xFFFFD800  }
0x90: {  	[spmem:s1] =	stream.indirect.scatter.add.f32 [tilespmem:s23], [sflag:$0x4], $0x80, s9, s21, $0xb8;
	[tilespmem:$0x1D400] =	vst v63  }
0x91: {  	_ =	swait.ge [sflag:s19], $0x2800  }
0x92: {  	[sflag:s19] =	ssyncset.done $0x0  }
0x93: {  	[sflag:s19] =	ssyncadd.s32 $0xFFFFD800  }
0x94: {  	_ =	swait.ge [sflag:s29], $0x2800  }
0x95: {  	[sflag:s29] =	ssyncset.done $0x0  }
0x96: {  	s2 =	sadd.s32 $0x1100, s2;
	[sflag:s29] =	ssyncadd.s32 $0xFFFFD800  }
0x97: {  	[spmem:s1] =	stream.indirect.scatter.add.f32 [tilespmem:s25], [sflag:$0x4], $0x80, s2, s21, $0xb8;
	[tilespmem:$0x1D400] =	vst v63  }
0x98: {  	_ =	swait.ge [sflag:s19], $0x2800  }
0x99: {  	[sflag:s19] =	ssyncset.done $0x0  }
0x9a: {  	[sflag:s19] =	ssyncadd.s32 $0xFFFFD800  }
0x9b: {  	s0 =	sadd.s32 $0x1, s0;
	_ =	swait.ge [sflag:s26], $0x2800  }
0x9c: {  	p0 =	sne.s32 s0, $0x5;
	[sflag:s26] =	ssyncset.done $0x0  }
.Ltmp2:
0x9d: {  	[sflag:s26] =	ssyncadd.s32 $0xFFFFD800;
	(pc) =	sbr.rel @p0 .LBB2_4-.Ltmp2, $4  }
0x9e: {  	[spmem:s1] =	stream.indirect.scatter.add.f32 [tilespmem:s18], [sflag:$0x4], $0x80, s30, s21, $0xb8;
	[tilespmem:$0x1D400] =	vst v63  }
0x9f: {  	_ =	swait.ge [sflag:s19], $0x2800  }
0xa0: {  	[sflag:s19] =	ssyncset.done $0x0  }
0xa1: {  	[sflag:s19] =	ssyncadd.s32 $0xFFFFD800  }
0xa2: {  	s0 =	stileid.u32;
	s3 =	sadd.s32 $0x1, s3  }
0xa3: {  	[bflag:$0x0] =	sbarrier.arrive $0xFFFF;
	s0 =	sshll.u32 s0, $0x6;
	p0 =	sne.s32 s3, s17  }
.Ltmp3:
0xa4: {  	s2 =	sshrl.u32 s7, $0x3;
	s0 =	sor.u32 $0x1C04, s0;
	(pc) =	sbr.rel @p0 .LBB2_1-.Ltmp3, $4  }
0xa5: {  	[hbm:s16], [sflag:s0] =	dma.local [spmem:s2], $0x2780  }
0xa6: {  	_ =	swait.ge [sflag:s19], $0x2780  }
0xa7: {  	[sflag:s19] =	ssyncset.done $0x0  }
0xa8: {  	[sflag:s19] =	ssyncadd.s32 $0xFFFFD880  }
0xa9: {  	_ =	sfence.sel $0x180000  }
0xaa: {  	[bflag:$0x0] =	sbarrier.arrive $0xFFFF  }
0xab: {  	_ =	strace $0x9000004D  }
0xac: {  	s0 =	stileid.u32;
	[bflag:$0x2] =	sbarrier.arrive $0xFFFF  }
0xad: {  	p0 =	sne.s32 s0, $0x0;
	s0 =	rddreg [dreg:$0x2]  }
0xae: {  	s0 =	sadd.s32 @!p0 $0x100000, s0  }
0xaf: {  	[sflag:s0] =	ssyncadd.tile.s32 @!p0 $0x1;
	_ =	shalt  }
.Lfunc_end2:
_tile_overlayer_lowered:
.L_overlay_start_2:
0xb0: {  	(tag) =	ssettag $0x2  }
0xb1: {  	s0 =	rddreg [dreg:$0x0];
	s2 =	stileid.u32  }
0xb2: {  	s1 =	rddreg [dreg:$0x1];
	p0 =	sne.s32 s2, $0x0  }
0xb3: {  	s3 =	rddreg [dreg:$0x2];
	[bflag:$0x3] =	sbarrier.arrive $0xFFFF;
	s2 =	simm.s32 @!p0 $0x1C04  }
0xb4: {  	[timem:s3], [sflag:s2] =	dma.local @!p0 [hbm:s0], s1  }
0xb5: {  	s0 =	simm.s32 @!p0 $0x4  }
0xb6: {  	_ =	swait.ge @!p0 [sflag:s0], s1  }
0xb7: {  	s1 =	ssub.s32 @!p0 $0x0, s1;
	[sflag:s0] =	ssyncset.done @!p0 $0x0  }
0xb8: {  	[sflag:s0] =	ssyncadd.s32 @!p0 s1  }
0xb9: {  	[bflag:$0x3] =	sbarrier.arrive $0xFFFF  }
0xba: {  	_ =	shalt  }

// kernel: kernel.23.cloned.1.call-start
scs
__scs_entry_jumppad:
0x0: {  	(pc) =	sbr.rel $0x88, $3  }
0x1: {  	(tag) =	ssettag $0x0;
	lr =	simm.s32 $0x1  }
0x2: {  	[smem:$0x3F92] =	sst lr;
	_ =	strace $0xD0000000  }
0x3: {  	_ = 	snop  }
0x4: {  	_ = 	snop  }
0x5: {  	_ = 	snop  }
0x6: {  	_ = 	snop  }
0x7: {  	_ = 	snop  }
__scs_overlays_trampoline_lowered:
0x8: {  	[smem:$0x3FA1] =	sst s0  }
0x9: {  	[smem:$0x3FA2] =	sst s1  }
0xa: {  	[smem:$0x3FA3] =	sst s2  }
0xb: {  	[smem:$0x3FA4] =	sst s3  }
0xc: {  	[smem:$0x3FA5] =	sst s4  }
0xd: {  	[smem:$0x3FA6] =	sst s5  }
0xe: {  	[smem:$0x3FA7] =	sst s6  }
0xf: {  	[smem:$0x3FA8] =	sst s7  }
0x10: {  	[smem:$0x3FA9] =	sst s8  }
0x11: {  	[smem:$0x3FAA] =	sst s9;
	s0 =	simm.s32 @!p0 $0x0  }
0x12: {  	s1 =	sld [smem:$0x3F90];
	s0 =	simm.s32 @p0 $0x1  }
0x13: {  	[smem:$0x3FAB] =	sst s0;
	s0 =	simm.s32 @!p1 $0x0  }
0x14: {  	s2 =	sld [smem:$0x3F8F];
	s0 =	simm.s32 @p1 $0x1  }
0x15: {  	[smem:$0x3FAC] =	sst s0;
	s0 =	simm.s32 @!p2 $0x0  }
0x16: {  	s3 =	sld [smem:$0x3FDB];
	s0 =	simm.s32 @p2 $0x1  }
0x17: {  	s4 =	simm.s32 $0x1BF5;
	[smem:$0x3FAE] =	sst s0  }
0x18: {  	s0 =	sld [smem:$0x3F91];
	_ =	swait.ge [sflag:s4], $0x0  }
0x19: {  	s7 =	sld [smem:$0x3F92]  }
0x1a: {  	s8 =	sadd.s32 $0xFFFFE003, lr  }
0x1b: {  	s9 =	sadd.s32 $0xFFFFFEF7, lr;
	s5 =	simm.s32 $0xFFFFFFFF;
	p2 =	slt.u32 s8, $0xFFFFF086  }
0x1c: {  	p1 =	slt.u32 s9, $0xF7A;
	s5 =	simm.s32 @!p2 $0x0  }
0x1d: {  	s5 =	simm.s32 @p1 $0x1;
	p0 =	seq.s32 s7, s2  }
0x1e: {  	s7 =	smul.u32 @!p0 $0xF7A, s2;
	p2 =	seq.s32 @!p0 s5, $0x0  }
0x1f: {  	s9 =	smul.u32 $0xF7A, s1;
	s8 =	simm.s32 @!p0 $0x1BF5;
	p2 =	por !p2, p0  }
0x20: {  	[sflag:s8] =	ssyncset.s32 @!p0 $0xFFFFF086;
	s6 =	sadd.s32 @!p0 s3, s7;
	s7 =	simm.s32 @!p0 $0x108  }
0x21: {  	s3 =	sadd.s32 s3, s9;
	s6 =	sadd.s32 @!p0 $0x88, s6;
	s7 =	simm.s32 @p2 $0x1082  }
0x22: {  	[simem:s7], [sflag:s8] =	dma.local @!p0 [hbm:s6], $0xF7A  }
0x23: {  	s9 =	sor.u32 $0xD0000000, s2;
	s6 =	simm.s32 $0x108;
	_ =	swait.ge @!p0 [sflag:s8], $0x0  }
0x24: {  	s3 =	sadd.s32 $0x88, s3;
	s6 =	simm.s32 @!p1 $0x1082;
	[sflag:s4] =	ssyncset.s32 $0xFFFFF086  }
0x25: {  	[simem:s6], [sflag:s4] =	dma.local [hbm:s3], $0xF7A  }
0x26: {  	[smem:$0x3F92] =	sst s1;
	(tag) =	ssettag s2;
	_ =	strace s9  }
0x27: {  	s1 =	sld [smem:$0x3FA2]  }
0x28: {  	s2 =	sld [smem:$0x3FA3]  }
0x29: {  	s4 =	sld [smem:$0x3FA5]  }
0x2a: {  	p0 =	seq.s32 s5, $0x0;
	s5 =	sld [smem:$0x3FA6]  }
0x2b: {  	s6 =	sld [smem:$0x3FA7]  }
0x2c: {  	s7 =	sld [smem:$0x3FA8]  }
0x2d: {  	s3 =	simm.s32 $0x108;
	s8 =	sld [smem:$0x3FA9]  }
0x2e: {  	s3 =	simm.s32 @!p0 $0x1082;
	s9 =	sld [smem:$0x3FAA]  }
0x2f: {  	lr =	sadd.s32 s0, s3;
	s0 =	sld [smem:$0x3FA1]  }
0x30: {  	s3 =	sld [smem:$0x3FA4]  }
0x31: {  	[smem:$0x3FAD] =	sst s10  }
0x32: {  	s10 =	sld [smem:$0x3FAB];
	_ =	sdelay $0x3  }
0x33: {  	p0 =	seq.s32 s10, $0x1;
	s10 =	sld [smem:$0x3FAD];
	_ =	sdelay $0x3  }
0x34: {  	[smem:$0x3FAD] =	sst s10  }
0x35: {  	s10 =	sld [smem:$0x3FAC];
	_ =	sdelay $0x3  }
0x36: {  	p1 =	seq.s32 s10, $0x1;
	s10 =	sld [smem:$0x3FAD];
	_ =	sdelay $0x3  }
0x37: {  	[smem:$0x3FAD] =	sst s10  }
0x38: {  	s10 =	sld [smem:$0x3FAE]  }
0x39: {  	_ = 	snop;
	(pc) =	sbr.ind lr, $3  }
0x3a: {  	_ = 	snop  }
0x3b: {  	_ = 	snop  }
0x3c: {  	p2 =	seq.s32 s10, $0x1;
	s10 =	sld [smem:$0x3FAD]  }
0x3d: {  	_ =	shalt  }
0x3e: {  	_ =	shalt  }
0x3f: {  	_ =	shalt  }
0x40: {  	_ =	shalt  }
0x41: {  	_ =	shalt  }
0x42: {  	_ =	shalt  }
0x43: {  	_ =	shalt  }
0x44: {  	_ =	shalt  }
0x45: {  	_ =	shalt  }
0x46: {  	_ =	shalt  }
0x47: {  	_ =	shalt  }
0x48: {  	_ =	shalt  }
0x49: {  	_ =	shalt  }
0x4a: {  	_ =	shalt  }
0x4b: {  	_ =	shalt  }
0x4c: {  	_ =	shalt  }
0x4d: {  	_ =	shalt  }
0x4e: {  	_ =	shalt  }
0x4f: {  	_ =	shalt  }
0x50: {  	_ =	shalt  }
0x51: {  	_ =	shalt  }
0x52: {  	_ =	shalt  }
0x53: {  	_ =	shalt  }
0x54: {  	_ =	shalt  }
0x55: {  	_ =	shalt  }
0x56: {  	_ =	shalt  }
0x57: {  	_ =	shalt  }
0x58: {  	_ =	shalt  }
0x59: {  	_ =	shalt  }
0x5a: {  	_ =	shalt  }
0x5b: {  	_ =	shalt  }
0x5c: {  	_ =	shalt  }
0x5d: {  	_ =	shalt  }
0x5e: {  	_ =	shalt  }
0x5f: {  	_ =	shalt  }
0x60: {  	_ =	shalt  }
0x61: {  	_ =	shalt  }
0x62: {  	_ =	shalt  }
0x63: {  	_ =	shalt  }
0x64: {  	_ =	shalt  }
0x65: {  	_ =	shalt  }
0x66: {  	_ =	shalt  }
0x67: {  	_ =	shalt  }
0x68: {  	_ =	shalt  }
0x69: {  	_ =	shalt  }
0x6a: {  	_ =	shalt  }
0x6b: {  	_ =	shalt  }
0x6c: {  	_ =	shalt  }
0x6d: {  	_ =	shalt  }
0x6e: {  	_ =	shalt  }
0x6f: {  	_ =	shalt  }
0x70: {  	_ =	shalt  }
0x71: {  	_ =	shalt  }
0x72: {  	_ =	shalt  }
0x73: {  	_ =	shalt  }
0x74: {  	_ =	shalt  }
0x75: {  	_ =	shalt  }
0x76: {  	_ =	shalt  }
0x77: {  	_ =	shalt  }
0x78: {  	_ =	shalt  }
0x79: {  	_ =	shalt  }
0x7a: {  	_ =	shalt  }
0x7b: {  	_ =	shalt  }
0x7c: {  	_ =	shalt  }
0x7d: {  	_ =	shalt  }
0x7e: {  	_ =	shalt  }
0x7f: {  	_ =	shalt  }
0x80: {  	_ =	shalt  }
0x81: {  	_ =	shalt  }
0x82: {  	_ =	shalt  }
0x83: {  	_ =	shalt  }
0x84: {  	_ =	shalt  }
0x85: {  	_ =	shalt  }
0x86: {  	_ =	shalt  }
0x87: {  	_ =	shalt  }
.Lfunc_end0:
.L_simem_size_0:
called_computation.3_lowered:
.L_overlay_start_0:
0x88: {  	s2 =	sld [smem:$0x3FD9]  }
0x89: {  	s3 =	sld [smem:$0x3FFE];
	_ =	sdelay $0x1  }
0x8a: {  	s1 =	srdreg.scid  }
0x8b: {  	s0 =	sand.u32 $0x1, s1  }
0x8c: {  	s16 =	sshll.u32 s0, $0xA;
	s2 =	sadd.s32 s3, s2  }
0x8d: {  	s2 =	sadd.s32 s2, s16  }
0x8e: {  	[smem:$0x3FB9] =	sst s2  }
0x8f: {  	_ = 	snop  }
0x90: {  	(tm) =	ssettm $0x1  }
0x91: {  	s17 =	sld [smem:$0x3FFB];
	_ =	sdelay $0x3  }
0x92: {  	_ =	strace s17  }
0x93: {  	s2 =	sld [smem:$0x3FFC];
	_ =	sdelay $0x3  }
0x94: {  	_ =	strace s2  }
0x95: {  	s2 =	sld [smem:$0x3FFD];
	_ =	sdelay $0x3  }
0x96: {  	_ =	strace s2  }
0x97: {  	_ =	strace $0x8FFFFFFF  }
0x98: {  	s18 =	sld [smem:$0x3FDB];
	_ =	sdelay $0x1  }
0x99: {  	s19 =	simm.s32 $_scs_section_size  }
0x9a: {  	s4 =	simm.s32 $_size__tile_overlayer_lowered;
	s5 =	simm.s32 $_tile_overlayer_lowered  }
0x9b: {  	s22 =	simm.s32 $0x1BFF;
	s21 =	sshll.u32 s5, $0x1;
	s2 =	sadd.s32 s19, s18  }
0x9c: {  	s6 =	simm.s32 $0x0;
	s20 =	sshll.u32 s4, $0x1;
	s4 =	sadd.s32 s21, s2  }
0x9d: {  	[timem:s6], [sflag:s22] =	dma.local [hbm:s4], s20  }
0x9e: {  	_ =	swait.ge [sflag:s22], s20  }
0x9f: {  	s3 =	ssub.s32 $0x0, s20;
	[sflag:s22] =	ssyncset.done $0x0  }
0xa0: {  	[sflag:s22] =	ssyncadd.s32 s3;
	_ =	sdelay $0x1  }
0xa1: {  	s23 =	simm.s32 $0x1B8B  }
0xa2: {  	_ =	swait.ge [sflag:s23], $0x1  }
0xa3: {  	[sflag:s23] =	ssyncset.done $0x0  }
0xa4: {  	s25 =	simm.s32 $0x1B8E;
	s24 =	sld [smem:$0x3FFE];
	[sflag:s23] =	ssyncadd.s32 $0xFFFFFFFF  }
0xa5: {  	s26 =	simm.s32 $execute0_lowered;
	[smem:$0x3FD2] =	sst s25  }
0xa6: {  	s4 =	sshll.u32 s26, $0x1;
	_ =	strace $0x8000004F;
	[dreg:$0x1] =	wrdreg $0xFFFFFFFF  }
0xa7: {  	s28 =	simm.s32 $_size_execute0_lowered;
	s2 =	sadd.s32 s2, s4;
	[dreg:$0x0] =	wrdreg $0x0  }
0xa8: {  	s4 =	sshll.u32 s28, $0x1;
	[dreg:$0x2] =	wrdreg s2  }
0xa9: {  	[dreg:$0x3] =	wrdreg s4  }
0xaa: {  	[dreg:$0x4] =	wrdreg $0xC0  }
0xab: {  	_ =	task [dreg:s6], $0x5FFFF  }
0xac: {  	[dreg:$0x1] =	wrdreg $0xFFFFFFFF  }
0xad: {  	[dreg:$0x0] =	wrdreg $0x60  }
0xae: {  	[dreg:$0x2] =	wrdreg s24  }
0xaf: {  	[dreg:$0x3] =	wrdreg $0x98000  }
0xb0: {  	[dreg:$0x4] =	wrdreg $0x9  }
0xb1: {  	_ =	task.clear_ibuf [dreg:s6], $0x5FFFF;
	_ =	strace $0x9000004F  }
0xb2: {  	s29 =	simm.s32 $0x9;
	_ =	strace $0x80000051  }
0xb3: {  	_ =	swait.ge [sflag:s29], $0x1  }
0xb4: {  	[sflag:s29] =	ssyncadd.s32 $0xFFFFFFFF  }
0xb5: {  	_ =	strace $0x90000051  }
0xb6: {  	_ =	sfence  }
0xb7: {  	s30 =	sld [smem:$0x0];
	_ =	sdelay $0x2  }
0xb8: {  	s31 =	sshll.u32 s1, $0xD;
	s1 =	sshrl.u32 s1, $0x2  }
0xb9: {  	s3 =	sand.u32 $0x4000, s31;
	s1 =	sadd.s32 s1, s30  }
0xba: {  	s0 =	sor.u32 s3, s0;
	s1 =	sshll.u32 s1, $0x11  }
0xbb: {  	s0 =	sor.u32 s1, s0  }
0xbc: {  	s0 =	sadd.s32 $0x8F2B, s0  }
0xbd: {  	[sflag:s0] =	ssyncadd.remote.s32 $0x1  }
0xbe: {  	_ =	sfence.sel $0xFFFF  }
0xbf: {  	[dreg:$0x0] =	wrdreg $0xFFFFFFFF;
	(pc) =	sbr.abs _section_cstart, $3  }
0xc0: {  	[dreg:$0x1] =	wrdreg $0xFFFFFFFF  }
0xc1: {  	_ =	task.clear_ibuf [dreg:s6], $0x2FFFF;
	_ =	strace $0x9FFFFFFF  }
0xc2: {  	(tm) =	ssettm $0x7FFFFFFF  }
0xc3: {  	_ =	shalt  }
tec
execute0_lowered:
.L_overlay_start_1:
0x0: {  	(tag) =	ssettag $0x1  }
0x1: {  	s0 =	rddreg [dreg:$0x0]  }
0x2: {  	s1 =	rddreg [dreg:$0x1];
	s2 =	srdreg.scid;
	s3 =	simm.s32 $0x0  }
0x3: {  	s10 =	stileid.u32;
	s18 =	simm.s32 $0x2000;
	s19 =	simm.s32 $0x4  }
0x4: {  	s20 =	simm.s32 $0x1000;
	s21 =	simm.s32 $0x50;
	s22 =	simm.s32 $0x80  }
0x5: {  	s28 =	simm.s32 $0x2;
	s29 =	simm.s32 $0x3;
	s30 =	simm.s32 $0x1C00  }
0x6: {  	s31 =	simm.s32 $0x0;
	s2 =	sand.u32 $0x1, s2;
	s6 =	smul.u32 $0x13C00, s10  }
0x7: {  	[smem:$0x7FF] =	sst s3;
	s4 =	sadd.s32 $0x2CE00, s0;
	s8 =	smul.u32 $0x4F000, s10  }
0x8: {  	s5 =	smul.u32 $0x13C000, s2;
	_ =	strace $0x80000050;
	s9 =	ssub.s32 $0x2, s2  }
0x9: {  	s2 =	sshll.u32 s2, $0x4;
	s23 =	sshrl.u32 s8, $0x2;
	s24 =	sshrl.u32 s9, $0x1  }
0xa: {  	s2 =	sor.u32 s10, s2;
	s7 =	sadd.s32 s6, s5;
	s5 =	sadd.s32 $0x4E00, s0  }
0xb: {  	s6 =	sadd.s32 $0x18E00, s0;
	s8 =	ssub.s32 s9, s24;
	s15 =	smul.u32 $0x5000, s2  }
0xc: {  	s24 =	simm.s32 $0x100;
	s7 =	sshrl.u32 s7, $0x3;
	s17 =	smax.u32 s8, $0x1  }
0xd: {  	s0 =	sadd.s32 s7, s0;
	s7 =	sadd.s32 s23, s1;
	s23 =	simm.s32 $0x4800  }
0xe: {  	s25 =	sadd.s32 $0x2780, s7;
	s26 =	sadd.s32 $0x4F00, s7;
	s10 =	sadd.s32 $0x7680, s7  }
0xf: {  	s11 =	sadd.s32 $0x9E00, s7;
	s12 =	sadd.s32 $0xC580, s7;
	s13 =	sadd.s32 $0xED00, s7  }
0x10: {  	s14 =	sadd.s32 $0x11480, s7;
	s16 =	sadd.s32 $0x54000, s0;
	[dreg:$0x3] =	wrdreg s25  }
0x11: {  	v0 =	vimm.f32 $0.0e+00;
	[dreg:$0x4] =	wrdreg s26;
	s25 =	simm.s32 $0x7000;
	s26 =	simm.s32 $0x1  }
.LBB2_1:
0x12: {  	s0 =	simm.s32 $0x70;
	s2 =	simm.s32 $0x3C0  }
.LBB2_2:
0x13: {  	p0 =	sne.s32 s2, $0x9FC0;
	[tilespmem:s0+$0x2000] =	vst v0  }
0x14: {  	[tilespmem:s0+$0x1F90] =	vst v0  }
0x15: {  	[tilespmem:s0+$0x1FA0] =	vst v0  }
.Ltmp0:
0x16: {  	[tilespmem:s0+$0x1FB0] =	vst v0;
	(pc) =	sbr.rel @p0 .LBB2_2-.Ltmp0, $4  }
0x17: {  	[tilespmem:s0+$0x1FC0] =	vst v0  }
0x18: {  	[tilespmem:s0+$0x1FD0] =	vst v0  }
0x19: {  	[tilespmem:s0+$0x1FE0] =	vst v0  }
0x1a: {  	[tilespmem:s0+$0x1FF0] =	vst v0;
	s0 =	sshra.s32 s2, $0x2;
	s2 =	sadd.s32 $0x200, s2  }
0x1b: {  	[tilespmem:s0+$0x2000] =	vst v0  }
0x1c: {  	[tilespmem:s0+$0x1F90] =	vst v0  }
0x1d: {  	[tilespmem:s0+$0x1FA0] =	vst v0  }
0x1e: {  	[tilespmem:s0+$0x1FB0] =	vst v0  }
0x1f: {  	[tilespmem:s0+$0x1FC0] =	vst v0  }
0x20: {  	[tilespmem:s0+$0x1FD0] =	vst v0  }
0x21: {  	[tilespmem:s0+$0x1FE0] =	vst v0  }
0x22: {  	[tilespmem:s0+$0x1FF0] =	vst v0  }
0x23: {  	[spmem:s7] =	stream.linear.scatter [tilespmem:s18], [sflag:$0x4], $0x2780, $0x38;
	[tilespmem:$0x1D400] =	vst v63  }
0x24: {  	_ =	swait.ge [sflag:s19], $0x2780  }
0x25: {  	[sflag:s19] =	ssyncset.done $0x0  }
0x26: {  	s8 =	rddreg [dreg:$0x3];
	[sflag:s19] =	ssyncadd.s32 $0xFFFFD880  }
0x27: {  	[spmem:s8] =	stream.linear.scatter [tilespmem:s18], [sflag:$0x4], $0x2780, $0x38;
	[tilespmem:$0x1D400] =	vst v63  }
0x28: {  	_ =	swait.ge [sflag:s19], $0x2780  }
0x29: {  	[sflag:s19] =	ssyncset.done $0x0  }
0x2a: {  	s9 =	rddreg [dreg:$0x4];
	[sflag:s19] =	ssyncadd.s32 $0xFFFFD880  }
0x2b: {  	[spmem:s9] =	stream.linear.scatter [tilespmem:s18], [sflag:$0x4], $0x2780, $0x38;
	[tilespmem:$0x1D400] =	vst v63  }
0x2c: {  	_ =	swait.ge [sflag:s19], $0x2780  }
0x2d: {  	[sflag:s19] =	ssyncset.done $0x0  }
0x2e: {  	[sflag:s19] =	ssyncadd.s32 $0xFFFFD880  }
0x2f: {  	[spmem:s10] =	stream.linear.scatter [tilespmem:s18], [sflag:$0x4], $0x2780, $0x38;
	[tilespmem:$0x1D400] =	vst v63  }
0x30: {  	_ =	swait.ge [sflag:s19], $0x2780  }
0x31: {  	[sflag:s19] =	ssyncset.done $0x0  }
0x32: {  	[sflag:s19] =	ssyncadd.s32 $0xFFFFD880  }
0x33: {  	[spmem:s11] =	stream.linear.scatter [tilespmem:s18], [sflag:$0x4], $0x2780, $0x38;
	[tilespmem:$0x1D400] =	vst v63  }
0x34: {  	_ =	swait.ge [sflag:s19], $0x2780  }
0x35: {  	[sflag:s19] =	ssyncset.done $0x0  }
0x36: {  	[sflag:s19] =	ssyncadd.s32 $0xFFFFD880  }
0x37: {  	[spmem:s12] =	stream.linear.scatter [tilespmem:s18], [sflag:$0x4], $0x2780, $0x38;
	[tilespmem:$0x1D400] =	vst v63  }
0x38: {  	_ =	swait.ge [sflag:s19], $0x2780  }
0x39: {  	[sflag:s19] =	ssyncset.done $0x0  }
0x3a: {  	[sflag:s19] =	ssyncadd.s32 $0xFFFFD880  }
0x3b: {  	[spmem:s13] =	stream.linear.scatter [tilespmem:s18], [sflag:$0x4], $0x2780, $0x38;
	[tilespmem:$0x1D400] =	vst v63  }
0x3c: {  	_ =	swait.ge [sflag:s19], $0x2780  }
0x3d: {  	[sflag:s19] =	ssyncset.done $0x0  }
0x3e: {  	[sflag:s19] =	ssyncadd.s32 $0xFFFFD880  }
0x3f: {  	[spmem:s14] =	stream.linear.scatter [tilespmem:s18], [sflag:$0x4], $0x2780, $0x38;
	[tilespmem:$0x1D400] =	vst v63  }
0x40: {  	_ =	swait.ge [sflag:s19], $0x2780  }
0x41: {  	[sflag:s19] =	ssyncset.done $0x0  }
0x42: {  	[sflag:s19] =	ssyncadd.s32 $0xFFFFD880  }
0x43: {  	s0 =	simm.s32 $0x0;
	[bflag:$0x0] =	sbarrier.arrive $0xFFFF  }
.LBB2_4:
0x44: {  	s2 =	sshll.u32 s0, $0xC  }
0x45: {  	s2 =	sadd.s32 s15, s2  }
0x46: {  	s2 =	sshrl.u32 s2, $0x3  }
0x47: {  	s8 =	sadd.s32 s5, s2  }
0x48: {  	[tilespmem:s31], [sflag:$0x4] =	stream.linear.gather [hbm4b:s8+s31], $0xC80, $0x38;
	[tilespmem:$0x1D400] =	vst v63  }
0x49: {  	_ =	swait.ge [sflag:s19], $0xC80  }
0x4a: {  	[sflag:s19] =	ssyncset.done $0x0  }
0x4b: {  	s2 =	sadd.s32 s6, s2;
	[sflag:s19] =	ssyncadd.s32 $0xFFFFF380  }
0x4c: {  	[tilespmem:s20], [sflag:$0x4] =	stream.linear.gather [hbm4b:s2+s31], $0xC80, $0x38;
	[tilespmem:$0x1D400] =	vst v63  }
0x4d: {  	_ =	swait.ge [sflag:s19], $0xC80  }
0x4e: {  	[sflag:s19] =	ssyncset.done $0x0  }
0x4f: {  	[sflag:s19] =	ssyncadd.s32 $0xFFFFF380  }
0x50: {  	[tilespmem:s18], [sflag:$0x1] =	stream.indirect.gather [hbm4b:s4+s21], $0x80, s31, s21, $0xb8;
	[tilespmem:$0x1D400] =	vst v63  }
0x51: {  	_ = 	snop  }
0x52: {  	[tilespmem:s23], [sflag:$0x2] =	stream.indirect.gather [hbm4b:s4+s21], $0x80, s22, s21, $0xb8;
	[tilespmem:$0x1D400] =	vst v63  }
0x53: {  	_ = 	snop  }
0x54: {  	[tilespmem:s25], [sflag:$0x3] =	stream.indirect.gather [hbm4b:s4+s21], $0x80, s24, s21, $0xb8;
	[tilespmem:$0x1D400] =	vst v63  }
0x55: {  	_ =	swait.ge [sflag:s26], $0x2800  }
0x56: {  	[sflag:s26] =	ssyncset.done $0x0  }
0x57: {  	s9 =	simm.s32 $0x1000;
	[sflag:s26] =	ssyncadd.s32 $0xFFFFD800  }
0x58: {  	[spmem:s1] =	stream.indirect.scatter.add.f32 [tilespmem:s18], [sflag:$0x4], $0x80, s9, s21, $0xb8;
	[tilespmem:$0x1D400] =	vst v63  }
0x59: {  	_ =	swait.ge [sflag:s19], $0x2800  }
0x5a: {  	[sflag:s19] =	ssyncset.done $0x0  }
0x5b: {  	s8 =	simm.s32 $0x180;
	[sflag:s19] =	ssyncadd.s32 $0xFFFFD800  }
0x5c: {  	[tilespmem:s18], [sflag:$0x1] =	stream.indirect.gather [hbm4b:s4+s21], $0x80, s8, s21, $0xb8;
	[tilespmem:$0x1D400] =	vst v63  }
0x5d: {  	_ =	swait.ge [sflag:s28], $0x2800  }
0x5e: {  	[sflag:s28] =	ssyncset.done $0x0  }
0x5f: {  	s9 =	simm.s32 $0x1080;
	[sflag:s28] =	ssyncadd.s32 $0xFFFFD800  }
0x60: {  	[spmem:s1] =	stream.indirect.scatter.add.f32 [tilespmem:s23], [sflag:$0x4], $0x80, s9, s21, $0xb8;
	[tilespmem:$0x1D400] =	vst v63  }
0x61: {  	_ =	swait.ge [sflag:s19], $0x2800  }
0x62: {  	[sflag:s19] =	ssyncset.done $0x0  }
0x63: {  	s8 =	simm.s32 $0x200;
	[sflag:s19] =	ssyncadd.s32 $0xFFFFD800  }
0x64: {  	[tilespmem:s23], [sflag:$0x2] =	stream.indirect.gather [hbm4b:s4+s21], $0x80, s8, s21, $0xb8;
	[tilespmem:$0x1D400] =	vst v63  }
0x65: {  	_ =	swait.ge [sflag:s29], $0x2800  }
0x66: {  	[sflag:s29] =	ssyncset.done $0x0  }
0x67: {  	s9 =	simm.s32 $0x1100;
	[sflag:s29] =	ssyncadd.s32 $0xFFFFD800  }
0x68: {  	[spmem:s1] =	stream.indirect.scatter.add.f32 [tilespmem:s25], [sflag:$0x4], $0x80, s9, s21, $0xb8;
	[tilespmem:$0x1D400] =	vst v63  }
0x69: {  	_ =	swait.ge [sflag:s19], $0x2800  }
0x6a: {  	[sflag:s19] =	ssyncset.done $0x0  }
0x6b: {  	s2 =	simm.s32 $0x600;
	s8 =	simm.s32 $0x280;
	[sflag:s19] =	ssyncadd.s32 $0xFFFFD800  }
.LBB2_5:
0x6c: {  	[tilespmem:s25], [sflag:$0x3] =	stream.indirect.gather [hbm4b:s4+s21], $0x80, s8, s21, $0xb8;
	[tilespmem:$0x1D400] =	vst v63  }
0x6d: {  	s8 =	smov.u32 s2;
	s2 =	sadd.s32 $0x600, s2;
	_ =	swait.ge [sflag:s26], $0x2800  }
0x6e: {  	s8 =	sshra.s32 s8, $0x2;
	p0 =	sne.s32 s2, $0x2A00;
	[sflag:s26] =	ssyncset.done $0x0  }
0x6f: {  	s9 =	sadd.s32 $0x1000, s8;
	[sflag:s26] =	ssyncadd.s32 $0xFFFFD800  }
0x70: {  	[spmem:s1] =	stream.indirect.scatter.add.f32 [tilespmem:s18], [sflag:$0x4], $0x80, s9, s21, $0xb8;
	[tilespmem:$0x1D400] =	vst v63  }
0x71: {  	_ =	swait.ge [sflag:s19], $0x2800  }
0x72: {  	[sflag:s19] =	ssyncset.done $0x0  }
0x73: {  	s9 =	sadd.s32 $0x180, s8;
	[sflag:s19] =	ssyncadd.s32 $0xFFFFD800  }
0x74: {  	[tilespmem:s18], [sflag:$0x1] =	stream.indirect.gather [hbm4b:s4+s21], $0x80, s9, s21, $0xb8;
	[tilespmem:$0x1D400] =	vst v63  }
0x75: {  	_ =	swait.ge [sflag:s28], $0x2800  }
0x76: {  	[sflag:s28] =	ssyncset.done $0x0  }
0x77: {  	s9 =	sadd.s32 $0x1080, s8;
	[sflag:s28] =	ssyncadd.s32 $0xFFFFD800  }
0x78: {  	[spmem:s1] =	stream.indirect.scatter.add.f32 [tilespmem:s23], [sflag:$0x4], $0x80, s9, s21, $0xb8;
	[tilespmem:$0x1D400] =	vst v63  }
0x79: {  	_ =	swait.ge [sflag:s19], $0x2800  }
0x7a: {  	[sflag:s19] =	ssyncset.done $0x0  }
0x7b: {  	s9 =	sadd.s32 $0x200, s8;
	[sflag:s19] =	ssyncadd.s32 $0xFFFFD800  }
0x7c: {  	[tilespmem:s23], [sflag:$0x2] =	stream.indirect.gather [hbm4b:s4+s21], $0x80, s9, s21, $0xb8;
	[tilespmem:$0x1D400] =	vst v63  }
0x7d: {  	_ =	swait.ge [sflag:s29], $0x2800  }
0x7e: {  	[sflag:s29] =	ssyncset.done $0x0  }
.Ltmp1:
0x7f: {  	s9 =	sadd.s32 $0x1100, s8;
	[sflag:s29] =	ssyncadd.s32 $0xFFFFD800;
	(pc) =	sbr.rel @p0 .LBB2_5-.Ltmp1, $4  }
0x80: {  	[spmem:s1] =	stream.indirect.scatter.add.f32 [tilespmem:s25], [sflag:$0x4], $0x80, s9, s21, $0xb8;
	[tilespmem:$0x1D400] =	vst v63  }
0x81: {  	_ =	swait.ge [sflag:s19], $0x2800  }
0x82: {  	[sflag:s19] =	ssyncset.done $0x0  }
0x83: {  	s8 =	sadd.s32 $0x280, s8;
	[sflag:s19] =	ssyncadd.s32 $0xFFFFD800  }
0x84: {  	[tilespmem:s25], [sflag:$0x3] =	stream.indirect.gather [hbm4b:s4+s21], $0x80, s8, s21, $0xb8;
	[tilespmem:$0x1D400] =	vst v63  }
0x85: {  	_ =	swait.ge [sflag:s26], $0x2800  }
0x86: {  	s2 =	sshra.s32 s2, $0x2;
	[sflag:s26] =	ssyncset.done $0x0  }
0x87: {  	s9 =	sadd.s32 $0x1000, s2;
	[sflag:s26] =	ssyncadd.s32 $0xFFFFD800  }
0x88: {  	[spmem:s1] =	stream.indirect.scatter.add.f32 [tilespmem:s18], [sflag:$0x4], $0x80, s9, s21, $0xb8;
	[tilespmem:$0x1D400] =	vst v63  }
0x89: {  	_ =	swait.ge [sflag:s19], $0x2800  }
0x8a: {  	[sflag:s19] =	ssyncset.done $0x0  }
0x8b: {  	s9 =	sadd.s32 $0x180, s2;
	[sflag:s19] =	ssyncadd.s32 $0xFFFFD800  }
0x8c: {  	[tilespmem:s18], [sflag:$0x1] =	stream.indirect.gather [hbm4b:s4+s21], $0x80, s9, s21, $0xb8;
	[tilespmem:$0x1D400] =	vst v63  }
0x8d: {  	_ =	swait.ge [sflag:s28], $0x2800  }
0x8e: {  	[sflag:s28] =	ssyncset.done $0x0  }
0x8f: {  	s9 =	sadd.s32 $0x1080, s2;
	[sflag:s28] =	ssyncadd.s32 $0xFFFFD800  }
0x90: {  	[spmem:s1] =	stream.indirect.scatter.add.f32 [tilespmem:s23], [sflag:$0x4], $0x80, s9, s21, $0xb8;
	[tilespmem:$0x1D400] =	vst v63  }
0x91: {  	_ =	swait.ge [sflag:s19], $0x2800  }
0x92: {  	[sflag:s19] =	ssyncset.done $0x0  }
0x93: {  	[sflag:s19] =	ssyncadd.s32 $0xFFFFD800  }
0x94: {  	_ =	swait.ge [sflag:s29], $0x2800  }
0x95: {  	[sflag:s29] =	ssyncset.done $0x0  }
0x96: {  	s2 =	sadd.s32 $0x1100, s2;
	[sflag:s29] =	ssyncadd.s32 $0xFFFFD800  }
0x97: {  	[spmem:s1] =	stream.indirect.scatter.add.f32 [tilespmem:s25], [sflag:$0x4], $0x80, s2, s21, $0xb8;
	[tilespmem:$0x1D400] =	vst v63  }
0x98: {  	_ =	swait.ge [sflag:s19], $0x2800  }
0x99: {  	[sflag:s19] =	ssyncset.done $0x0  }
0x9a: {  	[sflag:s19] =	ssyncadd.s32 $0xFFFFD800  }
0x9b: {  	s0 =	sadd.s32 $0x1, s0;
	_ =	swait.ge [sflag:s26], $0x2800  }
0x9c: {  	p0 =	sne.s32 s0, $0x5;
	[sflag:s26] =	ssyncset.done $0x0  }
.Ltmp2:
0x9d: {  	[sflag:s26] =	ssyncadd.s32 $0xFFFFD800;
	(pc) =	sbr.rel @p0 .LBB2_4-.Ltmp2, $4  }
0x9e: {  	[spmem:s1] =	stream.indirect.scatter.add.f32 [tilespmem:s18], [sflag:$0x4], $0x80, s30, s21, $0xb8;
	[tilespmem:$0x1D400] =	vst v63  }
0x9f: {  	_ =	swait.ge [sflag:s19], $0x2800  }
0xa0: {  	[sflag:s19] =	ssyncset.done $0x0  }
0xa1: {  	[sflag:s19] =	ssyncadd.s32 $0xFFFFD800  }
0xa2: {  	s0 =	stileid.u32;
	s3 =	sadd.s32 $0x1, s3  }
0xa3: {  	[bflag:$0x0] =	sbarrier.arrive $0xFFFF;
	s0 =	sshll.u32 s0, $0x6;
	p0 =	sne.s32 s3, s17  }
.Ltmp3:
0xa4: {  	s2 =	sshrl.u32 s7, $0x3;
	s0 =	sor.u32 $0x1C04, s0;
	(pc) =	sbr.rel @p0 .LBB2_1-.Ltmp3, $4  }
0xa5: {  	[hbm:s16], [sflag:s0] =	dma.local [spmem:s2], $0x2780  }
0xa6: {  	_ =	swait.ge [sflag:s19], $0x2780  }
0xa7: {  	[sflag:s19] =	ssyncset.done $0x0  }
0xa8: {  	[sflag:s19] =	ssyncadd.s32 $0xFFFFD880  }
0xa9: {  	_ =	sfence.sel $0x180000  }
0xaa: {  	[bflag:$0x0] =	sbarrier.arrive $0xFFFF  }
0xab: {  	_ =	strace $0x90000050  }
0xac: {  	s0 =	stileid.u32;
	[bflag:$0x2] =	sbarrier.arrive $0xFFFF  }
0xad: {  	p0 =	sne.s32 s0, $0x0;
	s0 =	rddreg [dreg:$0x2]  }
0xae: {  	s0 =	sadd.s32 @!p0 $0x100000, s0  }
0xaf: {  	[sflag:s0] =	ssyncadd.tile.s32 @!p0 $0x1;
	_ =	shalt  }
.Lfunc_end2:
_tile_overlayer_lowered:
.L_overlay_start_2:
0xb0: {  	(tag) =	ssettag $0x2  }
0xb1: {  	s0 =	rddreg [dreg:$0x0];
	s2 =	stileid.u32  }
0xb2: {  	s1 =	rddreg [dreg:$0x1];
	p0 =	sne.s32 s2, $0x0  }
0xb3: {  	s3 =	rddreg [dreg:$0x2];
	[bflag:$0x3] =	sbarrier.arrive $0xFFFF;
	s2 =	simm.s32 @!p0 $0x1C04  }
0xb4: {  	[timem:s3], [sflag:s2] =	dma.local @!p0 [hbm:s0], s1  }
0xb5: {  	s0 =	simm.s32 @!p0 $0x4  }
0xb6: {  	_ =	swait.ge @!p0 [sflag:s0], s1  }
0xb7: {  	s1 =	ssub.s32 @!p0 $0x0, s1;
	[sflag:s0] =	ssyncset.done @!p0 $0x0  }
0xb8: {  	[sflag:s0] =	ssyncadd.s32 @!p0 s1  }
0xb9: {  	[bflag:$0x3] =	sbarrier.arrive $0xFFFF  }
0xba: {  	_ =	shalt  }

// kernel: kernel.26.cloned.1.call-start
scs
__scs_entry_jumppad:
0x0: {  	(pc) =	sbr.rel $0x88, $3  }
0x1: {  	(tag) =	ssettag $0x0;
	lr =	simm.s32 $0x1  }
0x2: {  	[smem:$0x3F92] =	sst lr;
	_ =	strace $0xD0000000  }
0x3: {  	_ = 	snop  }
0x4: {  	_ = 	snop  }
0x5: {  	_ = 	snop  }
0x6: {  	_ = 	snop  }
0x7: {  	_ = 	snop  }
__scs_overlays_trampoline_lowered:
0x8: {  	[smem:$0x3FA1] =	sst s0  }
0x9: {  	[smem:$0x3FA2] =	sst s1  }
0xa: {  	[smem:$0x3FA3] =	sst s2  }
0xb: {  	[smem:$0x3FA4] =	sst s3  }
0xc: {  	[smem:$0x3FA5] =	sst s4  }
0xd: {  	[smem:$0x3FA6] =	sst s5  }
0xe: {  	[smem:$0x3FA7] =	sst s6  }
0xf: {  	[smem:$0x3FA8] =	sst s7  }
0x10: {  	[smem:$0x3FA9] =	sst s8  }
0x11: {  	[smem:$0x3FAA] =	sst s9;
	s0 =	simm.s32 @!p0 $0x0  }
0x12: {  	s1 =	sld [smem:$0x3F90];
	s0 =	simm.s32 @p0 $0x1  }
0x13: {  	[smem:$0x3FAB] =	sst s0;
	s0 =	simm.s32 @!p1 $0x0  }
0x14: {  	s2 =	sld [smem:$0x3F8F];
	s0 =	simm.s32 @p1 $0x1  }
0x15: {  	[smem:$0x3FAC] =	sst s0;
	s0 =	simm.s32 @!p2 $0x0  }
0x16: {  	s3 =	sld [smem:$0x3FDB];
	s0 =	simm.s32 @p2 $0x1  }
0x17: {  	s4 =	simm.s32 $0x1BF5;
	[smem:$0x3FAE] =	sst s0  }
0x18: {  	s0 =	sld [smem:$0x3F91];
	_ =	swait.ge [sflag:s4], $0x0  }
0x19: {  	s7 =	sld [smem:$0x3F92]  }
0x1a: {  	s8 =	sadd.s32 $0xFFFFE003, lr  }
0x1b: {  	s9 =	sadd.s32 $0xFFFFFEF7, lr;
	s5 =	simm.s32 $0xFFFFFFFF;
	p2 =	slt.u32 s8, $0xFFFFF086  }
0x1c: {  	p1 =	slt.u32 s9, $0xF7A;
	s5 =	simm.s32 @!p2 $0x0  }
0x1d: {  	s5 =	simm.s32 @p1 $0x1;
	p0 =	seq.s32 s7, s2  }
0x1e: {  	s7 =	smul.u32 @!p0 $0xF7A, s2;
	p2 =	seq.s32 @!p0 s5, $0x0  }
0x1f: {  	s9 =	smul.u32 $0xF7A, s1;
	s8 =	simm.s32 @!p0 $0x1BF5;
	p2 =	por !p2, p0  }
0x20: {  	[sflag:s8] =	ssyncset.s32 @!p0 $0xFFFFF086;
	s6 =	sadd.s32 @!p0 s3, s7;
	s7 =	simm.s32 @!p0 $0x108  }
0x21: {  	s3 =	sadd.s32 s3, s9;
	s6 =	sadd.s32 @!p0 $0x88, s6;
	s7 =	simm.s32 @p2 $0x1082  }
0x22: {  	[simem:s7], [sflag:s8] =	dma.local @!p0 [hbm:s6], $0xF7A  }
0x23: {  	s9 =	sor.u32 $0xD0000000, s2;
	s6 =	simm.s32 $0x108;
	_ =	swait.ge @!p0 [sflag:s8], $0x0  }
0x24: {  	s3 =	sadd.s32 $0x88, s3;
	s6 =	simm.s32 @!p1 $0x1082;
	[sflag:s4] =	ssyncset.s32 $0xFFFFF086  }
0x25: {  	[simem:s6], [sflag:s4] =	dma.local [hbm:s3], $0xF7A  }
0x26: {  	[smem:$0x3F92] =	sst s1;
	(tag) =	ssettag s2;
	_ =	strace s9  }
0x27: {  	s1 =	sld [smem:$0x3FA2]  }
0x28: {  	s2 =	sld [smem:$0x3FA3]  }
0x29: {  	s4 =	sld [smem:$0x3FA5]  }
0x2a: {  	p0 =	seq.s32 s5, $0x0;
	s5 =	sld [smem:$0x3FA6]  }
0x2b: {  	s6 =	sld [smem:$0x3FA7]  }
0x2c: {  	s7 =	sld [smem:$0x3FA8]  }
0x2d: {  	s3 =	simm.s32 $0x108;
	s8 =	sld [smem:$0x3FA9]  }
0x2e: {  	s3 =	simm.s32 @!p0 $0x1082;
	s9 =	sld [smem:$0x3FAA]  }
0x2f: {  	lr =	sadd.s32 s0, s3;
	s0 =	sld [smem:$0x3FA1]  }
0x30: {  	s3 =	sld [smem:$0x3FA4]  }
0x31: {  	[smem:$0x3FAD] =	sst s10  }
0x32: {  	s10 =	sld [smem:$0x3FAB];
	_ =	sdelay $0x3  }
0x33: {  	p0 =	seq.s32 s10, $0x1;
	s10 =	sld [smem:$0x3FAD];
	_ =	sdelay $0x3  }
0x34: {  	[smem:$0x3FAD] =	sst s10  }
0x35: {  	s10 =	sld [smem:$0x3FAC];
	_ =	sdelay $0x3  }
0x36: {  	p1 =	seq.s32 s10, $0x1;
	s10 =	sld [smem:$0x3FAD];
	_ =	sdelay $0x3  }
0x37: {  	[smem:$0x3FAD] =	sst s10  }
0x38: {  	s10 =	sld [smem:$0x3FAE]  }
0x39: {  	_ = 	snop;
	(pc) =	sbr.ind lr, $3  }
0x3a: {  	_ = 	snop  }
0x3b: {  	_ = 	snop  }
0x3c: {  	p2 =	seq.s32 s10, $0x1;
	s10 =	sld [smem:$0x3FAD]  }
0x3d: {  	_ =	shalt  }
0x3e: {  	_ =	shalt  }
0x3f: {  	_ =	shalt  }
0x40: {  	_ =	shalt  }
0x41: {  	_ =	shalt  }
0x42: {  	_ =	shalt  }
0x43: {  	_ =	shalt  }
0x44: {  	_ =	shalt  }
0x45: {  	_ =	shalt  }
0x46: {  	_ =	shalt  }
0x47: {  	_ =	shalt  }
0x48: {  	_ =	shalt  }
0x49: {  	_ =	shalt  }
0x4a: {  	_ =	shalt  }
0x4b: {  	_ =	shalt  }
0x4c: {  	_ =	shalt  }
0x4d: {  	_ =	shalt  }
0x4e: {  	_ =	shalt  }
0x4f: {  	_ =	shalt  }
0x50: {  	_ =	shalt  }
0x51: {  	_ =	shalt  }
0x52: {  	_ =	shalt  }
0x53: {  	_ =	shalt  }
0x54: {  	_ =	shalt  }
0x55: {  	_ =	shalt  }
0x56: {  	_ =	shalt  }
0x57: {  	_ =	shalt  }
0x58: {  	_ =	shalt  }
0x59: {  	_ =	shalt  }
0x5a: {  	_ =	shalt  }
0x5b: {  	_ =	shalt  }
0x5c: {  	_ =	shalt  }
0x5d: {  	_ =	shalt  }
0x5e: {  	_ =	shalt  }
0x5f: {  	_ =	shalt  }
0x60: {  	_ =	shalt  }
0x61: {  	_ =	shalt  }
0x62: {  	_ =	shalt  }
0x63: {  	_ =	shalt  }
0x64: {  	_ =	shalt  }
0x65: {  	_ =	shalt  }
0x66: {  	_ =	shalt  }
0x67: {  	_ =	shalt  }
0x68: {  	_ =	shalt  }
0x69: {  	_ =	shalt  }
0x6a: {  	_ =	shalt  }
0x6b: {  	_ =	shalt  }
0x6c: {  	_ =	shalt  }
0x6d: {  	_ =	shalt  }
0x6e: {  	_ =	shalt  }
0x6f: {  	_ =	shalt  }
0x70: {  	_ =	shalt  }
0x71: {  	_ =	shalt  }
0x72: {  	_ =	shalt  }
0x73: {  	_ =	shalt  }
0x74: {  	_ =	shalt  }
0x75: {  	_ =	shalt  }
0x76: {  	_ =	shalt  }
0x77: {  	_ =	shalt  }
0x78: {  	_ =	shalt  }
0x79: {  	_ =	shalt  }
0x7a: {  	_ =	shalt  }
0x7b: {  	_ =	shalt  }
0x7c: {  	_ =	shalt  }
0x7d: {  	_ =	shalt  }
0x7e: {  	_ =	shalt  }
0x7f: {  	_ =	shalt  }
0x80: {  	_ =	shalt  }
0x81: {  	_ =	shalt  }
0x82: {  	_ =	shalt  }
0x83: {  	_ =	shalt  }
0x84: {  	_ =	shalt  }
0x85: {  	_ =	shalt  }
0x86: {  	_ =	shalt  }
0x87: {  	_ =	shalt  }
.Lfunc_end0:
.L_simem_size_0:
called_computation.4_lowered:
.L_overlay_start_0:
0x88: {  	s2 =	sld [smem:$0x3FD9]  }
0x89: {  	s3 =	sld [smem:$0x3FFE];
	_ =	sdelay $0x1  }
0x8a: {  	s1 =	srdreg.scid  }
0x8b: {  	s0 =	sand.u32 $0x1, s1  }
0x8c: {  	s16 =	sshll.u32 s0, $0xA;
	s2 =	sadd.s32 s3, s2  }
0x8d: {  	s2 =	sadd.s32 s2, s16  }
0x8e: {  	[smem:$0x3FB9] =	sst s2  }
0x8f: {  	_ = 	snop  }
0x90: {  	(tm) =	ssettm $0x1  }
0x91: {  	s17 =	sld [smem:$0x3FFB];
	_ =	sdelay $0x3  }
0x92: {  	_ =	strace s17  }
0x93: {  	s2 =	sld [smem:$0x3FFC];
	_ =	sdelay $0x3  }
0x94: {  	_ =	strace s2  }
0x95: {  	s2 =	sld [smem:$0x3FFD];
	_ =	sdelay $0x3  }
0x96: {  	_ =	strace s2  }
0x97: {  	_ =	strace $0x8FFFFFFF  }
0x98: {  	s18 =	sld [smem:$0x3FDB];
	_ =	sdelay $0x1  }
0x99: {  	s19 =	simm.s32 $_scs_section_size  }
0x9a: {  	s4 =	simm.s32 $_size__tile_overlayer_lowered;
	s5 =	simm.s32 $_tile_overlayer_lowered  }
0x9b: {  	s22 =	simm.s32 $0x1BFF;
	s21 =	sshll.u32 s5, $0x1;
	s2 =	sadd.s32 s19, s18  }
0x9c: {  	s6 =	simm.s32 $0x0;
	s20 =	sshll.u32 s4, $0x1;
	s4 =	sadd.s32 s21, s2  }
0x9d: {  	[timem:s6], [sflag:s22] =	dma.local [hbm:s4], s20  }
0x9e: {  	_ =	swait.ge [sflag:s22], s20  }
0x9f: {  	s3 =	ssub.s32 $0x0, s20;
	[sflag:s22] =	ssyncset.done $0x0  }
0xa0: {  	[sflag:s22] =	ssyncadd.s32 s3;
	_ =	sdelay $0x1  }
0xa1: {  	s23 =	simm.s32 $0x1B8B  }
0xa2: {  	_ =	swait.ge [sflag:s23], $0x1  }
0xa3: {  	[sflag:s23] =	ssyncset.done $0x0  }
0xa4: {  	s25 =	simm.s32 $0x1B8E;
	s24 =	sld [smem:$0x3FFE];
	[sflag:s23] =	ssyncadd.s32 $0xFFFFFFFF  }
0xa5: {  	s26 =	simm.s32 $execute0_lowered;
	[smem:$0x3FD2] =	sst s25  }
0xa6: {  	s4 =	sshll.u32 s26, $0x1;
	_ =	strace $0x80000052;
	[dreg:$0x1] =	wrdreg $0xFFFFFFFF  }
0xa7: {  	s28 =	simm.s32 $_size_execute0_lowered;
	s2 =	sadd.s32 s2, s4;
	[dreg:$0x0] =	wrdreg $0x0  }
0xa8: {  	s4 =	sshll.u32 s28, $0x1;
	[dreg:$0x2] =	wrdreg s2  }
0xa9: {  	[dreg:$0x3] =	wrdreg s4  }
0xaa: {  	[dreg:$0x4] =	wrdreg $0xC0  }
0xab: {  	_ =	task [dreg:s6], $0x5FFFF  }
0xac: {  	[dreg:$0x1] =	wrdreg $0xFFFFFFFF  }
0xad: {  	[dreg:$0x0] =	wrdreg $0x60  }
0xae: {  	[dreg:$0x2] =	wrdreg s24  }
0xaf: {  	[dreg:$0x3] =	wrdreg $0x98000  }
0xb0: {  	[dreg:$0x4] =	wrdreg $0x9  }
0xb1: {  	_ =	task.clear_ibuf [dreg:s6], $0x5FFFF;
	_ =	strace $0x90000052  }
0xb2: {  	s29 =	simm.s32 $0x9;
	_ =	strace $0x80000054  }
0xb3: {  	_ =	swait.ge [sflag:s29], $0x1  }
0xb4: {  	[sflag:s29] =	ssyncadd.s32 $0xFFFFFFFF  }
0xb5: {  	_ =	strace $0x90000054  }
0xb6: {  	_ =	sfence  }
0xb7: {  	s30 =	sld [smem:$0x0];
	_ =	sdelay $0x2  }
0xb8: {  	s31 =	sshll.u32 s1, $0xD;
	s1 =	sshrl.u32 s1, $0x2  }
0xb9: {  	s3 =	sand.u32 $0x4000, s31;
	s1 =	sadd.s32 s1, s30  }
0xba: {  	s0 =	sor.u32 s3, s0;
	s1 =	sshll.u32 s1, $0x11  }
0xbb: {  	s0 =	sor.u32 s1, s0  }
0xbc: {  	s0 =	sadd.s32 $0x8F2B, s0  }
0xbd: {  	[sflag:s0] =	ssyncadd.remote.s32 $0x1  }
0xbe: {  	_ =	sfence.sel $0xFFFF  }
0xbf: {  	[dreg:$0x0] =	wrdreg $0xFFFFFFFF;
	(pc) =	sbr.abs _section_cstart, $3  }
0xc0: {  	[dreg:$0x1] =	wrdreg $0xFFFFFFFF  }
0xc1: {  	_ =	task.clear_ibuf [dreg:s6], $0x2FFFF;
	_ =	strace $0x9FFFFFFF  }
0xc2: {  	(tm) =	ssettm $0x7FFFFFFF  }
0xc3: {  	_ =	shalt  }
tec
execute0_lowered:
.L_overlay_start_1:
0x0: {  	(tag) =	ssettag $0x1  }
0x1: {  	s0 =	rddreg [dreg:$0x0]  }
0x2: {  	s1 =	rddreg [dreg:$0x1];
	s2 =	srdreg.scid;
	s3 =	simm.s32 $0x0  }
0x3: {  	s10 =	stileid.u32;
	s18 =	simm.s32 $0x2000;
	s19 =	simm.s32 $0x4  }
0x4: {  	s20 =	simm.s32 $0x1000;
	s21 =	simm.s32 $0x50;
	s22 =	simm.s32 $0x80  }
0x5: {  	s28 =	simm.s32 $0x2;
	s29 =	simm.s32 $0x3;
	s30 =	simm.s32 $0x1C00  }
0x6: {  	s31 =	simm.s32 $0x0;
	s2 =	sand.u32 $0x1, s2;
	s6 =	smul.u32 $0x13C00, s10  }
0x7: {  	[smem:$0x7FF] =	sst s3;
	s4 =	sadd.s32 $0x2CE00, s0;
	s8 =	smul.u32 $0x4F000, s10  }
0x8: {  	s5 =	smul.u32 $0x13C000, s2;
	_ =	strace $0x80000053;
	s9 =	ssub.s32 $0x2, s2  }
0x9: {  	s2 =	sshll.u32 s2, $0x4;
	s23 =	sshrl.u32 s8, $0x2;
	s24 =	sshrl.u32 s9, $0x1  }
0xa: {  	s2 =	sor.u32 s10, s2;
	s7 =	sadd.s32 s6, s5;
	s5 =	sadd.s32 $0x4E00, s0  }
0xb: {  	s6 =	sadd.s32 $0x18E00, s0;
	s8 =	ssub.s32 s9, s24;
	s15 =	smul.u32 $0x5000, s2  }
0xc: {  	s24 =	simm.s32 $0x100;
	s7 =	sshrl.u32 s7, $0x3;
	s17 =	smax.u32 s8, $0x1  }
0xd: {  	s0 =	sadd.s32 s7, s0;
	s7 =	sadd.s32 s23, s1;
	s23 =	simm.s32 $0x4800  }
0xe: {  	s25 =	sadd.s32 $0x2780, s7;
	s26 =	sadd.s32 $0x4F00, s7;
	s10 =	sadd.s32 $0x7680, s7  }
0xf: {  	s11 =	sadd.s32 $0x9E00, s7;
	s12 =	sadd.s32 $0xC580, s7;
	s13 =	sadd.s32 $0xED00, s7  }
0x10: {  	s14 =	sadd.s32 $0x11480, s7;
	s16 =	sadd.s32 $0x54000, s0;
	[dreg:$0x3] =	wrdreg s25  }
0x11: {  	v0 =	vimm.f32 $0.0e+00;
	[dreg:$0x4] =	wrdreg s26;
	s25 =	simm.s32 $0x7000;
	s26 =	simm.s32 $0x1  }
.LBB2_1:
0x12: {  	s0 =	simm.s32 $0x70;
	s2 =	simm.s32 $0x3C0  }
.LBB2_2:
0x13: {  	p0 =	sne.s32 s2, $0x9FC0;
	[tilespmem:s0+$0x2000] =	vst v0  }
0x14: {  	[tilespmem:s0+$0x1F90] =	vst v0  }
0x15: {  	[tilespmem:s0+$0x1FA0] =	vst v0  }
.Ltmp0:
0x16: {  	[tilespmem:s0+$0x1FB0] =	vst v0;
	(pc) =	sbr.rel @p0 .LBB2_2-.Ltmp0, $4  }
0x17: {  	[tilespmem:s0+$0x1FC0] =	vst v0  }
0x18: {  	[tilespmem:s0+$0x1FD0] =	vst v0  }
0x19: {  	[tilespmem:s0+$0x1FE0] =	vst v0  }
0x1a: {  	[tilespmem:s0+$0x1FF0] =	vst v0;
	s0 =	sshra.s32 s2, $0x2;
	s2 =	sadd.s32 $0x200, s2  }
0x1b: {  	[tilespmem:s0+$0x2000] =	vst v0  }
0x1c: {  	[tilespmem:s0+$0x1F90] =	vst v0  }
0x1d: {  	[tilespmem:s0+$0x1FA0] =	vst v0  }
0x1e: {  	[tilespmem:s0+$0x1FB0] =	vst v0  }
0x1f: {  	[tilespmem:s0+$0x1FC0] =	vst v0  }
0x20: {  	[tilespmem:s0+$0x1FD0] =	vst v0  }
0x21: {  	[tilespmem:s0+$0x1FE0] =	vst v0  }
0x22: {  	[tilespmem:s0+$0x1FF0] =	vst v0  }
0x23: {  	[spmem:s7] =	stream.linear.scatter [tilespmem:s18], [sflag:$0x4], $0x2780, $0x38;
	[tilespmem:$0x1D400] =	vst v63  }
0x24: {  	_ =	swait.ge [sflag:s19], $0x2780  }
0x25: {  	[sflag:s19] =	ssyncset.done $0x0  }
0x26: {  	s8 =	rddreg [dreg:$0x3];
	[sflag:s19] =	ssyncadd.s32 $0xFFFFD880  }
0x27: {  	[spmem:s8] =	stream.linear.scatter [tilespmem:s18], [sflag:$0x4], $0x2780, $0x38;
	[tilespmem:$0x1D400] =	vst v63  }
0x28: {  	_ =	swait.ge [sflag:s19], $0x2780  }
0x29: {  	[sflag:s19] =	ssyncset.done $0x0  }
0x2a: {  	s9 =	rddreg [dreg:$0x4];
	[sflag:s19] =	ssyncadd.s32 $0xFFFFD880  }
0x2b: {  	[spmem:s9] =	stream.linear.scatter [tilespmem:s18], [sflag:$0x4], $0x2780, $0x38;
	[tilespmem:$0x1D400] =	vst v63  }
0x2c: {  	_ =	swait.ge [sflag:s19], $0x2780  }
0x2d: {  	[sflag:s19] =	ssyncset.done $0x0  }
0x2e: {  	[sflag:s19] =	ssyncadd.s32 $0xFFFFD880  }
0x2f: {  	[spmem:s10] =	stream.linear.scatter [tilespmem:s18], [sflag:$0x4], $0x2780, $0x38;
	[tilespmem:$0x1D400] =	vst v63  }
0x30: {  	_ =	swait.ge [sflag:s19], $0x2780  }
0x31: {  	[sflag:s19] =	ssyncset.done $0x0  }
0x32: {  	[sflag:s19] =	ssyncadd.s32 $0xFFFFD880  }
0x33: {  	[spmem:s11] =	stream.linear.scatter [tilespmem:s18], [sflag:$0x4], $0x2780, $0x38;
	[tilespmem:$0x1D400] =	vst v63  }
0x34: {  	_ =	swait.ge [sflag:s19], $0x2780  }
0x35: {  	[sflag:s19] =	ssyncset.done $0x0  }
0x36: {  	[sflag:s19] =	ssyncadd.s32 $0xFFFFD880  }
0x37: {  	[spmem:s12] =	stream.linear.scatter [tilespmem:s18], [sflag:$0x4], $0x2780, $0x38;
	[tilespmem:$0x1D400] =	vst v63  }
0x38: {  	_ =	swait.ge [sflag:s19], $0x2780  }
0x39: {  	[sflag:s19] =	ssyncset.done $0x0  }
0x3a: {  	[sflag:s19] =	ssyncadd.s32 $0xFFFFD880  }
0x3b: {  	[spmem:s13] =	stream.linear.scatter [tilespmem:s18], [sflag:$0x4], $0x2780, $0x38;
	[tilespmem:$0x1D400] =	vst v63  }
0x3c: {  	_ =	swait.ge [sflag:s19], $0x2780  }
0x3d: {  	[sflag:s19] =	ssyncset.done $0x0  }
0x3e: {  	[sflag:s19] =	ssyncadd.s32 $0xFFFFD880  }
0x3f: {  	[spmem:s14] =	stream.linear.scatter [tilespmem:s18], [sflag:$0x4], $0x2780, $0x38;
	[tilespmem:$0x1D400] =	vst v63  }
0x40: {  	_ =	swait.ge [sflag:s19], $0x2780  }
0x41: {  	[sflag:s19] =	ssyncset.done $0x0  }
0x42: {  	[sflag:s19] =	ssyncadd.s32 $0xFFFFD880  }
0x43: {  	s0 =	simm.s32 $0x0;
	[bflag:$0x0] =	sbarrier.arrive $0xFFFF  }
.LBB2_4:
0x44: {  	s2 =	sshll.u32 s0, $0xC  }
0x45: {  	s2 =	sadd.s32 s15, s2  }
0x46: {  	s2 =	sshrl.u32 s2, $0x3  }
0x47: {  	s8 =	sadd.s32 s5, s2  }
0x48: {  	[tilespmem:s31], [sflag:$0x4] =	stream.linear.gather [hbm4b:s8+s31], $0xC80, $0x38;
	[tilespmem:$0x1D400] =	vst v63  }
0x49: {  	_ =	swait.ge [sflag:s19], $0xC80  }
0x4a: {  	[sflag:s19] =	ssyncset.done $0x0  }
0x4b: {  	s2 =	sadd.s32 s6, s2;
	[sflag:s19] =	ssyncadd.s32 $0xFFFFF380  }
0x4c: {  	[tilespmem:s20], [sflag:$0x4] =	stream.linear.gather [hbm4b:s2+s31], $0xC80, $0x38;
	[tilespmem:$0x1D400] =	vst v63  }
0x4d: {  	_ =	swait.ge [sflag:s19], $0xC80  }
0x4e: {  	[sflag:s19] =	ssyncset.done $0x0  }
0x4f: {  	[sflag:s19] =	ssyncadd.s32 $0xFFFFF380  }
0x50: {  	[tilespmem:s18], [sflag:$0x1] =	stream.indirect.gather [hbm4b:s4+s21], $0x80, s31, s21, $0xb8;
	[tilespmem:$0x1D400] =	vst v63  }
0x51: {  	_ = 	snop  }
0x52: {  	[tilespmem:s23], [sflag:$0x2] =	stream.indirect.gather [hbm4b:s4+s21], $0x80, s22, s21, $0xb8;
	[tilespmem:$0x1D400] =	vst v63  }
0x53: {  	_ = 	snop  }
0x54: {  	[tilespmem:s25], [sflag:$0x3] =	stream.indirect.gather [hbm4b:s4+s21], $0x80, s24, s21, $0xb8;
	[tilespmem:$0x1D400] =	vst v63  }
0x55: {  	_ =	swait.ge [sflag:s26], $0x2800  }
0x56: {  	[sflag:s26] =	ssyncset.done $0x0  }
0x57: {  	s9 =	simm.s32 $0x1000;
	[sflag:s26] =	ssyncadd.s32 $0xFFFFD800  }
0x58: {  	[spmem:s1] =	stream.indirect.scatter.add.f32 [tilespmem:s18], [sflag:$0x4], $0x80, s9, s21, $0xb8;
	[tilespmem:$0x1D400] =	vst v63  }
0x59: {  	_ =	swait.ge [sflag:s19], $0x2800  }
0x5a: {  	[sflag:s19] =	ssyncset.done $0x0  }
0x5b: {  	s8 =	simm.s32 $0x180;
	[sflag:s19] =	ssyncadd.s32 $0xFFFFD800  }
0x5c: {  	[tilespmem:s18], [sflag:$0x1] =	stream.indirect.gather [hbm4b:s4+s21], $0x80, s8, s21, $0xb8;
	[tilespmem:$0x1D400] =	vst v63  }
0x5d: {  	_ =	swait.ge [sflag:s28], $0x2800  }
0x5e: {  	[sflag:s28] =	ssyncset.done $0x0  }
0x5f: {  	s9 =	simm.s32 $0x1080;
	[sflag:s28] =	ssyncadd.s32 $0xFFFFD800  }
0x60: {  	[spmem:s1] =	stream.indirect.scatter.add.f32 [tilespmem:s23], [sflag:$0x4], $0x80, s9, s21, $0xb8;
	[tilespmem:$0x1D400] =	vst v63  }
0x61: {  	_ =	swait.ge [sflag:s19], $0x2800  }
0x62: {  	[sflag:s19] =	ssyncset.done $0x0  }
0x63: {  	s8 =	simm.s32 $0x200;
	[sflag:s19] =	ssyncadd.s32 $0xFFFFD800  }
0x64: {  	[tilespmem:s23], [sflag:$0x2] =	stream.indirect.gather [hbm4b:s4+s21], $0x80, s8, s21, $0xb8;
	[tilespmem:$0x1D400] =	vst v63  }
0x65: {  	_ =	swait.ge [sflag:s29], $0x2800  }
0x66: {  	[sflag:s29] =	ssyncset.done $0x0  }
0x67: {  	s9 =	simm.s32 $0x1100;
	[sflag:s29] =	ssyncadd.s32 $0xFFFFD800  }
0x68: {  	[spmem:s1] =	stream.indirect.scatter.add.f32 [tilespmem:s25], [sflag:$0x4], $0x80, s9, s21, $0xb8;
	[tilespmem:$0x1D400] =	vst v63  }
0x69: {  	_ =	swait.ge [sflag:s19], $0x2800  }
0x6a: {  	[sflag:s19] =	ssyncset.done $0x0  }
0x6b: {  	s2 =	simm.s32 $0x600;
	s8 =	simm.s32 $0x280;
	[sflag:s19] =	ssyncadd.s32 $0xFFFFD800  }
.LBB2_5:
0x6c: {  	[tilespmem:s25], [sflag:$0x3] =	stream.indirect.gather [hbm4b:s4+s21], $0x80, s8, s21, $0xb8;
	[tilespmem:$0x1D400] =	vst v63  }
0x6d: {  	s8 =	smov.u32 s2;
	s2 =	sadd.s32 $0x600, s2;
	_ =	swait.ge [sflag:s26], $0x2800  }
0x6e: {  	s8 =	sshra.s32 s8, $0x2;
	p0 =	sne.s32 s2, $0x2A00;
	[sflag:s26] =	ssyncset.done $0x0  }
0x6f: {  	s9 =	sadd.s32 $0x1000, s8;
	[sflag:s26] =	ssyncadd.s32 $0xFFFFD800  }
0x70: {  	[spmem:s1] =	stream.indirect.scatter.add.f32 [tilespmem:s18], [sflag:$0x4], $0x80, s9, s21, $0xb8;
	[tilespmem:$0x1D400] =	vst v63  }
0x71: {  	_ =	swait.ge [sflag:s19], $0x2800  }
0x72: {  	[sflag:s19] =	ssyncset.done $0x0  }
0x73: {  	s9 =	sadd.s32 $0x180, s8;
	[sflag:s19] =	ssyncadd.s32 $0xFFFFD800  }
0x74: {  	[tilespmem:s18], [sflag:$0x1] =	stream.indirect.gather [hbm4b:s4+s21], $0x80, s9, s21, $0xb8;
	[tilespmem:$0x1D400] =	vst v63  }
0x75: {  	_ =	swait.ge [sflag:s28], $0x2800  }
0x76: {  	[sflag:s28] =	ssyncset.done $0x0  }
0x77: {  	s9 =	sadd.s32 $0x1080, s8;
	[sflag:s28] =	ssyncadd.s32 $0xFFFFD800  }
0x78: {  	[spmem:s1] =	stream.indirect.scatter.add.f32 [tilespmem:s23], [sflag:$0x4], $0x80, s9, s21, $0xb8;
	[tilespmem:$0x1D400] =	vst v63  }
0x79: {  	_ =	swait.ge [sflag:s19], $0x2800  }
0x7a: {  	[sflag:s19] =	ssyncset.done $0x0  }
0x7b: {  	s9 =	sadd.s32 $0x200, s8;
	[sflag:s19] =	ssyncadd.s32 $0xFFFFD800  }
0x7c: {  	[tilespmem:s23], [sflag:$0x2] =	stream.indirect.gather [hbm4b:s4+s21], $0x80, s9, s21, $0xb8;
	[tilespmem:$0x1D400] =	vst v63  }
0x7d: {  	_ =	swait.ge [sflag:s29], $0x2800  }
0x7e: {  	[sflag:s29] =	ssyncset.done $0x0  }
.Ltmp1:
0x7f: {  	s9 =	sadd.s32 $0x1100, s8;
	[sflag:s29] =	ssyncadd.s32 $0xFFFFD800;
	(pc) =	sbr.rel @p0 .LBB2_5-.Ltmp1, $4  }
0x80: {  	[spmem:s1] =	stream.indirect.scatter.add.f32 [tilespmem:s25], [sflag:$0x4], $0x80, s9, s21, $0xb8;
	[tilespmem:$0x1D400] =	vst v63  }
0x81: {  	_ =	swait.ge [sflag:s19], $0x2800  }
0x82: {  	[sflag:s19] =	ssyncset.done $0x0  }
0x83: {  	s8 =	sadd.s32 $0x280, s8;
	[sflag:s19] =	ssyncadd.s32 $0xFFFFD800  }
0x84: {  	[tilespmem:s25], [sflag:$0x3] =	stream.indirect.gather [hbm4b:s4+s21], $0x80, s8, s21, $0xb8;
	[tilespmem:$0x1D400] =	vst v63  }
0x85: {  	_ =	swait.ge [sflag:s26], $0x2800  }
0x86: {  	s2 =	sshra.s32 s2, $0x2;
	[sflag:s26] =	ssyncset.done $0x0  }
0x87: {  	s9 =	sadd.s32 $0x1000, s2;
	[sflag:s26] =	ssyncadd.s32 $0xFFFFD800  }
0x88: {  	[spmem:s1] =	stream.indirect.scatter.add.f32 [tilespmem:s18], [sflag:$0x4], $0x80, s9, s21, $0xb8;
	[tilespmem:$0x1D400] =	vst v63  }
0x89: {  	_ =	swait.ge [sflag:s19], $0x2800  }
0x8a: {  	[sflag:s19] =	ssyncset.done $0x0  }
0x8b: {  	s9 =	sadd.s32 $0x180, s2;
	[sflag:s19] =	ssyncadd.s32 $0xFFFFD800  }
0x8c: {  	[tilespmem:s18], [sflag:$0x1] =	stream.indirect.gather [hbm4b:s4+s21], $0x80, s9, s21, $0xb8;
	[tilespmem:$0x1D400] =	vst v63  }
0x8d: {  	_ =	swait.ge [sflag:s28], $0x2800  }
0x8e: {  	[sflag:s28] =	ssyncset.done $0x0  }
0x8f: {  	s9 =	sadd.s32 $0x1080, s2;
	[sflag:s28] =	ssyncadd.s32 $0xFFFFD800  }
0x90: {  	[spmem:s1] =	stream.indirect.scatter.add.f32 [tilespmem:s23], [sflag:$0x4], $0x80, s9, s21, $0xb8;
	[tilespmem:$0x1D400] =	vst v63  }
0x91: {  	_ =	swait.ge [sflag:s19], $0x2800  }
0x92: {  	[sflag:s19] =	ssyncset.done $0x0  }
0x93: {  	[sflag:s19] =	ssyncadd.s32 $0xFFFFD800  }
0x94: {  	_ =	swait.ge [sflag:s29], $0x2800  }
0x95: {  	[sflag:s29] =	ssyncset.done $0x0  }
0x96: {  	s2 =	sadd.s32 $0x1100, s2;
	[sflag:s29] =	ssyncadd.s32 $0xFFFFD800  }
0x97: {  	[spmem:s1] =	stream.indirect.scatter.add.f32 [tilespmem:s25], [sflag:$0x4], $0x80, s2, s21, $0xb8;
	[tilespmem:$0x1D400] =	vst v63  }
0x98: {  	_ =	swait.ge [sflag:s19], $0x2800  }
0x99: {  	[sflag:s19] =	ssyncset.done $0x0  }
0x9a: {  	[sflag:s19] =	ssyncadd.s32 $0xFFFFD800  }
0x9b: {  	s0 =	sadd.s32 $0x1, s0;
	_ =	swait.ge [sflag:s26], $0x2800  }
0x9c: {  	p0 =	sne.s32 s0, $0x5;
	[sflag:s26] =	ssyncset.done $0x0  }
.Ltmp2:
0x9d: {  	[sflag:s26] =	ssyncadd.s32 $0xFFFFD800;
	(pc) =	sbr.rel @p0 .LBB2_4-.Ltmp2, $4  }
0x9e: {  	[spmem:s1] =	stream.indirect.scatter.add.f32 [tilespmem:s18], [sflag:$0x4], $0x80, s30, s21, $0xb8;
	[tilespmem:$0x1D400] =	vst v63  }
0x9f: {  	_ =	swait.ge [sflag:s19], $0x2800  }
0xa0: {  	[sflag:s19] =	ssyncset.done $0x0  }
0xa1: {  	[sflag:s19] =	ssyncadd.s32 $0xFFFFD800  }
0xa2: {  	s0 =	stileid.u32;
	s3 =	sadd.s32 $0x1, s3  }
0xa3: {  	[bflag:$0x0] =	sbarrier.arrive $0xFFFF;
	s0 =	sshll.u32 s0, $0x6;
	p0 =	sne.s32 s3, s17  }
.Ltmp3:
0xa4: {  	s2 =	sshrl.u32 s7, $0x3;
	s0 =	sor.u32 $0x1C04, s0;
	(pc) =	sbr.rel @p0 .LBB2_1-.Ltmp3, $4  }
0xa5: {  	[hbm:s16], [sflag:s0] =	dma.local [spmem:s2], $0x2780  }
0xa6: {  	_ =	swait.ge [sflag:s19], $0x2780  }
0xa7: {  	[sflag:s19] =	ssyncset.done $0x0  }
0xa8: {  	[sflag:s19] =	ssyncadd.s32 $0xFFFFD880  }
0xa9: {  	_ =	sfence.sel $0x180000  }
0xaa: {  	[bflag:$0x0] =	sbarrier.arrive $0xFFFF  }
0xab: {  	_ =	strace $0x90000053  }
0xac: {  	s0 =	stileid.u32;
	[bflag:$0x2] =	sbarrier.arrive $0xFFFF  }
0xad: {  	p0 =	sne.s32 s0, $0x0;
	s0 =	rddreg [dreg:$0x2]  }
0xae: {  	s0 =	sadd.s32 @!p0 $0x100000, s0  }
0xaf: {  	[sflag:s0] =	ssyncadd.tile.s32 @!p0 $0x1;
	_ =	shalt  }
.Lfunc_end2:
_tile_overlayer_lowered:
.L_overlay_start_2:
0xb0: {  	(tag) =	ssettag $0x2  }
0xb1: {  	s0 =	rddreg [dreg:$0x0];
	s2 =	stileid.u32  }
0xb2: {  	s1 =	rddreg [dreg:$0x1];
	p0 =	sne.s32 s2, $0x0  }
0xb3: {  	s3 =	rddreg [dreg:$0x2];
	[bflag:$0x3] =	sbarrier.arrive $0xFFFF;
	s2 =	simm.s32 @!p0 $0x1C04  }
0xb4: {  	[timem:s3], [sflag:s2] =	dma.local @!p0 [hbm:s0], s1  }
0xb5: {  	s0 =	simm.s32 @!p0 $0x4  }
0xb6: {  	_ =	swait.ge @!p0 [sflag:s0], s1  }
0xb7: {  	s1 =	ssub.s32 @!p0 $0x0, s1;
	[sflag:s0] =	ssyncset.done @!p0 $0x0  }
0xb8: {  	[sflag:s0] =	ssyncadd.s32 @!p0 s1  }
0xb9: {  	[bflag:$0x3] =	sbarrier.arrive $0xFFFF  }
0xba: {  	_ =	shalt  }

</sc_bundles>
